<compile_context>
chip_gen: v7x
topology: tpu7x:2x2x1
jax: 0.10.2.dev20260603
libtpu: 0.0.44.dev20260713+nightly
codegen_flags: <defaults>
</compile_context>

<pallas_src>
import functools

import jax
import jax.numpy as jnp
from jax import lax
from jax.experimental import pallas as pl
from jax.experimental.pallas import tpu as pltpu
from jax.experimental.pallas import tpu_sc as plsc

N = 10000
E = 320000
D = 128
H = 8
CPH = 16
G = 64
NCLS = 10
DW = 144

NC = 2
NS = 16
L = 16
NW = NC * NS
EPW = E // NW
K = 40
NCH = EPW // K
NPAD = 10240
RPS = NPAD // NS

_f32 = jnp.float32


def _tc_a_body(x_ref, w1_ref, as_ref, ex_ref, hs_ref, adp_ref, init_ref):
    xb = x_ref[...]
    h1 = jnp.dot(xb, w1_ref[...], preferred_element_type=_f32)
    sd = jnp.dot(h1, as_ref[...], preferred_element_type=_f32)
    hs_ref[...] = jnp.concatenate([h1, sd], axis=1)
    a_s = sd[:, 0:8]
    a_d = sd[:, 8:16]
    z = a_s + a_d
    z = jnp.where(z > 0, z, 0.2 * z)
    wself = jnp.exp(z)
    wse = jnp.dot(wself, ex_ref[...], preferred_element_type=_f32)
    zpad = jnp.zeros((h1.shape[0], 8), _f32)
    init_ref[...] = jnp.concatenate([h1 * wse, wself, zpad], axis=1)
    adp_ref[...] = jnp.concatenate([a_d, zpad], axis=1)


def _run_tc_a(x, W1, AS, EXP16):
    B = 1280
    grid = (NPAD // B,)
    return pl.pallas_call(
        _tc_a_body,
        grid=grid,
        in_specs=[
            pl.BlockSpec((B, D), lambda i: (i, 0)),
            pl.BlockSpec((D, D), lambda i: (0, 0)),
            pl.BlockSpec((D, 16), lambda i: (0, 0)),
            pl.BlockSpec((H, D), lambda i: (0, 0)),
        ],
        out_specs=[
            pl.BlockSpec((B, DW), lambda i: (i, 0)),
            pl.BlockSpec((B, 16), lambda i: (i, 0)),
            pl.BlockSpec((B, DW), lambda i: (i, 0)),
        ],
        out_shape=[
            jax.ShapeDtypeStruct((NPAD, DW), _f32),
            jax.ShapeDtypeStruct((NPAD, 16), _f32),
            jax.ShapeDtypeStruct((NPAD, DW), _f32),
        ],
    )(x, W1, AS, EXP16)


def _make_edge_kernel(lane_map):
    mesh = plsc.VectorSubcoreMesh(
        core_axis_name="c", subcore_axis_name="s", num_cores=NC, num_subcores=NS
    )

    @functools.partial(
        pl.kernel,
        out_type=jax.ShapeDtypeStruct((NC, NPAD, DW), _f32),
        mesh=mesh,
        compiler_params=pltpu.CompilerParams(use_tc_tiling_on_sc=False),
        scratch_types=[
            pltpu.VMEM((K,), jnp.int32),
            pltpu.VMEM((K,), jnp.int32),
            pltpu.VMEM((K,), jnp.int32),
            pltpu.VMEM((K,), jnp.int32),
            pltpu.VMEM((K,), jnp.int32),
            pltpu.VMEM((K,), jnp.int32),
            pltpu.VMEM((K, DW), _f32),
            pltpu.VMEM((K, DW), _f32),
            pltpu.VMEM((K, L), _f32),
            pltpu.VMEM((K, L), _f32),
            pltpu.VMEM((K, DW), _f32),
            pltpu.VMEM((K, DW), _f32),
            pltpu.VMEM_SHARED((NPAD, DW), _f32),
            pltpu.SemaphoreType.DMA,
            pltpu.SemaphoreType.DMA,
            pltpu.SemaphoreType.DMA,
            pltpu.SemaphoreType.DMA,
            pltpu.SemaphoreType.DMA,
            pltpu.SemaphoreType.DMA,
            pltpu.SemaphoreType.DMA,
            pltpu.SemaphoreType.DMA,
            pltpu.SemaphoreType.DMA,
            pltpu.SemaphoreType.DMA,
        ],
    )
    def edge_kernel(src_hbm, dst_hbm, hs_hbm, ad_hbm, init_hbm,
                    out_hbm, sv0, sv1, dg0, dg1, ds0, ds1, hsb0, hsb1, adb0,
                    adb1, ctb0, ctb1, acc, gsem0, gsem1, asem0,
                    asem1, ssem0, ssem1, isem0, isem1, jsem0, jsem1):
        cid = lax.axis_index("c")
        sid = lax.axis_index("s")
        wid = sid * NC + cid
        rbase = sid * RPS
        sv = (sv0, sv1)
        dg = (dg0, dg1)
        dvs = (ds0, ds1)
        hsb = (hsb0, hsb1)
        adb = (adb0, adb1)
        ctb = (ctb0, ctb1)
        gsem = (gsem0, gsem1)
        asem = (asem0, asem1)
        ssem = (ssem0, ssem1)
        isem = (isem0, isem1)
        jsem = (jsem0, jsem1)

        @pl.when(cid == 0)
        def _():
            pltpu.sync_copy(init_hbm.at[pl.ds(rbase, RPS)],
                            acc.at[pl.ds(rbase, RPS)])

        @pl.when(cid == 1)
        def _():
            def zrow(e, c):
                for t in range(DW // L):
                    ctb0[e, pl.ds(L * t, L)] = jnp.zeros((L,), _f32)
                return c

            lax.fori_loop(0, K, zrow, 0)

            def zcopy(t, c):
                off = pl.multiple_of(rbase + t * K, 8)
                pltpu.sync_copy(ctb0, acc.at[pl.ds(off, K)])
                return c

            lax.fori_loop(0, RPS // K, zcopy, 0)

        plsc.subcore_barrier()

        ebase = wid * EPW

        def fire_idx(ci, b):
            off = pl.multiple_of(ebase + ci * K, 8)
            pltpu.async_copy(src_hbm.at[pl.ds(off, K)], sv[b], isem[b])
            pltpu.async_copy(dst_hbm.at[pl.ds(off, K)], dg[b], isem[b])

        def wait_idx(ci, b):
            off = pl.multiple_of(ebase + ci * K, 8)
            pltpu.make_async_copy(src_hbm.at[pl.ds(off, K)], sv[b],
                                  isem[b]).wait()
            pltpu.make_async_copy(dst_hbm.at[pl.ds(off, K)], dg[b],
                                  isem[b]).wait()

        def fire_sidx(ci, b):
            off = pl.multiple_of(ebase + ci * K, 8)
            pltpu.async_copy(dst_hbm.at[pl.ds(off, K)], dvs[b], jsem[b])

        def wait_sidx(ci, b):
            off = pl.multiple_of(ebase + ci * K, 8)
            pltpu.make_async_copy(dst_hbm.at[pl.ds(off, K)], dvs[b],
                                  jsem[b]).wait()

        def fire_gathers(b):
            pltpu.async_copy(hs_hbm.at[sv[b]], hsb[b], gsem[b])
            pltpu.async_copy(ad_hbm.at[dg[b]], adb[b], asem[b])

        def wait_gathers(b):
            pltpu.make_async_copy(hs_hbm.at[sv[b]], hsb[b], gsem[b]).wait()
            pltpu.make_async_copy(ad_hbm.at[dg[b]], adb[b], asem[b]).wait()

        def fire_scatter(b):
            pltpu.async_copy(ctb[b], acc.at[dvs[b]], ssem[b], add=True)

        def wait_scatter(b):
            pltpu.make_async_copy(ctb[b], acc.at[dvs[b]], ssem[b]).wait()

        def compute(b):
            hsb_b = hsb[b]
            adb_b = adb[b]
            ctb_b = ctb[b]
            one_lane = len(set(lane_map)) == 1
            dnums = lax.GatherDimensionNumbers(
                offset_dims=(), collapsed_slice_dims=(0,),
                start_index_map=(0,))

            def bcast(w, lane):
                return lax.gather(
                    w, jnp.full((L, 1), lane, jnp.int32), dnums, (1,),
                    mode=lax.GatherScatterMode.PROMISE_IN_BOUNDS)

            @plsc.parallel_loop(0, K, 1, unroll=8)
            def _(e):
                asv = hsb_b[e, pl.ds(D, L)]
                adv = adb_b[e, :]
                z = asv + adv
                z = jnp.where(z > 0, z, 0.2 * z)
                w = jnp.exp(z)
                ctb_b[e, pl.ds(D, L)] = w
                if one_lane:
                    mult = bcast(w, lane_map[0])
                    for g in range(8):
                        ctb_b[e, pl.ds(CPH * g, L)] = (
                            hsb_b[e, pl.ds(CPH * g, L)] * mult)
                else:
                    for g in range(8):
                        mult = bcast(w, lane_map[g])
                        ctb_b[e, pl.ds(CPH * g, L)] = (
                            hsb_b[e, pl.ds(CPH * g, L)] * mult)

        fire_idx(0, 0)
        fire_idx(1, 1)
        fire_sidx(0, 0)
        wait_idx(0, 0)
        fire_gathers(0)

        def pair_body(j, carry):
            for b in range(2):
                i2 = 2 * j + b
                nb = 1 - b

                @pl.when(i2 <= NCH - 2)
                def _():
                    wait_idx(i2 + 1, nb)
                    fire_gathers(nb)

                wait_gathers(b)
                compute(b)

                @pl.when(i2 >= 1)
                def _():
                    wait_scatter(nb)

                @pl.when(i2 <= NCH - 2)
                def _():
                    fire_sidx(i2 + 1, nb)

                @pl.when(i2 <= NCH - 3)
                def _():
                    fire_idx(i2 + 2, b)

                wait_sidx(i2, b)
                fire_scatter(b)
            return carry

        lax.fori_loop(0, NCH // 2, pair_body, 0)
        wait_scatter(1)
        plsc.subcore_barrier()
        pltpu.sync_copy(acc.at[pl.ds(rbase, RPS)],
                        out_hbm.at[cid].at[pl.ds(rbase, RPS)])

    return edge_kernel


@functools.cache
def _edge_kernels():
    return _make_edge_kernel(tuple(range(8))), _make_edge_kernel((0,) * 8)


def _tc_c_body(p_ref, b1_ref, g_ref, be_ref, mu_ref, var_ref, w2_ref, a2_ref,
               ex_ref, hs2_ref, ad2p_ref, init2_ref):
    p = p_ref[...]
    tot = p[0] + p[1]
    num = tot[:, 0:D]
    den = tot[:, D:D + 8]
    dene = jnp.dot(den, ex_ref[...], preferred_element_type=_f32)
    out1 = num / dene + b1_ref[...]
    scale = g_ref[...] * lax.rsqrt(var_ref[...] + 1e-5)
    h = (out1 - mu_ref[...]) * scale + be_ref[...]
    h = jnp.where(h > 0, h, jnp.exp(h) - 1.0)
    h2 = jnp.dot(h, w2_ref[...], preferred_element_type=_f32)
    sd2 = jnp.dot(h2, a2_ref[...], preferred_element_type=_f32)
    hs2_ref[...] = jnp.concatenate([h2, sd2], axis=1)
    z = sd2[:, 0:1] + sd2[:, 1:2]
    z = jnp.where(z > 0, z, 0.2 * z)
    w2self = jnp.exp(z)
    zpad = jnp.zeros((h2.shape[0], 15), _f32)
    init2_ref[...] = jnp.concatenate([h2 * w2self, w2self, zpad], axis=1)
    ad2p_ref[...] = jnp.concatenate([sd2[:, 1:2], zpad], axis=1)


def _run_tc_c(part1, b1, bn_gamma, bn_beta, bn_mean, bn_var, W2, A2, EXP16):
    B = 1280
    grid = (NPAD // B,)
    row = lambda i: (0, 0)
    return pl.pallas_call(
        _tc_c_body,
        grid=grid,
        in_specs=[
            pl.BlockSpec((NC, B, DW), lambda i: (0, i, 0)),
            pl.BlockSpec((1, D), row),
            pl.BlockSpec((1, D), row),
            pl.BlockSpec((1, D), row),
            pl.BlockSpec((1, D), row),
            pl.BlockSpec((1, D), row),
            pl.BlockSpec((D, D), row),
            pl.BlockSpec((D, 16), row),
            pl.BlockSpec((H, D), row),
        ],
        out_specs=[
            pl.BlockSpec((B, DW), lambda i: (i, 0)),
            pl.BlockSpec((B, 16), lambda i: (i, 0)),
            pl.BlockSpec((B, DW), lambda i: (i, 0)),
        ],
        out_shape=[
            jax.ShapeDtypeStruct((NPAD, DW), _f32),
            jax.ShapeDtypeStruct((NPAD, 16), _f32),
            jax.ShapeDtypeStruct((NPAD, DW), _f32),
        ],
    )(part1, b1, bn_gamma, bn_beta, bn_mean, bn_var, W2, A2, EXP16)


def _tc_e_body(p_ref, b2_ref, batch_ref, f1w_ref, f1b_ref, f2w_ref, f2b_ref,
               out_ref, acc, cnt):
    i = pl.program_id(0)
    nsteps = pl.num_programs(0)

    @pl.when(i == 0)
    def _():
        acc[...] = jnp.zeros_like(acc)
        cnt[...] = jnp.zeros_like(cnt)

    p = p_ref[...]
    tot = p[0] + p[1]
    num = tot[:, 0:D]
    den = tot[:, D:D + 1]
    h2o = num / den + b2_ref[...]
    bb = batch_ref[...]
    Bn = h2o.shape[0]
    P = (bb == lax.broadcasted_iota(jnp.int32, (Bn, G), 1)).astype(_f32)
    dn = (((0,), (0,)), ((), ()))
    acc[...] += lax.dot_general(P, h2o, dn, preferred_element_type=_f32)
    cnt[...] += lax.dot_general(P, jnp.ones((Bn, D), _f32), dn,
                                preferred_element_type=_f32)

    @pl.when(i == nsteps - 1)
    def _():
        g = acc[...] / jnp.maximum(cnt[...], 1.0)
        g1 = jnp.dot(g, f1w_ref[...], preferred_element_type=_f32) + f1b_ref[...]
        g1 = jnp.where(g1 > 0, g1, jnp.exp(g1) - 1.0)
        out_ref[...] = (jnp.dot(g1, f2w_ref[...], preferred_element_type=_f32)
                        + f2b_ref[...])


def _run_tc_e(part2, b2, batch2d, fc1_W, fc1_b, fc2_W, fc2_b):
    B = 2000
    grid = (N // B,)
    row = lambda i: (0, 0)
    return pl.pallas_call(
        _tc_e_body,
        grid=grid,
        in_specs=[
            pl.BlockSpec((NC, B, DW), lambda i: (0, i, 0)),
            pl.BlockSpec((1, D), row),
            pl.BlockSpec((B, 1), lambda i: (i, 0)),
            pl.BlockSpec((D, G), row),
            pl.BlockSpec((1, G), row),
            pl.BlockSpec((G, NCLS), row),
            pl.BlockSpec((1, NCLS), row),
        ],
        out_specs=pl.BlockSpec((G, NCLS), row),
        out_shape=jax.ShapeDtypeStruct((G, NCLS), _f32),
        scratch_shapes=[
            pltpu.VMEM((G, D), _f32),
            pltpu.VMEM((G, D), _f32),
        ],
    )(part2, b2, batch2d, fc1_W, fc1_b, fc2_W, fc2_b)


def kernel(x, edge_index, batch, W1, a_src1, a_dst1, b1, bn_gamma, bn_beta,
           bn_mean, bn_var, W2, a_src2, a_dst2, b2, fc1_W, fc1_b, fc2_W,
           fc2_b):
    src = edge_index[0]
    dst = edge_index[1]

    eye = jnp.eye(H, dtype=_f32)
    As = (a_src1[:, :, None] * eye[:, None, :]).reshape(D, H)
    Ad = (a_dst1[:, :, None] * eye[:, None, :]).reshape(D, H)
    AS = jnp.concatenate([As, Ad], axis=1)
    EXP16 = jnp.repeat(jnp.eye(H, dtype=_f32), CPH, axis=1)
    A2 = jnp.concatenate(
        [a_src2.T, a_dst2.T, jnp.zeros((D, 14), _f32)], axis=1)
    edge_l1, edge_l2 = _edge_kernels()
    hs1, ad1p, init1 = _run_tc_a(x, W1, AS, EXP16)
    part1 = edge_l1(src, dst, hs1, ad1p, init1)
    hs2, ad2p, init2 = _run_tc_c(part1, b1.reshape(1, D),
                                 bn_gamma.reshape(1, D),
                                 bn_beta.reshape(1, D),
                                 bn_mean.reshape(1, D),
                                 bn_var.reshape(1, D), W2, A2, EXP16)
    part2 = edge_l2(src, dst, hs2, ad2p, init2)
    out = _run_tc_e(part2, b2.reshape(1, D), batch.reshape(N, 1),
                    fc1_W, fc1_b.reshape(1, G), fc2_W, fc2_b.reshape(1, NCLS))
    return out

# --- scband reference (transcript-rebuilt; emitter-appended) ---
"""Pipeline reference for scband-gatclassifier-44152263803039 (READ-ONLY COPY).

The authoritative reference and input builder live on the scoring server;
editing this copy changes nothing except your own understanding.
"""

import jax, jax.numpy as jnp
import numpy as np

N_NODES = 10000
N_EDGES = 320000
D_IN = 128
HID = 128
HEADS = 8
N_CLASSES = 10
N_GRAPHS = 64


def setup_inputs(seed: int = 0):
    key = jax.random.key(seed)
    ks = jax.random.split(key, 20)
    x = jax.random.normal(ks[0], (N_NODES, D_IN), dtype=jnp.float32)
    edge_index = jax.random.randint(ks[1], (2, N_EDGES), 0, N_NODES, dtype=jnp.int32)
    batch = jnp.sort(jax.random.randint(ks[2], (N_NODES,), 0, N_GRAPHS, dtype=jnp.int32))
    c1 = HID // HEADS
    W1 = jax.random.normal(ks[3], (D_IN, HEADS * c1), dtype=jnp.float32) * 0.1
    a_src1 = jax.random.normal(ks[4], (HEADS, c1), dtype=jnp.float32) * 0.1
    a_dst1 = jax.random.normal(ks[5], (HEADS, c1), dtype=jnp.float32) * 0.1
    b1 = jnp.zeros((HEADS * c1,), dtype=jnp.float32)
    bn_gamma = jnp.ones((HID,), dtype=jnp.float32)
    bn_beta = jnp.zeros((HID,), dtype=jnp.float32)
    bn_mean = jnp.zeros((HID,), dtype=jnp.float32)
    bn_var = jnp.ones((HID,), dtype=jnp.float32)
    W2 = jax.random.normal(ks[6], (HID, HID), dtype=jnp.float32) * 0.1
    a_src2 = jax.random.normal(ks[7], (1, HID), dtype=jnp.float32) * 0.1
    a_dst2 = jax.random.normal(ks[8], (1, HID), dtype=jnp.float32) * 0.1
    b2 = jnp.zeros((HID,), dtype=jnp.float32)
    fc1_W = jax.random.normal(ks[9], (HID, HID // 2), dtype=jnp.float32) * 0.1
    fc1_b = jnp.zeros((HID // 2,), dtype=jnp.float32)
    fc2_W = jax.random.normal(ks[10], (HID // 2, N_CLASSES), dtype=jnp.float32) * 0.1
    fc2_b = jnp.zeros((N_CLASSES,), dtype=jnp.float32)
    return dict(x=x, edge_index=edge_index, batch=batch, W1=W1, a_src1=a_src1,
                a_dst1=a_dst1, b1=b1, bn_gamma=bn_gamma, bn_beta=bn_beta,
                bn_mean=bn_mean, bn_var=bn_var, W2=W2, a_src2=a_src2,
                a_dst2=a_dst2, b2=b2, fc1_W=fc1_W, fc1_b=fc1_b, fc2_W=fc2_W,
                fc2_b=fc2_b)


def gat_layer(x, edge_index, W, a_src, a_dst, bias, heads, out_c, concat, neg_slope=0.2):
    N = x.shape[0]
    sl = jnp.arange(N, dtype=edge_index.dtype)
    ei = jnp.concatenate([edge_index, jnp.stack([sl, sl])], axis=1)  # add self loops (PyG default)
    src, dst = ei[0], ei[1]
    h = (x @ W).reshape(N, heads, out_c)
    a_s = jnp.sum(h * a_src[None, :, :], axis=-1)  # [N, H]
    a_d = jnp.sum(h * a_dst[None, :, :], axis=-1)  # [N, H]
    e = jax.nn.leaky_relu(a_s[src] + a_d[dst], neg_slope)  # [E, H]
    m = jax.ops.segment_max(e, dst, num_segments=N)
    m = jnp.where(jnp.isfinite(m), m, 0.0)
    ex = jnp.exp(e - m[dst])
    denom = jax.ops.segment_sum(ex, dst, num_segments=N)
    alpha = ex / (denom[dst] + 1e-16)
    out = jax.ops.segment_sum(h[src] * alpha[:, :, None], dst, num_segments=N)
    if concat:
        out = out.reshape(N, heads * out_c)
    else:
        out = out.mean(axis=1)
    return out + bias


def reference(x, edge_index, batch, W1, a_src1, a_dst1, b1, bn_gamma, bn_beta,
              bn_mean, bn_var, W2, a_src2, a_dst2, b2, fc1_W, fc1_b, fc2_W, fc2_b):
    # layer 1: GATConv(128, 16, heads=8, concat=True) -> 128
    h = gat_layer(x, edge_index, W1, a_src1, a_dst1, b1, HEADS, HID // HEADS, True)
    # BatchNorm1d (eval mode: running stats) + ELU (dropout is identity in eval)
    h = (h - bn_mean) / jnp.sqrt(bn_var + 1e-5) * bn_gamma + bn_beta
    h = jax.nn.elu(h)
    # layer 2: GATConv(128, 128, heads=1, concat=False)
    h = gat_layer(h, edge_index, W2, a_src2, a_dst2, b2, 1, HID, False)
    # global mean pool
    counts = jax.ops.segment_sum(jnp.ones((h.shape[0],), dtype=h.dtype), batch, num_segments=N_GRAPHS)
    g = jax.ops.segment_sum(h, batch, num_segments=N_GRAPHS) / jnp.maximum(counts, 1.0)[:, None]
    # classifier: Linear -> ELU -> (Dropout=identity) -> Linear
    g = jax.nn.elu(g @ fc1_W + fc1_b)
    out = g @ fc2_W + fc2_b
    return out

if __name__ == "__main__":
    import jax
    _d = setup_inputs()
    print(jax.jit(kernel)(*tuple(_d.values())))

</pallas_src>

<mosaic_0001>
#map = affine_map<(d0, d1) -> (0)>
#map1 = affine_map<(d0, d1) -> (0, 0)>
#map2 = affine_map<(d0, d1) -> (0, 0, 0)>
module attributes {stable_mosaic.version = 14 : i64} {
  func.func @edge_kernel(%arg0: i32, %arg1: i32, %arg2: memref<320000xi32, #tpu.memory_space<hbm>>, %arg3: memref<320000xi32, #tpu.memory_space<hbm>>, %arg4: memref<10240x144xf32, #tpu.memory_space<hbm>>, %arg5: memref<10240x16xf32, #tpu.memory_space<hbm>>, %arg6: memref<10240x144xf32, #tpu.memory_space<hbm>>, %arg7: memref<2x10240x144xf32, #tpu.memory_space<hbm>>, %arg8: memref<40xi32, #tpu.memory_space<vmem>>, %arg9: memref<40xi32, #tpu.memory_space<vmem>>, %arg10: memref<40xi32, #tpu.memory_space<vmem>>, %arg11: memref<40xi32, #tpu.memory_space<vmem>>, %arg12: memref<40xi32, #tpu.memory_space<vmem>>, %arg13: memref<40xi32, #tpu.memory_space<vmem>>, %arg14: memref<40x144xf32, #tpu.memory_space<vmem>>, %arg15: memref<40x144xf32, #tpu.memory_space<vmem>>, %arg16: memref<40x16xf32, #tpu.memory_space<vmem>>, %arg17: memref<40x16xf32, #tpu.memory_space<vmem>>, %arg18: memref<40x144xf32, #tpu.memory_space<vmem>>, %arg19: memref<40x144xf32, #tpu.memory_space<vmem>>, %arg20: memref<10240x144xf32, #tpu.memory_space<vmem_shared>>, %arg21: memref<!tpu.dma_semaphore, #tpu.memory_space<semaphore_mem>>, %arg22: memref<!tpu.dma_semaphore, #tpu.memory_space<semaphore_mem>>, %arg23: memref<!tpu.dma_semaphore, #tpu.memory_space<semaphore_mem>>, %arg24: memref<!tpu.dma_semaphore, #tpu.memory_space<semaphore_mem>>, %arg25: memref<!tpu.dma_semaphore, #tpu.memory_space<semaphore_mem>>, %arg26: memref<!tpu.dma_semaphore, #tpu.memory_space<semaphore_mem>>, %arg27: memref<!tpu.dma_semaphore, #tpu.memory_space<semaphore_mem>>, %arg28: memref<!tpu.dma_semaphore, #tpu.memory_space<semaphore_mem>>, %arg29: memref<!tpu.dma_semaphore, #tpu.memory_space<semaphore_mem>>, %arg30: memref<!tpu.dma_semaphore, #tpu.memory_space<semaphore_mem>>) attributes {dimension_semantics = [#tpu.dimension_semantics<core_parallel>, #tpu.dimension_semantics<subcore_parallel>], iteration_bounds = array<i64: 2, 16>, scalar_prefetch = 0 : i64, scratch_operands = 23 : i64, tpu.core_type = #tpu.core_type<sc_vector_subcore>, window_params = [{transform_indices = #map}, {transform_indices = #map}, {transform_indices = #map1}, {transform_indices = #map1}, {transform_indices = #map1}, {transform_indices = #map2}]} {
    %mul3A = arith.constant 2 : i32
    %mul3A_0 = arith.muli %arg1, %mul3A : i32
    %add3A = arith.addi %mul3A_0, %arg0 : i32
    %mul3A_1 = arith.constant 640 : i32
    %mul3A_2 = arith.muli %arg1, %mul3A_1 : i32
    %eq3A = arith.constant 0 : i32
    %eq3A_3 = arith.cmpi eq, %arg0, %eq3A : i32
    %convert_element_type3A = arith.extui %eq3A_3 : i1 to i32
    %cond3A = arith.constant 0 : i32
    %cond3A_4 = arith.cmpi ne, %convert_element_type3A, %cond3A : i32
    scf.if %cond3A_4 {
      "tpu.region"() ({
        %run_scoped3A = tpu.sem_alloc : memref<!tpu.dma_semaphore, #tpu.memory_space<semaphore_mem>>
        %dma_start3A_50 = arith.constant 0 : i32
        %dma_start3A_51 = tpu.memref_slice %arg20[%mul3A_2, %dma_start3A_50] : memref<10240x144xf32, #tpu.memory_space<vmem_shared>> -> memref<640x144xf32, #tpu.memory_space<vmem_shared>>
        %dma_start3A_52 = arith.constant 0 : i32
        %dma_start3A_53 = tpu.memref_slice %arg6[%mul3A_2, %dma_start3A_52] : memref<10240x144xf32, #tpu.memory_space<hbm>> -> memref<640x144xf32, #tpu.memory_space<hbm>>
        tpu.enqueue_dma source(%dma_start3A_53 : memref<640x144xf32, #tpu.memory_space<hbm>>) target(%dma_start3A_51 : memref<640x144xf32, #tpu.memory_space<vmem_shared>>) target_semaphore(%run_scoped3A : memref<!tpu.dma_semaphore, #tpu.memory_space<semaphore_mem>>)
        %dma_wait3A_54 = arith.constant 0 : i32
        %dma_wait3A_55 = tpu.memref_slice %arg20[%mul3A_2, %dma_wait3A_54] : memref<10240x144xf32, #tpu.memory_space<vmem_shared>> -> memref<640x144xf32, #tpu.memory_space<vmem_shared>>
        %dma_wait3A_56 = arith.constant 0 : i32
        %dma_wait3A_57 = tpu.memref_slice %arg6[%mul3A_2, %dma_wait3A_56] : memref<10240x144xf32, #tpu.memory_space<hbm>> -> memref<640x144xf32, #tpu.memory_space<hbm>>
        tpu.wait_dma2 semaphore(%run_scoped3A : memref<!tpu.dma_semaphore, #tpu.memory_space<semaphore_mem>>) src(%dma_wait3A_57 : memref<640x144xf32, #tpu.memory_space<hbm>>) dst(%dma_wait3A_55 : memref<640x144xf32, #tpu.memory_space<vmem_shared>>)
        tpu.yield
      }) : () -> ()
    } else {
    }
    %eq3A_5 = arith.constant 1 : i32
    %eq3A_6 = arith.cmpi eq, %arg0, %eq3A_5 : i32
    %convert_element_type3A_7 = arith.extui %eq3A_6 : i1 to i32
    %cond3A_8 = arith.constant 0 : i32
    %cond3A_9 = arith.cmpi ne, %convert_element_type3A_7, %cond3A_8 : i32
    scf.if %cond3A_9 {
      %scan3A_50 = arith.constant 0 : i32
      %scan3A_51 = arith.constant 0 : i32
      %scan3A_52 = arith.constant 40 : i32
      %scan3A_53 = arith.addi %scan3A_51, %scan3A_52 : i32
      %scan3A_54 = arith.constant 1 : i32
      scf.for %scan3A_62 = %scan3A_51 to %scan3A_53 step %scan3A_54  : i32 {
        %broadcast_in_dim3A = arith.constant 0.000000e+00 : f32
        %broadcast_in_dim3A_63 = vector.broadcast %broadcast_in_dim3A : f32 to vector<16xf32>
        %swap3A = arith.index_cast %scan3A_62 : i32 to index
        %swap3A_64 = arith.constant 0 : index
        %swap3A_65 = tpu.vector_load %arg18[%swap3A, %swap3A_64] {strides = array<i32>} : memref<40x144xf32, #tpu.memory_space<vmem>>, vector<1x16xf32>,
        %swap3A_66 = vector.shape_cast %swap3A_65 : vector<1x16xf32> to vector<16xf32>
        %swap3A_67 = vector.shape_cast %broadcast_in_dim3A_63 : vector<16xf32> to vector<1x16xf32>
        tpu.vector_store %arg18[%swap3A, %swap3A_64], %swap3A_67 {strides = array<i32>} : memref<40x144xf32, #tpu.memory_space<vmem>>, vector<1x16xf32>,
        %broadcast_in_dim3A_68 = arith.constant 0.000000e+00 : f32
        %broadcast_in_dim3A_69 = vector.broadcast %broadcast_in_dim3A_68 : f32 to vector<16xf32>
        %swap3A_70 = arith.index_cast %scan3A_62 : i32 to index
        %swap3A_71 = arith.constant 16 : index
        %swap3A_72 = tpu.vector_load %arg18[%swap3A_70, %swap3A_71] {strides = array<i32>} : memref<40x144xf32, #tpu.memory_space<vmem>>, vector<1x16xf32>,
        %swap3A_73 = vector.shape_cast %swap3A_72 : vector<1x16xf32> to vector<16xf32>
        %swap3A_74 = vector.shape_cast %broadcast_in_dim3A_69 : vector<16xf32> to vector<1x16xf32>
        tpu.vector_store %arg18[%swap3A_70, %swap3A_71], %swap3A_74 {strides = array<i32>} : memref<40x144xf32, #tpu.memory_space<vmem>>, vector<1x16xf32>,
        %broadcast_in_dim3A_75 = arith.constant 0.000000e+00 : f32
        %broadcast_in_dim3A_76 = vector.broadcast %broadcast_in_dim3A_75 : f32 to vector<16xf32>
        %swap3A_77 = arith.index_cast %scan3A_62 : i32 to index
        %swap3A_78 = arith.constant 32 : index
        %swap3A_79 = tpu.vector_load %arg18[%swap3A_77, %swap3A_78] {strides = array<i32>} : memref<40x144xf32, #tpu.memory_space<vmem>>, vector<1x16xf32>,
        %swap3A_80 = vector.shape_cast %swap3A_79 : vector<1x16xf32> to vector<16xf32>
        %swap3A_81 = vector.shape_cast %broadcast_in_dim3A_76 : vector<16xf32> to vector<1x16xf32>
        tpu.vector_store %arg18[%swap3A_77, %swap3A_78], %swap3A_81 {strides = array<i32>} : memref<40x144xf32, #tpu.memory_space<vmem>>, vector<1x16xf32>,
        %broadcast_in_dim3A_82 = arith.constant 0.000000e+00 : f32
        %broadcast_in_dim3A_83 = vector.broadcast %broadcast_in_dim3A_82 : f32 to vector<16xf32>
        %swap3A_84 = arith.index_cast %scan3A_62 : i32 to index
        %swap3A_85 = arith.constant 48 : index
        %swap3A_86 = tpu.vector_load %arg18[%swap3A_84, %swap3A_85] {strides = array<i32>} : memref<40x144xf32, #tpu.memory_space<vmem>>, vector<1x16xf32>,
        %swap3A_87 = vector.shape_cast %swap3A_86 : vector<1x16xf32> to vector<16xf32>
        %swap3A_88 = vector.shape_cast %broadcast_in_dim3A_83 : vector<16xf32> to vector<1x16xf32>
        tpu.vector_store %arg18[%swap3A_84, %swap3A_85], %swap3A_88 {strides = array<i32>} : memref<40x144xf32, #tpu.memory_space<vmem>>, vector<1x16xf32>,
        %broadcast_in_dim3A_89 = arith.constant 0.000000e+00 : f32
        %broadcast_in_dim3A_90 = vector.broadcast %broadcast_in_dim3A_89 : f32 to vector<16xf32>
        %swap3A_91 = arith.index_cast %scan3A_62 : i32 to index
        %swap3A_92 = arith.constant 64 : index
        %swap3A_93 = tpu.vector_load %arg18[%swap3A_91, %swap3A_92] {strides = array<i32>} : memref<40x144xf32, #tpu.memory_space<vmem>>, vector<1x16xf32>,
        %swap3A_94 = vector.shape_cast %swap3A_93 : vector<1x16xf32> to vector<16xf32>
        %swap3A_95 = vector.shape_cast %broadcast_in_dim3A_90 : vector<16xf32> to vector<1x16xf32>
        tpu.vector_store %arg18[%swap3A_91, %swap3A_92], %swap3A_95 {strides = array<i32>} : memref<40x144xf32, #tpu.memory_space<vmem>>, vector<1x16xf32>,
        %broadcast_in_dim3A_96 = arith.constant 0.000000e+00 : f32
        %broadcast_in_dim3A_97 = vector.broadcast %broadcast_in_dim3A_96 : f32 to vector<16xf32>
        %swap3A_98 = arith.index_cast %scan3A_62 : i32 to index
        %swap3A_99 = arith.constant 80 : index
        %swap3A_100 = tpu.vector_load %arg18[%swap3A_98, %swap3A_99] {strides = array<i32>} : memref<40x144xf32, #tpu.memory_space<vmem>>, vector<1x16xf32>,
        %swap3A_101 = vector.shape_cast %swap3A_100 : vector<1x16xf32> to vector<16xf32>
        %swap3A_102 = vector.shape_cast %broadcast_in_dim3A_97 : vector<16xf32> to vector<1x16xf32>
        tpu.vector_store %arg18[%swap3A_98, %swap3A_99], %swap3A_102 {strides = array<i32>} : memref<40x144xf32, #tpu.memory_space<vmem>>, vector<1x16xf32>,
        %broadcast_in_dim3A_103 = arith.constant 0.000000e+00 : f32
        %broadcast_in_dim3A_104 = vector.broadcast %broadcast_in_dim3A_103 : f32 to vector<16xf32>
        %swap3A_105 = arith.index_cast %scan3A_62 : i32 to index
        %swap3A_106 = arith.constant 96 : index
        %swap3A_107 = tpu.vector_load %arg18[%swap3A_105, %swap3A_106] {strides = array<i32>} : memref<40x144xf32, #tpu.memory_space<vmem>>, vector<1x16xf32>,
        %swap3A_108 = vector.shape_cast %swap3A_107 : vector<1x16xf32> to vector<16xf32>
        %swap3A_109 = vector.shape_cast %broadcast_in_dim3A_104 : vector<16xf32> to vector<1x16xf32>
        tpu.vector_store %arg18[%swap3A_105, %swap3A_106], %swap3A_109 {strides = array<i32>} : memref<40x144xf32, #tpu.memory_space<vmem>>, vector<1x16xf32>,
        %broadcast_in_dim3A_110 = arith.constant 0.000000e+00 : f32
        %broadcast_in_dim3A_111 = vector.broadcast %broadcast_in_dim3A_110 : f32 to vector<16xf32>
        %swap3A_112 = arith.index_cast %scan3A_62 : i32 to index
        %swap3A_113 = arith.constant 112 : index
        %swap3A_114 = tpu.vector_load %arg18[%swap3A_112, %swap3A_113] {strides = array<i32>} : memref<40x144xf32, #tpu.memory_space<vmem>>, vector<1x16xf32>,
        %swap3A_115 = vector.shape_cast %swap3A_114 : vector<1x16xf32> to vector<16xf32>
        %swap3A_116 = vector.shape_cast %broadcast_in_dim3A_111 : vector<16xf32> to vector<1x16xf32>
        tpu.vector_store %arg18[%swap3A_112, %swap3A_113], %swap3A_116 {strides = array<i32>} : memref<40x144xf32, #tpu.memory_space<vmem>>, vector<1x16xf32>,
        %broadcast_in_dim3A_117 = arith.constant 0.000000e+00 : f32
        %broadcast_in_dim3A_118 = vector.broadcast %broadcast_in_dim3A_117 : f32 to vector<16xf32>
        %swap3A_119 = arith.index_cast %scan3A_62 : i32 to index
        %swap3A_120 = arith.constant 128 : index
        %swap3A_121 = tpu.vector_load %arg18[%swap3A_119, %swap3A_120] {strides = array<i32>} : memref<40x144xf32, #tpu.memory_space<vmem>>, vector<1x16xf32>,
        %swap3A_122 = vector.shape_cast %swap3A_121 : vector<1x16xf32> to vector<16xf32>
        %swap3A_123 = vector.shape_cast %broadcast_in_dim3A_118 : vector<16xf32> to vector<1x16xf32>
        tpu.vector_store %arg18[%swap3A_119, %swap3A_120], %swap3A_123 {strides = array<i32>} : memref<40x144xf32, #tpu.memory_space<vmem>>, vector<1x16xf32>,
      }
      %scan3A_55 = arith.constant 40 : i32
      %scan3A_56 = arith.constant 0 : i32
      %scan3A_57 = arith.constant 0 : i32
      %scan3A_58 = arith.constant 16 : i32
      %scan3A_59 = arith.addi %scan3A_57, %scan3A_58 : i32
      %scan3A_60 = arith.constant 1 : i32
      scf.for %scan3A_62 = %scan3A_57 to %scan3A_59 step %scan3A_60  : i32 {
        %mul3A_63 = arith.constant 40 : i32
        %mul3A_64 = arith.muli %scan3A_62, %mul3A_63 : i32
        %add3A_65 = arith.addi %mul3A_2, %mul3A_64 : i32
        %multiple_of3A_66 = tpu.assume_multiple %add3A_65, 8 : i32
        "tpu.region"() ({
          %run_scoped3A = tpu.sem_alloc : memref<!tpu.dma_semaphore, #tpu.memory_space<semaphore_mem>>
          %dma_start3A_67 = arith.constant 0 : i32
          %dma_start3A_68 = tpu.memref_slice %arg20[%multiple_of3A_66, %dma_start3A_67] : memref<10240x144xf32, #tpu.memory_space<vmem_shared>> -> memref<40x144xf32, #tpu.memory_space<vmem_shared>>
          %dma_start3A_69 = arith.constant 0 : i32
          %dma_start3A_70 = tpu.memref_slice %arg20[%multiple_of3A_66, %dma_start3A_69] : memref<10240x144xf32, #tpu.memory_space<vmem_shared>> -> memref<40x144xf32, #tpu.memory_space<vmem_shared>>
          tpu.enqueue_dma source(%arg18 : memref<40x144xf32, #tpu.memory_space<vmem>>) target(%dma_start3A_70 : memref<40x144xf32, #tpu.memory_space<vmem_shared>>) target_semaphore(%run_scoped3A : memref<!tpu.dma_semaphore, #tpu.memory_space<semaphore_mem>>)
          %dma_wait3A_71 = arith.constant 0 : i32
          %dma_wait3A_72 = tpu.memref_slice %arg20[%multiple_of3A_66, %dma_wait3A_71] : memref<10240x144xf32, #tpu.memory_space<vmem_shared>> -> memref<40x144xf32, #tpu.memory_space<vmem_shared>>
          %dma_wait3A_73 = arith.constant 0 : i32
          %dma_wait3A_74 = tpu.memref_slice %arg20[%multiple_of3A_66, %dma_wait3A_73] : memref<10240x144xf32, #tpu.memory_space<vmem_shared>> -> memref<40x144xf32, #tpu.memory_space<vmem_shared>>
          tpu.wait_dma2 semaphore(%run_scoped3A : memref<!tpu.dma_semaphore, #tpu.memory_space<semaphore_mem>>) src(%arg18 : memref<40x144xf32, #tpu.memory_space<vmem>>) dst(%dma_wait3A_74 : memref<40x144xf32, #tpu.memory_space<vmem_shared>>)
          tpu.yield
        }) : () -> ()
      }
      %scan3A_61 = arith.constant 16 : i32
    } else {
    }
    %barrier3A = arith.constant 0 : index
    tpu.barrier barrier_id(%barrier3A)
    %mul3A_10 = arith.constant 10000 : i32
    %mul3A_11 = arith.muli %add3A, %mul3A_10 : i32
    %add3A_12 = arith.constant 0 : i32
    %add3A_13 = arith.addi %mul3A_11, %add3A_12 : i32
    %multiple_of3A = tpu.assume_multiple %add3A_13, 8 : i32
    %dma_start3A = tpu.memref_slice %arg2[%multiple_of3A] : memref<320000xi32, #tpu.memory_space<hbm>> -> memref<40xi32, #tpu.memory_space<hbm>>
    %dma_start3A_14 = tpu.memref_slice %arg2[%multiple_of3A] : memref<320000xi32, #tpu.memory_space<hbm>> -> memref<40xi32, #tpu.memory_space<hbm>>
    tpu.enqueue_dma source(%dma_start3A_14 : memref<40xi32, #tpu.memory_space<hbm>>) target(%arg8 : memref<40xi32, #tpu.memory_space<vmem>>) target_semaphore(%arg27 : memref<!tpu.dma_semaphore, #tpu.memory_space<semaphore_mem>>)
    %dma_start3A_15 = tpu.memref_slice %arg3[%multiple_of3A] : memref<320000xi32, #tpu.memory_space<hbm>> -> memref<40xi32, #tpu.memory_space<hbm>>
    %dma_start3A_16 = tpu.memref_slice %arg3[%multiple_of3A] : memref<320000xi32, #tpu.memory_space<hbm>> -> memref<40xi32, #tpu.memory_space<hbm>>
    tpu.enqueue_dma source(%dma_start3A_16 : memref<40xi32, #tpu.memory_space<hbm>>) target(%arg10 : memref<40xi32, #tpu.memory_space<vmem>>) target_semaphore(%arg27 : memref<!tpu.dma_semaphore, #tpu.memory_space<semaphore_mem>>)
    %add3A_17 = arith.constant 40 : i32
    %add3A_18 = arith.addi %mul3A_11, %add3A_17 : i32
    %multiple_of3A_19 = tpu.assume_multiple %add3A_18, 8 : i32
    %dma_start3A_20 = tpu.memref_slice %arg2[%multiple_of3A_19] : memref<320000xi32, #tpu.memory_space<hbm>> -> memref<40xi32, #tpu.memory_space<hbm>>
    %dma_start3A_21 = tpu.memref_slice %arg2[%multiple_of3A_19] : memref<320000xi32, #tpu.memory_space<hbm>> -> memref<40xi32, #tpu.memory_space<hbm>>
    tpu.enqueue_dma source(%dma_start3A_21 : memref<40xi32, #tpu.memory_space<hbm>>) target(%arg9 : memref<40xi32, #tpu.memory_space<vmem>>) target_semaphore(%arg28 : memref<!tpu.dma_semaphore, #tpu.memory_space<semaphore_mem>>)
    %dma_start3A_22 = tpu.memref_slice %arg3[%multiple_of3A_19] : memref<320000xi32, #tpu.memory_space<hbm>> -> memref<40xi32, #tpu.memory_space<hbm>>
    %dma_start3A_23 = tpu.memref_slice %arg3[%multiple_of3A_19] : memref<320000xi32, #tpu.memory_space<hbm>> -> memref<40xi32, #tpu.memory_space<hbm>>
    tpu.enqueue_dma source(%dma_start3A_23 : memref<40xi32, #tpu.memory_space<hbm>>) target(%arg11 : memref<40xi32, #tpu.memory_space<vmem>>) target_semaphore(%arg28 : memref<!tpu.dma_semaphore, #tpu.memory_space<semaphore_mem>>)
    %add3A_24 = arith.constant 0 : i32
    %add3A_25 = arith.addi %mul3A_11, %add3A_24 : i32
    %multiple_of3A_26 = tpu.assume_multiple %add3A_25, 8 : i32
    %dma_start3A_27 = tpu.memref_slice %arg3[%multiple_of3A_26] : memref<320000xi32, #tpu.memory_space<hbm>> -> memref<40xi32, #tpu.memory_space<hbm>>
    %dma_start3A_28 = tpu.memref_slice %arg3[%multiple_of3A_26] : memref<320000xi32, #tpu.memory_space<hbm>> -> memref<40xi32, #tpu.memory_space<hbm>>
    tpu.enqueue_dma source(%dma_start3A_28 : memref<40xi32, #tpu.memory_space<hbm>>) target(%arg12 : memref<40xi32, #tpu.memory_space<vmem>>) target_semaphore(%arg29 : memref<!tpu.dma_semaphore, #tpu.memory_space<semaphore_mem>>)
    %add3A_29 = arith.constant 0 : i32
    %add3A_30 = arith.addi %mul3A_11, %add3A_29 : i32
    %multiple_of3A_31 = tpu.assume_multiple %add3A_30, 8 : i32
    %dma_wait3A = tpu.memref_slice %arg2[%multiple_of3A_31] : memref<320000xi32, #tpu.memory_space<hbm>> -> memref<40xi32, #tpu.memory_space<hbm>>
    %dma_wait3A_32 = tpu.memref_slice %arg2[%multiple_of3A_31] : memref<320000xi32, #tpu.memory_space<hbm>> -> memref<40xi32, #tpu.memory_space<hbm>>
    tpu.wait_dma2 semaphore(%arg27 : memref<!tpu.dma_semaphore, #tpu.memory_space<semaphore_mem>>) src(%dma_wait3A_32 : memref<40xi32, #tpu.memory_space<hbm>>) dst(%arg8 : memref<40xi32, #tpu.memory_space<vmem>>)
    %dma_wait3A_33 = tpu.memref_slice %arg3[%multiple_of3A_31] : memref<320000xi32, #tpu.memory_space<hbm>> -> memref<40xi32, #tpu.memory_space<hbm>>
    %dma_wait3A_34 = tpu.memref_slice %arg3[%multiple_of3A_31] : memref<320000xi32, #tpu.memory_space<hbm>> -> memref<40xi32, #tpu.memory_space<hbm>>
    tpu.wait_dma2 semaphore(%arg27 : memref<!tpu.dma_semaphore, #tpu.memory_space<semaphore_mem>>) src(%dma_wait3A_34 : memref<40xi32, #tpu.memory_space<hbm>>) dst(%arg10 : memref<40xi32, #tpu.memory_space<vmem>>)
    %dma_start3A_35 = arith.constant 0 : i32
    %dma_start3A_36 = arith.constant 0 : i32
    %dma_start3A_37 = tpu.memref_slice %arg4[%dma_start3A_35, %dma_start3A_36] : memref<10240x144xf32, #tpu.memory_space<hbm>> -> memref<10240x144xf32, #tpu.memory_space<hbm>>
    tpu.enqueue_indirect_dma source(%dma_start3A_37 : memref<10240x144xf32, #tpu.memory_space<hbm>>) target(%arg14 : memref<40x144xf32, #tpu.memory_space<vmem>>) offsets(%arg8 : memref<40xi32, #tpu.memory_space<vmem>>) semaphore(%arg21 : memref<!tpu.dma_semaphore, #tpu.memory_space<semaphore_mem>>)
    %dma_start3A_38 = arith.constant 0 : i32
    %dma_start3A_39 = arith.constant 0 : i32
    %dma_start3A_40 = tpu.memref_slice %arg5[%dma_start3A_38, %dma_start3A_39] : memref<10240x16xf32, #tpu.memory_space<hbm>> -> memref<10240x16xf32, #tpu.memory_space<hbm>>
    tpu.enqueue_indirect_dma source(%dma_start3A_40 : memref<10240x16xf32, #tpu.memory_space<hbm>>) target(%arg16 : memref<40x16xf32, #tpu.memory_space<vmem>>) offsets(%arg10 : memref<40xi32, #tpu.memory_space<vmem>>) semaphore(%arg23 : memref<!tpu.dma_semaphore, #tpu.memory_space<semaphore_mem>>)
    %scan3A = arith.constant 0 : i32
    %scan3A_41 = arith.constant 0 : i32
    %scan3A_42 = arith.constant 125 : i32
    %scan3A_43 = arith.addi %scan3A_41, %scan3A_42 : i32
    %scan3A_44 = arith.constant 1 : i32
    scf.for %scan3A_50 = %scan3A_41 to %scan3A_43 step %scan3A_44  : i32 {
      %mul3A_51 = arith.constant 2 : i32
      %mul3A_52 = arith.muli %mul3A_51, %scan3A_50 : i32
      %add3A_53 = arith.constant 0 : i32
      %add3A_54 = arith.addi %mul3A_52, %add3A_53 : i32
      %le3A = arith.constant 248 : i32
      %le3A_55 = arith.cmpi sle, %add3A_54, %le3A : i32
      %convert_element_type3A_56 = arith.extui %le3A_55 : i1 to i32
      %cond3A_57 = arith.constant 0 : i32
      %cond3A_58 = arith.cmpi ne, %convert_element_type3A_56, %cond3A_57 : i32
      scf.if %cond3A_58 {
        %add3A_132 = arith.constant 1 : i32
        %add3A_133 = arith.addi %add3A_54, %add3A_132 : i32
        %mul3A_134 = arith.constant 40 : i32
        %mul3A_135 = arith.muli %add3A_133, %mul3A_134 : i32
        %add3A_136 = arith.addi %mul3A_11, %mul3A_135 : i32
        %multiple_of3A_137 = tpu.assume_multiple %add3A_136, 8 : i32
        %dma_wait3A_138 = tpu.memref_slice %arg2[%multiple_of3A_137] : memref<320000xi32, #tpu.memory_space<hbm>> -> memref<40xi32, #tpu.memory_space<hbm>>
        %dma_wait3A_139 = tpu.memref_slice %arg2[%multiple_of3A_137] : memref<320000xi32, #tpu.memory_space<hbm>> -> memref<40xi32, #tpu.memory_space<hbm>>
        tpu.wait_dma2 semaphore(%arg28 : memref<!tpu.dma_semaphore, #tpu.memory_space<semaphore_mem>>) src(%dma_wait3A_139 : memref<40xi32, #tpu.memory_space<hbm>>) dst(%arg9 : memref<40xi32, #tpu.memory_space<vmem>>)
        %dma_wait3A_140 = tpu.memref_slice %arg3[%multiple_of3A_137] : memref<320000xi32, #tpu.memory_space<hbm>> -> memref<40xi32, #tpu.memory_space<hbm>>
        %dma_wait3A_141 = tpu.memref_slice %arg3[%multiple_of3A_137] : memref<320000xi32, #tpu.memory_space<hbm>> -> memref<40xi32, #tpu.memory_space<hbm>>
        tpu.wait_dma2 semaphore(%arg28 : memref<!tpu.dma_semaphore, #tpu.memory_space<semaphore_mem>>) src(%dma_wait3A_141 : memref<40xi32, #tpu.memory_space<hbm>>) dst(%arg11 : memref<40xi32, #tpu.memory_space<vmem>>)
        %dma_start3A_142 = arith.constant 0 : i32
        %dma_start3A_143 = arith.constant 0 : i32
        %dma_start3A_144 = tpu.memref_slice %arg4[%dma_start3A_142, %dma_start3A_143] : memref<10240x144xf32, #tpu.memory_space<hbm>> -> memref<10240x144xf32, #tpu.memory_space<hbm>>
        tpu.enqueue_indirect_dma source(%dma_start3A_144 : memref<10240x144xf32, #tpu.memory_space<hbm>>) target(%arg15 : memref<40x144xf32, #tpu.memory_space<vmem>>) offsets(%arg9 : memref<40xi32, #tpu.memory_space<vmem>>) semaphore(%arg22 : memref<!tpu.dma_semaphore, #tpu.memory_space<semaphore_mem>>)
        %dma_start3A_145 = arith.constant 0 : i32
        %dma_start3A_146 = arith.constant 0 : i32
        %dma_start3A_147 = tpu.memref_slice %arg5[%dma_start3A_145, %dma_start3A_146] : memref<10240x16xf32, #tpu.memory_space<hbm>> -> memref<10240x16xf32, #tpu.memory_space<hbm>>
        tpu.enqueue_indirect_dma source(%dma_start3A_147 : memref<10240x16xf32, #tpu.memory_space<hbm>>) target(%arg17 : memref<40x16xf32, #tpu.memory_space<vmem>>) offsets(%arg11 : memref<40xi32, #tpu.memory_space<vmem>>) semaphore(%arg24 : memref<!tpu.dma_semaphore, #tpu.memory_space<semaphore_mem>>)
      } else {
      }
      %dma_wait3A_59 = arith.constant 0 : i32
      %dma_wait3A_60 = arith.constant 0 : i32
      %dma_wait3A_61 = tpu.memref_slice %arg4[%dma_wait3A_59, %dma_wait3A_60] : memref<10240x144xf32, #tpu.memory_space<hbm>> -> memref<10240x144xf32, #tpu.memory_space<hbm>>
      tpu.wait_indirect_dma semaphore(%arg21 : memref<!tpu.dma_semaphore, #tpu.memory_space<semaphore_mem>>) src(%dma_wait3A_61 : memref<10240x144xf32, #tpu.memory_space<hbm>>) dst(%arg14 : memref<40x144xf32, #tpu.memory_space<vmem>>)
      %dma_wait3A_62 = arith.constant 0 : i32
      %dma_wait3A_63 = arith.constant 0 : i32
      %dma_wait3A_64 = tpu.memref_slice %arg5[%dma_wait3A_62, %dma_wait3A_63] : memref<10240x16xf32, #tpu.memory_space<hbm>> -> memref<10240x16xf32, #tpu.memory_space<hbm>>
      tpu.wait_indirect_dma semaphore(%arg23 : memref<!tpu.dma_semaphore, #tpu.memory_space<semaphore_mem>>) src(%dma_wait3A_64 : memref<10240x16xf32, #tpu.memory_space<hbm>>) dst(%arg16 : memref<40x16xf32, #tpu.memory_space<vmem>>)
      %parallel_loop3A = arith.constant 0 : i32
      %parallel_loop3A_65 = arith.constant 40 : i32
      %parallel_loop3A_66 = arith.constant 1 : i32
      scf.for %parallel_loop3A_132 = %parallel_loop3A to %parallel_loop3A_65 step %parallel_loop3A_66  : i32 {
        %parallel_loop3A_133 = arith.index_cast %parallel_loop3A_132 : i32 to index
        %parallel_loop3A_134 = arith.constant 128 : index
        %parallel_loop3A_135 = tpu.vector_load %arg14[%parallel_loop3A_133, %parallel_loop3A_134] {strides = array<i32>} : memref<40x144xf32, #tpu.memory_space<vmem>>, vector<1x16xf32>,
        %parallel_loop3A_136 = vector.shape_cast %parallel_loop3A_135 : vector<1x16xf32> to vector<16xf32>
        %parallel_loop3A_137 = arith.index_cast %parallel_loop3A_132 : i32 to index
        %parallel_loop3A_138 = arith.constant 0 : index
        %parallel_loop3A_139 = tpu.vector_load %arg16[%parallel_loop3A_137, %parallel_loop3A_138] {strides = array<i32>} : memref<40x16xf32, #tpu.memory_space<vmem>>, vector<1x16xf32>,
        %parallel_loop3A_140 = vector.shape_cast %parallel_loop3A_139 : vector<1x16xf32> to vector<16xf32>
        %parallel_loop3A_141 = arith.addf %parallel_loop3A_136, %parallel_loop3A_140 : vector<16xf32>
        %parallel_loop3A_142 = arith.constant 0.000000e+00 : f32
        %parallel_loop3A_143 = vector.broadcast %parallel_loop3A_142 : f32 to vector<16xf32>
        %parallel_loop3A_144 = arith.cmpf ogt, %parallel_loop3A_141, %parallel_loop3A_143 : vector<16xf32>
        %parallel_loop3A_145 = arith.constant 2.000000e-01 : f32
        %parallel_loop3A_146 = vector.broadcast %parallel_loop3A_145 : f32 to vector<16xf32>
        %parallel_loop3A_147 = arith.mulf %parallel_loop3A_146, %parallel_loop3A_141 : vector<16xf32>
        %parallel_loop3A_148 = arith.select %parallel_loop3A_144, %parallel_loop3A_141, %parallel_loop3A_147 : vector<16xi1>, vector<16xf32>
        %parallel_loop3A_149 = math.exp %parallel_loop3A_148 : vector<16xf32>
        %parallel_loop3A_150 = arith.index_cast %parallel_loop3A_132 : i32 to index
        %parallel_loop3A_151 = arith.constant 128 : index
        %parallel_loop3A_152 = tpu.vector_load %arg18[%parallel_loop3A_150, %parallel_loop3A_151] {strides = array<i32>} : memref<40x144xf32, #tpu.memory_space<vmem>>, vector<1x16xf32>,
        %parallel_loop3A_153 = vector.shape_cast %parallel_loop3A_152 : vector<1x16xf32> to vector<16xf32>
        %parallel_loop3A_154 = vector.shape_cast %parallel_loop3A_149 : vector<16xf32> to vector<1x16xf32>
        tpu.vector_store %arg18[%parallel_loop3A_150, %parallel_loop3A_151], %parallel_loop3A_154 {strides = array<i32>} : memref<40x144xf32, #tpu.memory_space<vmem>>, vector<1x16xf32>,
        %parallel_loop3A_155 = arith.constant 0 : i32
        %parallel_loop3A_156 = vector.broadcast %parallel_loop3A_155 : i32 to vector<16x1xi32>
        %parallel_loop3A_157 = vector.shape_cast %parallel_loop3A_156 : vector<16x1xi32> to vector<16xi32>
        %parallel_loop3A_158 = tpu.dynamic_gather %parallel_loop3A_149[%parallel_loop3A_157] in [0] : vector<16xf32>, vector<16xi32> -> vector<16xf32>
        %parallel_loop3A_159 = arith.index_cast %parallel_loop3A_132 : i32 to index
        %parallel_loop3A_160 = arith.constant 0 : index
        %parallel_loop3A_161 = tpu.vector_load %arg14[%parallel_loop3A_159, %parallel_loop3A_160] {strides = array<i32>} : memref<40x144xf32, #tpu.memory_space<vmem>>, vector<1x16xf32>,
        %parallel_loop3A_162 = vector.shape_cast %parallel_loop3A_161 : vector<1x16xf32> to vector<16xf32>
        %parallel_loop3A_163 = arith.mulf %parallel_loop3A_162, %parallel_loop3A_158 : vector<16xf32>
        %parallel_loop3A_164 = arith.index_cast %parallel_loop3A_132 : i32 to index
        %parallel_loop3A_165 = arith.constant 0 : index
        %parallel_loop3A_166 = tpu.vector_load %arg18[%parallel_loop3A_164, %parallel_loop3A_165] {strides = array<i32>} : memref<40x144xf32, #tpu.memory_space<vmem>>, vector<1x16xf32>,
        %parallel_loop3A_167 = vector.shape_cast %parallel_loop3A_166 : vector<1x16xf32> to vector<16xf32>
        %parallel_loop3A_168 = vector.shape_cast %parallel_loop3A_163 : vector<16xf32> to vector<1x16xf32>
        tpu.vector_store %arg18[%parallel_loop3A_164, %parallel_loop3A_165], %parallel_loop3A_168 {strides = array<i32>} : memref<40x144xf32, #tpu.memory_space<vmem>>, vector<1x16xf32>,
        %parallel_loop3A_169 = arith.index_cast %parallel_loop3A_132 : i32 to index
        %parallel_loop3A_170 = arith.constant 16 : index
        %parallel_loop3A_171 = tpu.vector_load %arg14[%parallel_loop3A_169, %parallel_loop3A_170] {strides = array<i32>} : memref<40x144xf32, #tpu.memory_space<vmem>>, vector<1x16xf32>,
        %parallel_loop3A_172 = vector.shape_cast %parallel_loop3A_171 : vector<1x16xf32> to vector<16xf32>
        %parallel_loop3A_173 = arith.mulf %parallel_loop3A_172, %parallel_loop3A_158 : vector<16xf32>
        %parallel_loop3A_174 = arith.index_cast %parallel_loop3A_132 : i32 to index
        %parallel_loop3A_175 = arith.constant 16 : index
        %parallel_loop3A_176 = tpu.vector_load %arg18[%parallel_loop3A_174, %parallel_loop3A_175] {strides = array<i32>} : memref<40x144xf32, #tpu.memory_space<vmem>>, vector<1x16xf32>,
        %parallel_loop3A_177 = vector.shape_cast %parallel_loop3A_176 : vector<1x16xf32> to vector<16xf32>
        %parallel_loop3A_178 = vector.shape_cast %parallel_loop3A_173 : vector<16xf32> to vector<1x16xf32>
        tpu.vector_store %arg18[%parallel_loop3A_174, %parallel_loop3A_175], %parallel_loop3A_178 {strides = array<i32>} : memref<40x144xf32, #tpu.memory_space<vmem>>, vector<1x16xf32>,
        %parallel_loop3A_179 = arith.index_cast %parallel_loop3A_132 : i32 to index
        %parallel_loop3A_180 = arith.constant 32 : index
        %parallel_loop3A_181 = tpu.vector_load %arg14[%parallel_loop3A_179, %parallel_loop3A_180] {strides = array<i32>} : memref<40x144xf32, #tpu.memory_space<vmem>>, vector<1x16xf32>,
        %parallel_loop3A_182 = vector.shape_cast %parallel_loop3A_181 : vector<1x16xf32> to vector<16xf32>
        %parallel_loop3A_183 = arith.mulf %parallel_loop3A_182, %parallel_loop3A_158 : vector<16xf32>
        %parallel_loop3A_184 = arith.index_cast %parallel_loop3A_132 : i32 to index
        %parallel_loop3A_185 = arith.constant 32 : index
        %parallel_loop3A_186 = tpu.vector_load %arg18[%parallel_loop3A_184, %parallel_loop3A_185] {strides = array<i32>} : memref<40x144xf32, #tpu.memory_space<vmem>>, vector<1x16xf32>,
        %parallel_loop3A_187 = vector.shape_cast %parallel_loop3A_186 : vector<1x16xf32> to vector<16xf32>
        %parallel_loop3A_188 = vector.shape_cast %parallel_loop3A_183 : vector<16xf32> to vector<1x16xf32>
        tpu.vector_store %arg18[%parallel_loop3A_184, %parallel_loop3A_185], %parallel_loop3A_188 {strides = array<i32>} : memref<40x144xf32, #tpu.memory_space<vmem>>, vector<1x16xf32>,
        %parallel_loop3A_189 = arith.index_cast %parallel_loop3A_132 : i32 to index
        %parallel_loop3A_190 = arith.constant 48 : index
        %parallel_loop3A_191 = tpu.vector_load %arg14[%parallel_loop3A_189, %parallel_loop3A_190] {strides = array<i32>} : memref<40x144xf32, #tpu.memory_space<vmem>>, vector<1x16xf32>,
        %parallel_loop3A_192 = vector.shape_cast %parallel_loop3A_191 : vector<1x16xf32> to vector<16xf32>
        %parallel_loop3A_193 = arith.mulf %parallel_loop3A_192, %parallel_loop3A_158 : vector<16xf32>
        %parallel_loop3A_194 = arith.index_cast %parallel_loop3A_132 : i32 to index
        %parallel_loop3A_195 = arith.constant 48 : index
        %parallel_loop3A_196 = tpu.vector_load %arg18[%parallel_loop3A_194, %parallel_loop3A_195] {strides = array<i32>} : memref<40x144xf32, #tpu.memory_space<vmem>>, vector<1x16xf32>,
        %parallel_loop3A_197 = vector.shape_cast %parallel_loop3A_196 : vector<1x16xf32> to vector<16xf32>
        %parallel_loop3A_198 = vector.shape_cast %parallel_loop3A_193 : vector<16xf32> to vector<1x16xf32>
        tpu.vector_store %arg18[%parallel_loop3A_194, %parallel_loop3A_195], %parallel_loop3A_198 {strides = array<i32>} : memref<40x144xf32, #tpu.memory_space<vmem>>, vector<1x16xf32>,
        %parallel_loop3A_199 = arith.index_cast %parallel_loop3A_132 : i32 to index
        %parallel_loop3A_200 = arith.constant 64 : index
        %parallel_loop3A_201 = tpu.vector_load %arg14[%parallel_loop3A_199, %parallel_loop3A_200] {strides = array<i32>} : memref<40x144xf32, #tpu.memory_space<vmem>>, vector<1x16xf32>,
        %parallel_loop3A_202 = vector.shape_cast %parallel_loop3A_201 : vector<1x16xf32> to vector<16xf32>
        %parallel_loop3A_203 = arith.mulf %parallel_loop3A_202, %parallel_loop3A_158 : vector<16xf32>
        %parallel_loop3A_204 = arith.index_cast %parallel_loop3A_132 : i32 to index
        %parallel_loop3A_205 = arith.constant 64 : index
        %parallel_loop3A_206 = tpu.vector_load %arg18[%parallel_loop3A_204, %parallel_loop3A_205] {strides = array<i32>} : memref<40x144xf32, #tpu.memory_space<vmem>>, vector<1x16xf32>,
        %parallel_loop3A_207 = vector.shape_cast %parallel_loop3A_206 : vector<1x16xf32> to vector<16xf32>
        %parallel_loop3A_208 = vector.shape_cast %parallel_loop3A_203 : vector<16xf32> to vector<1x16xf32>
        tpu.vector_store %arg18[%parallel_loop3A_204, %parallel_loop3A_205], %parallel_loop3A_208 {strides = array<i32>} : memref<40x144xf32, #tpu.memory_space<vmem>>, vector<1x16xf32>,
        %parallel_loop3A_209 = arith.index_cast %parallel_loop3A_132 : i32 to index
        %parallel_loop3A_210 = arith.constant 80 : index
        %parallel_loop3A_211 = tpu.vector_load %arg14[%parallel_loop3A_209, %parallel_loop3A_210] {strides = array<i32>} : memref<40x144xf32, #tpu.memory_space<vmem>>, vector<1x16xf32>,
        %parallel_loop3A_212 = vector.shape_cast %parallel_loop3A_211 : vector<1x16xf32> to vector<16xf32>
        %parallel_loop3A_213 = arith.mulf %parallel_loop3A_212, %parallel_loop3A_158 : vector<16xf32>
        %parallel_loop3A_214 = arith.index_cast %parallel_loop3A_132 : i32 to index
        %parallel_loop3A_215 = arith.constant 80 : index
        %parallel_loop3A_216 = tpu.vector_load %arg18[%parallel_loop3A_214, %parallel_loop3A_215] {strides = array<i32>} : memref<40x144xf32, #tpu.memory_space<vmem>>, vector<1x16xf32>,
        %parallel_loop3A_217 = vector.shape_cast %parallel_loop3A_216 : vector<1x16xf32> to vector<16xf32>
        %parallel_loop3A_218 = vector.shape_cast %parallel_loop3A_213 : vector<16xf32> to vector<1x16xf32>
        tpu.vector_store %arg18[%parallel_loop3A_214, %parallel_loop3A_215], %parallel_loop3A_218 {strides = array<i32>} : memref<40x144xf32, #tpu.memory_space<vmem>>, vector<1x16xf32>,
        %parallel_loop3A_219 = arith.index_cast %parallel_loop3A_132 : i32 to index
        %parallel_loop3A_220 = arith.constant 96 : index
        %parallel_loop3A_221 = tpu.vector_load %arg14[%parallel_loop3A_219, %parallel_loop3A_220] {strides = array<i32>} : memref<40x144xf32, #tpu.memory_space<vmem>>, vector<1x16xf32>,
        %parallel_loop3A_222 = vector.shape_cast %parallel_loop3A_221 : vector<1x16xf32> to vector<16xf32>
        %parallel_loop3A_223 = arith.mulf %parallel_loop3A_222, %parallel_loop3A_158 : vector<16xf32>
        %parallel_loop3A_224 = arith.index_cast %parallel_loop3A_132 : i32 to index
        %parallel_loop3A_225 = arith.constant 96 : index
        %parallel_loop3A_226 = tpu.vector_load %arg18[%parallel_loop3A_224, %parallel_loop3A_225] {strides = array<i32>} : memref<40x144xf32, #tpu.memory_space<vmem>>, vector<1x16xf32>,
        %parallel_loop3A_227 = vector.shape_cast %parallel_loop3A_226 : vector<1x16xf32> to vector<16xf32>
        %parallel_loop3A_228 = vector.shape_cast %parallel_loop3A_223 : vector<16xf32> to vector<1x16xf32>
        tpu.vector_store %arg18[%parallel_loop3A_224, %parallel_loop3A_225], %parallel_loop3A_228 {strides = array<i32>} : memref<40x144xf32, #tpu.memory_space<vmem>>, vector<1x16xf32>,
        %parallel_loop3A_229 = arith.index_cast %parallel_loop3A_132 : i32 to index
        %parallel_loop3A_230 = arith.constant 112 : index
        %parallel_loop3A_231 = tpu.vector_load %arg14[%parallel_loop3A_229, %parallel_loop3A_230] {strides = array<i32>} : memref<40x144xf32, #tpu.memory_space<vmem>>, vector<1x16xf32>,
        %parallel_loop3A_232 = vector.shape_cast %parallel_loop3A_231 : vector<1x16xf32> to vector<16xf32>
        %parallel_loop3A_233 = arith.mulf %parallel_loop3A_232, %parallel_loop3A_158 : vector<16xf32>
        %parallel_loop3A_234 = arith.index_cast %parallel_loop3A_132 : i32 to index
        %parallel_loop3A_235 = arith.constant 112 : index
        %parallel_loop3A_236 = tpu.vector_load %arg18[%parallel_loop3A_234, %parallel_loop3A_235] {strides = array<i32>} : memref<40x144xf32, #tpu.memory_space<vmem>>, vector<1x16xf32>,
        %parallel_loop3A_237 = vector.shape_cast %parallel_loop3A_236 : vector<1x16xf32> to vector<16xf32>
        %parallel_loop3A_238 = vector.shape_cast %parallel_loop3A_233 : vector<16xf32> to vector<1x16xf32>
        tpu.vector_store %arg18[%parallel_loop3A_234, %parallel_loop3A_235], %parallel_loop3A_238 {strides = array<i32>} : memref<40x144xf32, #tpu.memory_space<vmem>>, vector<1x16xf32>,
      } {sc.loop_unroll_factor = 8 : i64, sc.parallel_access}
      %ge3A = arith.constant 1 : i32
      %ge3A_67 = arith.cmpi sge, %add3A_54, %ge3A : i32
      %convert_element_type3A_68 = arith.extui %ge3A_67 : i1 to i32
      %cond3A_69 = arith.constant 0 : i32
      %cond3A_70 = arith.cmpi ne, %convert_element_type3A_68, %cond3A_69 : i32
      scf.if %cond3A_70 {
        %dma_wait3A_132 = arith.constant 0 : i32
        %dma_wait3A_133 = arith.constant 0 : i32
        %dma_wait3A_134 = tpu.memref_slice %arg20[%dma_wait3A_132, %dma_wait3A_133] : memref<10240x144xf32, #tpu.memory_space<vmem_shared>> -> memref<10240x144xf32, #tpu.memory_space<vmem_shared>>
        tpu.wait_indirect_dma semaphore(%arg26 : memref<!tpu.dma_semaphore, #tpu.memory_space<semaphore_mem>>) src(%arg19 : memref<40x144xf32, #tpu.memory_space<vmem>>) dst(%dma_wait3A_134 : memref<10240x144xf32, #tpu.memory_space<vmem_shared>>)
      } else {
      }
      %le3A_71 = arith.constant 248 : i32
      %le3A_72 = arith.cmpi sle, %add3A_54, %le3A_71 : i32
      %convert_element_type3A_73 = arith.extui %le3A_72 : i1 to i32
      %cond3A_74 = arith.constant 0 : i32
      %cond3A_75 = arith.cmpi ne, %convert_element_type3A_73, %cond3A_74 : i32
      scf.if %cond3A_75 {
        %add3A_132 = arith.constant 1 : i32
        %add3A_133 = arith.addi %add3A_54, %add3A_132 : i32
        %mul3A_134 = arith.constant 40 : i32
        %mul3A_135 = arith.muli %add3A_133, %mul3A_134 : i32
        %add3A_136 = arith.addi %mul3A_11, %mul3A_135 : i32
        %multiple_of3A_137 = tpu.assume_multiple %add3A_136, 8 : i32
        %dma_start3A_138 = tpu.memref_slice %arg3[%multiple_of3A_137] : memref<320000xi32, #tpu.memory_space<hbm>> -> memref<40xi32, #tpu.memory_space<hbm>>
        %dma_start3A_139 = tpu.memref_slice %arg3[%multiple_of3A_137] : memref<320000xi32, #tpu.memory_space<hbm>> -> memref<40xi32, #tpu.memory_space<hbm>>
        tpu.enqueue_dma source(%dma_start3A_139 : memref<40xi32, #tpu.memory_space<hbm>>) target(%arg13 : memref<40xi32, #tpu.memory_space<vmem>>) target_semaphore(%arg30 : memref<!tpu.dma_semaphore, #tpu.memory_space<semaphore_mem>>)
      } else {
      }
      %le3A_76 = arith.constant 247 : i32
      %le3A_77 = arith.cmpi sle, %add3A_54, %le3A_76 : i32
      %convert_element_type3A_78 = arith.extui %le3A_77 : i1 to i32
      %cond3A_79 = arith.constant 0 : i32
      %cond3A_80 = arith.cmpi ne, %convert_element_type3A_78, %cond3A_79 : i32
      scf.if %cond3A_80 {
        %add3A_132 = arith.constant 2 : i32
        %add3A_133 = arith.addi %add3A_54, %add3A_132 : i32
        %mul3A_134 = arith.constant 40 : i32
        %mul3A_135 = arith.muli %add3A_133, %mul3A_134 : i32
        %add3A_136 = arith.addi %mul3A_11, %mul3A_135 : i32
        %multiple_of3A_137 = tpu.assume_multiple %add3A_136, 8 : i32
        %dma_start3A_138 = tpu.memref_slice %arg2[%multiple_of3A_137] : memref<320000xi32, #tpu.memory_space<hbm>> -> memref<40xi32, #tpu.memory_space<hbm>>
        %dma_start3A_139 = tpu.memref_slice %arg2[%multiple_of3A_137] : memref<320000xi32, #tpu.memory_space<hbm>> -> memref<40xi32, #tpu.memory_space<hbm>>
        tpu.enqueue_dma source(%dma_start3A_139 : memref<40xi32, #tpu.memory_space<hbm>>) target(%arg8 : memref<40xi32, #tpu.memory_space<vmem>>) target_semaphore(%arg27 : memref<!tpu.dma_semaphore, #tpu.memory_space<semaphore_mem>>)
        %dma_start3A_140 = tpu.memref_slice %arg3[%multiple_of3A_137] : memref<320000xi32, #tpu.memory_space<hbm>> -> memref<40xi32, #tpu.memory_space<hbm>>
        %dma_start3A_141 = tpu.memref_slice %arg3[%multiple_of3A_137] : memref<320000xi32, #tpu.memory_space<hbm>> -> memref<40xi32, #tpu.memory_space<hbm>>
        tpu.enqueue_dma source(%dma_start3A_141 : memref<40xi32, #tpu.memory_space<hbm>>) target(%arg10 : memref<40xi32, #tpu.memory_space<vmem>>) target_semaphore(%arg27 : memref<!tpu.dma_semaphore, #tpu.memory_space<semaphore_mem>>)
      } else {
      }
      %mul3A_81 = arith.constant 40 : i32
      %mul3A_82 = arith.muli %add3A_54, %mul3A_81 : i32
      %add3A_83 = arith.addi %mul3A_11, %mul3A_82 : i32
      %multiple_of3A_84 = tpu.assume_multiple %add3A_83, 8 : i32
      %dma_wait3A_85 = tpu.memref_slice %arg3[%multiple_of3A_84] : memref<320000xi32, #tpu.memory_space<hbm>> -> memref<40xi32, #tpu.memory_space<hbm>>
      %dma_wait3A_86 = tpu.memref_slice %arg3[%multiple_of3A_84] : memref<320000xi32, #tpu.memory_space<hbm>> -> memref<40xi32, #tpu.memory_space<hbm>>
      tpu.wait_dma2 semaphore(%arg29 : memref<!tpu.dma_semaphore, #tpu.memory_space<semaphore_mem>>) src(%dma_wait3A_86 : memref<40xi32, #tpu.memory_space<hbm>>) dst(%arg12 : memref<40xi32, #tpu.memory_space<vmem>>)
      %dma_start3A_87 = arith.constant 0 : i32
      %dma_start3A_88 = arith.constant 0 : i32
      %dma_start3A_89 = tpu.memref_slice %arg20[%dma_start3A_87, %dma_start3A_88] : memref<10240x144xf32, #tpu.memory_space<vmem_shared>> -> memref<10240x144xf32, #tpu.memory_space<vmem_shared>>
      tpu.enqueue_indirect_dma source(%arg18 : memref<40x144xf32, #tpu.memory_space<vmem>>) target(%dma_start3A_89 : memref<10240x144xf32, #tpu.memory_space<vmem_shared>>) offsets(%arg12 : memref<40xi32, #tpu.memory_space<vmem>>) semaphore(%arg25 : memref<!tpu.dma_semaphore, #tpu.memory_space<semaphore_mem>>) {add = true}
      %mul3A_90 = arith.constant 2 : i32
      %mul3A_91 = arith.muli %mul3A_90, %scan3A_50 : i32
      %add3A_92 = arith.constant 1 : i32
      %add3A_93 = arith.addi %mul3A_91, %add3A_92 : i32
      %le3A_94 = arith.constant 248 : i32
      %le3A_95 = arith.cmpi sle, %add3A_93, %le3A_94 : i32
      %convert_element_type3A_96 = arith.extui %le3A_95 : i1 to i32
      %cond3A_97 = arith.constant 0 : i32
      %cond3A_98 = arith.cmpi ne, %convert_element_type3A_96, %cond3A_97 : i32
      scf.if %cond3A_98 {
        %add3A_132 = arith.constant 1 : i32
        %add3A_133 = arith.addi %add3A_93, %add3A_132 : i32
        %mul3A_134 = arith.constant 40 : i32
        %mul3A_135 = arith.muli %add3A_133, %mul3A_134 : i32
        %add3A_136 = arith.addi %mul3A_11, %mul3A_135 : i32
        %multiple_of3A_137 = tpu.assume_multiple %add3A_136, 8 : i32
        %dma_wait3A_138 = tpu.memref_slice %arg2[%multiple_of3A_137] : memref<320000xi32, #tpu.memory_space<hbm>> -> memref<40xi32, #tpu.memory_space<hbm>>
        %dma_wait3A_139 = tpu.memref_slice %arg2[%multiple_of3A_137] : memref<320000xi32, #tpu.memory_space<hbm>> -> memref<40xi32, #tpu.memory_space<hbm>>
        tpu.wait_dma2 semaphore(%arg27 : memref<!tpu.dma_semaphore, #tpu.memory_space<semaphore_mem>>) src(%dma_wait3A_139 : memref<40xi32, #tpu.memory_space<hbm>>) dst(%arg8 : memref<40xi32, #tpu.memory_space<vmem>>)
        %dma_wait3A_140 = tpu.memref_slice %arg3[%multiple_of3A_137] : memref<320000xi32, #tpu.memory_space<hbm>> -> memref<40xi32, #tpu.memory_space<hbm>>
        %dma_wait3A_141 = tpu.memref_slice %arg3[%multiple_of3A_137] : memref<320000xi32, #tpu.memory_space<hbm>> -> memref<40xi32, #tpu.memory_space<hbm>>
        tpu.wait_dma2 semaphore(%arg27 : memref<!tpu.dma_semaphore, #tpu.memory_space<semaphore_mem>>) src(%dma_wait3A_141 : memref<40xi32, #tpu.memory_space<hbm>>) dst(%arg10 : memref<40xi32, #tpu.memory_space<vmem>>)
        %dma_start3A_142 = arith.constant 0 : i32
        %dma_start3A_143 = arith.constant 0 : i32
        %dma_start3A_144 = tpu.memref_slice %arg4[%dma_start3A_142, %dma_start3A_143] : memref<10240x144xf32, #tpu.memory_space<hbm>> -> memref<10240x144xf32, #tpu.memory_space<hbm>>
        tpu.enqueue_indirect_dma source(%dma_start3A_144 : memref<10240x144xf32, #tpu.memory_space<hbm>>) target(%arg14 : memref<40x144xf32, #tpu.memory_space<vmem>>) offsets(%arg8 : memref<40xi32, #tpu.memory_space<vmem>>) semaphore(%arg21 : memref<!tpu.dma_semaphore, #tpu.memory_space<semaphore_mem>>)
        %dma_start3A_145 = arith.constant 0 : i32
        %dma_start3A_146 = arith.constant 0 : i32
        %dma_start3A_147 = tpu.memref_slice %arg5[%dma_start3A_145, %dma_start3A_146] : memref<10240x16xf32, #tpu.memory_space<hbm>> -> memref<10240x16xf32, #tpu.memory_space<hbm>>
        tpu.enqueue_indirect_dma source(%dma_start3A_147 : memref<10240x16xf32, #tpu.memory_space<hbm>>) target(%arg16 : memref<40x16xf32, #tpu.memory_space<vmem>>) offsets(%arg10 : memref<40xi32, #tpu.memory_space<vmem>>) semaphore(%arg23 : memref<!tpu.dma_semaphore, #tpu.memory_space<semaphore_mem>>)
      } else {
      }
      %dma_wait3A_99 = arith.constant 0 : i32
      %dma_wait3A_100 = arith.constant 0 : i32
      %dma_wait3A_101 = tpu.memref_slice %arg4[%dma_wait3A_99, %dma_wait3A_100] : memref<10240x144xf32, #tpu.memory_space<hbm>> -> memref<10240x144xf32, #tpu.memory_space<hbm>>
      tpu.wait_indirect_dma semaphore(%arg22 : memref<!tpu.dma_semaphore, #tpu.memory_space<semaphore_mem>>) src(%dma_wait3A_101 : memref<10240x144xf32, #tpu.memory_space<hbm>>) dst(%arg15 : memref<40x144xf32, #tpu.memory_space<vmem>>)
      %dma_wait3A_102 = arith.constant 0 : i32
      %dma_wait3A_103 = arith.constant 0 : i32
      %dma_wait3A_104 = tpu.memref_slice %arg5[%dma_wait3A_102, %dma_wait3A_103] : memref<10240x16xf32, #tpu.memory_space<hbm>> -> memref<10240x16xf32, #tpu.memory_space<hbm>>
      tpu.wait_indirect_dma semaphore(%arg24 : memref<!tpu.dma_semaphore, #tpu.memory_space<semaphore_mem>>) src(%dma_wait3A_104 : memref<10240x16xf32, #tpu.memory_space<hbm>>) dst(%arg17 : memref<40x16xf32, #tpu.memory_space<vmem>>)
      %parallel_loop3A_105 = arith.constant 0 : i32
      %parallel_loop3A_106 = arith.constant 40 : i32
      %parallel_loop3A_107 = arith.constant 1 : i32
      scf.for %parallel_loop3A_132 = %parallel_loop3A_105 to %parallel_loop3A_106 step %parallel_loop3A_107  : i32 {
        %parallel_loop3A_133 = arith.index_cast %parallel_loop3A_132 : i32 to index
        %parallel_loop3A_134 = arith.constant 128 : index
        %parallel_loop3A_135 = tpu.vector_load %arg15[%parallel_loop3A_133, %parallel_loop3A_134] {strides = array<i32>} : memref<40x144xf32, #tpu.memory_space<vmem>>, vector<1x16xf32>,
        %parallel_loop3A_136 = vector.shape_cast %parallel_loop3A_135 : vector<1x16xf32> to vector<16xf32>
        %parallel_loop3A_137 = arith.index_cast %parallel_loop3A_132 : i32 to index
        %parallel_loop3A_138 = arith.constant 0 : index
        %parallel_loop3A_139 = tpu.vector_load %arg17[%parallel_loop3A_137, %parallel_loop3A_138] {strides = array<i32>} : memref<40x16xf32, #tpu.memory_space<vmem>>, vector<1x16xf32>,
        %parallel_loop3A_140 = vector.shape_cast %parallel_loop3A_139 : vector<1x16xf32> to vector<16xf32>
        %parallel_loop3A_141 = arith.addf %parallel_loop3A_136, %parallel_loop3A_140 : vector<16xf32>
        %parallel_loop3A_142 = arith.constant 0.000000e+00 : f32
        %parallel_loop3A_143 = vector.broadcast %parallel_loop3A_142 : f32 to vector<16xf32>
        %parallel_loop3A_144 = arith.cmpf ogt, %parallel_loop3A_141, %parallel_loop3A_143 : vector<16xf32>
        %parallel_loop3A_145 = arith.constant 2.000000e-01 : f32
        %parallel_loop3A_146 = vector.broadcast %parallel_loop3A_145 : f32 to vector<16xf32>
        %parallel_loop3A_147 = arith.mulf %parallel_loop3A_146, %parallel_loop3A_141 : vector<16xf32>
        %parallel_loop3A_148 = arith.select %parallel_loop3A_144, %parallel_loop3A_141, %parallel_loop3A_147 : vector<16xi1>, vector<16xf32>
        %parallel_loop3A_149 = math.exp %parallel_loop3A_148 : vector<16xf32>
        %parallel_loop3A_150 = arith.index_cast %parallel_loop3A_132 : i32 to index
        %parallel_loop3A_151 = arith.constant 128 : index
        %parallel_loop3A_152 = tpu.vector_load %arg19[%parallel_loop3A_150, %parallel_loop3A_151] {strides = array<i32>} : memref<40x144xf32, #tpu.memory_space<vmem>>, vector<1x16xf32>,
        %parallel_loop3A_153 = vector.shape_cast %parallel_loop3A_152 : vector<1x16xf32> to vector<16xf32>
        %parallel_loop3A_154 = vector.shape_cast %parallel_loop3A_149 : vector<16xf32> to vector<1x16xf32>
        tpu.vector_store %arg19[%parallel_loop3A_150, %parallel_loop3A_151], %parallel_loop3A_154 {strides = array<i32>} : memref<40x144xf32, #tpu.memory_space<vmem>>, vector<1x16xf32>,
        %parallel_loop3A_155 = arith.constant 0 : i32
        %parallel_loop3A_156 = vector.broadcast %parallel_loop3A_155 : i32 to vector<16x1xi32>
        %parallel_loop3A_157 = vector.shape_cast %parallel_loop3A_156 : vector<16x1xi32> to vector<16xi32>
        %parallel_loop3A_158 = tpu.dynamic_gather %parallel_loop3A_149[%parallel_loop3A_157] in [0] : vector<16xf32>, vector<16xi32> -> vector<16xf32>
        %parallel_loop3A_159 = arith.index_cast %parallel_loop3A_132 : i32 to index
        %parallel_loop3A_160 = arith.constant 0 : index
        %parallel_loop3A_161 = tpu.vector_load %arg15[%parallel_loop3A_159, %parallel_loop3A_160] {strides = array<i32>} : memref<40x144xf32, #tpu.memory_space<vmem>>, vector<1x16xf32>,
        %parallel_loop3A_162 = vector.shape_cast %parallel_loop3A_161 : vector<1x16xf32> to vector<16xf32>
        %parallel_loop3A_163 = arith.mulf %parallel_loop3A_162, %parallel_loop3A_158 : vector<16xf32>
        %parallel_loop3A_164 = arith.index_cast %parallel_loop3A_132 : i32 to index
        %parallel_loop3A_165 = arith.constant 0 : index
        %parallel_loop3A_166 = tpu.vector_load %arg19[%parallel_loop3A_164, %parallel_loop3A_165] {strides = array<i32>} : memref<40x144xf32, #tpu.memory_space<vmem>>, vector<1x16xf32>,
        %parallel_loop3A_167 = vector.shape_cast %parallel_loop3A_166 : vector<1x16xf32> to vector<16xf32>
        %parallel_loop3A_168 = vector.shape_cast %parallel_loop3A_163 : vector<16xf32> to vector<1x16xf32>
        tpu.vector_store %arg19[%parallel_loop3A_164, %parallel_loop3A_165], %parallel_loop3A_168 {strides = array<i32>} : memref<40x144xf32, #tpu.memory_space<vmem>>, vector<1x16xf32>,
        %parallel_loop3A_169 = arith.index_cast %parallel_loop3A_132 : i32 to index
        %parallel_loop3A_170 = arith.constant 16 : index
        %parallel_loop3A_171 = tpu.vector_load %arg15[%parallel_loop3A_169, %parallel_loop3A_170] {strides = array<i32>} : memref<40x144xf32, #tpu.memory_space<vmem>>, vector<1x16xf32>,
        %parallel_loop3A_172 = vector.shape_cast %parallel_loop3A_171 : vector<1x16xf32> to vector<16xf32>
        %parallel_loop3A_173 = arith.mulf %parallel_loop3A_172, %parallel_loop3A_158 : vector<16xf32>
        %parallel_loop3A_174 = arith.index_cast %parallel_loop3A_132 : i32 to index
        %parallel_loop3A_175 = arith.constant 16 : index
        %parallel_loop3A_176 = tpu.vector_load %arg19[%parallel_loop3A_174, %parallel_loop3A_175] {strides = array<i32>} : memref<40x144xf32, #tpu.memory_space<vmem>>, vector<1x16xf32>,
        %parallel_loop3A_177 = vector.shape_cast %parallel_loop3A_176 : vector<1x16xf32> to vector<16xf32>
        %parallel_loop3A_178 = vector.shape_cast %parallel_loop3A_173 : vector<16xf32> to vector<1x16xf32>
        tpu.vector_store %arg19[%parallel_loop3A_174, %parallel_loop3A_175], %parallel_loop3A_178 {strides = array<i32>} : memref<40x144xf32, #tpu.memory_space<vmem>>, vector<1x16xf32>,
        %parallel_loop3A_179 = arith.index_cast %parallel_loop3A_132 : i32 to index
        %parallel_loop3A_180 = arith.constant 32 : index
        %parallel_loop3A_181 = tpu.vector_load %arg15[%parallel_loop3A_179, %parallel_loop3A_180] {strides = array<i32>} : memref<40x144xf32, #tpu.memory_space<vmem>>, vector<1x16xf32>,
        %parallel_loop3A_182 = vector.shape_cast %parallel_loop3A_181 : vector<1x16xf32> to vector<16xf32>
        %parallel_loop3A_183 = arith.mulf %parallel_loop3A_182, %parallel_loop3A_158 : vector<16xf32>
        %parallel_loop3A_184 = arith.index_cast %parallel_loop3A_132 : i32 to index
        %parallel_loop3A_185 = arith.constant 32 : index
        %parallel_loop3A_186 = tpu.vector_load %arg19[%parallel_loop3A_184, %parallel_loop3A_185] {strides = array<i32>} : memref<40x144xf32, #tpu.memory_space<vmem>>, vector<1x16xf32>,
        %parallel_loop3A_187 = vector.shape_cast %parallel_loop3A_186 : vector<1x16xf32> to vector<16xf32>
        %parallel_loop3A_188 = vector.shape_cast %parallel_loop3A_183 : vector<16xf32> to vector<1x16xf32>
        tpu.vector_store %arg19[%parallel_loop3A_184, %parallel_loop3A_185], %parallel_loop3A_188 {strides = array<i32>} : memref<40x144xf32, #tpu.memory_space<vmem>>, vector<1x16xf32>,
        %parallel_loop3A_189 = arith.index_cast %parallel_loop3A_132 : i32 to index
        %parallel_loop3A_190 = arith.constant 48 : index
        %parallel_loop3A_191 = tpu.vector_load %arg15[%parallel_loop3A_189, %parallel_loop3A_190] {strides = array<i32>} : memref<40x144xf32, #tpu.memory_space<vmem>>, vector<1x16xf32>,
        %parallel_loop3A_192 = vector.shape_cast %parallel_loop3A_191 : vector<1x16xf32> to vector<16xf32>
        %parallel_loop3A_193 = arith.mulf %parallel_loop3A_192, %parallel_loop3A_158 : vector<16xf32>
        %parallel_loop3A_194 = arith.index_cast %parallel_loop3A_132 : i32 to index
        %parallel_loop3A_195 = arith.constant 48 : index
        %parallel_loop3A_196 = tpu.vector_load %arg19[%parallel_loop3A_194, %parallel_loop3A_195] {strides = array<i32>} : memref<40x144xf32, #tpu.memory_space<vmem>>, vector<1x16xf32>,
        %parallel_loop3A_197 = vector.shape_cast %parallel_loop3A_196 : vector<1x16xf32> to vector<16xf32>
        %parallel_loop3A_198 = vector.shape_cast %parallel_loop3A_193 : vector<16xf32> to vector<1x16xf32>
        tpu.vector_store %arg19[%parallel_loop3A_194, %parallel_loop3A_195], %parallel_loop3A_198 {strides = array<i32>} : memref<40x144xf32, #tpu.memory_space<vmem>>, vector<1x16xf32>,
        %parallel_loop3A_199 = arith.index_cast %parallel_loop3A_132 : i32 to index
        %parallel_loop3A_200 = arith.constant 64 : index
        %parallel_loop3A_201 = tpu.vector_load %arg15[%parallel_loop3A_199, %parallel_loop3A_200] {strides = array<i32>} : memref<40x144xf32, #tpu.memory_space<vmem>>, vector<1x16xf32>,
        %parallel_loop3A_202 = vector.shape_cast %parallel_loop3A_201 : vector<1x16xf32> to vector<16xf32>
        %parallel_loop3A_203 = arith.mulf %parallel_loop3A_202, %parallel_loop3A_158 : vector<16xf32>
        %parallel_loop3A_204 = arith.index_cast %parallel_loop3A_132 : i32 to index
        %parallel_loop3A_205 = arith.constant 64 : index
        %parallel_loop3A_206 = tpu.vector_load %arg19[%parallel_loop3A_204, %parallel_loop3A_205] {strides = array<i32>} : memref<40x144xf32, #tpu.memory_space<vmem>>, vector<1x16xf32>,
        %parallel_loop3A_207 = vector.shape_cast %parallel_loop3A_206 : vector<1x16xf32> to vector<16xf32>
        %parallel_loop3A_208 = vector.shape_cast %parallel_loop3A_203 : vector<16xf32> to vector<1x16xf32>
        tpu.vector_store %arg19[%parallel_loop3A_204, %parallel_loop3A_205], %parallel_loop3A_208 {strides = array<i32>} : memref<40x144xf32, #tpu.memory_space<vmem>>, vector<1x16xf32>,
        %parallel_loop3A_209 = arith.index_cast %parallel_loop3A_132 : i32 to index
        %parallel_loop3A_210 = arith.constant 80 : index
        %parallel_loop3A_211 = tpu.vector_load %arg15[%parallel_loop3A_209, %parallel_loop3A_210] {strides = array<i32>} : memref<40x144xf32, #tpu.memory_space<vmem>>, vector<1x16xf32>,
        %parallel_loop3A_212 = vector.shape_cast %parallel_loop3A_211 : vector<1x16xf32> to vector<16xf32>
        %parallel_loop3A_213 = arith.mulf %parallel_loop3A_212, %parallel_loop3A_158 : vector<16xf32>
        %parallel_loop3A_214 = arith.index_cast %parallel_loop3A_132 : i32 to index
        %parallel_loop3A_215 = arith.constant 80 : index
        %parallel_loop3A_216 = tpu.vector_load %arg19[%parallel_loop3A_214, %parallel_loop3A_215] {strides = array<i32>} : memref<40x144xf32, #tpu.memory_space<vmem>>, vector<1x16xf32>,
        %parallel_loop3A_217 = vector.shape_cast %parallel_loop3A_216 : vector<1x16xf32> to vector<16xf32>
        %parallel_loop3A_218 = vector.shape_cast %parallel_loop3A_213 : vector<16xf32> to vector<1x16xf32>
        tpu.vector_store %arg19[%parallel_loop3A_214, %parallel_loop3A_215], %parallel_loop3A_218 {strides = array<i32>} : memref<40x144xf32, #tpu.memory_space<vmem>>, vector<1x16xf32>,
        %parallel_loop3A_219 = arith.index_cast %parallel_loop3A_132 : i32 to index
        %parallel_loop3A_220 = arith.constant 96 : index
        %parallel_loop3A_221 = tpu.vector_load %arg15[%parallel_loop3A_219, %parallel_loop3A_220] {strides = array<i32>} : memref<40x144xf32, #tpu.memory_space<vmem>>, vector<1x16xf32>,
        %parallel_loop3A_222 = vector.shape_cast %parallel_loop3A_221 : vector<1x16xf32> to vector<16xf32>
        %parallel_loop3A_223 = arith.mulf %parallel_loop3A_222, %parallel_loop3A_158 : vector<16xf32>
        %parallel_loop3A_224 = arith.index_cast %parallel_loop3A_132 : i32 to index
        %parallel_loop3A_225 = arith.constant 96 : index
        %parallel_loop3A_226 = tpu.vector_load %arg19[%parallel_loop3A_224, %parallel_loop3A_225] {strides = array<i32>} : memref<40x144xf32, #tpu.memory_space<vmem>>, vector<1x16xf32>,
        %parallel_loop3A_227 = vector.shape_cast %parallel_loop3A_226 : vector<1x16xf32> to vector<16xf32>
        %parallel_loop3A_228 = vector.shape_cast %parallel_loop3A_223 : vector<16xf32> to vector<1x16xf32>
        tpu.vector_store %arg19[%parallel_loop3A_224, %parallel_loop3A_225], %parallel_loop3A_228 {strides = array<i32>} : memref<40x144xf32, #tpu.memory_space<vmem>>, vector<1x16xf32>,
        %parallel_loop3A_229 = arith.index_cast %parallel_loop3A_132 : i32 to index
        %parallel_loop3A_230 = arith.constant 112 : index
        %parallel_loop3A_231 = tpu.vector_load %arg15[%parallel_loop3A_229, %parallel_loop3A_230] {strides = array<i32>} : memref<40x144xf32, #tpu.memory_space<vmem>>, vector<1x16xf32>,
        %parallel_loop3A_232 = vector.shape_cast %parallel_loop3A_231 : vector<1x16xf32> to vector<16xf32>
        %parallel_loop3A_233 = arith.mulf %parallel_loop3A_232, %parallel_loop3A_158 : vector<16xf32>
        %parallel_loop3A_234 = arith.index_cast %parallel_loop3A_132 : i32 to index
        %parallel_loop3A_235 = arith.constant 112 : index
        %parallel_loop3A_236 = tpu.vector_load %arg19[%parallel_loop3A_234, %parallel_loop3A_235] {strides = array<i32>} : memref<40x144xf32, #tpu.memory_space<vmem>>, vector<1x16xf32>,
        %parallel_loop3A_237 = vector.shape_cast %parallel_loop3A_236 : vector<1x16xf32> to vector<16xf32>
        %parallel_loop3A_238 = vector.shape_cast %parallel_loop3A_233 : vector<16xf32> to vector<1x16xf32>
        tpu.vector_store %arg19[%parallel_loop3A_234, %parallel_loop3A_235], %parallel_loop3A_238 {strides = array<i32>} : memref<40x144xf32, #tpu.memory_space<vmem>>, vector<1x16xf32>,
      } {sc.loop_unroll_factor = 8 : i64, sc.parallel_access}
      %ge3A_108 = arith.constant 1 : i32
      %ge3A_109 = arith.cmpi sge, %add3A_93, %ge3A_108 : i32
      %convert_element_type3A_110 = arith.extui %ge3A_109 : i1 to i32
      %cond3A_111 = arith.constant 0 : i32
      %cond3A_112 = arith.cmpi ne, %convert_element_type3A_110, %cond3A_111 : i32
      scf.if %cond3A_112 {
        %dma_wait3A_132 = arith.constant 0 : i32
        %dma_wait3A_133 = arith.constant 0 : i32
        %dma_wait3A_134 = tpu.memref_slice %arg20[%dma_wait3A_132, %dma_wait3A_133] : memref<10240x144xf32, #tpu.memory_space<vmem_shared>> -> memref<10240x144xf32, #tpu.memory_space<vmem_shared>>
        tpu.wait_indirect_dma semaphore(%arg25 : memref<!tpu.dma_semaphore, #tpu.memory_space<semaphore_mem>>) src(%arg18 : memref<40x144xf32, #tpu.memory_space<vmem>>) dst(%dma_wait3A_134 : memref<10240x144xf32, #tpu.memory_space<vmem_shared>>)
      } else {
      }
      %le3A_113 = arith.constant 248 : i32
      %le3A_114 = arith.cmpi sle, %add3A_93, %le3A_113 : i32
      %convert_element_type3A_115 = arith.extui %le3A_114 : i1 to i32
      %cond3A_116 = arith.constant 0 : i32
      %cond3A_117 = arith.cmpi ne, %convert_element_type3A_115, %cond3A_116 : i32
      scf.if %cond3A_117 {
        %add3A_132 = arith.constant 1 : i32
        %add3A_133 = arith.addi %add3A_93, %add3A_132 : i32
        %mul3A_134 = arith.constant 40 : i32
        %mul3A_135 = arith.muli %add3A_133, %mul3A_134 : i32
        %add3A_136 = arith.addi %mul3A_11, %mul3A_135 : i32
        %multiple_of3A_137 = tpu.assume_multiple %add3A_136, 8 : i32
        %dma_start3A_138 = tpu.memref_slice %arg3[%multiple_of3A_137] : memref<320000xi32, #tpu.memory_space<hbm>> -> memref<40xi32, #tpu.memory_space<hbm>>
        %dma_start3A_139 = tpu.memref_slice %arg3[%multiple_of3A_137] : memref<320000xi32, #tpu.memory_space<hbm>> -> memref<40xi32, #tpu.memory_space<hbm>>
        tpu.enqueue_dma source(%dma_start3A_139 : memref<40xi32, #tpu.memory_space<hbm>>) target(%arg12 : memref<40xi32, #tpu.memory_space<vmem>>) target_semaphore(%arg29 : memref<!tpu.dma_semaphore, #tpu.memory_space<semaphore_mem>>)
      } else {
      }
      %le3A_118 = arith.constant 247 : i32
      %le3A_119 = arith.cmpi sle, %add3A_93, %le3A_118 : i32
      %convert_element_type3A_120 = arith.extui %le3A_119 : i1 to i32
      %cond3A_121 = arith.constant 0 : i32
      %cond3A_122 = arith.cmpi ne, %convert_element_type3A_120, %cond3A_121 : i32
      scf.if %cond3A_122 {
        %add3A_132 = arith.constant 2 : i32
        %add3A_133 = arith.addi %add3A_93, %add3A_132 : i32
        %mul3A_134 = arith.constant 40 : i32
        %mul3A_135 = arith.muli %add3A_133, %mul3A_134 : i32
        %add3A_136 = arith.addi %mul3A_11, %mul3A_135 : i32
        %multiple_of3A_137 = tpu.assume_multiple %add3A_136, 8 : i32
        %dma_start3A_138 = tpu.memref_slice %arg2[%multiple_of3A_137] : memref<320000xi32, #tpu.memory_space<hbm>> -> memref<40xi32, #tpu.memory_space<hbm>>
        %dma_start3A_139 = tpu.memref_slice %arg2[%multiple_of3A_137] : memref<320000xi32, #tpu.memory_space<hbm>> -> memref<40xi32, #tpu.memory_space<hbm>>
        tpu.enqueue_dma source(%dma_start3A_139 : memref<40xi32, #tpu.memory_space<hbm>>) target(%arg9 : memref<40xi32, #tpu.memory_space<vmem>>) target_semaphore(%arg28 : memref<!tpu.dma_semaphore, #tpu.memory_space<semaphore_mem>>)
        %dma_start3A_140 = tpu.memref_slice %arg3[%multiple_of3A_137] : memref<320000xi32, #tpu.memory_space<hbm>> -> memref<40xi32, #tpu.memory_space<hbm>>
        %dma_start3A_141 = tpu.memref_slice %arg3[%multiple_of3A_137] : memref<320000xi32, #tpu.memory_space<hbm>> -> memref<40xi32, #tpu.memory_space<hbm>>
        tpu.enqueue_dma source(%dma_start3A_141 : memref<40xi32, #tpu.memory_space<hbm>>) target(%arg11 : memref<40xi32, #tpu.memory_space<vmem>>) target_semaphore(%arg28 : memref<!tpu.dma_semaphore, #tpu.memory_space<semaphore_mem>>)
      } else {
      }
      %mul3A_123 = arith.constant 40 : i32
      %mul3A_124 = arith.muli %add3A_93, %mul3A_123 : i32
      %add3A_125 = arith.addi %mul3A_11, %mul3A_124 : i32
      %multiple_of3A_126 = tpu.assume_multiple %add3A_125, 8 : i32
      %dma_wait3A_127 = tpu.memref_slice %arg3[%multiple_of3A_126] : memref<320000xi32, #tpu.memory_space<hbm>> -> memref<40xi32, #tpu.memory_space<hbm>>
      %dma_wait3A_128 = tpu.memref_slice %arg3[%multiple_of3A_126] : memref<320000xi32, #tpu.memory_space<hbm>> -> memref<40xi32, #tpu.memory_space<hbm>>
      tpu.wait_dma2 semaphore(%arg30 : memref<!tpu.dma_semaphore, #tpu.memory_space<semaphore_mem>>) src(%dma_wait3A_128 : memref<40xi32, #tpu.memory_space<hbm>>) dst(%arg13 : memref<40xi32, #tpu.memory_space<vmem>>)
      %dma_start3A_129 = arith.constant 0 : i32
      %dma_start3A_130 = arith.constant 0 : i32
      %dma_start3A_131 = tpu.memref_slice %arg20[%dma_start3A_129, %dma_start3A_130] : memref<10240x144xf32, #tpu.memory_space<vmem_shared>> -> memref<10240x144xf32, #tpu.memory_space<vmem_shared>>
      tpu.enqueue_indirect_dma source(%arg19 : memref<40x144xf32, #tpu.memory_space<vmem>>) target(%dma_start3A_131 : memref<10240x144xf32, #tpu.memory_space<vmem_shared>>) offsets(%arg13 : memref<40xi32, #tpu.memory_space<vmem>>) semaphore(%arg26 : memref<!tpu.dma_semaphore, #tpu.memory_space<semaphore_mem>>) {add = true}
    }
    %scan3A_45 = arith.constant 125 : i32
    %dma_wait3A_46 = arith.constant 0 : i32
    %dma_wait3A_47 = arith.constant 0 : i32
    %dma_wait3A_48 = tpu.memref_slice %arg20[%dma_wait3A_46, %dma_wait3A_47] : memref<10240x144xf32, #tpu.memory_space<vmem_shared>> -> memref<10240x144xf32, #tpu.memory_space<vmem_shared>>
    tpu.wait_indirect_dma semaphore(%arg26 : memref<!tpu.dma_semaphore, #tpu.memory_space<semaphore_mem>>) src(%arg19 : memref<40x144xf32, #tpu.memory_space<vmem>>) dst(%dma_wait3A_48 : memref<10240x144xf32, #tpu.memory_space<vmem_shared>>)
    %barrier3A_49 = arith.constant 0 : index
    tpu.barrier barrier_id(%barrier3A_49)
    "tpu.region"() ({
      %run_scoped3A = tpu.sem_alloc : memref<!tpu.dma_semaphore, #tpu.memory_space<semaphore_mem>>
      %dma_start3A_50 = arith.constant 0 : i32
      %dma_start3A_51 = arith.constant 0 : i32
      %dma_start3A_52 = tpu.memref_slice %arg7[%arg0, %dma_start3A_50, %dma_start3A_51] : memref<2x10240x144xf32, #tpu.memory_space<hbm>> -> memref<1x10240x144xf32, #tpu.memory_space<hbm>>
      %dma_start3A_53 = tpu.memref_squeeze %dma_start3A_52 : memref<1x10240x144xf32, #tpu.memory_space<hbm>> -> memref<10240x144xf32, #tpu.memory_space<hbm>>
      %dma_start3A_54 = arith.constant 0 : i32
      %dma_start3A_55 = tpu.memref_slice %dma_start3A_53[%mul3A_2, %dma_start3A_54] : memref<10240x144xf32, #tpu.memory_space<hbm>> -> memref<640x144xf32, #tpu.memory_space<hbm>>
      %dma_start3A_56 = arith.constant 0 : i32
      %dma_start3A_57 = tpu.memref_slice %arg20[%mul3A_2, %dma_start3A_56] : memref<10240x144xf32, #tpu.memory_space<vmem_shared>> -> memref<640x144xf32, #tpu.memory_space<vmem_shared>>
      tpu.enqueue_dma source(%dma_start3A_57 : memref<640x144xf32, #tpu.memory_space<vmem_shared>>) target(%dma_start3A_55 : memref<640x144xf32, #tpu.memory_space<hbm>>) target_semaphore(%run_scoped3A : memref<!tpu.dma_semaphore, #tpu.memory_space<semaphore_mem>>)
      %dma_wait3A_58 = arith.constant 0 : i32
      %dma_wait3A_59 = arith.constant 0 : i32
      %dma_wait3A_60 = tpu.memref_slice %arg7[%arg0, %dma_wait3A_58, %dma_wait3A_59] : memref<2x10240x144xf32, #tpu.memory_space<hbm>> -> memref<1x10240x144xf32, #tpu.memory_space<hbm>>
      %dma_wait3A_61 = tpu.memref_squeeze %dma_wait3A_60 : memref<1x10240x144xf32, #tpu.memory_space<hbm>> -> memref<10240x144xf32, #tpu.memory_space<hbm>>
      %dma_wait3A_62 = arith.constant 0 : i32
      %dma_wait3A_63 = tpu.memref_slice %dma_wait3A_61[%mul3A_2, %dma_wait3A_62] : memref<10240x144xf32, #tpu.memory_space<hbm>> -> memref<640x144xf32, #tpu.memory_space<hbm>>
      %dma_wait3A_64 = arith.constant 0 : i32
      %dma_wait3A_65 = tpu.memref_slice %arg20[%mul3A_2, %dma_wait3A_64] : memref<10240x144xf32, #tpu.memory_space<vmem_shared>> -> memref<640x144xf32, #tpu.memory_space<vmem_shared>>
      tpu.wait_dma2 semaphore(%run_scoped3A : memref<!tpu.dma_semaphore, #tpu.memory_space<semaphore_mem>>) src(%dma_wait3A_65 : memref<640x144xf32, #tpu.memory_space<vmem_shared>>) dst(%dma_wait3A_63 : memref<640x144xf32, #tpu.memory_space<hbm>>)
      tpu.yield
    }) : () -> ()
    return
  }
}

#map = affine_map<(d0, d1) -> (0)>
#map1 = affine_map<(d0, d1) -> (0, 0)>
#map2 = affine_map<(d0, d1) -> (0, 0, 0)>
module attributes {stable_mosaic.version = 14 : i64} {
  func.func @edge_kernel(%arg0: i32, %arg1: i32, %arg2: memref<320000xi32, #tpu.memory_space<hbm>>, %arg3: memref<320000xi32, #tpu.memory_space<hbm>>, %arg4: memref<10240x144xf32, #tpu.memory_space<hbm>>, %arg5: memref<10240x16xf32, #tpu.memory_space<hbm>>, %arg6: memref<10240x144xf32, #tpu.memory_space<hbm>>, %arg7: memref<2x10240x144xf32, #tpu.memory_space<hbm>>, %arg8: memref<40xi32, #tpu.memory_space<vmem>>, %arg9: memref<40xi32, #tpu.memory_space<vmem>>, %arg10: memref<40xi32, #tpu.memory_space<vmem>>, %arg11: memref<40xi32, #tpu.memory_space<vmem>>, %arg12: memref<40xi32, #tpu.memory_space<vmem>>, %arg13: memref<40xi32, #tpu.memory_space<vmem>>, %arg14: memref<40x144xf32, #tpu.memory_space<vmem>>, %arg15: memref<40x144xf32, #tpu.memory_space<vmem>>, %arg16: memref<40x16xf32, #tpu.memory_space<vmem>>, %arg17: memref<40x16xf32, #tpu.memory_space<vmem>>, %arg18: memref<40x144xf32, #tpu.memory_space<vmem>>, %arg19: memref<40x144xf32, #tpu.memory_space<vmem>>, %arg20: memref<10240x144xf32, #tpu.memory_space<vmem_shared>>, %arg21: memref<!tpu.dma_semaphore, #tpu.memory_space<semaphore_mem>>, %arg22: memref<!tpu.dma_semaphore, #tpu.memory_space<semaphore_mem>>, %arg23: memref<!tpu.dma_semaphore, #tpu.memory_space<semaphore_mem>>, %arg24: memref<!tpu.dma_semaphore, #tpu.memory_space<semaphore_mem>>, %arg25: memref<!tpu.dma_semaphore, #tpu.memory_space<semaphore_mem>>, %arg26: memref<!tpu.dma_semaphore, #tpu.memory_space<semaphore_mem>>, %arg27: memref<!tpu.dma_semaphore, #tpu.memory_space<semaphore_mem>>, %arg28: memref<!tpu.dma_semaphore, #tpu.memory_space<semaphore_mem>>, %arg29: memref<!tpu.dma_semaphore, #tpu.memory_space<semaphore_mem>>, %arg30: memref<!tpu.dma_semaphore, #tpu.memory_space<semaphore_mem>>) attributes {dimension_semantics = [#tpu.dimension_semantics<core_parallel>, #tpu.dimension_semantics<subcore_parallel>], iteration_bounds = array<i64: 2, 16>, scalar_prefetch = 0 : i64, scratch_operands = 23 : i64, tpu.core_type = #tpu.core_type<sc_vector_subcore>, window_params = [{transform_indices = #map}, {transform_indices = #map}, {transform_indices = #map1}, {transform_indices = #map1}, {transform_indices = #map1}, {transform_indices = #map2}]} {
    %mul3A = arith.constant 2 : i32
    %mul3A_0 = arith.muli %arg1, %mul3A : i32
    %add3A = arith.addi %mul3A_0, %arg0 : i32
    %mul3A_1 = arith.constant 640 : i32
    %mul3A_2 = arith.muli %arg1, %mul3A_1 : i32
    %eq3A = arith.constant 0 : i32
    %eq3A_3 = arith.cmpi eq, %arg0, %eq3A : i32
    %convert_element_type3A = arith.extui %eq3A_3 : i1 to i32
    %cond3A = arith.constant 0 : i32
    %cond3A_4 = arith.cmpi ne, %convert_element_type3A, %cond3A : i32
    scf.if %cond3A_4 {
      "tpu.region"() ({
        %run_scoped3A = tpu.sem_alloc : memref<!tpu.dma_semaphore, #tpu.memory_space<semaphore_mem>>
        %dma_start3A_50 = arith.constant 0 : i32
        %dma_start3A_51 = tpu.memref_slice %arg20[%mul3A_2, %dma_start3A_50] : memref<10240x144xf32, #tpu.memory_space<vmem_shared>> -> memref<640x144xf32, #tpu.memory_space<vmem_shared>>
        %dma_start3A_52 = arith.constant 0 : i32
        %dma_start3A_53 = tpu.memref_slice %arg6[%mul3A_2, %dma_start3A_52] : memref<10240x144xf32, #tpu.memory_space<hbm>> -> memref<640x144xf32, #tpu.memory_space<hbm>>
        tpu.enqueue_dma source(%dma_start3A_53 : memref<640x144xf32, #tpu.memory_space<hbm>>) target(%dma_start3A_51 : memref<640x144xf32, #tpu.memory_space<vmem_shared>>) target_semaphore(%run_scoped3A : memref<!tpu.dma_semaphore, #tpu.memory_space<semaphore_mem>>)
        %dma_wait3A_54 = arith.constant 0 : i32
        %dma_wait3A_55 = tpu.memref_slice %arg20[%mul3A_2, %dma_wait3A_54] : memref<10240x144xf32, #tpu.memory_space<vmem_shared>> -> memref<640x144xf32, #tpu.memory_space<vmem_shared>>
        %dma_wait3A_56 = arith.constant 0 : i32
        %dma_wait3A_57 = tpu.memref_slice %arg6[%mul3A_2, %dma_wait3A_56] : memref<10240x144xf32, #tpu.memory_space<hbm>> -> memref<640x144xf32, #tpu.memory_space<hbm>>
        tpu.wait_dma2 semaphore(%run_scoped3A : memref<!tpu.dma_semaphore, #tpu.memory_space<semaphore_mem>>) src(%dma_wait3A_57 : memref<640x144xf32, #tpu.memory_space<hbm>>) dst(%dma_wait3A_55 : memref<640x144xf32, #tpu.memory_space<vmem_shared>>)
        tpu.yield
      }) : () -> ()
    } else {
    }
    %eq3A_5 = arith.constant 1 : i32
    %eq3A_6 = arith.cmpi eq, %arg0, %eq3A_5 : i32
    %convert_element_type3A_7 = arith.extui %eq3A_6 : i1 to i32
    %cond3A_8 = arith.constant 0 : i32
    %cond3A_9 = arith.cmpi ne, %convert_element_type3A_7, %cond3A_8 : i32
    scf.if %cond3A_9 {
      %scan3A_50 = arith.constant 0 : i32
      %scan3A_51 = arith.constant 0 : i32
      %scan3A_52 = arith.constant 40 : i32
      %scan3A_53 = arith.addi %scan3A_51, %scan3A_52 : i32
      %scan3A_54 = arith.constant 1 : i32
      scf.for %scan3A_62 = %scan3A_51 to %scan3A_53 step %scan3A_54  : i32 {
        %broadcast_in_dim3A = arith.constant 0.000000e+00 : f32
        %broadcast_in_dim3A_63 = vector.broadcast %broadcast_in_dim3A : f32 to vector<16xf32>
        %swap3A = arith.index_cast %scan3A_62 : i32 to index
        %swap3A_64 = arith.constant 0 : index
        %swap3A_65 = tpu.vector_load %arg18[%swap3A, %swap3A_64] {strides = array<i32>} : memref<40x144xf32, #tpu.memory_space<vmem>>, vector<1x16xf32>,
        %swap3A_66 = vector.shape_cast %swap3A_65 : vector<1x16xf32> to vector<16xf32>
        %swap3A_67 = vector.shape_cast %broadcast_in_dim3A_63 : vector<16xf32> to vector<1x16xf32>
        tpu.vector_store %arg18[%swap3A, %swap3A_64], %swap3A_67 {strides = array<i32>} : memref<40x144xf32, #tpu.memory_space<vmem>>, vector<1x16xf32>,
        %broadcast_in_dim3A_68 = arith.constant 0.000000e+00 : f32
        %broadcast_in_dim3A_69 = vector.broadcast %broadcast_in_dim3A_68 : f32 to vector<16xf32>
        %swap3A_70 = arith.index_cast %scan3A_62 : i32 to index
        %swap3A_71 = arith.constant 16 : index
        %swap3A_72 = tpu.vector_load %arg18[%swap3A_70, %swap3A_71] {strides = array<i32>} : memref<40x144xf32, #tpu.memory_space<vmem>>, vector<1x16xf32>,
        %swap3A_73 = vector.shape_cast %swap3A_72 : vector<1x16xf32> to vector<16xf32>
        %swap3A_74 = vector.shape_cast %broadcast_in_dim3A_69 : vector<16xf32> to vector<1x16xf32>
        tpu.vector_store %arg18[%swap3A_70, %swap3A_71], %swap3A_74 {strides = array<i32>} : memref<40x144xf32, #tpu.memory_space<vmem>>, vector<1x16xf32>,
        %broadcast_in_dim3A_75 = arith.constant 0.000000e+00 : f32
        %broadcast_in_dim3A_76 = vector.broadcast %broadcast_in_dim3A_75 : f32 to vector<16xf32>
        %swap3A_77 = arith.index_cast %scan3A_62 : i32 to index
        %swap3A_78 = arith.constant 32 : index
        %swap3A_79 = tpu.vector_load %arg18[%swap3A_77, %swap3A_78] {strides = array<i32>} : memref<40x144xf32, #tpu.memory_space<vmem>>, vector<1x16xf32>,
        %swap3A_80 = vector.shape_cast %swap3A_79 : vector<1x16xf32> to vector<16xf32>
        %swap3A_81 = vector.shape_cast %broadcast_in_dim3A_76 : vector<16xf32> to vector<1x16xf32>
        tpu.vector_store %arg18[%swap3A_77, %swap3A_78], %swap3A_81 {strides = array<i32>} : memref<40x144xf32, #tpu.memory_space<vmem>>, vector<1x16xf32>,
        %broadcast_in_dim3A_82 = arith.constant 0.000000e+00 : f32
        %broadcast_in_dim3A_83 = vector.broadcast %broadcast_in_dim3A_82 : f32 to vector<16xf32>
        %swap3A_84 = arith.index_cast %scan3A_62 : i32 to index
        %swap3A_85 = arith.constant 48 : index
        %swap3A_86 = tpu.vector_load %arg18[%swap3A_84, %swap3A_85] {strides = array<i32>} : memref<40x144xf32, #tpu.memory_space<vmem>>, vector<1x16xf32>,
        %swap3A_87 = vector.shape_cast %swap3A_86 : vector<1x16xf32> to vector<16xf32>
        %swap3A_88 = vector.shape_cast %broadcast_in_dim3A_83 : vector<16xf32> to vector<1x16xf32>
        tpu.vector_store %arg18[%swap3A_84, %swap3A_85], %swap3A_88 {strides = array<i32>} : memref<40x144xf32, #tpu.memory_space<vmem>>, vector<1x16xf32>,
        %broadcast_in_dim3A_89 = arith.constant 0.000000e+00 : f32
        %broadcast_in_dim3A_90 = vector.broadcast %broadcast_in_dim3A_89 : f32 to vector<16xf32>
        %swap3A_91 = arith.index_cast %scan3A_62 : i32 to index
        %swap3A_92 = arith.constant 64 : index
        %swap3A_93 = tpu.vector_load %arg18[%swap3A_91, %swap3A_92] {strides = array<i32>} : memref<40x144xf32, #tpu.memory_space<vmem>>, vector<1x16xf32>,
        %swap3A_94 = vector.shape_cast %swap3A_93 : vector<1x16xf32> to vector<16xf32>
        %swap3A_95 = vector.shape_cast %broadcast_in_dim3A_90 : vector<16xf32> to vector<1x16xf32>
        tpu.vector_store %arg18[%swap3A_91, %swap3A_92], %swap3A_95 {strides = array<i32>} : memref<40x144xf32, #tpu.memory_space<vmem>>, vector<1x16xf32>,
        %broadcast_in_dim3A_96 = arith.constant 0.000000e+00 : f32
        %broadcast_in_dim3A_97 = vector.broadcast %broadcast_in_dim3A_96 : f32 to vector<16xf32>
        %swap3A_98 = arith.index_cast %scan3A_62 : i32 to index
        %swap3A_99 = arith.constant 80 : index
        %swap3A_100 = tpu.vector_load %arg18[%swap3A_98, %swap3A_99] {strides = array<i32>} : memref<40x144xf32, #tpu.memory_space<vmem>>, vector<1x16xf32>,
        %swap3A_101 = vector.shape_cast %swap3A_100 : vector<1x16xf32> to vector<16xf32>
        %swap3A_102 = vector.shape_cast %broadcast_in_dim3A_97 : vector<16xf32> to vector<1x16xf32>
        tpu.vector_store %arg18[%swap3A_98, %swap3A_99], %swap3A_102 {strides = array<i32>} : memref<40x144xf32, #tpu.memory_space<vmem>>, vector<1x16xf32>,
        %broadcast_in_dim3A_103 = arith.constant 0.000000e+00 : f32
        %broadcast_in_dim3A_104 = vector.broadcast %broadcast_in_dim3A_103 : f32 to vector<16xf32>
        %swap3A_105 = arith.index_cast %scan3A_62 : i32 to index
        %swap3A_106 = arith.constant 96 : index
        %swap3A_107 = tpu.vector_load %arg18[%swap3A_105, %swap3A_106] {strides = array<i32>} : memref<40x144xf32, #tpu.memory_space<vmem>>, vector<1x16xf32>,
        %swap3A_108 = vector.shape_cast %swap3A_107 : vector<1x16xf32> to vector<16xf32>
        %swap3A_109 = vector.shape_cast %broadcast_in_dim3A_104 : vector<16xf32> to vector<1x16xf32>
        tpu.vector_store %arg18[%swap3A_105, %swap3A_106], %swap3A_109 {strides = array<i32>} : memref<40x144xf32, #tpu.memory_space<vmem>>, vector<1x16xf32>,
        %broadcast_in_dim3A_110 = arith.constant 0.000000e+00 : f32
        %broadcast_in_dim3A_111 = vector.broadcast %broadcast_in_dim3A_110 : f32 to vector<16xf32>
        %swap3A_112 = arith.index_cast %scan3A_62 : i32 to index
        %swap3A_113 = arith.constant 112 : index
        %swap3A_114 = tpu.vector_load %arg18[%swap3A_112, %swap3A_113] {strides = array<i32>} : memref<40x144xf32, #tpu.memory_space<vmem>>, vector<1x16xf32>,
        %swap3A_115 = vector.shape_cast %swap3A_114 : vector<1x16xf32> to vector<16xf32>
        %swap3A_116 = vector.shape_cast %broadcast_in_dim3A_111 : vector<16xf32> to vector<1x16xf32>
        tpu.vector_store %arg18[%swap3A_112, %swap3A_113], %swap3A_116 {strides = array<i32>} : memref<40x144xf32, #tpu.memory_space<vmem>>, vector<1x16xf32>,
        %broadcast_in_dim3A_117 = arith.constant 0.000000e+00 : f32
        %broadcast_in_dim3A_118 = vector.broadcast %broadcast_in_dim3A_117 : f32 to vector<16xf32>
        %swap3A_119 = arith.index_cast %scan3A_62 : i32 to index
        %swap3A_120 = arith.constant 128 : index
        %swap3A_121 = tpu.vector_load %arg18[%swap3A_119, %swap3A_120] {strides = array<i32>} : memref<40x144xf32, #tpu.memory_space<vmem>>, vector<1x16xf32>,
        %swap3A_122 = vector.shape_cast %swap3A_121 : vector<1x16xf32> to vector<16xf32>
        %swap3A_123 = vector.shape_cast %broadcast_in_dim3A_118 : vector<16xf32> to vector<1x16xf32>
        tpu.vector_store %arg18[%swap3A_119, %swap3A_120], %swap3A_123 {strides = array<i32>} : memref<40x144xf32, #tpu.memory_space<vmem>>, vector<1x16xf32>,
      }
      %scan3A_55 = arith.constant 40 : i32
      %scan3A_56 = arith.constant 0 : i32
      %scan3A_57 = arith.constant 0 : i32
      %scan3A_58 = arith.constant 16 : i32
      %scan3A_59 = arith.addi %scan3A_57, %scan3A_58 : i32
      %scan3A_60 = arith.constant 1 : i32
      scf.for %scan3A_62 = %scan3A_57 to %scan3A_59 step %scan3A_60  : i32 {
        %mul3A_63 = arith.constant 40 : i32
        %mul3A_64 = arith.muli %scan3A_62, %mul3A_63 : i32
        %add3A_65 = arith.addi %mul3A_2, %mul3A_64 : i32
        %multiple_of3A_66 = tpu.assume_multiple %add3A_65, 8 : i32
        "tpu.region"() ({
          %run_scoped3A = tpu.sem_alloc : memref<!tpu.dma_semaphore, #tpu.memory_space<semaphore_mem>>
          %dma_start3A_67 = arith.constant 0 : i32
          %dma_start3A_68 = tpu.memref_slice %arg20[%multiple_of3A_66, %dma_start3A_67] : memref<10240x144xf32, #tpu.memory_space<vmem_shared>> -> memref<40x144xf32, #tpu.memory_space<vmem_shared>>
          %dma_start3A_69 = arith.constant 0 : i32
          %dma_start3A_70 = tpu.memref_slice %arg20[%multiple_of3A_66, %dma_start3A_69] : memref<10240x144xf32, #tpu.memory_space<vmem_shared>> -> memref<40x144xf32, #tpu.memory_space<vmem_shared>>
          tpu.enqueue_dma source(%arg18 : memref<40x144xf32, #tpu.memory_space<vmem>>) target(%dma_start3A_70 : memref<40x144xf32, #tpu.memory_space<vmem_shared>>) target_semaphore(%run_scoped3A : memref<!tpu.dma_semaphore, #tpu.memory_space<semaphore_mem>>)
          %dma_wait3A_71 = arith.constant 0 : i32
          %dma_wait3A_72 = tpu.memref_slice %arg20[%multiple_of3A_66, %dma_wait3A_71] : memref<10240x144xf32, #tpu.memory_space<vmem_shared>> -> memref<40x144xf32, #tpu.memory_space<vmem_shared>>
          %dma_wait3A_73 = arith.constant 0 : i32
          %dma_wait3A_74 = tpu.memref_slice %arg20[%multiple_of3A_66, %dma_wait3A_73] : memref<10240x144xf32, #tpu.memory_space<vmem_shared>> -> memref<40x144xf32, #tpu.memory_space<vmem_shared>>
          tpu.wait_dma2 semaphore(%run_scoped3A : memref<!tpu.dma_semaphore, #tpu.memory_space<semaphore_mem>>) src(%arg18 : memref<40x144xf32, #tpu.memory_space<vmem>>) dst(%dma_wait3A_74 : memref<40x144xf32, #tpu.memory_space<vmem_shared>>)
          tpu.yield
        }) : () -> ()
      }
      %scan3A_61 = arith.constant 16 : i32
    } else {
    }
    %barrier3A = arith.constant 0 : index
    tpu.barrier barrier_id(%barrier3A)
    %mul3A_10 = arith.constant 10000 : i32
    %mul3A_11 = arith.muli %add3A, %mul3A_10 : i32
    %add3A_12 = arith.constant 0 : i32
    %add3A_13 = arith.addi %mul3A_11, %add3A_12 : i32
    %multiple_of3A = tpu.assume_multiple %add3A_13, 8 : i32
    %dma_start3A = tpu.memref_slice %arg2[%multiple_of3A] : memref<320000xi32, #tpu.memory_space<hbm>> -> memref<40xi32, #tpu.memory_space<hbm>>
    %dma_start3A_14 = tpu.memref_slice %arg2[%multiple_of3A] : memref<320000xi32, #tpu.memory_space<hbm>> -> memref<40xi32, #tpu.memory_space<hbm>>
    tpu.enqueue_dma source(%dma_start3A_14 : memref<40xi32, #tpu.memory_space<hbm>>) target(%arg8 : memref<40xi32, #tpu.memory_space<vmem>>) target_semaphore(%arg27 : memref<!tpu.dma_semaphore, #tpu.memory_space<semaphore_mem>>)
    %dma_start3A_15 = tpu.memref_slice %arg3[%multiple_of3A] : memref<320000xi32, #tpu.memory_space<hbm>> -> memref<40xi32, #tpu.memory_space<hbm>>
    %dma_start3A_16 = tpu.memref_slice %arg3[%multiple_of3A] : memref<320000xi32, #tpu.memory_space<hbm>> -> memref<40xi32, #tpu.memory_space<hbm>>
    tpu.enqueue_dma source(%dma_start3A_16 : memref<40xi32, #tpu.memory_space<hbm>>) target(%arg10 : memref<40xi32, #tpu.memory_space<vmem>>) target_semaphore(%arg27 : memref<!tpu.dma_semaphore, #tpu.memory_space<semaphore_mem>>)
    %add3A_17 = arith.constant 40 : i32
    %add3A_18 = arith.addi %mul3A_11, %add3A_17 : i32
    %multiple_of3A_19 = tpu.assume_multiple %add3A_18, 8 : i32
    %dma_start3A_20 = tpu.memref_slice %arg2[%multiple_of3A_19] : memref<320000xi32, #tpu.memory_space<hbm>> -> memref<40xi32, #tpu.memory_space<hbm>>
    %dma_start3A_21 = tpu.memref_slice %arg2[%multiple_of3A_19] : memref<320000xi32, #tpu.memory_space<hbm>> -> memref<40xi32, #tpu.memory_space<hbm>>
    tpu.enqueue_dma source(%dma_start3A_21 : memref<40xi32, #tpu.memory_space<hbm>>) target(%arg9 : memref<40xi32, #tpu.memory_space<vmem>>) target_semaphore(%arg28 : memref<!tpu.dma_semaphore, #tpu.memory_space<semaphore_mem>>)
    %dma_start3A_22 = tpu.memref_slice %arg3[%multiple_of3A_19] : memref<320000xi32, #tpu.memory_space<hbm>> -> memref<40xi32, #tpu.memory_space<hbm>>
    %dma_start3A_23 = tpu.memref_slice %arg3[%multiple_of3A_19] : memref<320000xi32, #tpu.memory_space<hbm>> -> memref<40xi32, #tpu.memory_space<hbm>>
    tpu.enqueue_dma source(%dma_start3A_23 : memref<40xi32, #tpu.memory_space<hbm>>) target(%arg11 : memref<40xi32, #tpu.memory_space<vmem>>) target_semaphore(%arg28 : memref<!tpu.dma_semaphore, #tpu.memory_space<semaphore_mem>>)
    %add3A_24 = arith.constant 0 : i32
    %add3A_25 = arith.addi %mul3A_11, %add3A_24 : i32
    %multiple_of3A_26 = tpu.assume_multiple %add3A_25, 8 : i32
    %dma_start3A_27 = tpu.memref_slice %arg3[%multiple_of3A_26] : memref<320000xi32, #tpu.memory_space<hbm>> -> memref<40xi32, #tpu.memory_space<hbm>>
    %dma_start3A_28 = tpu.memref_slice %arg3[%multiple_of3A_26] : memref<320000xi32, #tpu.memory_space<hbm>> -> memref<40xi32, #tpu.memory_space<hbm>>
    tpu.enqueue_dma source(%dma_start3A_28 : memref<40xi32, #tpu.memory_space<hbm>>) target(%arg12 : memref<40xi32, #tpu.memory_space<vmem>>) target_semaphore(%arg29 : memref<!tpu.dma_semaphore, #tpu.memory_space<semaphore_mem>>)
    %add3A_29 = arith.constant 0 : i32
    %add3A_30 = arith.addi %mul3A_11, %add3A_29 : i32
    %multiple_of3A_31 = tpu.assume_multiple %add3A_30, 8 : i32
    %dma_wait3A = tpu.memref_slice %arg2[%multiple_of3A_31] : memref<320000xi32, #tpu.memory_space<hbm>> -> memref<40xi32, #tpu.memory_space<hbm>>
    %dma_wait3A_32 = tpu.memref_slice %arg2[%multiple_of3A_31] : memref<320000xi32, #tpu.memory_space<hbm>> -> memref<40xi32, #tpu.memory_space<hbm>>
    tpu.wait_dma2 semaphore(%arg27 : memref<!tpu.dma_semaphore, #tpu.memory_space<semaphore_mem>>) src(%dma_wait3A_32 : memref<40xi32, #tpu.memory_space<hbm>>) dst(%arg8 : memref<40xi32, #tpu.memory_space<vmem>>)
    %dma_wait3A_33 = tpu.memref_slice %arg3[%multiple_of3A_31] : memref<320000xi32, #tpu.memory_space<hbm>> -> memref<40xi32, #tpu.memory_space<hbm>>
    %dma_wait3A_34 = tpu.memref_slice %arg3[%multiple_of3A_31] : memref<320000xi32, #tpu.memory_space<hbm>> -> memref<40xi32, #tpu.memory_space<hbm>>
    tpu.wait_dma2 semaphore(%arg27 : memref<!tpu.dma_semaphore, #tpu.memory_space<semaphore_mem>>) src(%dma_wait3A_34 : memref<40xi32, #tpu.memory_space<hbm>>) dst(%arg10 : memref<40xi32, #tpu.memory_space<vmem>>)
    %dma_start3A_35 = arith.constant 0 : i32
    %dma_start3A_36 = arith.constant 0 : i32
    %dma_start3A_37 = tpu.memref_slice %arg4[%dma_start3A_35, %dma_start3A_36] : memref<10240x144xf32, #tpu.memory_space<hbm>> -> memref<10240x144xf32, #tpu.memory_space<hbm>>
    tpu.enqueue_indirect_dma source(%dma_start3A_37 : memref<10240x144xf32, #tpu.memory_space<hbm>>) target(%arg14 : memref<40x144xf32, #tpu.memory_space<vmem>>) offsets(%arg8 : memref<40xi32, #tpu.memory_space<vmem>>) semaphore(%arg21 : memref<!tpu.dma_semaphore, #tpu.memory_space<semaphore_mem>>)
    %dma_start3A_38 = arith.constant 0 : i32
    %dma_start3A_39 = arith.constant 0 : i32
    %dma_start3A_40 = tpu.memref_slice %arg5[%dma_start3A_38, %dma_start3A_39] : memref<10240x16xf32, #tpu.memory_space<hbm>> -> memref<10240x16xf32, #tpu.memory_space<hbm>>
    tpu.enqueue_indirect_dma source(%dma_start3A_40 : memref<10240x16xf32, #tpu.memory_space<hbm>>) target(%arg16 : memref<40x16xf32, #tpu.memory_space<vmem>>) offsets(%arg10 : memref<40xi32, #tpu.memory_space<vmem>>) semaphore(%arg23 : memref<!tpu.dma_semaphore, #tpu.memory_space<semaphore_mem>>)
    %scan3A = arith.constant 0 : i32
    %scan3A_41 = arith.constant 0 : i32
    %scan3A_42 = arith.constant 125 : i32
    %scan3A_43 = arith.addi %scan3A_41, %scan3A_42 : i32
    %scan3A_44 = arith.constant 1 : i32
    scf.for %scan3A_50 = %scan3A_41 to %scan3A_43 step %scan3A_44  : i32 {
      %mul3A_51 = arith.constant 2 : i32
      %mul3A_52 = arith.muli %mul3A_51, %scan3A_50 : i32
      %add3A_53 = arith.constant 0 : i32
      %add3A_54 = arith.addi %mul3A_52, %add3A_53 : i32
      %le3A = arith.constant 248 : i32
      %le3A_55 = arith.cmpi sle, %add3A_54, %le3A : i32
      %convert_element_type3A_56 = arith.extui %le3A_55 : i1 to i32
      %cond3A_57 = arith.constant 0 : i32
      %cond3A_58 = arith.cmpi ne, %convert_element_type3A_56, %cond3A_57 : i32
      scf.if %cond3A_58 {
        %add3A_132 = arith.constant 1 : i32
        %add3A_133 = arith.addi %add3A_54, %add3A_132 : i32
        %mul3A_134 = arith.constant 40 : i32
        %mul3A_135 = arith.muli %add3A_133, %mul3A_134 : i32
        %add3A_136 = arith.addi %mul3A_11, %mul3A_135 : i32
        %multiple_of3A_137 = tpu.assume_multiple %add3A_136, 8 : i32
        %dma_wait3A_138 = tpu.memref_slice %arg2[%multiple_of3A_137] : memref<320000xi32, #tpu.memory_space<hbm>> -> memref<40xi32, #tpu.memory_space<hbm>>
        %dma_wait3A_139 = tpu.memref_slice %arg2[%multiple_of3A_137] : memref<320000xi32, #tpu.memory_space<hbm>> -> memref<40xi32, #tpu.memory_space<hbm>>
        tpu.wait_dma2 semaphore(%arg28 : memref<!tpu.dma_semaphore, #tpu.memory_space<semaphore_mem>>) src(%dma_wait3A_139 : memref<40xi32, #tpu.memory_space<hbm>>) dst(%arg9 : memref<40xi32, #tpu.memory_space<vmem>>)
        %dma_wait3A_140 = tpu.memref_slice %arg3[%multiple_of3A_137] : memref<320000xi32, #tpu.memory_space<hbm>> -> memref<40xi32, #tpu.memory_space<hbm>>
        %dma_wait3A_141 = tpu.memref_slice %arg3[%multiple_of3A_137] : memref<320000xi32, #tpu.memory_space<hbm>> -> memref<40xi32, #tpu.memory_space<hbm>>
        tpu.wait_dma2 semaphore(%arg28 : memref<!tpu.dma_semaphore, #tpu.memory_space<semaphore_mem>>) src(%dma_wait3A_141 : memref<40xi32, #tpu.memory_space<hbm>>) dst(%arg11 : memref<40xi32, #tpu.memory_space<vmem>>)
        %dma_start3A_142 = arith.constant 0 : i32
        %dma_start3A_143 = arith.constant 0 : i32
        %dma_start3A_144 = tpu.memref_slice %arg4[%dma_start3A_142, %dma_start3A_143] : memref<10240x144xf32, #tpu.memory_space<hbm>> -> memref<10240x144xf32, #tpu.memory_space<hbm>>
        tpu.enqueue_indirect_dma source(%dma_start3A_144 : memref<10240x144xf32, #tpu.memory_space<hbm>>) target(%arg15 : memref<40x144xf32, #tpu.memory_space<vmem>>) offsets(%arg9 : memref<40xi32, #tpu.memory_space<vmem>>) semaphore(%arg22 : memref<!tpu.dma_semaphore, #tpu.memory_space<semaphore_mem>>)
        %dma_start3A_145 = arith.constant 0 : i32
        %dma_start3A_146 = arith.constant 0 : i32
        %dma_start3A_147 = tpu.memref_slice %arg5[%dma_start3A_145, %dma_start3A_146] : memref<10240x16xf32, #tpu.memory_space<hbm>> -> memref<10240x16xf32, #tpu.memory_space<hbm>>
        tpu.enqueue_indirect_dma source(%dma_start3A_147 : memref<10240x16xf32, #tpu.memory_space<hbm>>) target(%arg17 : memref<40x16xf32, #tpu.memory_space<vmem>>) offsets(%arg11 : memref<40xi32, #tpu.memory_space<vmem>>) semaphore(%arg24 : memref<!tpu.dma_semaphore, #tpu.memory_space<semaphore_mem>>)
      } else {
      }
      %dma_wait3A_59 = arith.constant 0 : i32
      %dma_wait3A_60 = arith.constant 0 : i32
      %dma_wait3A_61 = tpu.memref_slice %arg4[%dma_wait3A_59, %dma_wait3A_60] : memref<10240x144xf32, #tpu.memory_space<hbm>> -> memref<10240x144xf32, #tpu.memory_space<hbm>>
      tpu.wait_indirect_dma semaphore(%arg21 : memref<!tpu.dma_semaphore, #tpu.memory_space<semaphore_mem>>) src(%dma_wait3A_61 : memref<10240x144xf32, #tpu.memory_space<hbm>>) dst(%arg14 : memref<40x144xf32, #tpu.memory_space<vmem>>)
      %dma_wait3A_62 = arith.constant 0 : i32
      %dma_wait3A_63 = arith.constant 0 : i32
      %dma_wait3A_64 = tpu.memref_slice %arg5[%dma_wait3A_62, %dma_wait3A_63] : memref<10240x16xf32, #tpu.memory_space<hbm>> -> memref<10240x16xf32, #tpu.memory_space<hbm>>
      tpu.wait_indirect_dma semaphore(%arg23 : memref<!tpu.dma_semaphore, #tpu.memory_space<semaphore_mem>>) src(%dma_wait3A_64 : memref<10240x16xf32, #tpu.memory_space<hbm>>) dst(%arg16 : memref<40x16xf32, #tpu.memory_space<vmem>>)
      %parallel_loop3A = arith.constant 0 : i32
      %parallel_loop3A_65 = arith.constant 40 : i32
      %parallel_loop3A_66 = arith.constant 1 : i32
      scf.for %parallel_loop3A_132 = %parallel_loop3A to %parallel_loop3A_65 step %parallel_loop3A_66  : i32 {
        %parallel_loop3A_133 = arith.index_cast %parallel_loop3A_132 : i32 to index
        %parallel_loop3A_134 = arith.constant 128 : index
        %parallel_loop3A_135 = tpu.vector_load %arg14[%parallel_loop3A_133, %parallel_loop3A_134] {strides = array<i32>} : memref<40x144xf32, #tpu.memory_space<vmem>>, vector<1x16xf32>,
        %parallel_loop3A_136 = vector.shape_cast %parallel_loop3A_135 : vector<1x16xf32> to vector<16xf32>
        %parallel_loop3A_137 = arith.index_cast %parallel_loop3A_132 : i32 to index
        %parallel_loop3A_138 = arith.constant 0 : index
        %parallel_loop3A_139 = tpu.vector_load %arg16[%parallel_loop3A_137, %parallel_loop3A_138] {strides = array<i32>} : memref<40x16xf32, #tpu.memory_space<vmem>>, vector<1x16xf32>,
        %parallel_loop3A_140 = vector.shape_cast %parallel_loop3A_139 : vector<1x16xf32> to vector<16xf32>
        %parallel_loop3A_141 = arith.addf %parallel_loop3A_136, %parallel_loop3A_140 : vector<16xf32>
        %parallel_loop3A_142 = arith.constant 0.000000e+00 : f32
        %parallel_loop3A_143 = vector.broadcast %parallel_loop3A_142 : f32 to vector<16xf32>
        %parallel_loop3A_144 = arith.cmpf ogt, %parallel_loop3A_141, %parallel_loop3A_143 : vector<16xf32>
        %parallel_loop3A_145 = arith.constant 2.000000e-01 : f32
        %parallel_loop3A_146 = vector.broadcast %parallel_loop3A_145 : f32 to vector<16xf32>
        %parallel_loop3A_147 = arith.mulf %parallel_loop3A_146, %parallel_loop3A_141 : vector<16xf32>
        %parallel_loop3A_148 = arith.select %parallel_loop3A_144, %parallel_loop3A_141, %parallel_loop3A_147 : vector<16xi1>, vector<16xf32>
        %parallel_loop3A_149 = math.exp %parallel_loop3A_148 : vector<16xf32>
        %parallel_loop3A_150 = arith.index_cast %parallel_loop3A_132 : i32 to index
        %parallel_loop3A_151 = arith.constant 128 : index
        %parallel_loop3A_152 = tpu.vector_load %arg18[%parallel_loop3A_150, %parallel_loop3A_151] {strides = array<i32>} : memref<40x144xf32, #tpu.memory_space<vmem>>, vector<1x16xf32>,
        %parallel_loop3A_153 = vector.shape_cast %parallel_loop3A_152 : vector<1x16xf32> to vector<16xf32>
        %parallel_loop3A_154 = vector.shape_cast %parallel_loop3A_149 : vector<16xf32> to vector<1x16xf32>
        tpu.vector_store %arg18[%parallel_loop3A_150, %parallel_loop3A_151], %parallel_loop3A_154 {strides = array<i32>} : memref<40x144xf32, #tpu.memory_space<vmem>>, vector<1x16xf32>,
        %parallel_loop3A_155 = arith.constant 0 : i32
        %parallel_loop3A_156 = vector.broadcast %parallel_loop3A_155 : i32 to vector<16x1xi32>
        %parallel_loop3A_157 = vector.shape_cast %parallel_loop3A_156 : vector<16x1xi32> to vector<16xi32>
        %parallel_loop3A_158 = tpu.dynamic_gather %parallel_loop3A_149[%parallel_loop3A_157] in [0] : vector<16xf32>, vector<16xi32> -> vector<16xf32>
        %parallel_loop3A_159 = arith.index_cast %parallel_loop3A_132 : i32 to index
        %parallel_loop3A_160 = arith.constant 0 : index
        %parallel_loop3A_161 = tpu.vector_load %arg14[%parallel_loop3A_159, %parallel_loop3A_160] {strides = array<i32>} : memref<40x144xf32, #tpu.memory_space<vmem>>, vector<1x16xf32>,
        %parallel_loop3A_162 = vector.shape_cast %parallel_loop3A_161 : vector<1x16xf32> to vector<16xf32>
        %parallel_loop3A_163 = arith.mulf %parallel_loop3A_162, %parallel_loop3A_158 : vector<16xf32>
        %parallel_loop3A_164 = arith.index_cast %parallel_loop3A_132 : i32 to index
        %parallel_loop3A_165 = arith.constant 0 : index
        %parallel_loop3A_166 = tpu.vector_load %arg18[%parallel_loop3A_164, %parallel_loop3A_165] {strides = array<i32>} : memref<40x144xf32, #tpu.memory_space<vmem>>, vector<1x16xf32>,
        %parallel_loop3A_167 = vector.shape_cast %parallel_loop3A_166 : vector<1x16xf32> to vector<16xf32>
        %parallel_loop3A_168 = vector.shape_cast %parallel_loop3A_163 : vector<16xf32> to vector<1x16xf32>
        tpu.vector_store %arg18[%parallel_loop3A_164, %parallel_loop3A_165], %parallel_loop3A_168 {strides = array<i32>} : memref<40x144xf32, #tpu.memory_space<vmem>>, vector<1x16xf32>,
        %parallel_loop3A_169 = arith.constant 1 : i32
        %parallel_loop3A_170 = vector.broadcast %parallel_loop3A_169 : i32 to vector<16x1xi32>
        %parallel_loop3A_171 = vector.shape_cast %parallel_loop3A_170 : vector<16x1xi32> to vector<16xi32>
        %parallel_loop3A_172 = tpu.dynamic_gather %parallel_loop3A_149[%parallel_loop3A_171] in [0] : vector<16xf32>, vector<16xi32> -> vector<16xf32>
        %parallel_loop3A_173 = arith.index_cast %parallel_loop3A_132 : i32 to index
        %parallel_loop3A_174 = arith.constant 16 : index
        %parallel_loop3A_175 = tpu.vector_load %arg14[%parallel_loop3A_173, %parallel_loop3A_174] {strides = array<i32>} : memref<40x144xf32, #tpu.memory_space<vmem>>, vector<1x16xf32>,
        %parallel_loop3A_176 = vector.shape_cast %parallel_loop3A_175 : vector<1x16xf32> to vector<16xf32>
        %parallel_loop3A_177 = arith.mulf %parallel_loop3A_176, %parallel_loop3A_172 : vector<16xf32>
        %parallel_loop3A_178 = arith.index_cast %parallel_loop3A_132 : i32 to index
        %parallel_loop3A_179 = arith.constant 16 : index
        %parallel_loop3A_180 = tpu.vector_load %arg18[%parallel_loop3A_178, %parallel_loop3A_179] {strides = array<i32>} : memref<40x144xf32, #tpu.memory_space<vmem>>, vector<1x16xf32>,
        %parallel_loop3A_181 = vector.shape_cast %parallel_loop3A_180 : vector<1x16xf32> to vector<16xf32>
        %parallel_loop3A_182 = vector.shape_cast %parallel_loop3A_177 : vector<16xf32> to vector<1x16xf32>
        tpu.vector_store %arg18[%parallel_loop3A_178, %parallel_loop3A_179], %parallel_loop3A_182 {strides = array<i32>} : memref<40x144xf32, #tpu.memory_space<vmem>>, vector<1x16xf32>,
        %parallel_loop3A_183 = arith.constant 2 : i32
        %parallel_loop3A_184 = vector.broadcast %parallel_loop3A_183 : i32 to vector<16x1xi32>
        %parallel_loop3A_185 = vector.shape_cast %parallel_loop3A_184 : vector<16x1xi32> to vector<16xi32>
        %parallel_loop3A_186 = tpu.dynamic_gather %parallel_loop3A_149[%parallel_loop3A_185] in [0] : vector<16xf32>, vector<16xi32> -> vector<16xf32>
        %parallel_loop3A_187 = arith.index_cast %parallel_loop3A_132 : i32 to index
        %parallel_loop3A_188 = arith.constant 32 : index
        %parallel_loop3A_189 = tpu.vector_load %arg14[%parallel_loop3A_187, %parallel_loop3A_188] {strides = array<i32>} : memref<40x144xf32, #tpu.memory_space<vmem>>, vector<1x16xf32>,
        %parallel_loop3A_190 = vector.shape_cast %parallel_loop3A_189 : vector<1x16xf32> to vector<16xf32>
        %parallel_loop3A_191 = arith.mulf %parallel_loop3A_190, %parallel_loop3A_186 : vector<16xf32>
        %parallel_loop3A_192 = arith.index_cast %parallel_loop3A_132 : i32 to index
        %parallel_loop3A_193 = arith.constant 32 : index
        %parallel_loop3A_194 = tpu.vector_load %arg18[%parallel_loop3A_192, %parallel_loop3A_193] {strides = array<i32>} : memref<40x144xf32, #tpu.memory_space<vmem>>, vector<1x16xf32>,
        %parallel_loop3A_195 = vector.shape_cast %parallel_loop3A_194 : vector<1x16xf32> to vector<16xf32>
        %parallel_loop3A_196 = vector.shape_cast %parallel_loop3A_191 : vector<16xf32> to vector<1x16xf32>
        tpu.vector_store %arg18[%parallel_loop3A_192, %parallel_loop3A_193], %parallel_loop3A_196 {strides = array<i32>} : memref<40x144xf32, #tpu.memory_space<vmem>>, vector<1x16xf32>,
        %parallel_loop3A_197 = arith.constant 3 : i32
        %parallel_loop3A_198 = vector.broadcast %parallel_loop3A_197 : i32 to vector<16x1xi32>
        %parallel_loop3A_199 = vector.shape_cast %parallel_loop3A_198 : vector<16x1xi32> to vector<16xi32>
        %parallel_loop3A_200 = tpu.dynamic_gather %parallel_loop3A_149[%parallel_loop3A_199] in [0] : vector<16xf32>, vector<16xi32> -> vector<16xf32>
        %parallel_loop3A_201 = arith.index_cast %parallel_loop3A_132 : i32 to index
        %parallel_loop3A_202 = arith.constant 48 : index
        %parallel_loop3A_203 = tpu.vector_load %arg14[%parallel_loop3A_201, %parallel_loop3A_202] {strides = array<i32>} : memref<40x144xf32, #tpu.memory_space<vmem>>, vector<1x16xf32>,
        %parallel_loop3A_204 = vector.shape_cast %parallel_loop3A_203 : vector<1x16xf32> to vector<16xf32>
        %parallel_loop3A_205 = arith.mulf %parallel_loop3A_204, %parallel_loop3A_200 : vector<16xf32>
        %parallel_loop3A_206 = arith.index_cast %parallel_loop3A_132 : i32 to index
        %parallel_loop3A_207 = arith.constant 48 : index
        %parallel_loop3A_208 = tpu.vector_load %arg18[%parallel_loop3A_206, %parallel_loop3A_207] {strides = array<i32>} : memref<40x144xf32, #tpu.memory_space<vmem>>, vector<1x16xf32>,
        %parallel_loop3A_209 = vector.shape_cast %parallel_loop3A_208 : vector<1x16xf32> to vector<16xf32>
        %parallel_loop3A_210 = vector.shape_cast %parallel_loop3A_205 : vector<16xf32> to vector<1x16xf32>
        tpu.vector_store %arg18[%parallel_loop3A_206, %parallel_loop3A_207], %parallel_loop3A_210 {strides = array<i32>} : memref<40x144xf32, #tpu.memory_space<vmem>>, vector<1x16xf32>,
        %parallel_loop3A_211 = arith.constant 4 : i32
        %parallel_loop3A_212 = vector.broadcast %parallel_loop3A_211 : i32 to vector<16x1xi32>
        %parallel_loop3A_213 = vector.shape_cast %parallel_loop3A_212 : vector<16x1xi32> to vector<16xi32>
        %parallel_loop3A_214 = tpu.dynamic_gather %parallel_loop3A_149[%parallel_loop3A_213] in [0] : vector<16xf32>, vector<16xi32> -> vector<16xf32>
        %parallel_loop3A_215 = arith.index_cast %parallel_loop3A_132 : i32 to index
        %parallel_loop3A_216 = arith.constant 64 : index
        %parallel_loop3A_217 = tpu.vector_load %arg14[%parallel_loop3A_215, %parallel_loop3A_216] {strides = array<i32>} : memref<40x144xf32, #tpu.memory_space<vmem>>, vector<1x16xf32>,
        %parallel_loop3A_218 = vector.shape_cast %parallel_loop3A_217 : vector<1x16xf32> to vector<16xf32>
        %parallel_loop3A_219 = arith.mulf %parallel_loop3A_218, %parallel_loop3A_214 : vector<16xf32>
        %parallel_loop3A_220 = arith.index_cast %parallel_loop3A_132 : i32 to index
        %parallel_loop3A_221 = arith.constant 64 : index
        %parallel_loop3A_222 = tpu.vector_load %arg18[%parallel_loop3A_220, %parallel_loop3A_221] {strides = array<i32>} : memref<40x144xf32, #tpu.memory_space<vmem>>, vector<1x16xf32>,
        %parallel_loop3A_223 = vector.shape_cast %parallel_loop3A_222 : vector<1x16xf32> to vector<16xf32>
        %parallel_loop3A_224 = vector.shape_cast %parallel_loop3A_219 : vector<16xf32> to vector<1x16xf32>
        tpu.vector_store %arg18[%parallel_loop3A_220, %parallel_loop3A_221], %parallel_loop3A_224 {strides = array<i32>} : memref<40x144xf32, #tpu.memory_space<vmem>>, vector<1x16xf32>,
        %parallel_loop3A_225 = arith.constant 5 : i32
        %parallel_loop3A_226 = vector.broadcast %parallel_loop3A_225 : i32 to vector<16x1xi32>
        %parallel_loop3A_227 = vector.shape_cast %parallel_loop3A_226 : vector<16x1xi32> to vector<16xi32>
        %parallel_loop3A_228 = tpu.dynamic_gather %parallel_loop3A_149[%parallel_loop3A_227] in [0] : vector<16xf32>, vector<16xi32> -> vector<16xf32>
        %parallel_loop3A_229 = arith.index_cast %parallel_loop3A_132 : i32 to index
        %parallel_loop3A_230 = arith.constant 80 : index
        %parallel_loop3A_231 = tpu.vector_load %arg14[%parallel_loop3A_229, %parallel_loop3A_230] {strides = array<i32>} : memref<40x144xf32, #tpu.memory_space<vmem>>, vector<1x16xf32>,
        %parallel_loop3A_232 = vector.shape_cast %parallel_loop3A_231 : vector<1x16xf32> to vector<16xf32>
        %parallel_loop3A_233 = arith.mulf %parallel_loop3A_232, %parallel_loop3A_228 : vector<16xf32>
        %parallel_loop3A_234 = arith.index_cast %parallel_loop3A_132 : i32 to index
        %parallel_loop3A_235 = arith.constant 80 : index
        %parallel_loop3A_236 = tpu.vector_load %arg18[%parallel_loop3A_234, %parallel_loop3A_235] {strides = array<i32>} : memref<40x144xf32, #tpu.memory_space<vmem>>, vector<1x16xf32>,
        %parallel_loop3A_237 = vector.shape_cast %parallel_loop3A_236 : vector<1x16xf32> to vector<16xf32>
        %parallel_loop3A_238 = vector.shape_cast %parallel_loop3A_233 : vector<16xf32> to vector<1x16xf32>
        tpu.vector_store %arg18[%parallel_loop3A_234, %parallel_loop3A_235], %parallel_loop3A_238 {strides = array<i32>} : memref<40x144xf32, #tpu.memory_space<vmem>>, vector<1x16xf32>,
        %parallel_loop3A_239 = arith.constant 6 : i32
        %parallel_loop3A_240 = vector.broadcast %parallel_loop3A_239 : i32 to vector<16x1xi32>
        %parallel_loop3A_241 = vector.shape_cast %parallel_loop3A_240 : vector<16x1xi32> to vector<16xi32>
        %parallel_loop3A_242 = tpu.dynamic_gather %parallel_loop3A_149[%parallel_loop3A_241] in [0] : vector<16xf32>, vector<16xi32> -> vector<16xf32>
        %parallel_loop3A_243 = arith.index_cast %parallel_loop3A_132 : i32 to index
        %parallel_loop3A_244 = arith.constant 96 : index
        %parallel_loop3A_245 = tpu.vector_load %arg14[%parallel_loop3A_243, %parallel_loop3A_244] {strides = array<i32>} : memref<40x144xf32, #tpu.memory_space<vmem>>, vector<1x16xf32>,
        %parallel_loop3A_246 = vector.shape_cast %parallel_loop3A_245 : vector<1x16xf32> to vector<16xf32>
        %parallel_loop3A_247 = arith.mulf %parallel_loop3A_246, %parallel_loop3A_242 : vector<16xf32>
        %parallel_loop3A_248 = arith.index_cast %parallel_loop3A_132 : i32 to index
        %parallel_loop3A_249 = arith.constant 96 : index
        %parallel_loop3A_250 = tpu.vector_load %arg18[%parallel_loop3A_248, %parallel_loop3A_249] {strides = array<i32>} : memref<40x144xf32, #tpu.memory_space<vmem>>, vector<1x16xf32>,
        %parallel_loop3A_251 = vector.shape_cast %parallel_loop3A_250 : vector<1x16xf32> to vector<16xf32>
        %parallel_loop3A_252 = vector.shape_cast %parallel_loop3A_247 : vector<16xf32> to vector<1x16xf32>
        tpu.vector_store %arg18[%parallel_loop3A_248, %parallel_loop3A_249], %parallel_loop3A_252 {strides = array<i32>} : memref<40x144xf32, #tpu.memory_space<vmem>>, vector<1x16xf32>,
        %parallel_loop3A_253 = arith.constant 7 : i32
        %parallel_loop3A_254 = vector.broadcast %parallel_loop3A_253 : i32 to vector<16x1xi32>
        %parallel_loop3A_255 = vector.shape_cast %parallel_loop3A_254 : vector<16x1xi32> to vector<16xi32>
        %parallel_loop3A_256 = tpu.dynamic_gather %parallel_loop3A_149[%parallel_loop3A_255] in [0] : vector<16xf32>, vector<16xi32> -> vector<16xf32>
        %parallel_loop3A_257 = arith.index_cast %parallel_loop3A_132 : i32 to index
        %parallel_loop3A_258 = arith.constant 112 : index
        %parallel_loop3A_259 = tpu.vector_load %arg14[%parallel_loop3A_257, %parallel_loop3A_258] {strides = array<i32>} : memref<40x144xf32, #tpu.memory_space<vmem>>, vector<1x16xf32>,
        %parallel_loop3A_260 = vector.shape_cast %parallel_loop3A_259 : vector<1x16xf32> to vector<16xf32>
        %parallel_loop3A_261 = arith.mulf %parallel_loop3A_260, %parallel_loop3A_256 : vector<16xf32>
        %parallel_loop3A_262 = arith.index_cast %parallel_loop3A_132 : i32 to index
        %parallel_loop3A_263 = arith.constant 112 : index
        %parallel_loop3A_264 = tpu.vector_load %arg18[%parallel_loop3A_262, %parallel_loop3A_263] {strides = array<i32>} : memref<40x144xf32, #tpu.memory_space<vmem>>, vector<1x16xf32>,
        %parallel_loop3A_265 = vector.shape_cast %parallel_loop3A_264 : vector<1x16xf32> to vector<16xf32>
        %parallel_loop3A_266 = vector.shape_cast %parallel_loop3A_261 : vector<16xf32> to vector<1x16xf32>
        tpu.vector_store %arg18[%parallel_loop3A_262, %parallel_loop3A_263], %parallel_loop3A_266 {strides = array<i32>} : memref<40x144xf32, #tpu.memory_space<vmem>>, vector<1x16xf32>,
      } {sc.loop_unroll_factor = 8 : i64, sc.parallel_access}
      %ge3A = arith.constant 1 : i32
      %ge3A_67 = arith.cmpi sge, %add3A_54, %ge3A : i32
      %convert_element_type3A_68 = arith.extui %ge3A_67 : i1 to i32
      %cond3A_69 = arith.constant 0 : i32
      %cond3A_70 = arith.cmpi ne, %convert_element_type3A_68, %cond3A_69 : i32
      scf.if %cond3A_70 {
        %dma_wait3A_132 = arith.constant 0 : i32
        %dma_wait3A_133 = arith.constant 0 : i32
        %dma_wait3A_134 = tpu.memref_slice %arg20[%dma_wait3A_132, %dma_wait3A_133] : memref<10240x144xf32, #tpu.memory_space<vmem_shared>> -> memref<10240x144xf32, #tpu.memory_space<vmem_shared>>
        tpu.wait_indirect_dma semaphore(%arg26 : memref<!tpu.dma_semaphore, #tpu.memory_space<semaphore_mem>>) src(%arg19 : memref<40x144xf32, #tpu.memory_space<vmem>>) dst(%dma_wait3A_134 : memref<10240x144xf32, #tpu.memory_space<vmem_shared>>)
      } else {
      }
      %le3A_71 = arith.constant 248 : i32
      %le3A_72 = arith.cmpi sle, %add3A_54, %le3A_71 : i32
      %convert_element_type3A_73 = arith.extui %le3A_72 : i1 to i32
      %cond3A_74 = arith.constant 0 : i32
      %cond3A_75 = arith.cmpi ne, %convert_element_type3A_73, %cond3A_74 : i32
      scf.if %cond3A_75 {
        %add3A_132 = arith.constant 1 : i32
        %add3A_133 = arith.addi %add3A_54, %add3A_132 : i32
        %mul3A_134 = arith.constant 40 : i32
        %mul3A_135 = arith.muli %add3A_133, %mul3A_134 : i32
        %add3A_136 = arith.addi %mul3A_11, %mul3A_135 : i32
        %multiple_of3A_137 = tpu.assume_multiple %add3A_136, 8 : i32
        %dma_start3A_138 = tpu.memref_slice %arg3[%multiple_of3A_137] : memref<320000xi32, #tpu.memory_space<hbm>> -> memref<40xi32, #tpu.memory_space<hbm>>
        %dma_start3A_139 = tpu.memref_slice %arg3[%multiple_of3A_137] : memref<320000xi32, #tpu.memory_space<hbm>> -> memref<40xi32, #tpu.memory_space<hbm>>
        tpu.enqueue_dma source(%dma_start3A_139 : memref<40xi32, #tpu.memory_space<hbm>>) target(%arg13 : memref<40xi32, #tpu.memory_space<vmem>>) target_semaphore(%arg30 : memref<!tpu.dma_semaphore, #tpu.memory_space<semaphore_mem>>)
      } else {
      }
      %le3A_76 = arith.constant 247 : i32
      %le3A_77 = arith.cmpi sle, %add3A_54, %le3A_76 : i32
      %convert_element_type3A_78 = arith.extui %le3A_77 : i1 to i32
      %cond3A_79 = arith.constant 0 : i32
      %cond3A_80 = arith.cmpi ne, %convert_element_type3A_78, %cond3A_79 : i32
      scf.if %cond3A_80 {
        %add3A_132 = arith.constant 2 : i32
        %add3A_133 = arith.addi %add3A_54, %add3A_132 : i32
        %mul3A_134 = arith.constant 40 : i32
        %mul3A_135 = arith.muli %add3A_133, %mul3A_134 : i32
        %add3A_136 = arith.addi %mul3A_11, %mul3A_135 : i32
        %multiple_of3A_137 = tpu.assume_multiple %add3A_136, 8 : i32
        %dma_start3A_138 = tpu.memref_slice %arg2[%multiple_of3A_137] : memref<320000xi32, #tpu.memory_space<hbm>> -> memref<40xi32, #tpu.memory_space<hbm>>
        %dma_start3A_139 = tpu.memref_slice %arg2[%multiple_of3A_137] : memref<320000xi32, #tpu.memory_space<hbm>> -> memref<40xi32, #tpu.memory_space<hbm>>
        tpu.enqueue_dma source(%dma_start3A_139 : memref<40xi32, #tpu.memory_space<hbm>>) target(%arg8 : memref<40xi32, #tpu.memory_space<vmem>>) target_semaphore(%arg27 : memref<!tpu.dma_semaphore, #tpu.memory_space<semaphore_mem>>)
        %dma_start3A_140 = tpu.memref_slice %arg3[%multiple_of3A_137] : memref<320000xi32, #tpu.memory_space<hbm>> -> memref<40xi32, #tpu.memory_space<hbm>>
        %dma_start3A_141 = tpu.memref_slice %arg3[%multiple_of3A_137] : memref<320000xi32, #tpu.memory_space<hbm>> -> memref<40xi32, #tpu.memory_space<hbm>>
        tpu.enqueue_dma source(%dma_start3A_141 : memref<40xi32, #tpu.memory_space<hbm>>) target(%arg10 : memref<40xi32, #tpu.memory_space<vmem>>) target_semaphore(%arg27 : memref<!tpu.dma_semaphore, #tpu.memory_space<semaphore_mem>>)
      } else {
      }
      %mul3A_81 = arith.constant 40 : i32
      %mul3A_82 = arith.muli %add3A_54, %mul3A_81 : i32
      %add3A_83 = arith.addi %mul3A_11, %mul3A_82 : i32
      %multiple_of3A_84 = tpu.assume_multiple %add3A_83, 8 : i32
      %dma_wait3A_85 = tpu.memref_slice %arg3[%multiple_of3A_84] : memref<320000xi32, #tpu.memory_space<hbm>> -> memref<40xi32, #tpu.memory_space<hbm>>
      %dma_wait3A_86 = tpu.memref_slice %arg3[%multiple_of3A_84] : memref<320000xi32, #tpu.memory_space<hbm>> -> memref<40xi32, #tpu.memory_space<hbm>>
      tpu.wait_dma2 semaphore(%arg29 : memref<!tpu.dma_semaphore, #tpu.memory_space<semaphore_mem>>) src(%dma_wait3A_86 : memref<40xi32, #tpu.memory_space<hbm>>) dst(%arg12 : memref<40xi32, #tpu.memory_space<vmem>>)
      %dma_start3A_87 = arith.constant 0 : i32
      %dma_start3A_88 = arith.constant 0 : i32
      %dma_start3A_89 = tpu.memref_slice %arg20[%dma_start3A_87, %dma_start3A_88] : memref<10240x144xf32, #tpu.memory_space<vmem_shared>> -> memref<10240x144xf32, #tpu.memory_space<vmem_shared>>
      tpu.enqueue_indirect_dma source(%arg18 : memref<40x144xf32, #tpu.memory_space<vmem>>) target(%dma_start3A_89 : memref<10240x144xf32, #tpu.memory_space<vmem_shared>>) offsets(%arg12 : memref<40xi32, #tpu.memory_space<vmem>>) semaphore(%arg25 : memref<!tpu.dma_semaphore, #tpu.memory_space<semaphore_mem>>) {add = true}
      %mul3A_90 = arith.constant 2 : i32
      %mul3A_91 = arith.muli %mul3A_90, %scan3A_50 : i32
      %add3A_92 = arith.constant 1 : i32
      %add3A_93 = arith.addi %mul3A_91, %add3A_92 : i32
      %le3A_94 = arith.constant 248 : i32
      %le3A_95 = arith.cmpi sle, %add3A_93, %le3A_94 : i32
      %convert_element_type3A_96 = arith.extui %le3A_95 : i1 to i32
      %cond3A_97 = arith.constant 0 : i32
      %cond3A_98 = arith.cmpi ne, %convert_element_type3A_96, %cond3A_97 : i32
      scf.if %cond3A_98 {
        %add3A_132 = arith.constant 1 : i32
        %add3A_133 = arith.addi %add3A_93, %add3A_132 : i32
        %mul3A_134 = arith.constant 40 : i32
        %mul3A_135 = arith.muli %add3A_133, %mul3A_134 : i32
        %add3A_136 = arith.addi %mul3A_11, %mul3A_135 : i32
        %multiple_of3A_137 = tpu.assume_multiple %add3A_136, 8 : i32
        %dma_wait3A_138 = tpu.memref_slice %arg2[%multiple_of3A_137] : memref<320000xi32, #tpu.memory_space<hbm>> -> memref<40xi32, #tpu.memory_space<hbm>>
        %dma_wait3A_139 = tpu.memref_slice %arg2[%multiple_of3A_137] : memref<320000xi32, #tpu.memory_space<hbm>> -> memref<40xi32, #tpu.memory_space<hbm>>
        tpu.wait_dma2 semaphore(%arg27 : memref<!tpu.dma_semaphore, #tpu.memory_space<semaphore_mem>>) src(%dma_wait3A_139 : memref<40xi32, #tpu.memory_space<hbm>>) dst(%arg8 : memref<40xi32, #tpu.memory_space<vmem>>)
        %dma_wait3A_140 = tpu.memref_slice %arg3[%multiple_of3A_137] : memref<320000xi32, #tpu.memory_space<hbm>> -> memref<40xi32, #tpu.memory_space<hbm>>
        %dma_wait3A_141 = tpu.memref_slice %arg3[%multiple_of3A_137] : memref<320000xi32, #tpu.memory_space<hbm>> -> memref<40xi32, #tpu.memory_space<hbm>>
        tpu.wait_dma2 semaphore(%arg27 : memref<!tpu.dma_semaphore, #tpu.memory_space<semaphore_mem>>) src(%dma_wait3A_141 : memref<40xi32, #tpu.memory_space<hbm>>) dst(%arg10 : memref<40xi32, #tpu.memory_space<vmem>>)
        %dma_start3A_142 = arith.constant 0 : i32
        %dma_start3A_143 = arith.constant 0 : i32
        %dma_start3A_144 = tpu.memref_slice %arg4[%dma_start3A_142, %dma_start3A_143] : memref<10240x144xf32, #tpu.memory_space<hbm>> -> memref<10240x144xf32, #tpu.memory_space<hbm>>
        tpu.enqueue_indirect_dma source(%dma_start3A_144 : memref<10240x144xf32, #tpu.memory_space<hbm>>) target(%arg14 : memref<40x144xf32, #tpu.memory_space<vmem>>) offsets(%arg8 : memref<40xi32, #tpu.memory_space<vmem>>) semaphore(%arg21 : memref<!tpu.dma_semaphore, #tpu.memory_space<semaphore_mem>>)
        %dma_start3A_145 = arith.constant 0 : i32
        %dma_start3A_146 = arith.constant 0 : i32
        %dma_start3A_147 = tpu.memref_slice %arg5[%dma_start3A_145, %dma_start3A_146] : memref<10240x16xf32, #tpu.memory_space<hbm>> -> memref<10240x16xf32, #tpu.memory_space<hbm>>
        tpu.enqueue_indirect_dma source(%dma_start3A_147 : memref<10240x16xf32, #tpu.memory_space<hbm>>) target(%arg16 : memref<40x16xf32, #tpu.memory_space<vmem>>) offsets(%arg10 : memref<40xi32, #tpu.memory_space<vmem>>) semaphore(%arg23 : memref<!tpu.dma_semaphore, #tpu.memory_space<semaphore_mem>>)
      } else {
      }
      %dma_wait3A_99 = arith.constant 0 : i32
      %dma_wait3A_100 = arith.constant 0 : i32
      %dma_wait3A_101 = tpu.memref_slice %arg4[%dma_wait3A_99, %dma_wait3A_100] : memref<10240x144xf32, #tpu.memory_space<hbm>> -> memref<10240x144xf32, #tpu.memory_space<hbm>>
      tpu.wait_indirect_dma semaphore(%arg22 : memref<!tpu.dma_semaphore, #tpu.memory_space<semaphore_mem>>) src(%dma_wait3A_101 : memref<10240x144xf32, #tpu.memory_space<hbm>>) dst(%arg15 : memref<40x144xf32, #tpu.memory_space<vmem>>)
      %dma_wait3A_102 = arith.constant 0 : i32
      %dma_wait3A_103 = arith.constant 0 : i32
      %dma_wait3A_104 = tpu.memref_slice %arg5[%dma_wait3A_102, %dma_wait3A_103] : memref<10240x16xf32, #tpu.memory_space<hbm>> -> memref<10240x16xf32, #tpu.memory_space<hbm>>
      tpu.wait_indirect_dma semaphore(%arg24 : memref<!tpu.dma_semaphore, #tpu.memory_space<semaphore_mem>>) src(%dma_wait3A_104 : memref<10240x16xf32, #tpu.memory_space<hbm>>) dst(%arg17 : memref<40x16xf32, #tpu.memory_space<vmem>>)
      %parallel_loop3A_105 = arith.constant 0 : i32
      %parallel_loop3A_106 = arith.constant 40 : i32
      %parallel_loop3A_107 = arith.constant 1 : i32
      scf.for %parallel_loop3A_132 = %parallel_loop3A_105 to %parallel_loop3A_106 step %parallel_loop3A_107  : i32 {
        %parallel_loop3A_133 = arith.index_cast %parallel_loop3A_132 : i32 to index
        %parallel_loop3A_134 = arith.constant 128 : index
        %parallel_loop3A_135 = tpu.vector_load %arg15[%parallel_loop3A_133, %parallel_loop3A_134] {strides = array<i32>} : memref<40x144xf32, #tpu.memory_space<vmem>>, vector<1x16xf32>,
        %parallel_loop3A_136 = vector.shape_cast %parallel_loop3A_135 : vector<1x16xf32> to vector<16xf32>
        %parallel_loop3A_137 = arith.index_cast %parallel_loop3A_132 : i32 to index
        %parallel_loop3A_138 = arith.constant 0 : index
        %parallel_loop3A_139 = tpu.vector_load %arg17[%parallel_loop3A_137, %parallel_loop3A_138] {strides = array<i32>} : memref<40x16xf32, #tpu.memory_space<vmem>>, vector<1x16xf32>,
        %parallel_loop3A_140 = vector.shape_cast %parallel_loop3A_139 : vector<1x16xf32> to vector<16xf32>
        %parallel_loop3A_141 = arith.addf %parallel_loop3A_136, %parallel_loop3A_140 : vector<16xf32>
        %parallel_loop3A_142 = arith.constant 0.000000e+00 : f32
        %parallel_loop3A_143 = vector.broadcast %parallel_loop3A_142 : f32 to vector<16xf32>
        %parallel_loop3A_144 = arith.cmpf ogt, %parallel_loop3A_141, %parallel_loop3A_143 : vector<16xf32>
        %parallel_loop3A_145 = arith.constant 2.000000e-01 : f32
        %parallel_loop3A_146 = vector.broadcast %parallel_loop3A_145 : f32 to vector<16xf32>
        %parallel_loop3A_147 = arith.mulf %parallel_loop3A_146, %parallel_loop3A_141 : vector<16xf32>
        %parallel_loop3A_148 = arith.select %parallel_loop3A_144, %parallel_loop3A_141, %parallel_loop3A_147 : vector<16xi1>, vector<16xf32>
        %parallel_loop3A_149 = math.exp %parallel_loop3A_148 : vector<16xf32>
        %parallel_loop3A_150 = arith.index_cast %parallel_loop3A_132 : i32 to index
        %parallel_loop3A_151 = arith.constant 128 : index
        %parallel_loop3A_152 = tpu.vector_load %arg19[%parallel_loop3A_150, %parallel_loop3A_151] {strides = array<i32>} : memref<40x144xf32, #tpu.memory_space<vmem>>, vector<1x16xf32>,
        %parallel_loop3A_153 = vector.shape_cast %parallel_loop3A_152 : vector<1x16xf32> to vector<16xf32>
        %parallel_loop3A_154 = vector.shape_cast %parallel_loop3A_149 : vector<16xf32> to vector<1x16xf32>
        tpu.vector_store %arg19[%parallel_loop3A_150, %parallel_loop3A_151], %parallel_loop3A_154 {strides = array<i32>} : memref<40x144xf32, #tpu.memory_space<vmem>>, vector<1x16xf32>,
        %parallel_loop3A_155 = arith.constant 0 : i32
        %parallel_loop3A_156 = vector.broadcast %parallel_loop3A_155 : i32 to vector<16x1xi32>
        %parallel_loop3A_157 = vector.shape_cast %parallel_loop3A_156 : vector<16x1xi32> to vector<16xi32>
        %parallel_loop3A_158 = tpu.dynamic_gather %parallel_loop3A_149[%parallel_loop3A_157] in [0] : vector<16xf32>, vector<16xi32> -> vector<16xf32>
        %parallel_loop3A_159 = arith.index_cast %parallel_loop3A_132 : i32 to index
        %parallel_loop3A_160 = arith.constant 0 : index
        %parallel_loop3A_161 = tpu.vector_load %arg15[%parallel_loop3A_159, %parallel_loop3A_160] {strides = array<i32>} : memref<40x144xf32, #tpu.memory_space<vmem>>, vector<1x16xf32>,
        %parallel_loop3A_162 = vector.shape_cast %parallel_loop3A_161 : vector<1x16xf32> to vector<16xf32>
        %parallel_loop3A_163 = arith.mulf %parallel_loop3A_162, %parallel_loop3A_158 : vector<16xf32>
        %parallel_loop3A_164 = arith.index_cast %parallel_loop3A_132 : i32 to index
        %parallel_loop3A_165 = arith.constant 0 : index
        %parallel_loop3A_166 = tpu.vector_load %arg19[%parallel_loop3A_164, %parallel_loop3A_165] {strides = array<i32>} : memref<40x144xf32, #tpu.memory_space<vmem>>, vector<1x16xf32>,
        %parallel_loop3A_167 = vector.shape_cast %parallel_loop3A_166 : vector<1x16xf32> to vector<16xf32>
        %parallel_loop3A_168 = vector.shape_cast %parallel_loop3A_163 : vector<16xf32> to vector<1x16xf32>
        tpu.vector_store %arg19[%parallel_loop3A_164, %parallel_loop3A_165], %parallel_loop3A_168 {strides = array<i32>} : memref<40x144xf32, #tpu.memory_space<vmem>>, vector<1x16xf32>,
        %parallel_loop3A_169 = arith.constant 1 : i32
        %parallel_loop3A_170 = vector.broadcast %parallel_loop3A_169 : i32 to vector<16x1xi32>
        %parallel_loop3A_171 = vector.shape_cast %parallel_loop3A_170 : vector<16x1xi32> to vector<16xi32>
        %parallel_loop3A_172 = tpu.dynamic_gather %parallel_loop3A_149[%parallel_loop3A_171] in [0] : vector<16xf32>, vector<16xi32> -> vector<16xf32>
        %parallel_loop3A_173 = arith.index_cast %parallel_loop3A_132 : i32 to index
        %parallel_loop3A_174 = arith.constant 16 : index
        %parallel_loop3A_175 = tpu.vector_load %arg15[%parallel_loop3A_173, %parallel_loop3A_174] {strides = array<i32>} : memref<40x144xf32, #tpu.memory_space<vmem>>, vector<1x16xf32>,
        %parallel_loop3A_176 = vector.shape_cast %parallel_loop3A_175 : vector<1x16xf32> to vector<16xf32>
        %parallel_loop3A_177 = arith.mulf %parallel_loop3A_176, %parallel_loop3A_172 : vector<16xf32>
        %parallel_loop3A_178 = arith.index_cast %parallel_loop3A_132 : i32 to index
        %parallel_loop3A_179 = arith.constant 16 : index
        %parallel_loop3A_180 = tpu.vector_load %arg19[%parallel_loop3A_178, %parallel_loop3A_179] {strides = array<i32>} : memref<40x144xf32, #tpu.memory_space<vmem>>, vector<1x16xf32>,
        %parallel_loop3A_181 = vector.shape_cast %parallel_loop3A_180 : vector<1x16xf32> to vector<16xf32>
        %parallel_loop3A_182 = vector.shape_cast %parallel_loop3A_177 : vector<16xf32> to vector<1x16xf32>
        tpu.vector_store %arg19[%parallel_loop3A_178, %parallel_loop3A_179], %parallel_loop3A_182 {strides = array<i32>} : memref<40x144xf32, #tpu.memory_space<vmem>>, vector<1x16xf32>,
        %parallel_loop3A_183 = arith.constant 2 : i32
        %parallel_loop3A_184 = vector.broadcast %parallel_loop3A_183 : i32 to vector<16x1xi32>
        %parallel_loop3A_185 = vector.shape_cast %parallel_loop3A_184 : vector<16x1xi32> to vector<16xi32>
        %parallel_loop3A_186 = tpu.dynamic_gather %parallel_loop3A_149[%parallel_loop3A_185] in [0] : vector<16xf32>, vector<16xi32> -> vector<16xf32>
        %parallel_loop3A_187 = arith.index_cast %parallel_loop3A_132 : i32 to index
        %parallel_loop3A_188 = arith.constant 32 : index
        %parallel_loop3A_189 = tpu.vector_load %arg15[%parallel_loop3A_187, %parallel_loop3A_188] {strides = array<i32>} : memref<40x144xf32, #tpu.memory_space<vmem>>, vector<1x16xf32>,
        %parallel_loop3A_190 = vector.shape_cast %parallel_loop3A_189 : vector<1x16xf32> to vector<16xf32>
        %parallel_loop3A_191 = arith.mulf %parallel_loop3A_190, %parallel_loop3A_186 : vector<16xf32>
        %parallel_loop3A_192 = arith.index_cast %parallel_loop3A_132 : i32 to index
        %parallel_loop3A_193 = arith.constant 32 : index
        %parallel_loop3A_194 = tpu.vector_load %arg19[%parallel_loop3A_192, %parallel_loop3A_193] {strides = array<i32>} : memref<40x144xf32, #tpu.memory_space<vmem>>, vector<1x16xf32>,
        %parallel_loop3A_195 = vector.shape_cast %parallel_loop3A_194 : vector<1x16xf32> to vector<16xf32>
        %parallel_loop3A_196 = vector.shape_cast %parallel_loop3A_191 : vector<16xf32> to vector<1x16xf32>
        tpu.vector_store %arg19[%parallel_loop3A_192, %parallel_loop3A_193], %parallel_loop3A_196 {strides = array<i32>} : memref<40x144xf32, #tpu.memory_space<vmem>>, vector<1x16xf32>,
        %parallel_loop3A_197 = arith.constant 3 : i32
        %parallel_loop3A_198 = vector.broadcast %parallel_loop3A_197 : i32 to vector<16x1xi32>
        %parallel_loop3A_199 = vector.shape_cast %parallel_loop3A_198 : vector<16x1xi32> to vector<16xi32>
        %parallel_loop3A_200 = tpu.dynamic_gather %parallel_loop3A_149[%parallel_loop3A_199] in [0] : vector<16xf32>, vector<16xi32> -> vector<16xf32>
        %parallel_loop3A_201 = arith.index_cast %parallel_loop3A_132 : i32 to index
        %parallel_loop3A_202 = arith.constant 48 : index
        %parallel_loop3A_203 = tpu.vector_load %arg15[%parallel_loop3A_201, %parallel_loop3A_202] {strides = array<i32>} : memref<40x144xf32, #tpu.memory_space<vmem>>, vector<1x16xf32>,
        %parallel_loop3A_204 = vector.shape_cast %parallel_loop3A_203 : vector<1x16xf32> to vector<16xf32>
        %parallel_loop3A_205 = arith.mulf %parallel_loop3A_204, %parallel_loop3A_200 : vector<16xf32>
        %parallel_loop3A_206 = arith.index_cast %parallel_loop3A_132 : i32 to index
        %parallel_loop3A_207 = arith.constant 48 : index
        %parallel_loop3A_208 = tpu.vector_load %arg19[%parallel_loop3A_206, %parallel_loop3A_207] {strides = array<i32>} : memref<40x144xf32, #tpu.memory_space<vmem>>, vector<1x16xf32>,
        %parallel_loop3A_209 = vector.shape_cast %parallel_loop3A_208 : vector<1x16xf32> to vector<16xf32>
        %parallel_loop3A_210 = vector.shape_cast %parallel_loop3A_205 : vector<16xf32> to vector<1x16xf32>
        tpu.vector_store %arg19[%parallel_loop3A_206, %parallel_loop3A_207], %parallel_loop3A_210 {strides = array<i32>} : memref<40x144xf32, #tpu.memory_space<vmem>>, vector<1x16xf32>,
        %parallel_loop3A_211 = arith.constant 4 : i32
        %parallel_loop3A_212 = vector.broadcast %parallel_loop3A_211 : i32 to vector<16x1xi32>
        %parallel_loop3A_213 = vector.shape_cast %parallel_loop3A_212 : vector<16x1xi32> to vector<16xi32>
        %parallel_loop3A_214 = tpu.dynamic_gather %parallel_loop3A_149[%parallel_loop3A_213] in [0] : vector<16xf32>, vector<16xi32> -> vector<16xf32>
        %parallel_loop3A_215 = arith.index_cast %parallel_loop3A_132 : i32 to index
        %parallel_loop3A_216 = arith.constant 64 : index
        %parallel_loop3A_217 = tpu.vector_load %arg15[%parallel_loop3A_215, %parallel_loop3A_216] {strides = array<i32>} : memref<40x144xf32, #tpu.memory_space<vmem>>, vector<1x16xf32>,
        %parallel_loop3A_218 = vector.shape_cast %parallel_loop3A_217 : vector<1x16xf32> to vector<16xf32>
        %parallel_loop3A_219 = arith.mulf %parallel_loop3A_218, %parallel_loop3A_214 : vector<16xf32>
        %parallel_loop3A_220 = arith.index_cast %parallel_loop3A_132 : i32 to index
        %parallel_loop3A_221 = arith.constant 64 : index
        %parallel_loop3A_222 = tpu.vector_load %arg19[%parallel_loop3A_220, %parallel_loop3A_221] {strides = array<i32>} : memref<40x144xf32, #tpu.memory_space<vmem>>, vector<1x16xf32>,
        %parallel_loop3A_223 = vector.shape_cast %parallel_loop3A_222 : vector<1x16xf32> to vector<16xf32>
        %parallel_loop3A_224 = vector.shape_cast %parallel_loop3A_219 : vector<16xf32> to vector<1x16xf32>
        tpu.vector_store %arg19[%parallel_loop3A_220, %parallel_loop3A_221], %parallel_loop3A_224 {strides = array<i32>} : memref<40x144xf32, #tpu.memory_space<vmem>>, vector<1x16xf32>,
        %parallel_loop3A_225 = arith.constant 5 : i32
        %parallel_loop3A_226 = vector.broadcast %parallel_loop3A_225 : i32 to vector<16x1xi32>
        %parallel_loop3A_227 = vector.shape_cast %parallel_loop3A_226 : vector<16x1xi32> to vector<16xi32>
        %parallel_loop3A_228 = tpu.dynamic_gather %parallel_loop3A_149[%parallel_loop3A_227] in [0] : vector<16xf32>, vector<16xi32> -> vector<16xf32>
        %parallel_loop3A_229 = arith.index_cast %parallel_loop3A_132 : i32 to index
        %parallel_loop3A_230 = arith.constant 80 : index
        %parallel_loop3A_231 = tpu.vector_load %arg15[%parallel_loop3A_229, %parallel_loop3A_230] {strides = array<i32>} : memref<40x144xf32, #tpu.memory_space<vmem>>, vector<1x16xf32>,
        %parallel_loop3A_232 = vector.shape_cast %parallel_loop3A_231 : vector<1x16xf32> to vector<16xf32>
        %parallel_loop3A_233 = arith.mulf %parallel_loop3A_232, %parallel_loop3A_228 : vector<16xf32>
        %parallel_loop3A_234 = arith.index_cast %parallel_loop3A_132 : i32 to index
        %parallel_loop3A_235 = arith.constant 80 : index
        %parallel_loop3A_236 = tpu.vector_load %arg19[%parallel_loop3A_234, %parallel_loop3A_235] {strides = array<i32>} : memref<40x144xf32, #tpu.memory_space<vmem>>, vector<1x16xf32>,
        %parallel_loop3A_237 = vector.shape_cast %parallel_loop3A_236 : vector<1x16xf32> to vector<16xf32>
        %parallel_loop3A_238 = vector.shape_cast %parallel_loop3A_233 : vector<16xf32> to vector<1x16xf32>
        tpu.vector_store %arg19[%parallel_loop3A_234, %parallel_loop3A_235], %parallel_loop3A_238 {strides = array<i32>} : memref<40x144xf32, #tpu.memory_space<vmem>>, vector<1x16xf32>,
        %parallel_loop3A_239 = arith.constant 6 : i32
        %parallel_loop3A_240 = vector.broadcast %parallel_loop3A_239 : i32 to vector<16x1xi32>
        %parallel_loop3A_241 = vector.shape_cast %parallel_loop3A_240 : vector<16x1xi32> to vector<16xi32>
        %parallel_loop3A_242 = tpu.dynamic_gather %parallel_loop3A_149[%parallel_loop3A_241] in [0] : vector<16xf32>, vector<16xi32> -> vector<16xf32>
        %parallel_loop3A_243 = arith.index_cast %parallel_loop3A_132 : i32 to index
        %parallel_loop3A_244 = arith.constant 96 : index
        %parallel_loop3A_245 = tpu.vector_load %arg15[%parallel_loop3A_243, %parallel_loop3A_244] {strides = array<i32>} : memref<40x144xf32, #tpu.memory_space<vmem>>, vector<1x16xf32>,
        %parallel_loop3A_246 = vector.shape_cast %parallel_loop3A_245 : vector<1x16xf32> to vector<16xf32>
        %parallel_loop3A_247 = arith.mulf %parallel_loop3A_246, %parallel_loop3A_242 : vector<16xf32>
        %parallel_loop3A_248 = arith.index_cast %parallel_loop3A_132 : i32 to index
        %parallel_loop3A_249 = arith.constant 96 : index
        %parallel_loop3A_250 = tpu.vector_load %arg19[%parallel_loop3A_248, %parallel_loop3A_249] {strides = array<i32>} : memref<40x144xf32, #tpu.memory_space<vmem>>, vector<1x16xf32>,
        %parallel_loop3A_251 = vector.shape_cast %parallel_loop3A_250 : vector<1x16xf32> to vector<16xf32>
        %parallel_loop3A_252 = vector.shape_cast %parallel_loop3A_247 : vector<16xf32> to vector<1x16xf32>
        tpu.vector_store %arg19[%parallel_loop3A_248, %parallel_loop3A_249], %parallel_loop3A_252 {strides = array<i32>} : memref<40x144xf32, #tpu.memory_space<vmem>>, vector<1x16xf32>,
        %parallel_loop3A_253 = arith.constant 7 : i32
        %parallel_loop3A_254 = vector.broadcast %parallel_loop3A_253 : i32 to vector<16x1xi32>
        %parallel_loop3A_255 = vector.shape_cast %parallel_loop3A_254 : vector<16x1xi32> to vector<16xi32>
        %parallel_loop3A_256 = tpu.dynamic_gather %parallel_loop3A_149[%parallel_loop3A_255] in [0] : vector<16xf32>, vector<16xi32> -> vector<16xf32>
        %parallel_loop3A_257 = arith.index_cast %parallel_loop3A_132 : i32 to index
        %parallel_loop3A_258 = arith.constant 112 : index
        %parallel_loop3A_259 = tpu.vector_load %arg15[%parallel_loop3A_257, %parallel_loop3A_258] {strides = array<i32>} : memref<40x144xf32, #tpu.memory_space<vmem>>, vector<1x16xf32>,
        %parallel_loop3A_260 = vector.shape_cast %parallel_loop3A_259 : vector<1x16xf32> to vector<16xf32>
        %parallel_loop3A_261 = arith.mulf %parallel_loop3A_260, %parallel_loop3A_256 : vector<16xf32>
        %parallel_loop3A_262 = arith.index_cast %parallel_loop3A_132 : i32 to index
        %parallel_loop3A_263 = arith.constant 112 : index
        %parallel_loop3A_264 = tpu.vector_load %arg19[%parallel_loop3A_262, %parallel_loop3A_263] {strides = array<i32>} : memref<40x144xf32, #tpu.memory_space<vmem>>, vector<1x16xf32>,
        %parallel_loop3A_265 = vector.shape_cast %parallel_loop3A_264 : vector<1x16xf32> to vector<16xf32>
        %parallel_loop3A_266 = vector.shape_cast %parallel_loop3A_261 : vector<16xf32> to vector<1x16xf32>
        tpu.vector_store %arg19[%parallel_loop3A_262, %parallel_loop3A_263], %parallel_loop3A_266 {strides = array<i32>} : memref<40x144xf32, #tpu.memory_space<vmem>>, vector<1x16xf32>,
      } {sc.loop_unroll_factor = 8 : i64, sc.parallel_access}
      %ge3A_108 = arith.constant 1 : i32
      %ge3A_109 = arith.cmpi sge, %add3A_93, %ge3A_108 : i32
      %convert_element_type3A_110 = arith.extui %ge3A_109 : i1 to i32
      %cond3A_111 = arith.constant 0 : i32
      %cond3A_112 = arith.cmpi ne, %convert_element_type3A_110, %cond3A_111 : i32
      scf.if %cond3A_112 {
        %dma_wait3A_132 = arith.constant 0 : i32
        %dma_wait3A_133 = arith.constant 0 : i32
        %dma_wait3A_134 = tpu.memref_slice %arg20[%dma_wait3A_132, %dma_wait3A_133] : memref<10240x144xf32, #tpu.memory_space<vmem_shared>> -> memref<10240x144xf32, #tpu.memory_space<vmem_shared>>
        tpu.wait_indirect_dma semaphore(%arg25 : memref<!tpu.dma_semaphore, #tpu.memory_space<semaphore_mem>>) src(%arg18 : memref<40x144xf32, #tpu.memory_space<vmem>>) dst(%dma_wait3A_134 : memref<10240x144xf32, #tpu.memory_space<vmem_shared>>)
      } else {
      }
      %le3A_113 = arith.constant 248 : i32
      %le3A_114 = arith.cmpi sle, %add3A_93, %le3A_113 : i32
      %convert_element_type3A_115 = arith.extui %le3A_114 : i1 to i32
      %cond3A_116 = arith.constant 0 : i32
      %cond3A_117 = arith.cmpi ne, %convert_element_type3A_115, %cond3A_116 : i32
      scf.if %cond3A_117 {
        %add3A_132 = arith.constant 1 : i32
        %add3A_133 = arith.addi %add3A_93, %add3A_132 : i32
        %mul3A_134 = arith.constant 40 : i32
        %mul3A_135 = arith.muli %add3A_133, %mul3A_134 : i32
        %add3A_136 = arith.addi %mul3A_11, %mul3A_135 : i32
        %multiple_of3A_137 = tpu.assume_multiple %add3A_136, 8 : i32
        %dma_start3A_138 = tpu.memref_slice %arg3[%multiple_of3A_137] : memref<320000xi32, #tpu.memory_space<hbm>> -> memref<40xi32, #tpu.memory_space<hbm>>
        %dma_start3A_139 = tpu.memref_slice %arg3[%multiple_of3A_137] : memref<320000xi32, #tpu.memory_space<hbm>> -> memref<40xi32, #tpu.memory_space<hbm>>
        tpu.enqueue_dma source(%dma_start3A_139 : memref<40xi32, #tpu.memory_space<hbm>>) target(%arg12 : memref<40xi32, #tpu.memory_space<vmem>>) target_semaphore(%arg29 : memref<!tpu.dma_semaphore, #tpu.memory_space<semaphore_mem>>)
      } else {
      }
      %le3A_118 = arith.constant 247 : i32
      %le3A_119 = arith.cmpi sle, %add3A_93, %le3A_118 : i32
      %convert_element_type3A_120 = arith.extui %le3A_119 : i1 to i32
      %cond3A_121 = arith.constant 0 : i32
      %cond3A_122 = arith.cmpi ne, %convert_element_type3A_120, %cond3A_121 : i32
      scf.if %cond3A_122 {
        %add3A_132 = arith.constant 2 : i32
        %add3A_133 = arith.addi %add3A_93, %add3A_132 : i32
        %mul3A_134 = arith.constant 40 : i32
        %mul3A_135 = arith.muli %add3A_133, %mul3A_134 : i32
        %add3A_136 = arith.addi %mul3A_11, %mul3A_135 : i32
        %multiple_of3A_137 = tpu.assume_multiple %add3A_136, 8 : i32
        %dma_start3A_138 = tpu.memref_slice %arg2[%multiple_of3A_137] : memref<320000xi32, #tpu.memory_space<hbm>> -> memref<40xi32, #tpu.memory_space<hbm>>
        %dma_start3A_139 = tpu.memref_slice %arg2[%multiple_of3A_137] : memref<320000xi32, #tpu.memory_space<hbm>> -> memref<40xi32, #tpu.memory_space<hbm>>
        tpu.enqueue_dma source(%dma_start3A_139 : memref<40xi32, #tpu.memory_space<hbm>>) target(%arg9 : memref<40xi32, #tpu.memory_space<vmem>>) target_semaphore(%arg28 : memref<!tpu.dma_semaphore, #tpu.memory_space<semaphore_mem>>)
        %dma_start3A_140 = tpu.memref_slice %arg3[%multiple_of3A_137] : memref<320000xi32, #tpu.memory_space<hbm>> -> memref<40xi32, #tpu.memory_space<hbm>>
        %dma_start3A_141 = tpu.memref_slice %arg3[%multiple_of3A_137] : memref<320000xi32, #tpu.memory_space<hbm>> -> memref<40xi32, #tpu.memory_space<hbm>>
        tpu.enqueue_dma source(%dma_start3A_141 : memref<40xi32, #tpu.memory_space<hbm>>) target(%arg11 : memref<40xi32, #tpu.memory_space<vmem>>) target_semaphore(%arg28 : memref<!tpu.dma_semaphore, #tpu.memory_space<semaphore_mem>>)
      } else {
      }
      %mul3A_123 = arith.constant 40 : i32
      %mul3A_124 = arith.muli %add3A_93, %mul3A_123 : i32
      %add3A_125 = arith.addi %mul3A_11, %mul3A_124 : i32
      %multiple_of3A_126 = tpu.assume_multiple %add3A_125, 8 : i32
      %dma_wait3A_127 = tpu.memref_slice %arg3[%multiple_of3A_126] : memref<320000xi32, #tpu.memory_space<hbm>> -> memref<40xi32, #tpu.memory_space<hbm>>
      %dma_wait3A_128 = tpu.memref_slice %arg3[%multiple_of3A_126] : memref<320000xi32, #tpu.memory_space<hbm>> -> memref<40xi32, #tpu.memory_space<hbm>>
      tpu.wait_dma2 semaphore(%arg30 : memref<!tpu.dma_semaphore, #tpu.memory_space<semaphore_mem>>) src(%dma_wait3A_128 : memref<40xi32, #tpu.memory_space<hbm>>) dst(%arg13 : memref<40xi32, #tpu.memory_space<vmem>>)
      %dma_start3A_129 = arith.constant 0 : i32
      %dma_start3A_130 = arith.constant 0 : i32
      %dma_start3A_131 = tpu.memref_slice %arg20[%dma_start3A_129, %dma_start3A_130] : memref<10240x144xf32, #tpu.memory_space<vmem_shared>> -> memref<10240x144xf32, #tpu.memory_space<vmem_shared>>
      tpu.enqueue_indirect_dma source(%arg19 : memref<40x144xf32, #tpu.memory_space<vmem>>) target(%dma_start3A_131 : memref<10240x144xf32, #tpu.memory_space<vmem_shared>>) offsets(%arg13 : memref<40xi32, #tpu.memory_space<vmem>>) semaphore(%arg26 : memref<!tpu.dma_semaphore, #tpu.memory_space<semaphore_mem>>) {add = true}
    }
    %scan3A_45 = arith.constant 125 : i32
    %dma_wait3A_46 = arith.constant 0 : i32
    %dma_wait3A_47 = arith.constant 0 : i32
    %dma_wait3A_48 = tpu.memref_slice %arg20[%dma_wait3A_46, %dma_wait3A_47] : memref<10240x144xf32, #tpu.memory_space<vmem_shared>> -> memref<10240x144xf32, #tpu.memory_space<vmem_shared>>
    tpu.wait_indirect_dma semaphore(%arg26 : memref<!tpu.dma_semaphore, #tpu.memory_space<semaphore_mem>>) src(%arg19 : memref<40x144xf32, #tpu.memory_space<vmem>>) dst(%dma_wait3A_48 : memref<10240x144xf32, #tpu.memory_space<vmem_shared>>)
    %barrier3A_49 = arith.constant 0 : index
    tpu.barrier barrier_id(%barrier3A_49)
    "tpu.region"() ({
      %run_scoped3A = tpu.sem_alloc : memref<!tpu.dma_semaphore, #tpu.memory_space<semaphore_mem>>
      %dma_start3A_50 = arith.constant 0 : i32
      %dma_start3A_51 = arith.constant 0 : i32
      %dma_start3A_52 = tpu.memref_slice %arg7[%arg0, %dma_start3A_50, %dma_start3A_51] : memref<2x10240x144xf32, #tpu.memory_space<hbm>> -> memref<1x10240x144xf32, #tpu.memory_space<hbm>>
      %dma_start3A_53 = tpu.memref_squeeze %dma_start3A_52 : memref<1x10240x144xf32, #tpu.memory_space<hbm>> -> memref<10240x144xf32, #tpu.memory_space<hbm>>
      %dma_start3A_54 = arith.constant 0 : i32
      %dma_start3A_55 = tpu.memref_slice %dma_start3A_53[%mul3A_2, %dma_start3A_54] : memref<10240x144xf32, #tpu.memory_space<hbm>> -> memref<640x144xf32, #tpu.memory_space<hbm>>
      %dma_start3A_56 = arith.constant 0 : i32
      %dma_start3A_57 = tpu.memref_slice %arg20[%mul3A_2, %dma_start3A_56] : memref<10240x144xf32, #tpu.memory_space<vmem_shared>> -> memref<640x144xf32, #tpu.memory_space<vmem_shared>>
      tpu.enqueue_dma source(%dma_start3A_57 : memref<640x144xf32, #tpu.memory_space<vmem_shared>>) target(%dma_start3A_55 : memref<640x144xf32, #tpu.memory_space<hbm>>) target_semaphore(%run_scoped3A : memref<!tpu.dma_semaphore, #tpu.memory_space<semaphore_mem>>)
      %dma_wait3A_58 = arith.constant 0 : i32
      %dma_wait3A_59 = arith.constant 0 : i32
      %dma_wait3A_60 = tpu.memref_slice %arg7[%arg0, %dma_wait3A_58, %dma_wait3A_59] : memref<2x10240x144xf32, #tpu.memory_space<hbm>> -> memref<1x10240x144xf32, #tpu.memory_space<hbm>>
      %dma_wait3A_61 = tpu.memref_squeeze %dma_wait3A_60 : memref<1x10240x144xf32, #tpu.memory_space<hbm>> -> memref<10240x144xf32, #tpu.memory_space<hbm>>
      %dma_wait3A_62 = arith.constant 0 : i32
      %dma_wait3A_63 = tpu.memref_slice %dma_wait3A_61[%mul3A_2, %dma_wait3A_62] : memref<10240x144xf32, #tpu.memory_space<hbm>> -> memref<640x144xf32, #tpu.memory_space<hbm>>
      %dma_wait3A_64 = arith.constant 0 : i32
      %dma_wait3A_65 = tpu.memref_slice %arg20[%mul3A_2, %dma_wait3A_64] : memref<10240x144xf32, #tpu.memory_space<vmem_shared>> -> memref<640x144xf32, #tpu.memory_space<vmem_shared>>
      tpu.wait_dma2 semaphore(%run_scoped3A : memref<!tpu.dma_semaphore, #tpu.memory_space<semaphore_mem>>) src(%dma_wait3A_65 : memref<640x144xf32, #tpu.memory_space<vmem_shared>>) dst(%dma_wait3A_63 : memref<640x144xf32, #tpu.memory_space<hbm>>)
      tpu.yield
    }) : () -> ()
    return
  }
}

module attributes {stable_mosaic.version = 14 : i64} {
  func.func @_tc_a_body(%arg0: i32, %arg1: memref<1280x128xf32, #tpu.memory_space<vmem>>, %arg2: memref<128x128xf32, #tpu.memory_space<vmem>>, %arg3: memref<128x16xf32, #tpu.memory_space<vmem>>, %arg4: memref<8x128xf32, #tpu.memory_space<vmem>>, %arg5: memref<1280x144xf32, #tpu.memory_space<vmem>>, %arg6: memref<1280x16xf32, #tpu.memory_space<vmem>>, %arg7: memref<1280x144xf32, #tpu.memory_space<vmem>>) attributes {dimension_semantics = [#tpu.dimension_semantics<arbitrary>], iteration_bounds = array<i64: 8>, scalar_prefetch = 0 : i64, scratch_operands = 0 : i64, tpu.core_type = #tpu.core_type<tc>, window_params = [{transform_indices = @transform_0, window_bounds = array<i64: 1280, 128>}, {pipeline_mode = #tpu.pipeline_mode<synchronous>, transform_indices = @transform_1, window_bounds = array<i64: 128, 128>}, {pipeline_mode = #tpu.pipeline_mode<synchronous>, transform_indices = @transform_2, window_bounds = array<i64: 128, 16>}, {pipeline_mode = #tpu.pipeline_mode<synchronous>, transform_indices = @transform_3, window_bounds = array<i64: 8, 128>}, {transform_indices = @transform_4, window_bounds = array<i64: 1280, 144>}, {transform_indices = @transform_5, window_bounds = array<i64: 1280, 16>}, {transform_indices = @transform_6, window_bounds = array<i64: 1280, 144>}]} {
    %get3A = arith.constant 0 : index
    %get3A_0 = arith.constant 0 : index
    %get3A_1 = vector.load %arg1[%get3A, %get3A_0] : memref<1280x128xf32, #tpu.memory_space<vmem>>, vector<1280x128xf32>
    %get3A_2 = arith.constant 0 : index
    %get3A_3 = arith.constant 0 : index
    %get3A_4 = vector.load %arg2[%get3A_2, %get3A_3] : memref<128x128xf32, #tpu.memory_space<vmem>>, vector<128x128xf32>
    %dot_general3A = arith.constant dense<0.000000e+00> : vector<1280x128xf32>
    %dot_general3A_5 = tpu.matmul %get3A_1, %get3A_4, %dot_general3A {dimension_numbers = #tpu.dot_dimension_numbers<[1], [0], [0], [1], [0, 0, 1, 1], [], []>, transpose_lhs_hint = false} : vector<1280x128xf32>, vector<128x128xf32>, vector<1280x128xf32> -> vector<1280x128xf32>
    %get3A_6 = arith.constant 0 : index
    %get3A_7 = arith.constant 0 : index
    %get3A_8 = vector.load %arg3[%get3A_6, %get3A_7] : memref<128x16xf32, #tpu.memory_space<vmem>>, vector<128x16xf32>
    %dot_general3A_9 = arith.constant dense<0.000000e+00> : vector<1280x16xf32>
    %dot_general3A_10 = tpu.matmul %dot_general3A_5, %get3A_8, %dot_general3A_9 {dimension_numbers = #tpu.dot_dimension_numbers<[1], [0], [0], [1], [0, 0, 1, 1], [], []>, transpose_lhs_hint = false} : vector<1280x128xf32>, vector<128x16xf32>, vector<1280x16xf32> -> vector<1280x16xf32>
    %concatenate3A = tpu.concatenate %dot_general3A_5, %dot_general3A_10 in 1 : vector<1280x128xf32>, vector<1280x16xf32> -> vector<1280x144xf32>
    %swap3A = arith.constant 0 : index
    %swap3A_11 = arith.constant 0 : index
    %swap3A_12 = vector.load %arg5[%swap3A, %swap3A_11] : memref<1280x144xf32, #tpu.memory_space<vmem>>, vector<1280x144xf32>
    tpu.vector_store %arg5[%swap3A, %swap3A_11], %concatenate3A {strides = array<i32>} : memref<1280x144xf32, #tpu.memory_space<vmem>>, vector<1280x144xf32>,
    %slice3A = vector.extract_strided_slice %dot_general3A_10 {offsets = [0, 0], sizes = [1280, 8], strides = [1, 1]} : vector<1280x16xf32> to vector<1280x8xf32>
    %slice3A_13 = vector.extract_strided_slice %dot_general3A_10 {offsets = [0, 8], sizes = [1280, 8], strides = [1, 1]} : vector<1280x16xf32> to vector<1280x8xf32>
    %add3A = arith.addf %slice3A, %slice3A_13 : vector<1280x8xf32>
    %gt3A = arith.constant 0.000000e+00 : f32
    %gt3A_14 = vector.broadcast %gt3A : f32 to vector<1280x8xf32>
    %gt3A_15 = arith.cmpf ogt, %add3A, %gt3A_14 : vector<1280x8xf32>
    %mul3A = arith.constant 2.000000e-01 : f32
    %mul3A_16 = vector.broadcast %mul3A : f32 to vector<1280x8xf32>
    %mul3A_17 = arith.mulf %mul3A_16, %add3A : vector<1280x8xf32>
    %select_n3A = arith.select %gt3A_15, %add3A, %mul3A_17 : vector<1280x8xi1>, vector<1280x8xf32>
    %exp3A = math.exp %select_n3A : vector<1280x8xf32>
    %get3A_18 = arith.constant 0 : index
    %get3A_19 = arith.constant 0 : index
    %get3A_20 = vector.load %arg4[%get3A_18, %get3A_19] : memref<8x128xf32, #tpu.memory_space<vmem>>, vector<8x128xf32>
    %dot_general3A_21 = arith.constant dense<0.000000e+00> : vector<1280x128xf32>
    %dot_general3A_22 = tpu.matmul %exp3A, %get3A_20, %dot_general3A_21 {dimension_numbers = #tpu.dot_dimension_numbers<[1], [0], [0], [1], [0, 0, 1, 1], [], []>, transpose_lhs_hint = false} : vector<1280x8xf32>, vector<8x128xf32>, vector<1280x128xf32> -> vector<1280x128xf32>
    %broadcast_in_dim3A = arith.constant 0.000000e+00 : f32
    %broadcast_in_dim3A_23 = vector.broadcast %broadcast_in_dim3A : f32 to vector<1280x8xf32>
    %mul3A_24 = arith.mulf %dot_general3A_5, %dot_general3A_22 : vector<1280x128xf32>
    %concatenate3A_25 = tpu.concatenate %mul3A_24, %exp3A, %broadcast_in_dim3A_23 in 1 : vector<1280x128xf32>, vector<1280x8xf32>, vector<1280x8xf32> -> vector<1280x144xf32>
    %swap3A_26 = arith.constant 0 : index
    %swap3A_27 = arith.constant 0 : index
    %swap3A_28 = vector.load %arg7[%swap3A_26, %swap3A_27] : memref<1280x144xf32, #tpu.memory_space<vmem>>, vector<1280x144xf32>
    tpu.vector_store %arg7[%swap3A_26, %swap3A_27], %concatenate3A_25 {strides = array<i32>} : memref<1280x144xf32, #tpu.memory_space<vmem>>, vector<1280x144xf32>,
    %concatenate3A_29 = tpu.concatenate %slice3A_13, %broadcast_in_dim3A_23 in 1 : vector<1280x8xf32>, vector<1280x8xf32> -> vector<1280x16xf32>
    %swap3A_30 = arith.constant 0 : index
    %swap3A_31 = arith.constant 0 : index
    %swap3A_32 = vector.load %arg6[%swap3A_30, %swap3A_31] : memref<1280x16xf32, #tpu.memory_space<vmem>>, vector<1280x16xf32>
    tpu.vector_store %arg6[%swap3A_30, %swap3A_31], %concatenate3A_29 {strides = array<i32>} : memref<1280x16xf32, #tpu.memory_space<vmem>>, vector<1280x16xf32>,
    return
  }
  func.func @transform_0(%arg0: i32) -> (i32, i32) {
    %c0_i32 = arith.constant 0 : i32
    %c0_i32_0 = arith.constant 0 : i32
    return %arg0, %c0_i32 : i32, i32
  }
  func.func @transform_1(%arg0: i32) -> (i32, i32) {
    %c0_i32 = arith.constant 0 : i32
    %c0_i32_0 = arith.constant 0 : i32
    %c0_i32_1 = arith.constant 0 : i32
    return %c0_i32, %c0_i32_0 : i32, i32
  }
  func.func @transform_2(%arg0: i32) -> (i32, i32) {
    %c0_i32 = arith.constant 0 : i32
    %c0_i32_0 = arith.constant 0 : i32
    %c0_i32_1 = arith.constant 0 : i32
    return %c0_i32, %c0_i32_0 : i32, i32
  }
  func.func @transform_3(%arg0: i32) -> (i32, i32) {
    %c0_i32 = arith.constant 0 : i32
    %c0_i32_0 = arith.constant 0 : i32
    %c0_i32_1 = arith.constant 0 : i32
    return %c0_i32, %c0_i32_0 : i32, i32
  }
  func.func @transform_4(%arg0: i32) -> (i32, i32) {
    %c0_i32 = arith.constant 0 : i32
    %c0_i32_0 = arith.constant 0 : i32
    return %arg0, %c0_i32 : i32, i32
  }
  func.func @transform_5(%arg0: i32) -> (i32, i32) {
    %c0_i32 = arith.constant 0 : i32
    %c0_i32_0 = arith.constant 0 : i32
    return %arg0, %c0_i32 : i32, i32
  }
  func.func @transform_6(%arg0: i32) -> (i32, i32) {
    %c0_i32 = arith.constant 0 : i32
    %c0_i32_0 = arith.constant 0 : i32
    return %arg0, %c0_i32 : i32, i32
  }
}

module attributes {stable_mosaic.version = 14 : i64} {
  func.func @_tc_c_body(%arg0: i32, %arg1: memref<2x1280x144xf32, #tpu.memory_space<vmem>>, %arg2: memref<1x128xf32, #tpu.memory_space<vmem>>, %arg3: memref<1x128xf32, #tpu.memory_space<vmem>>, %arg4: memref<1x128xf32, #tpu.memory_space<vmem>>, %arg5: memref<1x128xf32, #tpu.memory_space<vmem>>, %arg6: memref<1x128xf32, #tpu.memory_space<vmem>>, %arg7: memref<128x128xf32, #tpu.memory_space<vmem>>, %arg8: memref<128x16xf32, #tpu.memory_space<vmem>>, %arg9: memref<8x128xf32, #tpu.memory_space<vmem>>, %arg10: memref<1280x144xf32, #tpu.memory_space<vmem>>, %arg11: memref<1280x16xf32, #tpu.memory_space<vmem>>, %arg12: memref<1280x144xf32, #tpu.memory_space<vmem>>) attributes {dimension_semantics = [#tpu.dimension_semantics<arbitrary>], iteration_bounds = array<i64: 8>, scalar_prefetch = 0 : i64, scratch_operands = 0 : i64, tpu.core_type = #tpu.core_type<tc>, window_params = [{transform_indices = @transform_0, window_bounds = array<i64: 2, 1280, 144>}, {pipeline_mode = #tpu.pipeline_mode<synchronous>, transform_indices = @transform_1, window_bounds = array<i64: 1, 128>}, {pipeline_mode = #tpu.pipeline_mode<synchronous>, transform_indices = @transform_2, window_bounds = array<i64: 1, 128>}, {pipeline_mode = #tpu.pipeline_mode<synchronous>, transform_indices = @transform_3, window_bounds = array<i64: 1, 128>}, {pipeline_mode = #tpu.pipeline_mode<synchronous>, transform_indices = @transform_4, window_bounds = array<i64: 1, 128>}, {pipeline_mode = #tpu.pipeline_mode<synchronous>, transform_indices = @transform_5, window_bounds = array<i64: 1, 128>}, {pipeline_mode = #tpu.pipeline_mode<synchronous>, transform_indices = @transform_6, window_bounds = array<i64: 128, 128>}, {pipeline_mode = #tpu.pipeline_mode<synchronous>, transform_indices = @transform_7, window_bounds = array<i64: 128, 16>}, {pipeline_mode = #tpu.pipeline_mode<synchronous>, transform_indices = @transform_8, window_bounds = array<i64: 8, 128>}, {transform_indices = @transform_9, window_bounds = array<i64: 1280, 144>}, {transform_indices = @transform_10, window_bounds = array<i64: 1280, 16>}, {transform_indices = @transform_11, window_bounds = array<i64: 1280, 144>}]} {
    %get3A = arith.constant 0 : index
    %get3A_0 = arith.constant 0 : index
    %get3A_1 = arith.constant 0 : index
    %get3A_2 = vector.load %arg1[%get3A, %get3A_0, %get3A_1] : memref<2x1280x144xf32, #tpu.memory_space<vmem>>, vector<2x1280x144xf32>
    %slice3A = vector.extract_strided_slice %get3A_2 {offsets = [0, 0, 0], sizes = [1, 1280, 144], strides = [1, 1, 1]} : vector<2x1280x144xf32> to vector<1x1280x144xf32>
    %squeeze3A = vector.shape_cast %slice3A : vector<1x1280x144xf32> to vector<1280x144xf32>
    %slice3A_3 = vector.extract_strided_slice %get3A_2 {offsets = [1, 0, 0], sizes = [1, 1280, 144], strides = [1, 1, 1]} : vector<2x1280x144xf32> to vector<1x1280x144xf32>
    %squeeze3A_4 = vector.shape_cast %slice3A_3 : vector<1x1280x144xf32> to vector<1280x144xf32>
    %add3A = arith.addf %squeeze3A, %squeeze3A_4 : vector<1280x144xf32>
    %slice3A_5 = vector.extract_strided_slice %add3A {offsets = [0, 0], sizes = [1280, 128], strides = [1, 1]} : vector<1280x144xf32> to vector<1280x128xf32>
    %slice3A_6 = vector.extract_strided_slice %add3A {offsets = [0, 128], sizes = [1280, 8], strides = [1, 1]} : vector<1280x144xf32> to vector<1280x8xf32>
    %get3A_7 = arith.constant 0 : index
    %get3A_8 = arith.constant 0 : index
    %get3A_9 = vector.load %arg9[%get3A_7, %get3A_8] : memref<8x128xf32, #tpu.memory_space<vmem>>, vector<8x128xf32>
    %dot_general3A = arith.constant dense<0.000000e+00> : vector<1280x128xf32>
    %dot_general3A_10 = tpu.matmul %slice3A_6, %get3A_9, %dot_general3A {dimension_numbers = #tpu.dot_dimension_numbers<[1], [0], [0], [1], [0, 0, 1, 1], [], []>, transpose_lhs_hint = false} : vector<1280x8xf32>, vector<8x128xf32>, vector<1280x128xf32> -> vector<1280x128xf32>
    %div3A = arith.divf %slice3A_5, %dot_general3A_10 : vector<1280x128xf32>
    %get3A_11 = arith.constant 0 : index
    %get3A_12 = arith.constant 0 : index
    %get3A_13 = vector.load %arg2[%get3A_11, %get3A_12] : memref<1x128xf32, #tpu.memory_space<vmem>>, vector<1x128xf32>
    %add3A_14 = vector.broadcast %get3A_13 : vector<1x128xf32> to vector<1280x128xf32>
    %add3A_15 = arith.addf %div3A, %add3A_14 : vector<1280x128xf32>
    %get3A_16 = arith.constant 0 : index
    %get3A_17 = arith.constant 0 : index
    %get3A_18 = vector.load %arg3[%get3A_16, %get3A_17] : memref<1x128xf32, #tpu.memory_space<vmem>>, vector<1x128xf32>
    %get3A_19 = arith.constant 0 : index
    %get3A_20 = arith.constant 0 : index
    %get3A_21 = vector.load %arg6[%get3A_19, %get3A_20] : memref<1x128xf32, #tpu.memory_space<vmem>>, vector<1x128xf32>
    %add3A_22 = arith.constant 9.99999974E-6 : f32
    %add3A_23 = vector.broadcast %add3A_22 : f32 to vector<1x128xf32>
    %add3A_24 = arith.addf %get3A_21, %add3A_23 : vector<1x128xf32>
    %rsqrt3A = math.rsqrt %add3A_24 : vector<1x128xf32>
    %mul3A = arith.mulf %get3A_18, %rsqrt3A : vector<1x128xf32>
    %get3A_25 = arith.constant 0 : index
    %get3A_26 = arith.constant 0 : index
    %get3A_27 = vector.load %arg5[%get3A_25, %get3A_26] : memref<1x128xf32, #tpu.memory_space<vmem>>, vector<1x128xf32>
    %sub3A = vector.broadcast %get3A_27 : vector<1x128xf32> to vector<1280x128xf32>
    %sub3A_28 = arith.subf %add3A_15, %sub3A : vector<1280x128xf32>
    %mul3A_29 = vector.broadcast %mul3A : vector<1x128xf32> to vector<1280x128xf32>
    %mul3A_30 = arith.mulf %sub3A_28, %mul3A_29 : vector<1280x128xf32>
    %get3A_31 = arith.constant 0 : index
    %get3A_32 = arith.constant 0 : index
    %get3A_33 = vector.load %arg4[%get3A_31, %get3A_32] : memref<1x128xf32, #tpu.memory_space<vmem>>, vector<1x128xf32>
    %add3A_34 = vector.broadcast %get3A_33 : vector<1x128xf32> to vector<1280x128xf32>
    %add3A_35 = arith.addf %mul3A_30, %add3A_34 : vector<1280x128xf32>
    %gt3A = arith.constant 0.000000e+00 : f32
    %gt3A_36 = vector.broadcast %gt3A : f32 to vector<1280x128xf32>
    %gt3A_37 = arith.cmpf ogt, %add3A_35, %gt3A_36 : vector<1280x128xf32>
    %exp3A = math.exp %add3A_35 : vector<1280x128xf32>
    %sub3A_38 = arith.constant 1.000000e+00 : f32
    %sub3A_39 = vector.broadcast %sub3A_38 : f32 to vector<1280x128xf32>
    %sub3A_40 = arith.subf %exp3A, %sub3A_39 : vector<1280x128xf32>
    %select_n3A = arith.select %gt3A_37, %add3A_35, %sub3A_40 : vector<1280x128xi1>, vector<1280x128xf32>
    %get3A_41 = arith.constant 0 : index
    %get3A_42 = arith.constant 0 : index
    %get3A_43 = vector.load %arg7[%get3A_41, %get3A_42] : memref<128x128xf32, #tpu.memory_space<vmem>>, vector<128x128xf32>
    %dot_general3A_44 = arith.constant dense<0.000000e+00> : vector<1280x128xf32>
    %dot_general3A_45 = tpu.matmul %select_n3A, %get3A_43, %dot_general3A_44 {dimension_numbers = #tpu.dot_dimension_numbers<[1], [0], [0], [1], [0, 0, 1, 1], [], []>, transpose_lhs_hint = false} : vector<1280x128xf32>, vector<128x128xf32>, vector<1280x128xf32> -> vector<1280x128xf32>
    %get3A_46 = arith.constant 0 : index
    %get3A_47 = arith.constant 0 : index
    %get3A_48 = vector.load %arg8[%get3A_46, %get3A_47] : memref<128x16xf32, #tpu.memory_space<vmem>>, vector<128x16xf32>
    %dot_general3A_49 = arith.constant dense<0.000000e+00> : vector<1280x16xf32>
    %dot_general3A_50 = tpu.matmul %dot_general3A_45, %get3A_48, %dot_general3A_49 {dimension_numbers = #tpu.dot_dimension_numbers<[1], [0], [0], [1], [0, 0, 1, 1], [], []>, transpose_lhs_hint = false} : vector<1280x128xf32>, vector<128x16xf32>, vector<1280x16xf32> -> vector<1280x16xf32>
    %concatenate3A = tpu.concatenate %dot_general3A_45, %dot_general3A_50 in 1 : vector<1280x128xf32>, vector<1280x16xf32> -> vector<1280x144xf32>
    %swap3A = arith.constant 0 : index
    %swap3A_51 = arith.constant 0 : index
    %swap3A_52 = vector.load %arg10[%swap3A, %swap3A_51] : memref<1280x144xf32, #tpu.memory_space<vmem>>, vector<1280x144xf32>
    tpu.vector_store %arg10[%swap3A, %swap3A_51], %concatenate3A {strides = array<i32>} : memref<1280x144xf32, #tpu.memory_space<vmem>>, vector<1280x144xf32>,
    %slice3A_53 = vector.extract_strided_slice %dot_general3A_50 {offsets = [0, 0], sizes = [1280, 1], strides = [1, 1]} : vector<1280x16xf32> to vector<1280x1xf32>
    %slice3A_54 = vector.extract_strided_slice %dot_general3A_50 {offsets = [0, 1], sizes = [1280, 1], strides = [1, 1]} : vector<1280x16xf32> to vector<1280x1xf32>
    %add3A_55 = arith.addf %slice3A_53, %slice3A_54 : vector<1280x1xf32>
    %gt3A_56 = arith.constant 0.000000e+00 : f32
    %gt3A_57 = vector.broadcast %gt3A_56 : f32 to vector<1280x1xf32>
    %gt3A_58 = arith.cmpf ogt, %add3A_55, %gt3A_57 : vector<1280x1xf32>
    %mul3A_59 = arith.constant 2.000000e-01 : f32
    %mul3A_60 = vector.broadcast %mul3A_59 : f32 to vector<1280x1xf32>
    %mul3A_61 = arith.mulf %mul3A_60, %add3A_55 : vector<1280x1xf32>
    %select_n3A_62 = arith.select %gt3A_58, %add3A_55, %mul3A_61 : vector<1280x1xi1>, vector<1280x1xf32>
    %exp3A_63 = math.exp %select_n3A_62 : vector<1280x1xf32>
    %broadcast_in_dim3A = arith.constant 0.000000e+00 : f32
    %broadcast_in_dim3A_64 = vector.broadcast %broadcast_in_dim3A : f32 to vector<1280x15xf32>
    %mul3A_65 = vector.broadcast %exp3A_63 : vector<1280x1xf32> to vector<1280x128xf32>
    %mul3A_66 = arith.mulf %dot_general3A_45, %mul3A_65 : vector<1280x128xf32>
    %concatenate3A_67 = tpu.concatenate %mul3A_66, %exp3A_63, %broadcast_in_dim3A_64 in 1 : vector<1280x128xf32>, vector<1280x1xf32>, vector<1280x15xf32> -> vector<1280x144xf32>
    %swap3A_68 = arith.constant 0 : index
    %swap3A_69 = arith.constant 0 : index
    %swap3A_70 = vector.load %arg12[%swap3A_68, %swap3A_69] : memref<1280x144xf32, #tpu.memory_space<vmem>>, vector<1280x144xf32>
    tpu.vector_store %arg12[%swap3A_68, %swap3A_69], %concatenate3A_67 {strides = array<i32>} : memref<1280x144xf32, #tpu.memory_space<vmem>>, vector<1280x144xf32>,
    %slice3A_71 = vector.extract_strided_slice %dot_general3A_50 {offsets = [0, 1], sizes = [1280, 1], strides = [1, 1]} : vector<1280x16xf32> to vector<1280x1xf32>
    %concatenate3A_72 = tpu.concatenate %slice3A_71, %broadcast_in_dim3A_64 in 1 : vector<1280x1xf32>, vector<1280x15xf32> -> vector<1280x16xf32>
    %swap3A_73 = arith.constant 0 : index
    %swap3A_74 = arith.constant 0 : index
    %swap3A_75 = vector.load %arg11[%swap3A_73, %swap3A_74] : memref<1280x16xf32, #tpu.memory_space<vmem>>, vector<1280x16xf32>
    tpu.vector_store %arg11[%swap3A_73, %swap3A_74], %concatenate3A_72 {strides = array<i32>} : memref<1280x16xf32, #tpu.memory_space<vmem>>, vector<1280x16xf32>,
    return
  }
  func.func @transform_0(%arg0: i32) -> (i32, i32, i32) {
    %c0_i32 = arith.constant 0 : i32
    %c0_i32_0 = arith.constant 0 : i32
    %c0_i32_1 = arith.constant 0 : i32
    return %c0_i32, %arg0, %c0_i32_0 : i32, i32, i32
  }
  func.func @transform_1(%arg0: i32) -> (i32, i32) {
    %c0_i32 = arith.constant 0 : i32
    %c0_i32_0 = arith.constant 0 : i32
    %c0_i32_1 = arith.constant 0 : i32
    return %c0_i32, %c0_i32_0 : i32, i32
  }
  func.func @transform_2(%arg0: i32) -> (i32, i32) {
    %c0_i32 = arith.constant 0 : i32
    %c0_i32_0 = arith.constant 0 : i32
    %c0_i32_1 = arith.constant 0 : i32
    return %c0_i32, %c0_i32_0 : i32, i32
  }
  func.func @transform_3(%arg0: i32) -> (i32, i32) {
    %c0_i32 = arith.constant 0 : i32
    %c0_i32_0 = arith.constant 0 : i32
    %c0_i32_1 = arith.constant 0 : i32
    return %c0_i32, %c0_i32_0 : i32, i32
  }
  func.func @transform_4(%arg0: i32) -> (i32, i32) {
    %c0_i32 = arith.constant 0 : i32
    %c0_i32_0 = arith.constant 0 : i32
    %c0_i32_1 = arith.constant 0 : i32
    return %c0_i32, %c0_i32_0 : i32, i32
  }
  func.func @transform_5(%arg0: i32) -> (i32, i32) {
    %c0_i32 = arith.constant 0 : i32
    %c0_i32_0 = arith.constant 0 : i32
    %c0_i32_1 = arith.constant 0 : i32
    return %c0_i32, %c0_i32_0 : i32, i32
  }
  func.func @transform_6(%arg0: i32) -> (i32, i32) {
    %c0_i32 = arith.constant 0 : i32
    %c0_i32_0 = arith.constant 0 : i32
    %c0_i32_1 = arith.constant 0 : i32
    return %c0_i32, %c0_i32_0 : i32, i32
  }
  func.func @transform_7(%arg0: i32) -> (i32, i32) {
    %c0_i32 = arith.constant 0 : i32
    %c0_i32_0 = arith.constant 0 : i32
    %c0_i32_1 = arith.constant 0 : i32
    return %c0_i32, %c0_i32_0 : i32, i32
  }
  func.func @transform_8(%arg0: i32) -> (i32, i32) {
    %c0_i32 = arith.constant 0 : i32
    %c0_i32_0 = arith.constant 0 : i32
    %c0_i32_1 = arith.constant 0 : i32
    return %c0_i32, %c0_i32_0 : i32, i32
  }
  func.func @transform_9(%arg0: i32) -> (i32, i32) {
    %c0_i32 = arith.constant 0 : i32
    %c0_i32_0 = arith.constant 0 : i32
    return %arg0, %c0_i32 : i32, i32
  }
  func.func @transform_10(%arg0: i32) -> (i32, i32) {
    %c0_i32 = arith.constant 0 : i32
    %c0_i32_0 = arith.constant 0 : i32
    return %arg0, %c0_i32 : i32, i32
  }
  func.func @transform_11(%arg0: i32) -> (i32, i32) {
    %c0_i32 = arith.constant 0 : i32
    %c0_i32_0 = arith.constant 0 : i32
    return %arg0, %c0_i32 : i32, i32
  }
}

module attributes {stable_mosaic.version = 14 : i64} {
  func.func @_tc_e_body(%arg0: i32, %arg1: memref<2x2000x144xf32, #tpu.memory_space<vmem>>, %arg2: memref<1x128xf32, #tpu.memory_space<vmem>>, %arg3: memref<2000x1xi32, #tpu.memory_space<vmem>>, %arg4: memref<128x64xf32, #tpu.memory_space<vmem>>, %arg5: memref<1x64xf32, #tpu.memory_space<vmem>>, %arg6: memref<64x10xf32, #tpu.memory_space<vmem>>, %arg7: memref<1x10xf32, #tpu.memory_space<vmem>>, %arg8: memref<64x10xf32, #tpu.memory_space<vmem>>, %arg9: memref<64x128xf32, #tpu.memory_space<vmem>>, %arg10: memref<64x128xf32, #tpu.memory_space<vmem>>) attributes {dimension_semantics = [#tpu.dimension_semantics<arbitrary>], iteration_bounds = array<i64: 5>, scalar_prefetch = 0 : i64, scratch_operands = 2 : i64, tpu.core_type = #tpu.core_type<tc>, window_params = [{transform_indices = @transform_0, window_bounds = array<i64: 2, 2000, 144>}, {pipeline_mode = #tpu.pipeline_mode<synchronous>, transform_indices = @transform_1, window_bounds = array<i64: 1, 128>}, {transform_indices = @transform_2, window_bounds = array<i64: 2000, 1>}, {pipeline_mode = #tpu.pipeline_mode<synchronous>, transform_indices = @transform_3, window_bounds = array<i64: 128, 64>}, {pipeline_mode = #tpu.pipeline_mode<synchronous>, transform_indices = @transform_4, window_bounds = array<i64: 1, 64>}, {pipeline_mode = #tpu.pipeline_mode<synchronous>, transform_indices = @transform_5, window_bounds = array<i64: 64, 10>}, {pipeline_mode = #tpu.pipeline_mode<synchronous>, transform_indices = @transform_6, window_bounds = array<i64: 1, 10>}, {pipeline_mode = #tpu.pipeline_mode<synchronous>, transform_indices = @transform_7, window_bounds = array<i64: 64, 10>}]} {
    %eq3A = arith.constant 0 : i32
    %eq3A_0 = arith.cmpi eq, %arg0, %eq3A : i32
    %convert_element_type3A = arith.extui %eq3A_0 : i1 to i32
    %cond3A = arith.constant 0 : i32
    %cond3A_1 = arith.cmpi ne, %convert_element_type3A, %cond3A : i32
    scf.if %cond3A_1 {
      %broadcast_in_dim3A_44 = arith.constant 0.000000e+00 : f32
      %broadcast_in_dim3A_45 = vector.broadcast %broadcast_in_dim3A_44 : f32 to vector<64x128xf32>
      %swap3A_46 = arith.constant 0 : index
      %swap3A_47 = arith.constant 0 : index
      %swap3A_48 = vector.load %arg9[%swap3A_46, %swap3A_47] : memref<64x128xf32, #tpu.memory_space<vmem>>, vector<64x128xf32>
      tpu.vector_store %arg9[%swap3A_46, %swap3A_47], %broadcast_in_dim3A_45 {strides = array<i32>} : memref<64x128xf32, #tpu.memory_space<vmem>>, vector<64x128xf32>,
      %broadcast_in_dim3A_49 = arith.constant 0.000000e+00 : f32
      %broadcast_in_dim3A_50 = vector.broadcast %broadcast_in_dim3A_49 : f32 to vector<64x128xf32>
      %swap3A_51 = arith.constant 0 : index
      %swap3A_52 = arith.constant 0 : index
      %swap3A_53 = vector.load %arg10[%swap3A_51, %swap3A_52] : memref<64x128xf32, #tpu.memory_space<vmem>>, vector<64x128xf32>
      tpu.vector_store %arg10[%swap3A_51, %swap3A_52], %broadcast_in_dim3A_50 {strides = array<i32>} : memref<64x128xf32, #tpu.memory_space<vmem>>, vector<64x128xf32>,
    } else {
    }
    %get3A = arith.constant 0 : index
    %get3A_2 = arith.constant 0 : index
    %get3A_3 = arith.constant 0 : index
    %get3A_4 = vector.load %arg1[%get3A, %get3A_2, %get3A_3] : memref<2x2000x144xf32, #tpu.memory_space<vmem>>, vector<2x2000x144xf32>
    %slice3A = vector.extract_strided_slice %get3A_4 {offsets = [0, 0, 0], sizes = [1, 2000, 144], strides = [1, 1, 1]} : vector<2x2000x144xf32> to vector<1x2000x144xf32>
    %squeeze3A = vector.shape_cast %slice3A : vector<1x2000x144xf32> to vector<2000x144xf32>
    %slice3A_5 = vector.extract_strided_slice %get3A_4 {offsets = [1, 0, 0], sizes = [1, 2000, 144], strides = [1, 1, 1]} : vector<2x2000x144xf32> to vector<1x2000x144xf32>
    %squeeze3A_6 = vector.shape_cast %slice3A_5 : vector<1x2000x144xf32> to vector<2000x144xf32>
    %add3A = arith.addf %squeeze3A, %squeeze3A_6 : vector<2000x144xf32>
    %slice3A_7 = vector.extract_strided_slice %add3A {offsets = [0, 0], sizes = [2000, 128], strides = [1, 1]} : vector<2000x144xf32> to vector<2000x128xf32>
    %slice3A_8 = vector.extract_strided_slice %add3A {offsets = [0, 128], sizes = [2000, 1], strides = [1, 1]} : vector<2000x144xf32> to vector<2000x1xf32>
    %div3A = vector.broadcast %slice3A_8 : vector<2000x1xf32> to vector<2000x128xf32>
    %div3A_9 = arith.divf %slice3A_7, %div3A : vector<2000x128xf32>
    %get3A_10 = arith.constant 0 : index
    %get3A_11 = arith.constant 0 : index
    %get3A_12 = vector.load %arg2[%get3A_10, %get3A_11] : memref<1x128xf32, #tpu.memory_space<vmem>>, vector<1x128xf32>
    %add3A_13 = vector.broadcast %get3A_12 : vector<1x128xf32> to vector<2000x128xf32>
    %add3A_14 = arith.addf %div3A_9, %add3A_13 : vector<2000x128xf32>
    %get3A_15 = arith.constant 0 : index
    %get3A_16 = arith.constant 0 : index
    %get3A_17 = vector.load %arg3[%get3A_15, %get3A_16] : memref<2000x1xi32, #tpu.memory_space<vmem>>, vector<2000x1xi32>
    %iota3A = tpu.iota {dimensions = array<i32: 1>} : vector<2000x64xi32>
    %eq3A_18 = vector.broadcast %get3A_17 : vector<2000x1xi32> to vector<2000x64xi32>
    %eq3A_19 = arith.cmpi eq, %eq3A_18, %iota3A : vector<2000x64xi32>
    %convert_element_type3A_20 = arith.extui %eq3A_19 : vector<2000x64xi1> to vector<2000x64xi32>
    %convert_element_type3A_21 = arith.sitofp %convert_element_type3A_20 : vector<2000x64xi32> to vector<2000x64xf32>
    %get3A_22 = arith.constant 0 : index
    %get3A_23 = arith.constant 0 : index
    %get3A_24 = vector.load %arg9[%get3A_22, %get3A_23] : memref<64x128xf32, #tpu.memory_space<vmem>>, vector<64x128xf32>
    %dot_general3A = arith.constant dense<0.000000e+00> : vector<64x128xf32>
    %dot_general3A_25 = tpu.matmul %convert_element_type3A_21, %add3A_14, %dot_general3A {dimension_numbers = #tpu.dot_dimension_numbers<[0], [0], [1], [1], [0, 1, 1, 1], [], []>, transpose_lhs_hint = false} : vector<2000x64xf32>, vector<2000x128xf32>, vector<64x128xf32> -> vector<64x128xf32>
    %add3A_26 = arith.addf %get3A_24, %dot_general3A_25 : vector<64x128xf32>
    %swap3A = arith.constant 0 : index
    %swap3A_27 = arith.constant 0 : index
    %swap3A_28 = vector.load %arg9[%swap3A, %swap3A_27] : memref<64x128xf32, #tpu.memory_space<vmem>>, vector<64x128xf32>
    tpu.vector_store %arg9[%swap3A, %swap3A_27], %add3A_26 {strides = array<i32>} : memref<64x128xf32, #tpu.memory_space<vmem>>, vector<64x128xf32>,
    %get3A_29 = arith.constant 0 : index
    %get3A_30 = arith.constant 0 : index
    %get3A_31 = vector.load %arg10[%get3A_29, %get3A_30] : memref<64x128xf32, #tpu.memory_space<vmem>>, vector<64x128xf32>
    %broadcast_in_dim3A = arith.constant 1.000000e+00 : f32
    %broadcast_in_dim3A_32 = vector.broadcast %broadcast_in_dim3A : f32 to vector<2000x128xf32>
    %dot_general3A_33 = arith.constant dense<0.000000e+00> : vector<64x128xf32>
    %dot_general3A_34 = tpu.matmul %convert_element_type3A_21, %broadcast_in_dim3A_32, %dot_general3A_33 {dimension_numbers = #tpu.dot_dimension_numbers<[0], [0], [1], [1], [0, 1, 1, 1], [], []>, transpose_lhs_hint = false} : vector<2000x64xf32>, vector<2000x128xf32>, vector<64x128xf32> -> vector<64x128xf32>
    %add3A_35 = arith.addf %get3A_31, %dot_general3A_34 : vector<64x128xf32>
    %swap3A_36 = arith.constant 0 : index
    %swap3A_37 = arith.constant 0 : index
    %swap3A_38 = vector.load %arg10[%swap3A_36, %swap3A_37] : memref<64x128xf32, #tpu.memory_space<vmem>>, vector<64x128xf32>
    tpu.vector_store %arg10[%swap3A_36, %swap3A_37], %add3A_35 {strides = array<i32>} : memref<64x128xf32, #tpu.memory_space<vmem>>, vector<64x128xf32>,
    %eq3A_39 = arith.constant 4 : i32
    %eq3A_40 = arith.cmpi eq, %arg0, %eq3A_39 : i32
    %convert_element_type3A_41 = arith.extui %eq3A_40 : i1 to i32
    %cond3A_42 = arith.constant 0 : i32
    %cond3A_43 = arith.cmpi ne, %convert_element_type3A_41, %cond3A_42 : i32
    scf.if %cond3A_43 {
      %get3A_44 = arith.constant 0 : index
      %get3A_45 = arith.constant 0 : index
      %get3A_46 = vector.load %arg9[%get3A_44, %get3A_45] : memref<64x128xf32, #tpu.memory_space<vmem>>, vector<64x128xf32>
      %get3A_47 = arith.constant 0 : index
      %get3A_48 = arith.constant 0 : index
      %get3A_49 = vector.load %arg10[%get3A_47, %get3A_48] : memref<64x128xf32, #tpu.memory_space<vmem>>, vector<64x128xf32>
      %max3A = arith.constant 1.000000e+00 : f32
      %max3A_50 = vector.broadcast %max3A : f32 to vector<64x128xf32>
      %max3A_51 = arith.maximumf %get3A_49, %max3A_50 : vector<64x128xf32>
      %div3A_52 = arith.divf %get3A_46, %max3A_51 : vector<64x128xf32>
      %get3A_53 = arith.constant 0 : index
      %get3A_54 = arith.constant 0 : index
      %get3A_55 = vector.load %arg4[%get3A_53, %get3A_54] : memref<128x64xf32, #tpu.memory_space<vmem>>, vector<128x64xf32>
      %dot_general3A_56 = arith.constant dense<0.000000e+00> : vector<64x64xf32>
      %dot_general3A_57 = tpu.matmul %div3A_52, %get3A_55, %dot_general3A_56 {dimension_numbers = #tpu.dot_dimension_numbers<[1], [0], [0], [1], [0, 0, 1, 1], [], []>, transpose_lhs_hint = false} : vector<64x128xf32>, vector<128x64xf32>, vector<64x64xf32> -> vector<64x64xf32>
      %get3A_58 = arith.constant 0 : index
      %get3A_59 = arith.constant 0 : index
      %get3A_60 = vector.load %arg5[%get3A_58, %get3A_59] : memref<1x64xf32, #tpu.memory_space<vmem>>, vector<1x64xf32>
      %add3A_61 = vector.broadcast %get3A_60 : vector<1x64xf32> to vector<64x64xf32>
      %add3A_62 = arith.addf %dot_general3A_57, %add3A_61 : vector<64x64xf32>
      %gt3A = arith.constant 0.000000e+00 : f32
      %gt3A_63 = vector.broadcast %gt3A : f32 to vector<64x64xf32>
      %gt3A_64 = arith.cmpf ogt, %add3A_62, %gt3A_63 : vector<64x64xf32>
      %exp3A = math.exp %add3A_62 : vector<64x64xf32>
      %sub3A = arith.constant 1.000000e+00 : f32
      %sub3A_65 = vector.broadcast %sub3A : f32 to vector<64x64xf32>
      %sub3A_66 = arith.subf %exp3A, %sub3A_65 : vector<64x64xf32>
      %select_n3A = arith.select %gt3A_64, %add3A_62, %sub3A_66 : vector<64x64xi1>, vector<64x64xf32>
      %get3A_67 = arith.constant 0 : index
      %get3A_68 = arith.constant 0 : index
      %get3A_69 = vector.load %arg6[%get3A_67, %get3A_68] : memref<64x10xf32, #tpu.memory_space<vmem>>, vector<64x10xf32>
      %dot_general3A_70 = arith.constant dense<0.000000e+00> : vector<64x10xf32>
      %dot_general3A_71 = tpu.matmul %select_n3A, %get3A_69, %dot_general3A_70 {dimension_numbers = #tpu.dot_dimension_numbers<[1], [0], [0], [1], [0, 0, 1, 1], [], []>, transpose_lhs_hint = false} : vector<64x64xf32>, vector<64x10xf32>, vector<64x10xf32> -> vector<64x10xf32>
      %get3A_72 = arith.constant 0 : index
      %get3A_73 = arith.constant 0 : index
      %get3A_74 = vector.load %arg7[%get3A_72, %get3A_73] : memref<1x10xf32, #tpu.memory_space<vmem>>, vector<1x10xf32>
      %add3A_75 = vector.broadcast %get3A_74 : vector<1x10xf32> to vector<64x10xf32>
      %add3A_76 = arith.addf %dot_general3A_71, %add3A_75 : vector<64x10xf32>
      %swap3A_77 = arith.constant 0 : index
      %swap3A_78 = arith.constant 0 : index
      %swap3A_79 = vector.load %arg8[%swap3A_77, %swap3A_78] : memref<64x10xf32, #tpu.memory_space<vmem>>, vector<64x10xf32>
      tpu.vector_store %arg8[%swap3A_77, %swap3A_78], %add3A_76 {strides = array<i32>} : memref<64x10xf32, #tpu.memory_space<vmem>>, vector<64x10xf32>,
    } else {
    }
    return
  }
  func.func @transform_0(%arg0: i32) -> (i32, i32, i32) {
    %c0_i32 = arith.constant 0 : i32
    %c0_i32_0 = arith.constant 0 : i32
    %c0_i32_1 = arith.constant 0 : i32
    return %c0_i32, %arg0, %c0_i32_0 : i32, i32, i32
  }
  func.func @transform_1(%arg0: i32) -> (i32, i32) {
    %c0_i32 = arith.constant 0 : i32
    %c0_i32_0 = arith.constant 0 : i32
    %c0_i32_1 = arith.constant 0 : i32
    return %c0_i32, %c0_i32_0 : i32, i32
  }
  func.func @transform_2(%arg0: i32) -> (i32, i32) {
    %c0_i32 = arith.constant 0 : i32
    %c0_i32_0 = arith.constant 0 : i32
    return %arg0, %c0_i32 : i32, i32
  }
  func.func @transform_3(%arg0: i32) -> (i32, i32) {
    %c0_i32 = arith.constant 0 : i32
    %c0_i32_0 = arith.constant 0 : i32
    %c0_i32_1 = arith.constant 0 : i32
    return %c0_i32, %c0_i32_0 : i32, i32
  }
  func.func @transform_4(%arg0: i32) -> (i32, i32) {
    %c0_i32 = arith.constant 0 : i32
    %c0_i32_0 = arith.constant 0 : i32
    %c0_i32_1 = arith.constant 0 : i32
    return %c0_i32, %c0_i32_0 : i32, i32
  }
  func.func @transform_5(%arg0: i32) -> (i32, i32) {
    %c0_i32 = arith.constant 0 : i32
    %c0_i32_0 = arith.constant 0 : i32
    %c0_i32_1 = arith.constant 0 : i32
    return %c0_i32, %c0_i32_0 : i32, i32
  }
  func.func @transform_6(%arg0: i32) -> (i32, i32) {
    %c0_i32 = arith.constant 0 : i32
    %c0_i32_0 = arith.constant 0 : i32
    %c0_i32_1 = arith.constant 0 : i32
    return %c0_i32, %c0_i32_0 : i32, i32
  }
  func.func @transform_7(%arg0: i32) -> (i32, i32) {
    %c0_i32 = arith.constant 0 : i32
    %c0_i32_0 = arith.constant 0 : i32
    %c0_i32_1 = arith.constant 0 : i32
    return %c0_i32, %c0_i32_0 : i32, i32
  }
}

</mosaic_0001>

<sc_bundles>
// kernel: kernel.10.cloned.1.call-start
scs
__scs_entry_jumppad:
0x0: {  	(pc) =	sbr.rel $0x88, $3  }
0x1: {  	(tag) =	ssettag $0x0;
	lr =	simm.s32 $0x1  }
0x2: {  	[smem:$0x3F8E] =	sst lr;
	_ =	strace $0xD0000000  }
0x3: {  	_ = 	snop  }
0x4: {  	_ = 	snop  }
0x5: {  	_ = 	snop  }
0x6: {  	_ = 	snop  }
0x7: {  	_ = 	snop  }
__scs_overlays_trampoline_lowered:
0x8: {  	[smem:$0x3F9D] =	sst s0  }
0x9: {  	[smem:$0x3F9E] =	sst s1  }
0xa: {  	[smem:$0x3F9F] =	sst s2  }
0xb: {  	[smem:$0x3FA0] =	sst s3  }
0xc: {  	[smem:$0x3FA1] =	sst s4  }
0xd: {  	[smem:$0x3FA2] =	sst s5  }
0xe: {  	[smem:$0x3FA3] =	sst s6  }
0xf: {  	[smem:$0x3FA4] =	sst s7  }
0x10: {  	[smem:$0x3FA5] =	sst s8  }
0x11: {  	[smem:$0x3FA6] =	sst s9;
	s0 =	simm.s32 @!p0 $0x0  }
0x12: {  	s1 =	sld [smem:$0x3F8C];
	s0 =	simm.s32 @p0 $0x1  }
0x13: {  	[smem:$0x3FA7] =	sst s0;
	s0 =	simm.s32 @!p1 $0x0  }
0x14: {  	s2 =	sld [smem:$0x3F8B];
	s0 =	simm.s32 @p1 $0x1  }
0x15: {  	[smem:$0x3FA8] =	sst s0;
	s0 =	simm.s32 @!p2 $0x0  }
0x16: {  	s3 =	sld [smem:$0x3FDB];
	s0 =	simm.s32 @p2 $0x1  }
0x17: {  	s4 =	simm.s32 $0x1BF5;
	[smem:$0x3FAA] =	sst s0  }
0x18: {  	s0 =	sld [smem:$0x3F8D];
	_ =	swait.ge [sflag:s4], $0x0  }
0x19: {  	s7 =	sld [smem:$0x3F8E]  }
0x1a: {  	s8 =	sadd.s32 $0xFFFFE003, lr  }
0x1b: {  	s9 =	sadd.s32 $0xFFFFFEF7, lr;
	s5 =	simm.s32 $0xFFFFFFFF;
	p2 =	slt.u32 s8, $0xFFFFF086  }
0x1c: {  	p1 =	slt.u32 s9, $0xF7A;
	s5 =	simm.s32 @!p2 $0x0  }
0x1d: {  	s5 =	simm.s32 @p1 $0x1;
	p0 =	seq.s32 s7, s2  }
0x1e: {  	s7 =	smul.u32 @!p0 $0xF7A, s2;
	p2 =	seq.s32 @!p0 s5, $0x0  }
0x1f: {  	s9 =	smul.u32 $0xF7A, s1;
	s8 =	simm.s32 @!p0 $0x1BF5;
	p2 =	por !p2, p0  }
0x20: {  	[sflag:s8] =	ssyncset.s32 @!p0 $0xFFFFF086;
	s6 =	sadd.s32 @!p0 s3, s7;
	s7 =	simm.s32 @!p0 $0x108  }
0x21: {  	s3 =	sadd.s32 s3, s9;
	s6 =	sadd.s32 @!p0 $0x88, s6;
	s7 =	simm.s32 @p2 $0x1082  }
0x22: {  	[simem:s7], [sflag:s8] =	dma.local @!p0 [hbm:s6], $0xF7A  }
0x23: {  	s9 =	sor.u32 $0xD0000000, s2;
	s6 =	simm.s32 $0x108;
	_ =	swait.ge @!p0 [sflag:s8], $0x0  }
0x24: {  	s3 =	sadd.s32 $0x88, s3;
	s6 =	simm.s32 @!p1 $0x1082;
	[sflag:s4] =	ssyncset.s32 $0xFFFFF086  }
0x25: {  	[simem:s6], [sflag:s4] =	dma.local [hbm:s3], $0xF7A  }
0x26: {  	[smem:$0x3F8E] =	sst s1;
	(tag) =	ssettag s2;
	_ =	strace s9  }
0x27: {  	s1 =	sld [smem:$0x3F9E]  }
0x28: {  	s2 =	sld [smem:$0x3F9F]  }
0x29: {  	s4 =	sld [smem:$0x3FA1]  }
0x2a: {  	p0 =	seq.s32 s5, $0x0;
	s5 =	sld [smem:$0x3FA2]  }
0x2b: {  	s6 =	sld [smem:$0x3FA3]  }
0x2c: {  	s7 =	sld [smem:$0x3FA4]  }
0x2d: {  	s3 =	simm.s32 $0x108;
	s8 =	sld [smem:$0x3FA5]  }
0x2e: {  	s3 =	simm.s32 @!p0 $0x1082;
	s9 =	sld [smem:$0x3FA6]  }
0x2f: {  	lr =	sadd.s32 s0, s3;
	s0 =	sld [smem:$0x3F9D]  }
0x30: {  	s3 =	sld [smem:$0x3FA0]  }
0x31: {  	[smem:$0x3FA9] =	sst s10  }
0x32: {  	s10 =	sld [smem:$0x3FA7];
	_ =	sdelay $0x3  }
0x33: {  	p0 =	seq.s32 s10, $0x1;
	s10 =	sld [smem:$0x3FA9];
	_ =	sdelay $0x3  }
0x34: {  	[smem:$0x3FA9] =	sst s10  }
0x35: {  	s10 =	sld [smem:$0x3FA8];
	_ =	sdelay $0x3  }
0x36: {  	p1 =	seq.s32 s10, $0x1;
	s10 =	sld [smem:$0x3FA9];
	_ =	sdelay $0x3  }
0x37: {  	[smem:$0x3FA9] =	sst s10  }
0x38: {  	s10 =	sld [smem:$0x3FAA]  }
0x39: {  	_ = 	snop;
	(pc) =	sbr.ind lr, $3  }
0x3a: {  	_ = 	snop  }
0x3b: {  	_ = 	snop  }
0x3c: {  	p2 =	seq.s32 s10, $0x1;
	s10 =	sld [smem:$0x3FA9]  }
0x3d: {  	_ =	shalt  }
0x3e: {  	_ =	shalt  }
0x3f: {  	_ =	shalt  }
0x40: {  	_ =	shalt  }
0x41: {  	_ =	shalt  }
0x42: {  	_ =	shalt  }
0x43: {  	_ =	shalt  }
0x44: {  	_ =	shalt  }
0x45: {  	_ =	shalt  }
0x46: {  	_ =	shalt  }
0x47: {  	_ =	shalt  }
0x48: {  	_ =	shalt  }
0x49: {  	_ =	shalt  }
0x4a: {  	_ =	shalt  }
0x4b: {  	_ =	shalt  }
0x4c: {  	_ =	shalt  }
0x4d: {  	_ =	shalt  }
0x4e: {  	_ =	shalt  }
0x4f: {  	_ =	shalt  }
0x50: {  	_ =	shalt  }
0x51: {  	_ =	shalt  }
0x52: {  	_ =	shalt  }
0x53: {  	_ =	shalt  }
0x54: {  	_ =	shalt  }
0x55: {  	_ =	shalt  }
0x56: {  	_ =	shalt  }
0x57: {  	_ =	shalt  }
0x58: {  	_ =	shalt  }
0x59: {  	_ =	shalt  }
0x5a: {  	_ =	shalt  }
0x5b: {  	_ =	shalt  }
0x5c: {  	_ =	shalt  }
0x5d: {  	_ =	shalt  }
0x5e: {  	_ =	shalt  }
0x5f: {  	_ =	shalt  }
0x60: {  	_ =	shalt  }
0x61: {  	_ =	shalt  }
0x62: {  	_ =	shalt  }
0x63: {  	_ =	shalt  }
0x64: {  	_ =	shalt  }
0x65: {  	_ =	shalt  }
0x66: {  	_ =	shalt  }
0x67: {  	_ =	shalt  }
0x68: {  	_ =	shalt  }
0x69: {  	_ =	shalt  }
0x6a: {  	_ =	shalt  }
0x6b: {  	_ =	shalt  }
0x6c: {  	_ =	shalt  }
0x6d: {  	_ =	shalt  }
0x6e: {  	_ =	shalt  }
0x6f: {  	_ =	shalt  }
0x70: {  	_ =	shalt  }
0x71: {  	_ =	shalt  }
0x72: {  	_ =	shalt  }
0x73: {  	_ =	shalt  }
0x74: {  	_ =	shalt  }
0x75: {  	_ =	shalt  }
0x76: {  	_ =	shalt  }
0x77: {  	_ =	shalt  }
0x78: {  	_ =	shalt  }
0x79: {  	_ =	shalt  }
0x7a: {  	_ =	shalt  }
0x7b: {  	_ =	shalt  }
0x7c: {  	_ =	shalt  }
0x7d: {  	_ =	shalt  }
0x7e: {  	_ =	shalt  }
0x7f: {  	_ =	shalt  }
0x80: {  	_ =	shalt  }
0x81: {  	_ =	shalt  }
0x82: {  	_ =	shalt  }
0x83: {  	_ =	shalt  }
0x84: {  	_ =	shalt  }
0x85: {  	_ =	shalt  }
0x86: {  	_ =	shalt  }
0x87: {  	_ =	shalt  }
.Lfunc_end0:
.L_simem_size_0:
called_computation.1_lowered:
.L_overlay_start_0:
0x88: {  	s2 =	sld [smem:$0x3FD9]  }
0x89: {  	s3 =	sld [smem:$0x3FFE];
	_ =	sdelay $0x1  }
0x8a: {  	s1 =	srdreg.scid  }
0x8b: {  	s0 =	sand.u32 $0x1, s1  }
0x8c: {  	s16 =	sshll.u32 s0, $0xA;
	s2 =	sadd.s32 s3, s2  }
0x8d: {  	s2 =	sadd.s32 s2, s16  }
0x8e: {  	[smem:$0x3FB5] =	sst s2  }
0x8f: {  	_ = 	snop  }
0x90: {  	(tm) =	ssettm $0x1  }
0x91: {  	s17 =	sld [smem:$0x3FFB];
	_ =	sdelay $0x3  }
0x92: {  	_ =	strace s17  }
0x93: {  	s2 =	sld [smem:$0x3FFC];
	_ =	sdelay $0x3  }
0x94: {  	_ =	strace s2  }
0x95: {  	s2 =	sld [smem:$0x3FFD];
	_ =	sdelay $0x3  }
0x96: {  	_ =	strace s2  }
0x97: {  	_ =	strace $0x8FFFFFFF  }
0x98: {  	s18 =	sld [smem:$0x3FDB];
	_ =	sdelay $0x1  }
0x99: {  	s19 =	simm.s32 $_scs_section_size  }
0x9a: {  	s4 =	simm.s32 $_size__tile_overlayer_lowered;
	s5 =	simm.s32 $_tile_overlayer_lowered  }
0x9b: {  	s22 =	simm.s32 $0x1BFF;
	s21 =	sshll.u32 s5, $0x1;
	s2 =	sadd.s32 s19, s18  }
0x9c: {  	s6 =	simm.s32 $0x0;
	s20 =	sshll.u32 s4, $0x1;
	s4 =	sadd.s32 s21, s2  }
0x9d: {  	[timem:s6], [sflag:s22] =	dma.local [hbm:s4], s20  }
0x9e: {  	_ =	swait.ge [sflag:s22], s20  }
0x9f: {  	s3 =	ssub.s32 $0x0, s20;
	[sflag:s22] =	ssyncset.done $0x0  }
0xa0: {  	[sflag:s22] =	ssyncadd.s32 s3;
	_ =	sdelay $0x1  }
0xa1: {  	s23 =	simm.s32 $0x1B8B  }
0xa2: {  	_ =	swait.ge [sflag:s23], $0x1  }
0xa3: {  	[sflag:s23] =	ssyncset.done $0x0  }
0xa4: {  	s25 =	simm.s32 $0x1B8E;
	s24 =	sld [smem:$0x3FFE];
	[sflag:s23] =	ssyncadd.s32 $0xFFFFFFFF  }
0xa5: {  	s26 =	simm.s32 $execute0_lowered;
	[smem:$0x3FD2] =	sst s25  }
0xa6: {  	s4 =	sshll.u32 s26, $0x1;
	_ =	strace $0x80000049;
	[dreg:$0x1] =	wrdreg $0xFFFFFFFF  }
0xa7: {  	s28 =	simm.s32 $_size_execute0_lowered;
	s2 =	sadd.s32 s2, s4;
	[dreg:$0x0] =	wrdreg $0x0  }
0xa8: {  	s4 =	sshll.u32 s28, $0x1;
	[dreg:$0x2] =	wrdreg s2  }
0xa9: {  	[dreg:$0x3] =	wrdreg s4  }
0xaa: {  	[dreg:$0x4] =	wrdreg $0xC0  }
0xab: {  	_ =	task [dreg:s6], $0x5FFFF  }
0xac: {  	[dreg:$0x1] =	wrdreg $0xFFFFFFFF  }
0xad: {  	[dreg:$0x0] =	wrdreg $0x60  }
0xae: {  	[dreg:$0x2] =	wrdreg s24  }
0xaf: {  	[dreg:$0x3] =	wrdreg $0x5FF00  }
0xb0: {  	[dreg:$0x4] =	wrdreg $0x9  }
0xb1: {  	_ =	task.clear_ibuf [dreg:s6], $0x5FFFF;
	_ =	strace $0x90000049  }
0xb2: {  	s29 =	simm.s32 $0x9;
	_ =	strace $0x8000004B  }
0xb3: {  	_ =	swait.ge [sflag:s29], $0x1  }
0xb4: {  	[sflag:s29] =	ssyncadd.s32 $0xFFFFFFFF  }
0xb5: {  	_ =	strace $0x9000004B  }
0xb6: {  	_ =	sfence  }
0xb7: {  	s30 =	sld [smem:$0x0];
	_ =	sdelay $0x2  }
0xb8: {  	s31 =	sshll.u32 s1, $0xD;
	s1 =	sshrl.u32 s1, $0x2  }
0xb9: {  	s3 =	sand.u32 $0x4000, s31;
	s1 =	sadd.s32 s1, s30  }
0xba: {  	s0 =	sor.u32 s3, s0;
	s1 =	sshll.u32 s1, $0x11  }
0xbb: {  	s0 =	sor.u32 s1, s0  }
0xbc: {  	s0 =	sadd.s32 $0x8F2B, s0  }
0xbd: {  	[sflag:s0] =	ssyncadd.remote.s32 $0x1  }
0xbe: {  	_ =	sfence.sel $0xFFFF  }
0xbf: {  	[dreg:$0x0] =	wrdreg $0xFFFFFFFF;
	(pc) =	sbr.abs _section_cstart, $3  }
0xc0: {  	[dreg:$0x1] =	wrdreg $0xFFFFFFFF  }
0xc1: {  	_ =	task.clear_ibuf [dreg:s6], $0x2FFFF;
	_ =	strace $0x9FFFFFFF  }
0xc2: {  	(tm) =	ssettm $0x7FFFFFFF  }
0xc3: {  	_ =	shalt  }
tec
execute0_lowered:
.L_overlay_start_1:
0x0: {  	(tag) =	ssettag $0x1  }
0x1: {  	s0 =	rddreg [dreg:$0x0]  }
0x2: {  	s1 =	rddreg [dreg:$0x1];
	s3 =	simm.s32 $0x0;
	s14 =	stileid.u32  }
0x3: {  	s8 =	srdreg.scid;
	[smem:$0x7FF] =	sst s3  }
0x4: {  	s4 =	sadd.s32 $0x3E600, s0;
	s5 =	sadd.s32 $0x34800, s0;
	s2 =	smul.u32 $0x16800, s14  }
0x5: {  	s6 =	sadd.s32 $0x48400, s0;
	s7 =	sadd.s32 $0x2F800, s0;
	s8 =	sand.u32 $0x1, s8  }
0x6: {  	s11 =	sshll.u32 s14, $0x1;
	s26 =	smul.u32 $0x5A000, s14;
	_ =	strace $0x8000004A  }
0x7: {  	s10 =	smul.u32 $0x2D000, s8;
	s13 =	ssub.s32 $0x2, s8;
	s11 =	sor.u32 s8, s11  }
0x8: {  	p0 =	seq.s32 s8, $0x1;
	s9 =	sshrl.u32 s2, $0x3;
	s21 =	sshrl.u32 s13, $0x1  }
0x9: {  	s11 =	smul.u32 $0x2710, s11;
	s2 =	sadd.s32 s2, s1;
	s12 =	sadd.s32 s9, s0  }
0xa: {  	s0 =	sadd.s32 s10, s0;
	[dreg:$0x3] =	wrdreg s2;
	s22 =	sadd.s32 $0x2800, s12  }
0xb: {  	s13 =	ssub.s32 s13, s21;
	s8 =	sadd.s32 $0x78, s11;
	[dreg:$0x4] =	wrdreg s22  }
0xc: {  	s23 =	sshrl.u32 s11, $0x3;
	s12 =	smax.u32 s13, $0x1;
	[dreg:$0x1b] =	wrdreg s8  }
0xd: {  	s10 =	sadd.s32 $0x28, s11;
	s24 =	sadd.s32 s4, s23;
	[dreg:$0x9] =	wrdreg s12  }
0xe: {  	s0 =	sadd.s32 $0x75400, s0;
	s2 =	sadd.s32 s5, s23;
	[dreg:$0x5] =	wrdreg s24  }
0xf: {  	s25 =	sshrl.u32 s10, $0x3;
	s0 =	sadd.s32 s9, s0;
	[dreg:$0x6] =	wrdreg s2  }
0x10: {  	s15 =	sadd.s32 $0x50, s11;
	s29 =	sadd.s32 s4, s25;
	[dreg:$0x10] =	wrdreg s0  }
0x11: {  	s11 =	sshrl.u32 s26, $0x2;
	s31 =	sadd.s32 s5, s25;
	[dreg:$0x7] =	wrdreg s29  }
0x12: {  	s2 =	sadd.s32 s11, s1;
	[dreg:$0x8] =	wrdreg s31  }
0x13: {  	s13 =	sadd.s32 $0x1680, s2;
	[dreg:$0xa] =	wrdreg s2  }
0x14: {  	s14 =	sadd.s32 $0x2D00, s2;
	[dreg:$0xb] =	wrdreg s13  }
0x15: {  	s16 =	sadd.s32 $0x4380, s2;
	[dreg:$0xc] =	wrdreg s14  }
0x16: {  	s17 =	sadd.s32 $0x5A00, s2;
	[dreg:$0xd] =	wrdreg s16  }
0x17: {  	s18 =	sadd.s32 $0x7080, s2;
	[dreg:$0xe] =	wrdreg s17  }
0x18: {  	s19 =	sadd.s32 $0x8700, s2;
	[dreg:$0xf] =	wrdreg s18  }
0x19: {  	s20 =	sadd.s32 $0x9D80, s2;
	[dreg:$0x11] =	wrdreg s19  }
0x1a: {  	s21 =	sadd.s32 $0xB400, s2;
	[dreg:$0x12] =	wrdreg s20  }
0x1b: {  	s22 =	sadd.s32 $0xCA80, s2;
	[dreg:$0x13] =	wrdreg s21  }
0x1c: {  	s23 =	sadd.s32 $0xE100, s2;
	[dreg:$0x14] =	wrdreg s22  }
0x1d: {  	s28 =	simm.s32 $0xA0;
	s24 =	sadd.s32 $0xF780, s2;
	[dreg:$0x15] =	wrdreg s23  }
0x1e: {  	s30 =	simm.s32 $0x8;
	s25 =	sadd.s32 $0x10E00, s2;
	[dreg:$0x16] =	wrdreg s24  }
0x1f: {  	s9 =	simm.s32 $0x1;
	s26 =	sadd.s32 $0x12480, s2;
	[dreg:$0x17] =	wrdreg s25  }
0x20: {  	s8 =	simm.s32 $0x0;
	s29 =	sadd.s32 $0x13B00, s2;
	[dreg:$0x18] =	wrdreg s26  }
.Ltmp0:
0x21: {  	s31 =	sadd.s32 $0x15180, s2;
	[dreg:$0x19] =	wrdreg s29;
	(pc) =	sbr.rel .LBB2_1-.Ltmp0, $4  }
0x22: {  	s11 =	simm.s32 $0x5;
	s2 =	simm.s32 $0x9;
	[dreg:$0x1a] =	wrdreg s31  }
0x23: {  	s16 =	simm.s32 $0x32F0;
	s14 =	simm.s32 $0xB;
	s25 =	simm.s32 $0x28  }
0x24: {  	s26 =	simm.s32 $0x78;
	s19 =	simm.s32 $0x3;
	s20 =	simm.s32 $0xC8  }
0x25: {  	v0 =	vimm.f32 $0.0e+00;
	v1 =	vimm.s32 $0x0;
	s18 =	simm.s32 $0x2;
	s23 =	simm.s32 $0x4;
	s13 =	simm.s32 $0xA  }
.LBB2_16:
0x26: {  	s0 =	simm.s32 $0x6  }
0x27: {  	_ =	swait.ge [sflag:s0], $0x1680  }
0x28: {  	[sflag:s0] =	ssyncset.done $0x0  }
0x29: {  	[sflag:s0] =	ssyncadd.s32 $0xFFFFE980  }
0x2a: {  	s24 =	stileid.u32;
	[bflag:$0x0] =	sbarrier.arrive $0xFFFF  }
0x2b: {  	s14 =	simm.s32 $0xB;
	s0 =	sshll.u32 s24, $0x6;
	s8 =	rddreg [dreg:$0x3]  }
0x2c: {  	s0 =	sor.u32 $0x1C0B, s0;
	s12 =	rddreg [dreg:$0x10];
	s8 =	sshrl.u32 s8, $0x3  }
0x2d: {  	[hbm:s12], [sflag:s0] =	dma.local [spmem:s8], $0x2D00  }
0x2e: {  	_ =	swait.ge [sflag:s14], $0x2D00  }
0x2f: {  	s29 =	rddreg [dreg:$0x1c]  }
0x30: {  	s31 =	rddreg [dreg:$0x9];
	s8 =	sadd.s32 $0x1, s29  }
0x31: {  	p1 =	sne.s32 s8, s31  }
.Ltmp1:
0x32: {  	_ = 	snop;
	(pc) =	sbr.rel @!p1 .LBB2_17-.Ltmp1, $3  }
0x33: {  	_ =	sdelay $0x1  }
0x34: {  	[sflag:s14] =	ssyncset.done $0x0  }
0x35: {  	[sflag:s14] =	ssyncadd.s32 $0xFFFFD300  }
.LBB2_1:
.Ltmp2:
0x36: {  	(pc) =	sbr.rel @!p0 .LBB2_2-.Ltmp2, $2  }
0x37: {  	_ =	sdelay $0x2  }
0x38: {  	[dreg:$0x1c] =	wrdreg s8  }
0x39: {  	s0 =	sshra.s32 s3, $0x2;
	s8 =	sadd.s32 $0x240, s3  }
.LBB2_4:
0x3a: {  	p1 =	seq.s32 s8, $0x57C0;
	[tilespmem:s0+$0x3370] =	vst v0  }
0x3b: {  	[tilespmem:s0+$0x32F0] =	vst v0  }
0x3c: {  	[tilespmem:s0+$0x3300] =	vst v0  }
0x3d: {  	[tilespmem:s0+$0x3310] =	vst v0  }
.Ltmp3:
0x3e: {  	[tilespmem:s0+$0x3320] =	vst v0;
	(pc) =	sbr.rel @!p1 .LBB2_4-.Ltmp3, $4  }
0x3f: {  	[tilespmem:s0+$0x3330] =	vst v0  }
0x40: {  	[tilespmem:s0+$0x3340] =	vst v0  }
0x41: {  	[tilespmem:s0+$0x3350] =	vst v0  }
0x42: {  	[tilespmem:s0+$0x3360] =	vst v0;
	s0 =	sshra.s32 s8, $0x2;
	s8 =	sadd.s32 $0x240, s8  }
0x43: {  	[tilespmem:s0+$0x3370] =	vst v0  }
0x44: {  	[tilespmem:s0+$0x32F0] =	vst v0  }
0x45: {  	[tilespmem:s0+$0x3300] =	vst v0  }
0x46: {  	[tilespmem:s0+$0x3310] =	vst v0  }
0x47: {  	[tilespmem:s0+$0x3320] =	vst v0  }
0x48: {  	[tilespmem:s0+$0x3330] =	vst v0  }
0x49: {  	[tilespmem:s0+$0x3340] =	vst v0  }
0x4a: {  	[tilespmem:s0+$0x3350] =	vst v0  }
0x4b: {  	[tilespmem:s0+$0x3360] =	vst v0;
	s12 =	rddreg [dreg:$0xa];
	s8 =	simm.s32 $0x32F0  }
0x4c: {  	[spmem:s12] =	stream.linear.scatter [tilespmem:s8], [sflag:$0xB], $0x1680, $0x38;
	[tilespmem:$0x1C7F0] =	vst v63  }
0x4d: {  	_ =	swait.ge [sflag:s14], $0x1680  }
0x4e: {  	[sflag:s14] =	ssyncset.done $0x0  }
0x4f: {  	s16 =	rddreg [dreg:$0xb];
	[sflag:s14] =	ssyncadd.s32 $0xFFFFE980  }
0x50: {  	[spmem:s16] =	stream.linear.scatter [tilespmem:s8], [sflag:$0xB], $0x1680, $0x38;
	[tilespmem:$0x1C7F0] =	vst v63  }
0x51: {  	_ =	swait.ge [sflag:s14], $0x1680  }
0x52: {  	[sflag:s14] =	ssyncset.done $0x0  }
0x53: {  	s17 =	rddreg [dreg:$0xc];
	[sflag:s14] =	ssyncadd.s32 $0xFFFFE980  }
0x54: {  	[spmem:s17] =	stream.linear.scatter [tilespmem:s8], [sflag:$0xB], $0x1680, $0x38;
	[tilespmem:$0x1C7F0] =	vst v63  }
0x55: {  	_ =	swait.ge [sflag:s14], $0x1680  }
0x56: {  	[sflag:s14] =	ssyncset.done $0x0  }
0x57: {  	s21 =	rddreg [dreg:$0xd];
	[sflag:s14] =	ssyncadd.s32 $0xFFFFE980  }
0x58: {  	[spmem:s21] =	stream.linear.scatter [tilespmem:s8], [sflag:$0xB], $0x1680, $0x38;
	[tilespmem:$0x1C7F0] =	vst v63  }
0x59: {  	_ =	swait.ge [sflag:s14], $0x1680  }
0x5a: {  	[sflag:s14] =	ssyncset.done $0x0  }
0x5b: {  	s22 =	rddreg [dreg:$0xe];
	[sflag:s14] =	ssyncadd.s32 $0xFFFFE980  }
0x5c: {  	[spmem:s22] =	stream.linear.scatter [tilespmem:s8], [sflag:$0xB], $0x1680, $0x38;
	[tilespmem:$0x1C7F0] =	vst v63  }
0x5d: {  	_ =	swait.ge [sflag:s14], $0x1680  }
0x5e: {  	[sflag:s14] =	ssyncset.done $0x0  }
0x5f: {  	s24 =	rddreg [dreg:$0xf];
	[sflag:s14] =	ssyncadd.s32 $0xFFFFE980  }
0x60: {  	[spmem:s24] =	stream.linear.scatter [tilespmem:s8], [sflag:$0xB], $0x1680, $0x38;
	[tilespmem:$0x1C7F0] =	vst v63  }
0x61: {  	_ =	swait.ge [sflag:s14], $0x1680  }
0x62: {  	[sflag:s14] =	ssyncset.done $0x0  }
0x63: {  	s29 =	rddreg [dreg:$0x11];
	[sflag:s14] =	ssyncadd.s32 $0xFFFFE980  }
0x64: {  	[spmem:s29] =	stream.linear.scatter [tilespmem:s8], [sflag:$0xB], $0x1680, $0x38;
	[tilespmem:$0x1C7F0] =	vst v63  }
0x65: {  	_ =	swait.ge [sflag:s14], $0x1680  }
0x66: {  	[sflag:s14] =	ssyncset.done $0x0  }
0x67: {  	s31 =	rddreg [dreg:$0x12];
	[sflag:s14] =	ssyncadd.s32 $0xFFFFE980  }
0x68: {  	[spmem:s31] =	stream.linear.scatter [tilespmem:s8], [sflag:$0xB], $0x1680, $0x38;
	[tilespmem:$0x1C7F0] =	vst v63  }
0x69: {  	_ =	swait.ge [sflag:s14], $0x1680  }
0x6a: {  	[sflag:s14] =	ssyncset.done $0x0  }
0x6b: {  	s12 =	rddreg [dreg:$0x13];
	[sflag:s14] =	ssyncadd.s32 $0xFFFFE980  }
0x6c: {  	[spmem:s12] =	stream.linear.scatter [tilespmem:s8], [sflag:$0xB], $0x1680, $0x38;
	[tilespmem:$0x1C7F0] =	vst v63  }
0x6d: {  	_ =	swait.ge [sflag:s14], $0x1680  }
0x6e: {  	[sflag:s14] =	ssyncset.done $0x0  }
0x6f: {  	s16 =	rddreg [dreg:$0x14];
	[sflag:s14] =	ssyncadd.s32 $0xFFFFE980  }
0x70: {  	[spmem:s16] =	stream.linear.scatter [tilespmem:s8], [sflag:$0xB], $0x1680, $0x38;
	[tilespmem:$0x1C7F0] =	vst v63  }
0x71: {  	_ =	swait.ge [sflag:s14], $0x1680  }
0x72: {  	[sflag:s14] =	ssyncset.done $0x0  }
0x73: {  	s17 =	rddreg [dreg:$0x15];
	[sflag:s14] =	ssyncadd.s32 $0xFFFFE980  }
0x74: {  	[spmem:s17] =	stream.linear.scatter [tilespmem:s8], [sflag:$0xB], $0x1680, $0x38;
	[tilespmem:$0x1C7F0] =	vst v63  }
0x75: {  	_ =	swait.ge [sflag:s14], $0x1680  }
0x76: {  	[sflag:s14] =	ssyncset.done $0x0  }
0x77: {  	s21 =	rddreg [dreg:$0x16];
	[sflag:s14] =	ssyncadd.s32 $0xFFFFE980  }
0x78: {  	[spmem:s21] =	stream.linear.scatter [tilespmem:s8], [sflag:$0xB], $0x1680, $0x38;
	[tilespmem:$0x1C7F0] =	vst v63  }
0x79: {  	_ =	swait.ge [sflag:s14], $0x1680  }
0x7a: {  	[sflag:s14] =	ssyncset.done $0x0  }
0x7b: {  	s22 =	rddreg [dreg:$0x17];
	[sflag:s14] =	ssyncadd.s32 $0xFFFFE980  }
0x7c: {  	[spmem:s22] =	stream.linear.scatter [tilespmem:s8], [sflag:$0xB], $0x1680, $0x38;
	[tilespmem:$0x1C7F0] =	vst v63  }
0x7d: {  	_ =	swait.ge [sflag:s14], $0x1680  }
0x7e: {  	[sflag:s14] =	ssyncset.done $0x0  }
0x7f: {  	s24 =	rddreg [dreg:$0x18];
	[sflag:s14] =	ssyncadd.s32 $0xFFFFE980  }
0x80: {  	[spmem:s24] =	stream.linear.scatter [tilespmem:s8], [sflag:$0xB], $0x1680, $0x38;
	[tilespmem:$0x1C7F0] =	vst v63  }
0x81: {  	_ =	swait.ge [sflag:s14], $0x1680  }
0x82: {  	[sflag:s14] =	ssyncset.done $0x0  }
0x83: {  	s29 =	rddreg [dreg:$0x19];
	[sflag:s14] =	ssyncadd.s32 $0xFFFFE980  }
0x84: {  	[spmem:s29] =	stream.linear.scatter [tilespmem:s8], [sflag:$0xB], $0x1680, $0x38;
	[tilespmem:$0x1C7F0] =	vst v63  }
0x85: {  	_ =	swait.ge [sflag:s14], $0x1680  }
0x86: {  	[sflag:s14] =	ssyncset.done $0x0  }
.Ltmp4:
0x87: {  	s31 =	rddreg [dreg:$0x1a];
	[sflag:s14] =	ssyncadd.s32 $0xFFFFE980;
	(pc) =	sbr.rel .LBB2_6-.Ltmp4, $4  }
0x88: {  	[spmem:s31] =	stream.linear.scatter [tilespmem:s8], [sflag:$0xB], $0x1680, $0x38;
	[tilespmem:$0x1C7F0] =	vst v63  }
0x89: {  	_ =	swait.ge [sflag:s14], $0x1680  }
0x8a: {  	[sflag:s14] =	ssyncset.done $0x0  }
0x8b: {  	s16 =	simm.s32 $0x32F0;
	[sflag:s14] =	ssyncadd.s32 $0xFFFFE980  }
.LBB2_2:
0x8c: {  	s0 =	stileid.u32  }
0x8d: {  	s8 =	rddreg [dreg:$0x3];
	s0 =	sshll.u32 s0, $0x6  }
0x8e: {  	s12 =	rddreg [dreg:$0x4];
	s8 =	sshrl.u32 s8, $0x3;
	s0 =	sor.u32 $0x1C0B, s0  }
0x8f: {  	[spmem:s8], [sflag:s0] =	dma.local [hbm:s12], $0x2D00  }
0x90: {  	_ =	swait.ge [sflag:s14], $0x2D00  }
0x91: {  	[sflag:s14] =	ssyncset.done $0x0  }
0x92: {  	[sflag:s14] =	ssyncadd.s32 $0xFFFFD300  }
.LBB2_6:
0x93: {  	[bflag:$0x0] =	sbarrier.arrive $0xFFFF  }
0x94: {  	s8 =	simm.s32 $0x0;
	s0 =	rddreg [dreg:$0x5]  }
0x95: {  	[tilespmem:s8], [sflag:$0x7] =	stream.linear.gather [hbm4b:s0+s8], $0x28, $0x38;
	[tilespmem:$0x1C7F0] =	vst v63  }
0x96: {  	s14 =	simm.s32 $0x50;
	s21 =	rddreg [dreg:$0x6]  }
0x97: {  	[tilespmem:s14], [sflag:$0x7] =	stream.linear.gather [hbm4b:s21+s8], $0x28, $0x38;
	[tilespmem:$0x1C7F0] =	vst v63  }
0x98: {  	s12 =	rddreg [dreg:$0x7]  }
0x99: {  	[tilespmem:s25], [sflag:$0x8] =	stream.linear.gather [hbm4b:s12+s8], $0x28, $0x38;
	[tilespmem:$0x1C7F0] =	vst v63  }
0x9a: {  	s22 =	rddreg [dreg:$0x8]  }
0x9b: {  	[tilespmem:s26], [sflag:$0x8] =	stream.linear.gather [hbm4b:s22+s8], $0x28, $0x38;
	[tilespmem:$0x1C7F0] =	vst v63  }
0x9c: {  	s24 =	simm.s32 $0x7  }
0x9d: {  	[tilespmem:s28], [sflag:$0x9] =	stream.linear.gather [hbm4b:s21+s8], $0x28, $0x38;
	[tilespmem:$0x1C7F0] =	vst v63  }
0x9e: {  	_ =	swait.ge [sflag:s24], $0x28  }
0x9f: {  	[sflag:s24] =	ssyncset.done $0x0  }
0xa0: {  	[sflag:s24] =	ssyncadd.s32 $0xFFFFFFD8  }
0xa1: {  	_ =	swait.ge [sflag:s24], $0x28  }
.Ltmp5:
0xa2: {  	[sflag:s24] =	ssyncset.done $0x0;
	(pc) =	sbr.rel .LBB2_7-.Ltmp5, $4  }
0xa3: {  	s29 =	simm.s32 $0xF0;
	[sflag:s24] =	ssyncadd.s32 $0xFFFFFFD8  }
0xa4: {  	[tilespmem:s29], [sflag:$0x1] =	stream.indirect.gather [hbm4b:s6+s25], $0x90, s8, s25, $0xb8;
	[tilespmem:$0x1C7F0] =	vst v63  }
0xa5: {  	s31 =	simm.s32 $0x2DF0  }
0xa6: {  	[tilespmem:s31], [sflag:$0x3] =	stream.indirect.gather [hbm4b:s7+s25], $0x10, s14, s25, $0xb8;
	[tilespmem:$0x1C7F0] =	vst v63  }
.LBB2_12:
0xa7: {  	s0 =	sadd.s32 s17, s15  }
0xa8: {  	s0 =	sshrl.u32 s0, $0x3  }
0xa9: {  	s0 =	sadd.s32 s5, s0  }
0xaa: {  	[tilespmem:s28], [sflag:$0x9] =	stream.linear.gather [hbm4b:s0+s3], $0x28, $0x38;
	[tilespmem:$0x1C7F0] =	vst v63  }
.LBB2_14:
0xab: {  	s0 =	rddreg [dreg:$0x1b]  }
0xac: {  	s0 =	sadd.s32 s17, s0  }
0xad: {  	s0 =	sshrl.u32 s0, $0x3  }
0xae: {  	s12 =	sadd.s32 s4, s0  }
0xaf: {  	[tilespmem:s25], [sflag:$0x8] =	stream.linear.gather [hbm4b:s12+s3], $0x28, $0x38;
	[tilespmem:$0x1C7F0] =	vst v63  }
0xb0: {  	s0 =	sadd.s32 s5, s0  }
0xb1: {  	[tilespmem:s26], [sflag:$0x8] =	stream.linear.gather [hbm4b:s0+s3], $0x28, $0x38;
	[tilespmem:$0x1C7F0] =	vst v63  }
.LBB2_15:
0xb2: {  	s8 =	sadd.s32 $0x1, s8  }
0xb3: {  	p1 =	sne.s32 s8, $0x7D  }
.Ltmp6:
0xb4: {  	_ = 	snop;
	(pc) =	sbr.rel @!p1 .LBB2_16-.Ltmp6, $4  }
0xb5: {  	_ =	swait.ge [sflag:s13], $0x28  }
0xb6: {  	[sflag:s13] =	ssyncset.done $0x0  }
0xb7: {  	s0 =	simm.s32 $0x4970;
	[sflag:s13] =	ssyncadd.s32 $0xFFFFFFD8  }
0xb8: {  	[spmem:s1] =	stream.indirect.scatter.add.f32 [tilespmem:s0], [sflag:$0x6], $0x90, s20, s25, $0xb8;
	[tilespmem:$0x1C7F0] =	vst v63  }
.LBB2_7:
0xb9: {  	_ =	swait.ge [sflag:s30], $0x28  }
0xba: {  	[sflag:s30] =	ssyncset.done $0x0  }
0xbb: {  	[sflag:s30] =	ssyncadd.s32 $0xFFFFFFD8  }
0xbc: {  	_ =	swait.ge [sflag:s30], $0x28  }
0xbd: {  	[sflag:s30] =	ssyncset.done $0x0  }
0xbe: {  	s0 =	simm.s32 $0x1770;
	[sflag:s30] =	ssyncadd.s32 $0xFFFFFFD8  }
0xbf: {  	[tilespmem:s0], [sflag:$0x2] =	stream.indirect.gather [hbm4b:s6+s25], $0x90, s25, s25, $0xb8;
	[tilespmem:$0x1C7F0] =	vst v63  }
0xc0: {  	s17 =	simm.s32 $0x3070  }
0xc1: {  	[tilespmem:s17], [sflag:$0x4] =	stream.indirect.gather [hbm4b:s7+s25], $0x10, s26, s25, $0xb8;
	[tilespmem:$0x1C7F0] =	vst v63  }
0xc2: {  	_ =	swait.ge [sflag:s9], $0x1680  }
0xc3: {  	[sflag:s9] =	ssyncset.done $0x0  }
0xc4: {  	[sflag:s9] =	ssyncadd.s32 $0xFFFFE980  }
0xc5: {  	_ =	swait.ge [sflag:s19], $0x280  }
0xc6: {  	[sflag:s19] =	ssyncset.done $0x0  }
0xc7: {  	s21 =	simm.s32 $0x330;
	[sflag:s19] =	ssyncadd.s32 $0xFFFFFD80  }
0xc8: {  	s12 =	simm.s32 $0x2E30;
	v2 =	vld [tilespmem:s21+$0x230]  }
0xc9: {  	v3 =	vld [tilespmem:s12+$0x30]  }
0xca: {  	v4 =	vld [tilespmem:s12+$0xFFFFFFC0]  }
0xcb: {  	v5 =	vld [tilespmem:s21+$0xFFFFFED0]  }
0xcc: {  	v6 =	vld [tilespmem:s12+$0xFFFFFFD0]  }
0xcd: {  	v7 =	vld [tilespmem:s21+$0xFFFFFF60]  }
0xce: {  	v8 =	vld [tilespmem:s12+$0xFFFFFFE0]  }
0xcf: {  	v9 =	vld [tilespmem:s12+$0xFFFFFFF0]  }
0xd0: {  	v11 =	vld [tilespmem:s21+$0x80]  }
0xd1: {  	s14 =	simm.s32 $0x2EB0;
	v12 =	vld [tilespmem:s12+$0x0];
	v2 =	vadd.f32 v3, v2  }
0xd2: {  	v19 =	vld [tilespmem:s14+$0x30]  }
0xd3: {  	v20 =	vld [tilespmem:s14+$0xFFFFFFC0];
	v5 =	vadd.f32 v6, v5;
	v10 =	vmul.f32 $2.000000030e-01, v2  }
0xd4: {  	v3 =	vld [tilespmem:s21+$0xFFFFFFF0];
	vm0 =	vgt.f32 v2, $0.0e+00  }
0xd5: {  	v6 =	vld [tilespmem:s21+$0x110];
	v13 =	vmul.f32 $2.000000030e-01, v5;
	v2 =	vsel vm0, v2, v10  }
0xd6: {  	vm6 =	vgt.f32 v5, $0.0e+00;
	v10 =	vld [tilespmem:s12+$0x10];
	v2 =	vmul.f32 $1.442695020e+00, v2  }
0xd7: {  	v5 =	vsel vm6, v5, v13;
	v13 =	vld [tilespmem:s21+$0xFFFFFE40]  }
0xd8: {  	v22 =	vld [tilespmem:s14+$0xFFFFFFD0];
	v7 =	vadd.f32 v8, v7;
	v11 =	vadd.f32 v12, v11;
	(erf) = vpow2.f32 v2  }
0xd9: {  	v8 =	vld [tilespmem:s21+$0x1A0];
	v5 =	vmul.f32 $1.442695020e+00, v5;
	v2 =	vadd.f32 v9, v3  }
0xda: {  	vm7 =	vgt.f32 v7, $0.0e+00;
	vm8 =	vgt.f32 v11, $0.0e+00;
	v3 =	vld [tilespmem:s12+$0x20];
	v9 =	vmul.f32 $2.000000030e-01, v7  }
0xdb: {  	v24 =	vld [tilespmem:s14+$0xFFFFFFE0];
	(erf) = vpow2.f32 v5;
	vm1 =	vgt.f32 v2, $0.0e+00;
	v14 =	vmul.f32 $2.000000030e-01, v2  }
0xdc: {  	s24 =	simm.s32 $0xC30;
	v25 =	vld [tilespmem:s14+$0xFFFFFFF0];
	v7 =	vsel vm7, v7, v9;
	v6 =	vadd.f32 v10, v6;
	v4 =	vadd.f32 v4, v13  }
0xdd: {  	s31 =	simm.s32 $0x2F30;
	v61 =	vld [tilespmem:s24+$0x230];
	v9 =	vmul.f32 $2.000000030e-01, v11;
	v7 =	vmul.f32 $1.442695020e+00, v7;
	v2 =	vsel vm1, v2, v14  }
0xde: {  	v62 =	vld [tilespmem:s31+$0x30];
	v5 =	vmul.f32 $2.000000030e-01, v6;
	vm9 =	vgt.f32 v6, $0.0e+00;
	vm11 =	vgt.f32 v4, $0.0e+00  }
0xdf: {  	v37 =	vld [tilespmem:s24+$0xFFFFFED0];
	v3 =	vadd.f32 v3, v8;
	v2 =	vmul.f32 $1.442695020e+00, v2;
	v8 =	vsel vm8, v11, v9  }
0xe0: {  	v38 =	vld [tilespmem:s31+$0xFFFFFFD0];
	s12 =	simm.s32 $0x7B0;
	v9 =	vmul.f32 $2.000000030e-01, v4;
	v5 =	vsel vm9, v6, v5;
	v8 =	vmul.f32 $1.442695020e+00, v8  }
0xe1: {  	s17 =	simm.s32 $0x3530;
	v21 =	vld [tilespmem:s12+$0xFFFFFED0];
	vm10 =	vgt.f32 v3, $0.0e+00;
	v6 =	vmul.f32 $2.000000030e-01, v3;
	v10 =	vpop (erf);
	(erf) = vpow2.f32 v7  }
0xe2: {  	v23 =	vld [tilespmem:s12+$0xFFFFFF60];
	v5 =	vmul.f32 $1.442695020e+00, v5;
	v4 =	vsel vm11, v4, v9;
	[tilespmem:s17+$0x230] =	vst v10;
	(erf) = vpow2.f32 v2  }
0xe3: {  	v2 =	vsel vm10, v3, v6;
	v3 =	vmul.f32 $1.442695020e+00, v4;
	v7 =	vld [tilespmem:s21+$0x1B0];
	(erf) = vpow2.f32 v8  }
0xe4: {  	v39 =	vld [tilespmem:s31+$0xFFFFFFE0];
	(erf) = vpow2.f32 v5  }
0xe5: {  	v44 =	vld [tilespmem:s31+$0x0];
	v2 =	vmul.f32 $1.442695020e+00, v2;
	(erf) = vpow2.f32 v3  }
0xe6: {  	v27 =	vld [tilespmem:s12+$0x80];
	v21 =	vadd.f32 v22, v21;
	v15 =	vperm.xlane v10, v1  }
0xe7: {  	v22 =	vld [tilespmem:s12+$0x110];
	(erf) = vpow2.f32 v2;
	v3 =	vpop (erf)  }
0xe8: {  	v23 =	vadd.f32 v24, v23;
	v24 =	vld [tilespmem:s12+$0x1A0];
	v29 =	vmul.f32 $2.000000030e-01, v21;
	[tilespmem:s17+$0xFFFFFED0] =	vst v3;
	v2 =	vmul.f32 v7, v15  }
0xe9: {  	vm13 =	vgt.f32 v21, $0.0e+00;
	v5 =	vld [tilespmem:s21+$0xFFFFFE50]  }
0xea: {  	v21 =	vsel vm13, v21, v29;
	v29 =	vld [tilespmem:s12+$0xFFFFFE40];
	[tilespmem:s17+$0x1B0] =	vst v2;
	v4 =	vpop (erf)  }
0xeb: {  	v2 =	vld [tilespmem:s21+$0x1C0];
	[tilespmem:s17+$0xFFFFFF60] =	vst v4;
	v6 =	vpop (erf)  }
0xec: {  	v11 =	vperm.xlane v3, v1;
	v7 =	vld [tilespmem:s21+$0xFFFFFEE0];
	[tilespmem:s17+$0xFFFFFFF0] =	vst v6;
	v8 =	vpop (erf)  }
0xed: {  	v10 =	vld [tilespmem:s21+$0xFFFFFF70];
	[tilespmem:s17+$0x80] =	vst v8;
	v9 =	vpop (erf)  }
0xee: {  	v5 =	vmul.f32 v5, v11;
	v3 =	vld [tilespmem:s21+$0x0];
	[tilespmem:s17+$0x110] =	vst v9;
	v14 =	vpop (erf)  }
0xef: {  	v12 =	vperm.xlane v4, v1;
	[tilespmem:s17+$0xFFFFFE40] =	vst v14;
	v4 =	vld [tilespmem:s21+$0x90]  }
0xf0: {  	v13 =	vperm.xlane v6, v1;
	v16 =	vpop (erf);
	[tilespmem:s17+$0xFFFFFE50] =	vst v5;
	v2 =	vmul.f32 v2, v15;
	v6 =	vld [tilespmem:s21+$0xFFFFFDC0]  }
0xf1: {  	v8 =	vperm.xlane v8, v1;
	[tilespmem:s17+$0x1A0] =	vst v16;
	v18 =	vld [tilespmem:s21+$0xFFFFFE60];
	v7 =	vmul.f32 v7, v12  }
0xf2: {  	v9 =	vperm.xlane v9, v1;
	v17 =	vld [tilespmem:s21+$0x120];
	[tilespmem:s17+$0x1C0] =	vst v2;
	v2 =	vmul.f32 v10, v13  }
0xf3: {  	v14 =	vperm.xlane v14, v1;
	v5 =	vld [tilespmem:s21+$0x1D0];
	[tilespmem:s17+$0xFFFFFEE0] =	vst v7;
	v3 =	vmul.f32 v3, v8  }
0xf4: {  	v10 =	vperm.xlane v16, v1;
	v7 =	vld [tilespmem:s21+$0xFFFFFEF0];
	[tilespmem:s17+$0xFFFFFF70] =	vst v2  }
0xf5: {  	v2 =	vmul.f32 v4, v9;
	v4 =	vmul.f32 v6, v14;
	v6 =	vld [tilespmem:s21+$0xFFFFFF80];
	[tilespmem:s17+$0x0] =	vst v3  }
0xf6: {  	v3 =	vld [tilespmem:s21+$0x10]  }
0xf7: {  	[tilespmem:s17+$0x90] =	vst v2;
	v2 =	vmul.f32 v17, v10;
	v17 =	vmul.f32 v18, v11;
	v18 =	vld [tilespmem:s12+$0x230]  }
0xf8: {  	[tilespmem:s17+$0xFFFFFDC0] =	vst v4;
	v4 =	vld [tilespmem:s21+$0xA0]  }
0xf9: {  	v5 =	vmul.f32 v5, v15;
	v16 =	vld [tilespmem:s21+$0xFFFFFDD0];
	[tilespmem:s17+$0x120] =	vst v2  }
0xfa: {  	[tilespmem:s17+$0xFFFFFE60] =	vst v17;
	v2 =	vmul.f32 v7, v12;
	v7 =	vld [tilespmem:s21+$0x130]  }
0xfb: {  	v17 =	vld [tilespmem:s21+$0xFFFFFE70];
	[tilespmem:s17+$0x1D0] =	vst v5  }
0xfc: {  	v5 =	vmul.f32 v6, v13;
	v6 =	vld [tilespmem:s21+$0x1E0]  }
0xfd: {  	[tilespmem:s17+$0xFFFFFEF0] =	vst v2;
	v2 =	vmul.f32 v3, v8;
	v18 =	vadd.f32 v19, v18;
	v19 =	vld [tilespmem:s12+$0xFFFFFFF0]  }
0xfe: {  	v3 =	vld [tilespmem:s21+$0xFFFFFF00];
	[tilespmem:s17+$0xFFFFFF80] =	vst v5;
	v4 =	vmul.f32 v4, v9  }
0xff: {  	v5 =	vmul.f32 v16, v14;
	v16 =	vld [tilespmem:s21+$0xFFFFFF90];
	[tilespmem:s17+$0x10] =	vst v2  }
0x100: {  	v26 =	vmul.f32 $2.000000030e-01, v18;
	v2 =	vld [tilespmem:s21+$0x20];
	[tilespmem:s17+$0xA0] =	vst v4  }
0x101: {  	vm12 =	vgt.f32 v18, $0.0e+00;
	v17 =	vmul.f32 v17, v11;
	[tilespmem:s17+$0xFFFFFDD0] =	vst v5;
	v5 =	vld [tilespmem:s21+$0xB0]  }
0x102: {  	v4 =	vmul.f32 v7, v10;
	v18 =	vsel vm12, v18, v26;
	v26 =	vld [tilespmem:s14+$0x10]  }
0x103: {  	v6 =	vmul.f32 v6, v15;
	v7 =	vld [tilespmem:s21+$0xFFFFFDE0];
	[tilespmem:s17+$0xFFFFFE70] =	vst v17  }
0x104: {  	[tilespmem:s17+$0x130] =	vst v4;
	v3 =	vmul.f32 v3, v12;
	v17 =	vld [tilespmem:s21+$0xFFFFFE80]  }
0x105: {  	v4 =	vld [tilespmem:s21+$0x140];
	[tilespmem:s17+$0x1E0] =	vst v6;
	v6 =	vmul.f32 v16, v13  }
0x106: {  	v16 =	vld [tilespmem:s21+$0x1F0];
	[tilespmem:s17+$0xFFFFFF00] =	vst v3;
	v2 =	vmul.f32 v2, v8  }
0x107: {  	v3 =	vld [tilespmem:s21+$0xFFFFFF10];
	[tilespmem:s17+$0xFFFFFF90] =	vst v6;
	v5 =	vmul.f32 v5, v9  }
0x108: {  	v6 =	vmul.f32 v7, v14;
	v7 =	vld [tilespmem:s21+$0xFFFFFFA0];
	[tilespmem:s17+$0x20] =	vst v2  }
0x109: {  	v2 =	vld [tilespmem:s21+$0x30];
	[tilespmem:s17+$0xB0] =	vst v5;
	v17 =	vmul.f32 v17, v11  }
0x10a: {  	v18 =	vmul.f32 $1.442695020e+00, v18;
	[tilespmem:s17+$0xFFFFFDE0] =	vst v6;
	v5 =	vld [tilespmem:s21+$0xC0]  }
0x10b: {  	v4 =	vmul.f32 v4, v10;
	v6 =	vmul.f32 v16, v15;
	v16 =	vld [tilespmem:s21+$0xFFFFFDF0];
	[tilespmem:s17+$0xFFFFFE80] =	vst v17  }
0x10c: {  	v17 =	vld [tilespmem:s21+$0xFFFFFE90]  }
0x10d: {  	(erf) = vpow2.f32 v18;
	v18 =	vadd.f32 v25, v19;
	v19 =	vld [tilespmem:s14+$0x20];
	[tilespmem:s17+$0x140] =	vst v4;
	v3 =	vmul.f32 v3, v12  }
0x10e: {  	v4 =	vld [tilespmem:s21+$0x150];
	[tilespmem:s17+$0x1F0] =	vst v6;
	v6 =	vmul.f32 v7, v13  }
0x10f: {  	v7 =	vld [tilespmem:s21+$0x200];
	[tilespmem:s17+$0xFFFFFF10] =	vst v3;
	v2 =	vmul.f32 v2, v8  }
0x110: {  	v3 =	vld [tilespmem:s21+$0xFFFFFF20];
	[tilespmem:s17+$0xFFFFFFA0] =	vst v6;
	v5 =	vmul.f32 v5, v9  }
0x111: {  	v6 =	vmul.f32 v16, v14;
	v16 =	vld [tilespmem:s21+$0xFFFFFFB0];
	[tilespmem:s17+$0x30] =	vst v2;
	v17 =	vmul.f32 v17, v11  }
0x112: {  	v2 =	vld [tilespmem:s21+$0x40];
	[tilespmem:s17+$0xC0] =	vst v5  }
0x113: {  	v4 =	vmul.f32 v4, v10;
	v5 =	vld [tilespmem:s21+$0xD0];
	[tilespmem:s17+$0xFFFFFE90] =	vst v17  }
0x114: {  	[tilespmem:s17+$0xFFFFFDF0] =	vst v6;
	v6 =	vmul.f32 v7, v15;
	v17 =	vld [tilespmem:s21+$0xFFFFFEA0]  }
0x115: {  	v7 =	vld [tilespmem:s21+$0xFFFFFE00];
	[tilespmem:s17+$0x150] =	vst v4;
	v3 =	vmul.f32 v3, v12  }
0x116: {  	v21 =	vmul.f32 $1.442695020e+00, v21;
	v20 =	vadd.f32 v20, v29;
	v25 =	vmul.f32 $2.000000030e-01, v23;
	v4 =	vld [tilespmem:s21+$0x160];
	[tilespmem:s17+$0x200] =	vst v6  }
0x117: {  	vm14 =	vgt.f32 v23, $0.0e+00;
	v6 =	vmul.f32 v16, v13;
	v16 =	vld [tilespmem:s21+$0x210];
	[tilespmem:s17+$0xFFFFFF20] =	vst v3;
	v2 =	vmul.f32 v2, v8  }
0x118: {  	vm7 =	vgt.f32 v20, $0.0e+00;
	(erf) = vpow2.f32 v21;
	v30 =	vmul.f32 $2.000000030e-01, v18;
	v3 =	vld [tilespmem:s21+$0xFFFFFF30]  }
0x119: {  	v23 =	vsel vm14, v23, v25;
	v22 =	vadd.f32 v26, v22;
	[tilespmem:s17+$0x40] =	vst v2;
	v28 =	vmul.f32 v17, v11;
	v17 =	vld [tilespmem:s14+$0x0]  }
0x11a: {  	s29 =	simm.s32 $0x39B0;
	v23 =	vmul.f32 $1.442695020e+00, v23;
	v19 =	vadd.f32 v19, v24;
	v24 =	vpop (erf);
	[tilespmem:s17+$0xFFFFFFB0] =	vst v6;
	v6 =	vmul.f32 v7, v14;
	v2 =	vld [tilespmem:s21+$0x50]  }
0x11b: {  	vm15 =	vgt.f32 v18, $0.0e+00;
	v21 =	vmul.f32 $2.000000030e-01, v22;
	[tilespmem:s29+$0x230] =	vst v24;
	v5 =	vmul.f32 v5, v9;
	v7 =	vld [tilespmem:s21+$0xFFFFFFC0]  }
0x11c: {  	v45 =	vld [tilespmem:s24+$0x110];
	v18 =	vsel vm15, v18, v30;
	vm5 =	vgt.f32 v22, $0.0e+00;
	v4 =	vmul.f32 v4, v10;
	[tilespmem:s17+$0xFFFFFE00] =	vst v6  }
0x11d: {  	(erf) = vpow2.f32 v23;
	v21 =	vsel vm5, v22, v21;
	v22 =	vmul.f32 $2.000000030e-01, v20;
	[tilespmem:s17+$0xD0] =	vst v5;
	v6 =	vld [tilespmem:s21+$0xFFFFFE10]  }
0x11e: {  	v5 =	vld [tilespmem:s21+$0xE0];
	v16 =	vmul.f32 v16, v15;
	[tilespmem:s17+$0x160] =	vst v4;
	v4 =	vmul.f32 $2.000000030e-01, v19;
	v17 =	vadd.f32 v17, v27  }
0x11f: {  	v46 =	vld [tilespmem:s31+$0x10];
	vm6 =	vgt.f32 v19, $0.0e+00;
	[tilespmem:s17+$0xFFFFFEA0] =	vst v28;
	v3 =	vmul.f32 v3, v12;
	v2 =	vmul.f32 v2, v8  }
0x120: {  	v20 =	vsel vm7, v20, v22;
	v22 =	vld [tilespmem:s12+$0x1B0];
	v7 =	vmul.f32 v7, v13;
	[tilespmem:s17+$0x210] =	vst v16;
	v25 =	vmul.f32 $2.000000030e-01, v17  }
0x121: {  	v16 =	vmul.f32 $1.442695020e+00, v18;
	v4 =	vsel vm6, v19, v4;
	v19 =	vld [tilespmem:s21+$0xFFFFFEB0];
	vm4 =	vgt.f32 v17, $0.0e+00;
	[tilespmem:s17+$0x50] =	vst v2  }
0x122: {  	[tilespmem:s17+$0xFFFFFF30] =	vst v3;
	v3 =	vmul.f32 $1.442695020e+00, v4;
	v6 =	vmul.f32 v6, v14;
	v23 =	vld [tilespmem:s21+$0x60];
	v18 =	vsel vm4, v17, v25  }
0x123: {  	v5 =	vmul.f32 v5, v9;
	v25 =	vld [tilespmem:s21+$0x170];
	v26 =	vmul.f32 $1.442695020e+00, v18  }
0x124: {  	(erf) = vpow2.f32 v16;
	v17 =	vld [tilespmem:s21+$0x220];
	[tilespmem:s17+$0xFFFFFE10] =	vst v6;
	v6 =	vmul.f32 $1.442695020e+00, v21  }
0x125: {  	[tilespmem:s17+$0xE0] =	vst v5;
	v21 =	vmul.f32 $1.442695020e+00, v20;
	v20 =	vld [tilespmem:s21+$0xFFFFFF40];
	(erf) = vpow2.f32 v26  }
0x126: {  	v16 =	vperm.xlane v24, v1;
	v2 =	vpop (erf);
	v24 =	vld [tilespmem:s21+$0xF0];
	(erf) = vpow2.f32 v6  }
0x127: {  	v19 =	vmul.f32 v19, v11;
	v18 =	vld [tilespmem:s21+$0xFFFFFE20];
	[tilespmem:s29+$0xFFFFFED0] =	vst v2;
	(erf) = vpow2.f32 v21  }
0x128: {  	v5 =	vld [tilespmem:s12+$0xFFFFFE50];
	v4 =	vmul.f32 v25, v10;
	(erf) = vpow2.f32 v3  }
0x129: {  	[tilespmem:s17+$0xFFFFFFC0] =	vst v7;
	v63 =	vmul.f32 v23, v8;
	v23 =	vld [tilespmem:s24+$0xFFFFFFF0];
	v3 =	vmul.f32 v22, v16  }
0x12a: {  	[tilespmem:s17+$0xFFFFFEB0] =	vst v19;
	v21 =	vld [tilespmem:s21+$0xFFFFFFD0]  }
0x12b: {  	v40 =	vmul.f32 v24, v9;
	v24 =	vld [tilespmem:s31+$0xFFFFFFF0];
	[tilespmem:s29+$0x1B0] =	vst v3  }
0x12c: {  	[tilespmem:s17+$0x170] =	vst v4;
	v3 =	vld [tilespmem:s12+$0x1C0];
	v4 =	vpop (erf)  }
0x12d: {  	v15 =	vmul.f32 v17, v15;
	v17 =	vmul.f32 v18, v14;
	v18 =	vld [tilespmem:s24+$0xFFFFFF60];
	[tilespmem:s29+$0xFFFFFF60] =	vst v4;
	v7 =	vpop (erf)  }
0x12e: {  	v22 =	vld [tilespmem:s12+$0xFFFFFEE0];
	[tilespmem:s29+$0xFFFFFFF0] =	vst v7;
	v26 =	vpop (erf)  }
0x12f: {  	v27 =	vld [tilespmem:s12+$0xFFFFFF70];
	[tilespmem:s29+$0x80] =	vst v26;
	v28 =	vpop (erf)  }
0x130: {  	v2 =	vperm.xlane v2, v1;
	v29 =	vld [tilespmem:s12+$0x0];
	[tilespmem:s29+$0x110] =	vst v28;
	v30 =	vpop (erf)  }
0x131: {  	v6 =	vperm.xlane v4, v1;
	v32 =	vmul.f32 v3, v16;
	[tilespmem:s29+$0xFFFFFE40] =	vst v30;
	v31 =	vld [tilespmem:s12+$0x90];
	v33 =	vpop (erf)  }
0x132: {  	v34 =	vmul.f32 v5, v2;
	v3 =	vperm.xlane v7, v1;
	v35 =	vld [tilespmem:s12+$0xFFFFFDC0];
	[tilespmem:s29+$0x1A0] =	vst v33  }
0x133: {  	v4 =	vperm.xlane v26, v1;
	v7 =	vmul.f32 v22, v6;
	[tilespmem:s29+$0x1C0] =	vst v32;
	v26 =	vld [tilespmem:s12+$0x120]  }
0x134: {  	[tilespmem:s29+$0xFFFFFE50] =	vst v34;
	v5 =	vperm.xlane v28, v1;
	v27 =	vmul.f32 v27, v3;
	v28 =	vld [tilespmem:s12+$0x1D0]  }
0x135: {  	v22 =	vperm.xlane v30, v1;
	v30 =	vld [tilespmem:s12+$0xFFFFFE60];
	[tilespmem:s29+$0xFFFFFEE0] =	vst v7;
	v29 =	vmul.f32 v29, v4  }
0x136: {  	v7 =	vperm.xlane v33, v1;
	v52 =	vld [tilespmem:s12+$0xFFFFFEF0];
	[tilespmem:s29+$0xFFFFFF70] =	vst v27;
	v27 =	vmul.f32 v31, v5  }
0x137: {  	v53 =	vld [tilespmem:s12+$0xFFFFFF80];
	v31 =	vmul.f32 v35, v22;
	[tilespmem:s29+$0x0] =	vst v29  }
0x138: {  	v29 =	vld [tilespmem:s12+$0x10];
	[tilespmem:s29+$0x90] =	vst v27;
	v26 =	vmul.f32 v26, v7  }
0x139: {  	v28 =	vmul.f32 v28, v16;
	[tilespmem:s29+$0xFFFFFDC0] =	vst v31;
	v27 =	vld [tilespmem:s12+$0xA0]  }
0x13a: {  	v30 =	vmul.f32 v30, v2;
	v31 =	vld [tilespmem:s12+$0xFFFFFDD0];
	[tilespmem:s29+$0x120] =	vst v26  }
0x13b: {  	v26 =	vmul.f32 v52, v6;
	[tilespmem:s29+$0x1D0] =	vst v28;
	v54 =	vld [tilespmem:s12+$0x130]  }
0x13c: {  	[tilespmem:s29+$0xFFFFFE60] =	vst v30;
	v28 =	vmul.f32 v53, v3;
	v30 =	vld [tilespmem:s12+$0x1E0]  }
0x13d: {  	v55 =	vld [tilespmem:s12+$0xFFFFFE70];
	[tilespmem:s29+$0xFFFFFEF0] =	vst v26;
	v26 =	vmul.f32 v29, v4  }
0x13e: {  	v29 =	vld [tilespmem:s12+$0xFFFFFF00];
	[tilespmem:s29+$0xFFFFFF80] =	vst v28;
	v27 =	vmul.f32 v27, v5  }
0x13f: {  	v28 =	vmul.f32 v31, v22;
	v31 =	vld [tilespmem:s12+$0xFFFFFF90];
	[tilespmem:s29+$0x10] =	vst v26  }
0x140: {  	v26 =	vld [tilespmem:s12+$0x20];
	[tilespmem:s29+$0xA0] =	vst v27;
	v27 =	vmul.f32 v54, v7  }
0x141: {  	v30 =	vmul.f32 v30, v16;
	[tilespmem:s29+$0xFFFFFDD0] =	vst v28;
	v28 =	vld [tilespmem:s12+$0xB0]  }
0x142: {  	v56 =	vld [tilespmem:s12+$0xFFFFFDE0];
	[tilespmem:s29+$0x130] =	vst v27  }
0x143: {  	v27 =	vmul.f32 v29, v6;
	[tilespmem:s29+$0x1E0] =	vst v30;
	v29 =	vld [tilespmem:s12+$0x140]  }
0x144: {  	[tilespmem:s17+$0x220] =	vst v15;
	v30 =	vmul.f32 v31, v3;
	v31 =	vld [tilespmem:s12+$0x1F0]  }
0x145: {  	v25 =	vld [tilespmem:s21+$0x180];
	[tilespmem:s29+$0xFFFFFF00] =	vst v27;
	v26 =	vmul.f32 v26, v4  }
0x146: {  	v27 =	vld [tilespmem:s12+$0xFFFFFF10];
	[tilespmem:s29+$0xFFFFFF90] =	vst v30;
	v28 =	vmul.f32 v28, v5  }
0x147: {  	v30 =	vmul.f32 v56, v22;
	v57 =	vld [tilespmem:s12+$0xFFFFFFA0];
	[tilespmem:s29+$0x20] =	vst v26  }
0x148: {  	v33 =	vmul.f32 v55, v2;
	v26 =	vld [tilespmem:s12+$0x30];
	[tilespmem:s29+$0xB0] =	vst v28  }
0x149: {  	v28 =	vmul.f32 v29, v7;
	[tilespmem:s29+$0xFFFFFDE0] =	vst v30;
	v29 =	vld [tilespmem:s12+$0xC0];
	v30 =	vmul.f32 v31, v16  }
0x14a: {  	[tilespmem:s29+$0xFFFFFE70] =	vst v33;
	v31 =	vld [tilespmem:s12+$0xFFFFFDF0]  }
0x14b: {  	v33 =	vld [tilespmem:s12+$0xFFFFFE80];
	v27 =	vmul.f32 v27, v6;
	[tilespmem:s29+$0x1F0] =	vst v30  }
0x14c: {  	[tilespmem:s29+$0x140] =	vst v28;
	v30 =	vmul.f32 v57, v3;
	v58 =	vld [tilespmem:s12+$0x200]  }
0x14d: {  	v28 =	vld [tilespmem:s12+$0x150];
	[tilespmem:s29+$0xFFFFFF10] =	vst v27;
	v26 =	vmul.f32 v26, v4  }
0x14e: {  	v27 =	vld [tilespmem:s12+$0xFFFFFF20];
	[tilespmem:s29+$0xFFFFFFA0] =	vst v30;
	v29 =	vmul.f32 v29, v5  }
0x14f: {  	v30 =	vmul.f32 v31, v22;
	v31 =	vld [tilespmem:s12+$0xFFFFFFB0];
	[tilespmem:s29+$0x30] =	vst v26  }
0x150: {  	v33 =	vmul.f32 v33, v2;
	v26 =	vld [tilespmem:s12+$0x40];
	[tilespmem:s29+$0xC0] =	vst v29  }
0x151: {  	[tilespmem:s29+$0xFFFFFDF0] =	vst v30;
	v29 =	vld [tilespmem:s12+$0xD0];
	v30 =	vmul.f32 v58, v16  }
0x152: {  	[tilespmem:s29+$0xFFFFFE80] =	vst v33;
	v28 =	vmul.f32 v28, v7;
	v59 =	vld [tilespmem:s12+$0xFFFFFE00]  }
0x153: {  	v33 =	vld [tilespmem:s12+$0xFFFFFE90];
	v27 =	vmul.f32 v27, v6;
	[tilespmem:s29+$0x200] =	vst v30  }
0x154: {  	[tilespmem:s29+$0x150] =	vst v28;
	v30 =	vmul.f32 v31, v3;
	v31 =	vld [tilespmem:s12+$0x210]  }
0x155: {  	v28 =	vld [tilespmem:s12+$0x160];
	[tilespmem:s29+$0xFFFFFF20] =	vst v27;
	v26 =	vmul.f32 v26, v4  }
0x156: {  	v27 =	vld [tilespmem:s12+$0xFFFFFF30];
	[tilespmem:s29+$0xFFFFFFB0] =	vst v30;
	v29 =	vmul.f32 v29, v5  }
0x157: {  	v30 =	vmul.f32 v59, v22;
	v60 =	vld [tilespmem:s12+$0xFFFFFFC0];
	[tilespmem:s29+$0x40] =	vst v26  }
0x158: {  	v20 =	vmul.f32 v20, v12;
	v26 =	vld [tilespmem:s12+$0x50];
	[tilespmem:s29+$0xD0] =	vst v29  }
0x159: {  	v34 =	vadd.f32 v62, v61;
	v42 =	vmul.f32 v25, v10;
	[tilespmem:s29+$0xFFFFFE00] =	vst v30;
	v29 =	vld [tilespmem:s12+$0xE0];
	v30 =	vmul.f32 v31, v16  }
0x15a: {  	v37 =	vadd.f32 v38, v37;
	[tilespmem:s17+$0xFFFFFF40] =	vst v20;
	v33 =	vmul.f32 v33, v2;
	v25 =	vmul.f32 v28, v7;
	v28 =	vld [tilespmem:s24+$0x80]  }
0x15b: {  	v48 =	vadd.f32 v46, v45;
	v41 =	vmul.f32 $2.000000030e-01, v34;
	v18 =	vadd.f32 v39, v18;
	v31 =	vld [tilespmem:s12+$0xFFFFFE10];
	[tilespmem:s29+$0x210] =	vst v30  }
0x15c: {  	vm9 =	vgt.f32 v37, $0.0e+00;
	v21 =	vmul.f32 v21, v13;
	vm8 =	vgt.f32 v34, $0.0e+00;
	[tilespmem:s29+$0xFFFFFE90] =	vst v33;
	v30 =	vld [tilespmem:s12+$0x220]  }
0x15d: {  	v34 =	vsel vm8, v34, v41;
	v33 =	vld [tilespmem:s12+$0xFFFFFEA0];
	v27 =	vmul.f32 v27, v6;
	[tilespmem:s29+$0x160] =	vst v25;
	v25 =	vmul.f32 $2.000000030e-01, v18  }
0x15e: {  	v47 =	vld [tilespmem:s24+$0x1A0];
	vm13 =	vgt.f32 v48, $0.0e+00;
	[tilespmem:s17+$0xFFFFFE20] =	vst v17;
	v15 =	vmul.f32 v29, v5;
	v29 =	vmul.f32 $1.442695020e+00, v34  }
0x15f: {  	v23 =	vadd.f32 v24, v23;
	v24 =	vld [tilespmem:s31+$0x20];
	[tilespmem:s17+$0xFFFFFFD0] =	vst v21;
	v32 =	vmul.f32 v60, v3;
	v26 =	vmul.f32 v26, v4  }
0x160: {  	v36 =	vld [tilespmem:s31+$0xFFFFFFC0];
	vm10 =	vgt.f32 v18, $0.0e+00;
	[tilespmem:s17+$0x180] =	vst v42;
	v17 =	vmul.f32 v31, v22;
	(erf) = vpow2.f32 v29  }
0x161: {  	[tilespmem:s29+$0xFFFFFF30] =	vst v27;
	v27 =	vadd.f32 v44, v28;
	v31 =	vmul.f32 $2.000000030e-01, v37;
	v16 =	vmul.f32 v30, v16;
	v30 =	vld [tilespmem:s24+$0xFFFFFE40]  }
0x162: {  	vm11 =	vgt.f32 v23, $0.0e+00;
	v35 =	vld [tilespmem:s21+$0xFFFFFFE0];
	v33 =	vmul.f32 v33, v2;
	v18 =	vsel vm10, v18, v25;
	[tilespmem:s29+$0xFFFFFFC0] =	vst v32  }
0x163: {  	v18 =	vmul.f32 $1.442695020e+00, v18;
	v34 =	vld [tilespmem:s21+$0xFFFFFF50];
	v25 =	vmul.f32 $2.000000030e-01, v27;
	[tilespmem:s29+$0x50] =	vst v26;
	v29 =	vsel vm9, v37, v31  }
0x164: {  	v32 =	vld [tilespmem:s21+$0x190];
	vm12 =	vgt.f32 v27, $0.0e+00;
	v26 =	vadd.f32 v24, v47;
	[tilespmem:s29+$0xE0] =	vst v15;
	v28 =	vmul.f32 $1.442695020e+00, v29  }
0x165: {  	v24 =	vld [tilespmem:s12+$0xFFFFFF40];
	v15 =	vmul.f32 $2.000000030e-01, v48;
	[tilespmem:s29+$0xFFFFFE10] =	vst v17;
	v17 =	vmul.f32 $2.000000030e-01, v23;
	v19 =	vsel vm12, v27, v25  }
0x166: {  	v31 =	vld [tilespmem:s21+$0xFFFFFE30];
	vm14 =	vgt.f32 v26, $0.0e+00;
	(erf) = vpow2.f32 v28;
	v30 =	vadd.f32 v36, v30  }
0x167: {  	v25 =	vld [tilespmem:s12+$0xFFFFFFD0];
	v15 =	vsel vm13, v48, v15;
	v19 =	vmul.f32 $1.442695020e+00, v19;
	[tilespmem:s29+$0x220] =	vst v16;
	v16 =	vmul.f32 $2.000000030e-01, v26  }
0x168: {  	v29 =	vld [tilespmem:s12+$0x170];
	v17 =	vsel vm11, v23, v17;
	v15 =	vmul.f32 $1.442695020e+00, v15;
	v50 =	vmul.f32 $2.000000030e-01, v30  }
0x169: {  	s22 =	simm.s32 $0x3E30;
	v27 =	vld [tilespmem:s12+$0x60];
	v17 =	vmul.f32 $1.442695020e+00, v17;
	v16 =	vsel vm14, v26, v16;
	vm15 =	vgt.f32 v30, $0.0e+00;
	v20 =	vpop (erf)  }
0x16a: {  	v49 =	vld [tilespmem:s12+$0xFFFFFE20];
	(erf) = vpow2.f32 v18;
	v16 =	vmul.f32 $1.442695020e+00, v16;
	[tilespmem:s22+$0x230] =	vst v20;
	v18 =	vsel vm15, v30, v50  }
0x16b: {  	[tilespmem:s29+$0xFFFFFEA0] =	vst v33;
	(erf) = vpow2.f32 v17;
	v51 =	vld [tilespmem:s24+$0x1B0];
	v17 =	vmul.f32 $1.442695020e+00, v18  }
0x16c: {  	v23 =	vld [tilespmem:s12+$0xFFFFFEB0];
	v14 =	vmul.f32 v31, v14;
	(erf) = vpow2.f32 v19  }
0x16d: {  	[tilespmem:s17+$0x60] =	vst v63;
	v28 =	vld [tilespmem:s12+$0xF0];
	(erf) = vpow2.f32 v15;
	v15 =	vmul.f32 v29, v7  }
0x16e: {  	[tilespmem:s17+$0xF0] =	vst v40;
	v26 =	vld [tilespmem:s21+$0xFFFFFEC0];
	v21 =	vperm.xlane v20, v1;
	(erf) = vpow2.f32 v17  }
0x16f: {  	v31 =	vld [tilespmem:s21+$0x100];
	[tilespmem:s17+$0xFFFFFE30] =	vst v14;
	v14 =	vmul.f32 v49, v22;
	v17 =	vpop (erf);
	(erf) = vpow2.f32 v16  }
0x170: {  	v30 =	vld [tilespmem:s21+$0x70];
	[tilespmem:s29+$0x170] =	vst v15;
	v18 =	vmul.f32 v51, v21  }
0x171: {  	[tilespmem:s29+$0xFFFFFE20] =	vst v14;
	v29 =	vld [tilespmem:s12+$0x180]  }
0x172: {  	v33 =	vld [tilespmem:s12+$0xFFFFFE30];
	[tilespmem:s22+$0x1B0] =	vst v18  }
0x173: {  	[tilespmem:s22+$0xFFFFFED0] =	vst v17;
	v15 =	vpop (erf);
	v18 =	vld [tilespmem:s24+$0x1C0]  }
0x174: {  	v16 =	vld [tilespmem:s24+$0xFFFFFE50];
	[tilespmem:s22+$0xFFFFFF60] =	vst v15;
	v19 =	vpop (erf)  }
0x175: {  	v20 =	vld [tilespmem:s24+$0xFFFFFEE0];
	[tilespmem:s22+$0xFFFFFFF0] =	vst v19;
	v52 =	vpop (erf)  }
0x176: {  	v53 =	vld [tilespmem:s24+$0xFFFFFF70];
	[tilespmem:s22+$0x80] =	vst v52;
	v54 =	vpop (erf)  }
0x177: {  	v14 =	vperm.xlane v17, v1;
	v55 =	vld [tilespmem:s24+$0x0];
	[tilespmem:s22+$0x110] =	vst v54;
	v56 =	vpop (erf)  }
0x178: {  	v15 =	vperm.xlane v15, v1;
	v57 =	vld [tilespmem:s24+$0x90];
	[tilespmem:s22+$0xFFFFFE40] =	vst v56;
	v17 =	vmul.f32 v18, v21;
	v58 =	vpop (erf)  }
0x179: {  	v43 =	vmul.f32 v16, v14;
	v18 =	vperm.xlane v19, v1;
	v44 =	vld [tilespmem:s24+$0xFFFFFDC0];
	[tilespmem:s22+$0x1A0] =	vst v58  }
0x17a: {  	v16 =	vperm.xlane v52, v1;
	v19 =	vmul.f32 v20, v15;
	[tilespmem:s22+$0x1C0] =	vst v17;
	v59 =	vld [tilespmem:s24+$0x120]  }
0x17b: {  	[tilespmem:s22+$0xFFFFFE50] =	vst v43;
	v17 =	vperm.xlane v54, v1;
	v37 =	vmul.f32 v53, v18;
	v60 =	vld [tilespmem:s24+$0x1D0]  }
0x17c: {  	v20 =	vperm.xlane v56, v1;
	v61 =	vld [tilespmem:s24+$0xFFFFFE60];
	v39 =	vmul.f32 v55, v16;
	[tilespmem:s22+$0xFFFFFEE0] =	vst v19  }
0x17d: {  	v19 =	vperm.xlane v58, v1;
	v62 =	vld [tilespmem:s24+$0xFFFFFEF0];
	[tilespmem:s22+$0xFFFFFF70] =	vst v37;
	v41 =	vmul.f32 v57, v17  }
0x17e: {  	[tilespmem:s22+$0x0] =	vst v39;
	v63 =	vmul.f32 v44, v20;
	v45 =	vld [tilespmem:s24+$0xFFFFFF80]  }
0x17f: {  	v46 =	vld [tilespmem:s24+$0x10];
	[tilespmem:s22+$0x90] =	vst v41;
	v36 =	vmul.f32 v59, v19  }
0x180: {  	[tilespmem:s22+$0xFFFFFDC0] =	vst v63;
	v47 =	vld [tilespmem:s24+$0xA0];
	v38 =	vmul.f32 v60, v21  }
0x181: {  	v40 =	vmul.f32 v61, v14;
	v48 =	vld [tilespmem:s24+$0xFFFFFDD0];
	[tilespmem:s22+$0x120] =	vst v36  }
0x182: {  	v37 =	vmul.f32 v62, v15;
	[tilespmem:s22+$0x1D0] =	vst v38;
	v49 =	vld [tilespmem:s24+$0x130]  }
0x183: {  	[tilespmem:s22+$0xFFFFFE60] =	vst v40;
	v39 =	vmul.f32 v45, v18;
	v50 =	vld [tilespmem:s24+$0x1E0]  }
0x184: {  	v51 =	vld [tilespmem:s24+$0xFFFFFE70];
	v41 =	vmul.f32 v46, v16;
	[tilespmem:s22+$0xFFFFFEF0] =	vst v37  }
0x185: {  	v52 =	vld [tilespmem:s24+$0xFFFFFF00];
	[tilespmem:s22+$0xFFFFFF80] =	vst v39;
	v42 =	vmul.f32 v47, v17  }
0x186: {  	[tilespmem:s22+$0x10] =	vst v41;
	v36 =	vmul.f32 v48, v20;
	v53 =	vld [tilespmem:s24+$0xFFFFFF90]  }
0x187: {  	v54 =	vld [tilespmem:s24+$0x20];
	[tilespmem:s22+$0xA0] =	vst v42;
	v38 =	vmul.f32 v49, v19  }
0x188: {  	[tilespmem:s22+$0xFFFFFDD0] =	vst v36;
	v55 =	vld [tilespmem:s24+$0xB0];
	v40 =	vmul.f32 v50, v21  }
0x189: {  	v37 =	vmul.f32 v51, v14;
	v56 =	vld [tilespmem:s24+$0xFFFFFDE0];
	[tilespmem:s22+$0x130] =	vst v38  }
0x18a: {  	v39 =	vmul.f32 v52, v15;
	[tilespmem:s22+$0x1E0] =	vst v40;
	v57 =	vld [tilespmem:s24+$0x140]  }
0x18b: {  	[tilespmem:s22+$0xFFFFFE70] =	vst v37;
	v58 =	vmul.f32 v53, v18;
	v59 =	vld [tilespmem:s24+$0x1F0]  }
0x18c: {  	v60 =	vld [tilespmem:s24+$0xFFFFFE80];
	v42 =	vmul.f32 v54, v16;
	[tilespmem:s22+$0xFFFFFF00] =	vst v39  }
0x18d: {  	v61 =	vld [tilespmem:s24+$0xFFFFFF10];
	[tilespmem:s22+$0xFFFFFF90] =	vst v58;
	v36 =	vmul.f32 v55, v17  }
0x18e: {  	[tilespmem:s22+$0x20] =	vst v42;
	v38 =	vmul.f32 v56, v20;
	v62 =	vld [tilespmem:s24+$0xFFFFFFA0]  }
0x18f: {  	v63 =	vld [tilespmem:s24+$0x30];
	[tilespmem:s22+$0xB0] =	vst v36;
	v40 =	vmul.f32 v57, v19  }
0x190: {  	[tilespmem:s22+$0xFFFFFDE0] =	vst v38;
	v45 =	vld [tilespmem:s24+$0xC0];
	v41 =	vmul.f32 v59, v21  }
0x191: {  	v39 =	vmul.f32 v60, v14;
	v46 =	vld [tilespmem:s24+$0xFFFFFDF0];
	[tilespmem:s22+$0x140] =	vst v40  }
0x192: {  	v37 =	vmul.f32 v61, v15;
	[tilespmem:s22+$0x1F0] =	vst v41;
	v47 =	vld [tilespmem:s24+$0x150]  }
0x193: {  	[tilespmem:s22+$0xFFFFFE80] =	vst v39;
	v48 =	vmul.f32 v62, v18;
	v49 =	vld [tilespmem:s24+$0x200]  }
0x194: {  	v50 =	vld [tilespmem:s24+$0xFFFFFE90];
	v36 =	vmul.f32 v63, v16;
	[tilespmem:s22+$0xFFFFFF10] =	vst v37  }
0x195: {  	v11 =	vmul.f32 v26, v11;
	v51 =	vld [tilespmem:s24+$0xFFFFFF20];
	[tilespmem:s22+$0xFFFFFFA0] =	vst v48;
	v26 =	vmul.f32 v45, v17  }
0x196: {  	v13 =	vmul.f32 v35, v13;
	[tilespmem:s22+$0x30] =	vst v36;
	v52 =	vmul.f32 v46, v20;
	v53 =	vld [tilespmem:s24+$0xFFFFFFB0]  }
0x197: {  	v12 =	vmul.f32 v34, v12;
	v54 =	vld [tilespmem:s24+$0x40];
	[tilespmem:s22+$0xC0] =	vst v26;
	v55 =	vmul.f32 v47, v19  }
0x198: {  	v26 =	vmul.f32 v23, v2;
	[tilespmem:s22+$0xFFFFFDF0] =	vst v52;
	v56 =	vld [tilespmem:s24+$0xD0];
	v57 =	vmul.f32 v49, v21  }
0x199: {  	v23 =	vmul.f32 v24, v6;
	v37 =	vmul.f32 v50, v14;
	v58 =	vld [tilespmem:s24+$0xFFFFFE00];
	[tilespmem:s22+$0x150] =	vst v55  }
0x19a: {  	v24 =	vmul.f32 v25, v3;
	v39 =	vmul.f32 v51, v15;
	[tilespmem:s22+$0x200] =	vst v57;
	v59 =	vld [tilespmem:s24+$0x160]  }
0x19b: {  	v25 =	vmul.f32 v27, v4;
	[tilespmem:s22+$0xFFFFFE90] =	vst v37;
	v60 =	vmul.f32 v53, v18;
	v61 =	vld [tilespmem:s24+$0x210]  }
0x19c: {  	v27 =	vmul.f32 v28, v5;
	v37 =	vld [tilespmem:s24+$0xFFFFFEA0];
	v35 =	vmul.f32 v54, v16;
	[tilespmem:s22+$0xFFFFFF20] =	vst v39  }
0x19d: {  	v28 =	vmul.f32 v29, v7;
	v34 =	vld [tilespmem:s24+$0xFFFFFF30];
	[tilespmem:s22+$0xFFFFFFB0] =	vst v60;
	v62 =	vmul.f32 v56, v17  }
0x19e: {  	v29 =	vmul.f32 v33, v22;
	[tilespmem:s22+$0x40] =	vst v35;
	v38 =	vmul.f32 v58, v20;
	v33 =	vld [tilespmem:s24+$0xFFFFFFC0]  }
0x19f: {  	v22 =	vmul.f32 v30, v8;
	v30 =	vld [tilespmem:s24+$0x50];
	[tilespmem:s22+$0xD0] =	vst v62;
	v63 =	vmul.f32 v59, v19  }
0x1a0: {  	v8 =	vmul.f32 v32, v10;
	[tilespmem:s22+$0xFFFFFE00] =	vst v38;
	v10 =	vld [tilespmem:s24+$0xE0];
	v32 =	vmul.f32 v61, v21  }
0x1a1: {  	s0 =	simm.s32 $0x10;
	s14 =	simm.s32 $0x10B0;
	v9 =	vmul.f32 v31, v9;
	v35 =	vmul.f32 v37, v14;
	v31 =	vld [tilespmem:s24+$0xFFFFFE10];
	[tilespmem:s22+$0x160] =	vst v63  }
.LBB2_8:
0x1a2: {  	v36 =	vld [tilespmem:s14+$0x230];
	v34 =	vmul.f32 v34, v15;
	[tilespmem:s22+$0x210] =	vst v32  }
0x1a3: {  	s31 =	sadd.s32 $0x80, s31;
	[tilespmem:s22+$0xFFFFFEA0] =	vst v35;
	v32 =	vmul.f32 v33, v18;
	v33 =	vld [tilespmem:s24+$0x220]  }
0x1a4: {  	s0 =	sadd.s32 $0x8, s0;
	v35 =	vld [tilespmem:s31+$0x30];
	[tilespmem:s22+$0xFFFFFF30] =	vst v34;
	v30 =	vmul.f32 v30, v16  }
0x1a5: {  	p1 =	slt.u32 s0, $0x20;
	v34 =	vld [tilespmem:s31+$0xFFFFFFC0];
	[tilespmem:s22+$0xFFFFFFC0] =	vst v32;
	v10 =	vmul.f32 v10, v17  }
0x1a6: {  	v32 =	vld [tilespmem:s14+$0xFFFFFED0];
	v31 =	vmul.f32 v31, v20;
	[tilespmem:s22+$0x50] =	vst v30  }
0x1a7: {  	v30 =	vld [tilespmem:s31+$0xFFFFFFD0];
	[tilespmem:s22+$0xE0] =	vst v10  }
0x1a8: {  	v10 =	vld [tilespmem:s14+$0xFFFFFF60];
	[tilespmem:s22+$0xFFFFFE10] =	vst v31;
	v21 =	vmul.f32 v33, v21  }
0x1a9: {  	v31 =	vld [tilespmem:s31+$0xFFFFFFE0];
	v33 =	vadd.f32 v35, v36;
	[tilespmem:s29+$0xFFFFFEB0] =	vst v26  }
0x1aa: {  	v26 =	vld [tilespmem:s14+$0xFFFFFFF0];
	[tilespmem:s22+$0x220] =	vst v21  }
0x1ab: {  	v21 =	vld [tilespmem:s31+$0xFFFFFFF0];
	v35 =	vmul.f32 $2.000000030e-01, v33;
	[tilespmem:s29+$0xFFFFFF40] =	vst v23  }
0x1ac: {  	vm0 =	vgt.f32 v33, $0.0e+00;
	v23 =	vadd.f32 v30, v32;
	v30 =	vld [tilespmem:s14+$0x80];
	[tilespmem:s29+$0xFFFFFFD0] =	vst v24  }
0x1ad: {  	v24 =	vld [tilespmem:s31+$0x0];
	v32 =	vsel vm0, v33, v35;
	[tilespmem:s29+$0x60] =	vst v25  }
0x1ae: {  	v25 =	vmul.f32 $2.000000030e-01, v23;
	v10 =	vadd.f32 v31, v10;
	v31 =	vld [tilespmem:s14+$0x110];
	v32 =	vmul.f32 $1.442695020e+00, v32;
	[tilespmem:s29+$0xF0] =	vst v27  }
0x1af: {  	vm0 =	vgt.f32 v23, $0.0e+00;
	v27 =	vld [tilespmem:s31+$0x10];
	[tilespmem:s29+$0x180] =	vst v28  }
0x1b0: {  	v28 =	vmul.f32 $2.000000030e-01, v10;
	v21 =	vadd.f32 v21, v26;
	v26 =	vld [tilespmem:s14+$0x1A0];
	(erf) = vpow2.f32 v32;
	[tilespmem:s29+$0xFFFFFE30] =	vst v29  }
0x1b1: {  	v23 =	vsel vm0, v23, v25;
	vm0 =	vgt.f32 v10, $0.0e+00;
	v25 =	vld [tilespmem:s31+$0x20];
	[tilespmem:s17+$0xFFFFFEC0] =	vst v11  }
0x1b2: {  	v11 =	vld [tilespmem:s14+$0xFFFFFE40];
	vm1 =	vgt.f32 v21, $0.0e+00;
	v29 =	vmul.f32 $2.000000030e-01, v21;
	v24 =	vadd.f32 v24, v30;
	[tilespmem:s17+$0xFFFFFF50] =	vst v12  }
0x1b3: {  	v12 =	vmul.f32 $1.442695020e+00, v23;
	v10 =	vsel vm0, v10, v28;
	v23 =	vld [tilespmem:s24+$0x170];
	[tilespmem:s17+$0xFFFFFFE0] =	vst v13  }
0x1b4: {  	vm0 =	vgt.f32 v24, $0.0e+00;
	v13 =	vmul.f32 $2.000000030e-01, v24;
	v27 =	vadd.f32 v27, v31;
	v28 =	vld [tilespmem:s24+$0xFFFFFE20];
	[tilespmem:s17+$0x70] =	vst v22  }
0x1b5: {  	v10 =	vmul.f32 $1.442695020e+00, v10;
	v21 =	vsel vm1, v21, v29;
	(erf) = vpow2.f32 v12;
	v12 =	vld [tilespmem:s24+$0xFFFFFEB0];
	[tilespmem:s17+$0x100] =	vst v9  }
0x1b6: {  	vm1 =	vgt.f32 v27, $0.0e+00;
	v9 =	vmul.f32 $2.000000030e-01, v27;
	v22 =	vadd.f32 v25, v26;
	v25 =	vld [tilespmem:s24+$0xFFFFFF40];
	[tilespmem:s17+$0x190] =	vst v8;
	s17 =	smov.u32 s29;
	s29 =	smov.u32 s22  }
0x1b7: {  	v13 =	vsel vm0, v24, v13;
	v8 =	vadd.f32 v34, v11;
	v11 =	vmul.f32 $1.442695020e+00, v21;
	v24 =	vld [tilespmem:s24+$0xFFFFFFD0]  }
0x1b8: {  	s22 =	sadd.s32 $0x480, s22;
	v9 =	vsel vm1, v27, v9;
	vm0 =	vgt.f32 v22, $0.0e+00;
	v21 =	vmul.f32 $2.000000030e-01, v22;
	v27 =	vld [tilespmem:s24+$0x60]  }
0x1b9: {  	v13 =	vmul.f32 $1.442695020e+00, v13;
	vm1 =	vgt.f32 v8, $0.0e+00;
	v26 =	vmul.f32 $2.000000030e-01, v8;
	v29 =	vpop (erf);
	v30 =	vld [tilespmem:s24+$0xF0]  }
0x1ba: {  	v9 =	vmul.f32 $1.442695020e+00, v9;
	v21 =	vsel vm0, v22, v21;
	[tilespmem:s22+$0x230] =	vst v29;
	(erf) = vpow2.f32 v10;
	v10 =	vld [tilespmem:s12+$0xFFFFFEC0]  }
0x1bb: {  	v8 =	vsel vm1, v8, v26;
	v22 =	vmul.f32 $1.442695020e+00, v21;
	v26 =	vld [tilespmem:s14+$0x1B0];
	(erf) = vpow2.f32 v11  }
0x1bc: {  	v11 =	vmul.f32 $1.442695020e+00, v8;
	(erf) = vpow2.f32 v13;
	v13 =	vld [tilespmem:s12+$0xFFFFFF50]  }
0x1bd: {  	(erf) = vpow2.f32 v9;
	v9 =	vmul.f32 v23, v19;
	v31 =	vld [tilespmem:s12+$0xFFFFFFE0]  }
0x1be: {  	v21 =	vperm.xlane v29, v1;
	(erf) = vpow2.f32 v11;
	v8 =	vpop (erf);
	v32 =	vld [tilespmem:s12+$0x70]  }
0x1bf: {  	[tilespmem:s22+$0xFFFFFED0] =	vst v8;
	v8 =	vperm.xlane v8, v1;
	(erf) = vpow2.f32 v22;
	v33 =	vld [tilespmem:s12+$0x100]  }
0x1c0: {  	v28 =	vmul.f32 v28, v20;
	v22 =	vld [tilespmem:s14+$0xFFFFFE50];
	v11 =	vmul.f32 v26, v21;
	[tilespmem:s29+$0x170] =	vst v9  }
0x1c1: {  	v23 =	vmul.f32 v25, v15;
	v26 =	vmul.f32 v12, v14;
	v9 =	vld [tilespmem:s24+$0x180]  }
0x1c2: {  	v24 =	vmul.f32 v24, v18;
	v25 =	vmul.f32 v27, v16;
	[tilespmem:s22+$0x1B0] =	vst v11;
	v34 =	vld [tilespmem:s12+$0x190];
	s12 =	smov.u32 s24;
	s24 =	smov.u32 s14  }
0x1c3: {  	v27 =	vmul.f32 v30, v17;
	v11 =	vmul.f32 v10, v2;
	v2 =	vmov v14;
	v29 =	vld [tilespmem:s14+$0x1C0];
	v12 =	vpop (erf);
	[tilespmem:s29+$0xFFFFFE20] =	vst v28  }
0x1c4: {  	v14 =	vmov v8;
	[tilespmem:s22+$0xFFFFFF60] =	vst v12;
	v10 =	vperm.xlane v12, v1;
	v28 =	vpop (erf);
	v30 =	vld [tilespmem:s12+$0xFFFFFE30];
	v12 =	vmul.f32 v13, v6  }
0x1c5: {  	v6 =	vmov v15;
	v8 =	vmul.f32 v22, v14;
	v22 =	vld [tilespmem:s14+$0xFFFFFEE0];
	[tilespmem:s22+$0xFFFFFFF0] =	vst v28;
	v35 =	vperm.xlane v28, v1;
	v13 =	vpop (erf)  }
0x1c6: {  	v36 =	vld [tilespmem:s14+$0xFFFFFF70];
	[tilespmem:s22+$0x80] =	vst v13;
	v37 =	vperm.xlane v13, v1;
	v13 =	vpop (erf);
	v28 =	vmul.f32 v9, v19;
	v15 =	vmov v10  }
0x1c7: {  	v10 =	vld [tilespmem:s14+$0x0];
	[tilespmem:s22+$0x110] =	vst v13;
	v38 =	vperm.xlane v13, v1;
	v9 =	vpop (erf);
	v13 =	vmul.f32 v31, v3;
	v3 =	vmov v18  }
0x1c8: {  	v18 =	vmov v35;
	[tilespmem:s22+$0xFFFFFE40] =	vst v9;
	v31 =	vperm.xlane v9, v1;
	v39 =	vld [tilespmem:s14+$0x90];
	v9 =	vmul.f32 v29, v21;
	v29 =	vpop (erf)  }
0x1c9: {  	v35 =	vld [tilespmem:s14+$0xFFFFFDC0];
	[tilespmem:s22+$0x1A0] =	vst v29;
	v40 =	vperm.xlane v29, v1;
	v29 =	vmul.f32 v30, v20  }
0x1ca: {  	v41 =	vmul.f32 v22, v15;
	v30 =	vld [tilespmem:s14+$0x120];
	[tilespmem:s22+$0x1C0] =	vst v9;
	v22 =	vmul.f32 v32, v4;
	v4 =	vmovc v16;
	v16 =	vmov v37  }
0x1cb: {  	v9 =	vmul.f32 v33, v5;
	v5 =	vmovc v17;
	v17 =	vmov v38;
	[tilespmem:s22+$0xFFFFFE50] =	vst v8;
	v32 =	vmul.f32 v36, v18;
	v36 =	vld [tilespmem:s14+$0x1D0]  }
0x1cc: {  	v20 =	vmovc v31;
	v8 =	vmul.f32 v34, v7;
	v7 =	vmov v19;
	v33 =	vld [tilespmem:s14+$0xFFFFFE60];
	[tilespmem:s22+$0xFFFFFEE0] =	vst v41;
	v10 =	vmul.f32 v10, v16  }
0x1cd: {  	v19 =	vmov v40;
	v31 =	vld [tilespmem:s14+$0xFFFFFEF0];
	[tilespmem:s22+$0xFFFFFF70] =	vst v32;
	v32 =	vmul.f32 v39, v17  }
0x1ce: {  	v34 =	vmul.f32 v35, v20;
	v35 =	vld [tilespmem:s14+$0xFFFFFF80];
	[tilespmem:s22+$0x0] =	vst v10  }
0x1cf: {  	v10 =	vld [tilespmem:s14+$0x10];
	[tilespmem:s22+$0x90] =	vst v32;
	v30 =	vmul.f32 v30, v19  }
0x1d0: {  	[tilespmem:s22+$0xFFFFFDC0] =	vst v34;
	v32 =	vld [tilespmem:s14+$0xA0];
	v34 =	vmul.f32 v36, v21  }
0x1d1: {  	v36 =	vld [tilespmem:s14+$0xFFFFFDD0];
	v33 =	vmul.f32 v33, v14;
	[tilespmem:s22+$0x120] =	vst v30  }
0x1d2: {  	v30 =	vmul.f32 v31, v15;
	v31 =	vld [tilespmem:s14+$0x130];
	[tilespmem:s22+$0x1D0] =	vst v34  }
0x1d3: {  	[tilespmem:s22+$0xFFFFFE60] =	vst v33;
	v33 =	vmul.f32 v35, v18;
	v34 =	vld [tilespmem:s14+$0x1E0]  }
0x1d4: {  	v35 =	vld [tilespmem:s14+$0xFFFFFE70];
	[tilespmem:s22+$0xFFFFFEF0] =	vst v30;
	v10 =	vmul.f32 v10, v16  }
0x1d5: {  	v30 =	vld [tilespmem:s14+$0xFFFFFF00];
	[tilespmem:s22+$0xFFFFFF80] =	vst v33;
	v32 =	vmul.f32 v32, v17  }
0x1d6: {  	v33 =	vmul.f32 v36, v20;
	v36 =	vld [tilespmem:s14+$0xFFFFFF90];
	[tilespmem:s22+$0x10] =	vst v10  }
0x1d7: {  	v10 =	vld [tilespmem:s14+$0x20];
	[tilespmem:s22+$0xA0] =	vst v32;
	v31 =	vmul.f32 v31, v19  }
0x1d8: {  	[tilespmem:s22+$0xFFFFFDD0] =	vst v33;
	v32 =	vld [tilespmem:s14+$0xB0];
	v33 =	vmul.f32 v34, v21  }
0x1d9: {  	v34 =	vld [tilespmem:s14+$0xFFFFFDE0];
	v35 =	vmul.f32 v35, v14;
	[tilespmem:s22+$0x130] =	vst v31  }
0x1da: {  	v30 =	vmul.f32 v30, v15;
	v31 =	vld [tilespmem:s14+$0x140];
	[tilespmem:s22+$0x1E0] =	vst v33  }
0x1db: {  	[tilespmem:s22+$0xFFFFFE70] =	vst v35;
	v33 =	vmul.f32 v36, v18;
	v35 =	vld [tilespmem:s14+$0x1F0]  }
0x1dc: {  	v36 =	vld [tilespmem:s14+$0xFFFFFE80];
	[tilespmem:s22+$0xFFFFFF00] =	vst v30;
	v10 =	vmul.f32 v10, v16  }
0x1dd: {  	v30 =	vld [tilespmem:s14+$0xFFFFFF10];
	[tilespmem:s22+$0xFFFFFF90] =	vst v33;
	v32 =	vmul.f32 v32, v17  }
0x1de: {  	v33 =	vmul.f32 v34, v20;
	v34 =	vld [tilespmem:s14+$0xFFFFFFA0];
	[tilespmem:s22+$0x20] =	vst v10  }
0x1df: {  	v10 =	vld [tilespmem:s14+$0x30];
	[tilespmem:s22+$0xB0] =	vst v32;
	v31 =	vmul.f32 v31, v19  }
0x1e0: {  	[tilespmem:s22+$0xFFFFFDE0] =	vst v33;
	v32 =	vld [tilespmem:s14+$0xC0];
	v33 =	vmul.f32 v35, v21  }
0x1e1: {  	v35 =	vld [tilespmem:s14+$0xFFFFFDF0];
	v36 =	vmul.f32 v36, v14;
	[tilespmem:s22+$0x140] =	vst v31  }
0x1e2: {  	v30 =	vmul.f32 v30, v15;
	v31 =	vld [tilespmem:s14+$0x150];
	[tilespmem:s22+$0x1F0] =	vst v33  }
0x1e3: {  	[tilespmem:s22+$0xFFFFFE80] =	vst v36;
	v33 =	vmul.f32 v34, v18;
	v34 =	vld [tilespmem:s14+$0x200]  }
0x1e4: {  	v36 =	vld [tilespmem:s14+$0xFFFFFE90];
	[tilespmem:s22+$0xFFFFFF10] =	vst v30;
	v10 =	vmul.f32 v10, v16  }
0x1e5: {  	v30 =	vld [tilespmem:s14+$0xFFFFFF20];
	[tilespmem:s22+$0xFFFFFFA0] =	vst v33;
	v32 =	vmul.f32 v32, v17  }
0x1e6: {  	v33 =	vmul.f32 v35, v20;
	v35 =	vld [tilespmem:s14+$0xFFFFFFB0];
	[tilespmem:s22+$0x30] =	vst v10  }
0x1e7: {  	v10 =	vld [tilespmem:s14+$0x40];
	[tilespmem:s22+$0xC0] =	vst v32;
	v31 =	vmul.f32 v31, v19  }
0x1e8: {  	[tilespmem:s22+$0xFFFFFDF0] =	vst v33;
	v32 =	vld [tilespmem:s14+$0xD0];
	v33 =	vmul.f32 v34, v21  }
0x1e9: {  	v37 =	vld [tilespmem:s14+$0xFFFFFE00];
	v34 =	vmul.f32 v36, v14;
	[tilespmem:s22+$0x150] =	vst v31  }
0x1ea: {  	v30 =	vmul.f32 v30, v15;
	v31 =	vld [tilespmem:s14+$0x160];
	[tilespmem:s22+$0x200] =	vst v33  }
0x1eb: {  	[tilespmem:s22+$0xFFFFFE90] =	vst v34;
	v33 =	vmul.f32 v35, v18;
	v35 =	vld [tilespmem:s14+$0x210]  }
0x1ec: {  	v36 =	vld [tilespmem:s14+$0xFFFFFEA0];
	[tilespmem:s22+$0xFFFFFF20] =	vst v30;
	v10 =	vmul.f32 v10, v16  }
.Ltmp7:
0x1ed: {  	v34 =	vld [tilespmem:s14+$0xFFFFFF30];
	[tilespmem:s22+$0xFFFFFFB0] =	vst v33;
	v32 =	vmul.f32 v32, v17;
	(pc) =	sbr.rel @p1 .LBB2_8-.Ltmp7, $4  }
0x1ee: {  	v37 =	vmul.f32 v37, v20;
	v33 =	vld [tilespmem:s14+$0xFFFFFFC0];
	[tilespmem:s22+$0x40] =	vst v10  }
0x1ef: {  	v30 =	vld [tilespmem:s14+$0x50];
	[tilespmem:s22+$0xD0] =	vst v32;
	v38 =	vmul.f32 v31, v19  }
0x1f0: {  	[tilespmem:s22+$0xFFFFFE00] =	vst v37;
	v10 =	vld [tilespmem:s14+$0xE0];
	v32 =	vmul.f32 v35, v21  }
0x1f1: {  	s14 =	sadd.s32 $0x480, s14;
	v31 =	vld [tilespmem:s24+$0xFFFFFE10];
	v35 =	vmul.f32 v36, v14;
	[tilespmem:s22+$0x160] =	vst v38  }
0x1f2: {  	[tilespmem:s22+$0x210] =	vst v32  }
0x1f3: {  	[tilespmem:s29+$0xFFFFFEB0] =	vst v26  }
0x1f4: {  	[tilespmem:s29+$0xFFFFFF40] =	vst v23  }
0x1f5: {  	[tilespmem:s29+$0xFFFFFFD0] =	vst v24  }
0x1f6: {  	[tilespmem:s29+$0x60] =	vst v25  }
0x1f7: {  	[tilespmem:s29+$0xF0] =	vst v27  }
0x1f8: {  	[tilespmem:s29+$0x180] =	vst v28  }
0x1f9: {  	[tilespmem:s29+$0xFFFFFE30] =	vst v29  }
0x1fa: {  	[tilespmem:s17+$0xFFFFFEC0] =	vst v11  }
0x1fb: {  	[tilespmem:s17+$0xFFFFFF50] =	vst v12  }
0x1fc: {  	[tilespmem:s17+$0xFFFFFFE0] =	vst v13  }
0x1fd: {  	v34 =	vmul.f32 v34, v15;
	[tilespmem:s17+$0x70] =	vst v22;
	v47 =	vld [tilespmem:s24+$0x220]  }
0x1fe: {  	[tilespmem:s22+$0xFFFFFEA0] =	vst v35;
	v46 =	vmul.f32 v33, v18  }
0x1ff: {  	[tilespmem:s22+$0xFFFFFF30] =	vst v34;
	v10 =	vmul.f32 v10, v17  }
0x200: {  	[tilespmem:s22+$0xFFFFFFC0] =	vst v46;
	v31 =	vmul.f32 v31, v20  }
0x201: {  	v30 =	vmul.f32 v30, v16;
	[tilespmem:s22+$0xE0] =	vst v10  }
0x202: {  	[tilespmem:s22+$0xFFFFFE10] =	vst v31;
	v10 =	vmul.f32 v47, v21  }
0x203: {  	[tilespmem:s22+$0x50] =	vst v30;
	v11 =	vld [tilespmem:s24+$0xFFFFFE20]  }
0x204: {  	[tilespmem:s22+$0x220] =	vst v10;
	v10 =	vld [tilespmem:s24+$0x170]  }
0x205: {  	v12 =	vld [tilespmem:s24+$0xFFFFFEB0]  }
0x206: {  	v13 =	vld [tilespmem:s24+$0xFFFFFF40];
	_ =	sdelay $0x1  }
0x207: {  	v21 =	vld [tilespmem:s24+$0xFFFFFFD0]  }
0x208: {  	[tilespmem:s17+$0x100] =	vst v9;
	v9 =	vld [tilespmem:s24+$0x60];
	v11 =	vmul.f32 v11, v20  }
0x209: {  	v22 =	vld [tilespmem:s24+$0xF0];
	[tilespmem:s17+$0x190] =	vst v8;
	v10 =	vmul.f32 v10, v19  }
0x20a: {  	[tilespmem:s22+$0xFFFFFE20] =	vst v11;
	v8 =	vmul.f32 v13, v15;
	v13 =	vld [tilespmem:s12+$0xFFFFFEC0]  }
0x20b: {  	[tilespmem:s22+$0x170] =	vst v10;
	v11 =	vld [tilespmem:s24+$0xFFFFFE30]  }
0x20c: {  	v21 =	vmul.f32 v21, v18;
	v10 =	vmul.f32 v12, v14;
	v12 =	vld [tilespmem:s24+$0x180]  }
0x20d: {  	[tilespmem:s22+$0xFFFFFF40] =	vst v8;
	v8 =	vld [tilespmem:s12+$0xFFFFFFE0]  }
0x20e: {  	v9 =	vmul.f32 v9, v16;
	[tilespmem:s22+$0xFFFFFFD0] =	vst v21;
	v21 =	vld [tilespmem:s12+$0x70]  }
0x20f: {  	v22 =	vmul.f32 v22, v17;
	[tilespmem:s22+$0xFFFFFEB0] =	vst v10;
	v10 =	vld [tilespmem:s12+$0xFFFFFF50]  }
0x210: {  	[tilespmem:s22+$0x60] =	vst v9;
	v2 =	vmul.f32 v13, v2  }
0x211: {  	v9 =	vld [tilespmem:s12+$0x100];
	[tilespmem:s22+$0xF0] =	vst v22;
	v11 =	vmul.f32 v11, v20  }
0x212: {  	v20 =	vld [tilespmem:s12+$0x190];
	v12 =	vmul.f32 v12, v19;
	[tilespmem:s29+$0xFFFFFEC0] =	vst v2  }
0x213: {  	v3 =	vmul.f32 v8, v3;
	v2 =	vld [tilespmem:s24+$0xFFFFFF50];
	[tilespmem:s22+$0xFFFFFE30] =	vst v11  }
0x214: {  	v4 =	vmul.f32 v21, v4;
	v6 =	vmul.f32 v10, v6;
	v10 =	vld [tilespmem:s24+$0xFFFFFEC0];
	[tilespmem:s22+$0x180] =	vst v12  }
0x215: {  	[tilespmem:s29+$0xFFFFFFE0] =	vst v3;
	v3 =	vld [tilespmem:s24+$0x70]  }
0x216: {  	v5 =	vmul.f32 v9, v5;
	[tilespmem:s29+$0x70] =	vst v4;
	v4 =	vld [tilespmem:s24+$0x100]  }
0x217: {  	[tilespmem:s29+$0xFFFFFF50] =	vst v6;
	v6 =	vld [tilespmem:s24+$0xFFFFFFE0];
	v7 =	vmul.f32 v20, v7  }
0x218: {  	[tilespmem:s29+$0x100] =	vst v5;
	v5 =	vld [tilespmem:s24+$0x190];
	v2 =	vmul.f32 v2, v15  }
0x219: {  	v8 =	vmul.f32 v10, v14;
	[tilespmem:s29+$0x190] =	vst v7  }
0x21a: {  	v3 =	vmul.f32 v3, v16;
	[tilespmem:s22+$0xFFFFFF50] =	vst v2  }
0x21b: {  	v2 =	vmul.f32 v4, v17;
	[tilespmem:s22+$0xFFFFFEC0] =	vst v8  }
0x21c: {  	v6 =	vmul.f32 v6, v18;
	[tilespmem:s22+$0x70] =	vst v3  }
0x21d: {  	v4 =	vmul.f32 v5, v19;
	[tilespmem:s22+$0x100] =	vst v2  }
0x21e: {  	p1 =	seq.s32 s8, $0x0;
	s17 =	smul.u32 $0x50, s8;
	[tilespmem:s22+$0xFFFFFFE0] =	vst v6  }
0x21f: {  	s0 =	simm.s32 @!p1 $0x6;
	[tilespmem:s22+$0x190] =	vst v4  }
0x220: {  	s24 =	sadd.s32 s17, s10;
	_ =	swait.ge @!p1 [sflag:s0], $0x1680  }
0x221: {  	s12 =	sshrl.u32 s24, $0x3;
	[sflag:s0] =	ssyncset.done @!p1 $0x0  }
0x222: {  	s14 =	sadd.s32 s5, s12;
	[sflag:s0] =	ssyncadd.s32 @!p1 $0xFFFFE980;
	p1 =	seq.s32 s8, $0x7C  }
0x223: {  	[tilespmem:s20], [sflag:$0xA] =	stream.linear.gather [hbm4b:s14+s3], $0x28, $0x38;
	[tilespmem:$0x1C7F0] =	vst v63  }
0x224: {  	s0 =	sadd.s32 @!p1 s17, s15  }
0x225: {  	s0 =	sshrl.u32 @!p1 s0, $0x3  }
0x226: {  	s14 =	simm.s32 @!p1 $0x0;
	s12 =	sadd.s32 @!p1 s4, s0  }
0x227: {  	[tilespmem:s14], [sflag:$0x7] =	stream.linear.gather @!p1 [hbm4b:s12+s14], $0x28, $0x38;
	[tilespmem:$0x1C7F0] =	vst v63  }
0x228: {  	s0 =	sadd.s32 @!p1 s5, s0;
	s12 =	simm.s32 @!p1 $0x50  }
0x229: {  	[tilespmem:s12], [sflag:$0x7] =	stream.linear.gather @!p1 [hbm4b:s0+s14], $0x28, $0x38;
	[tilespmem:$0x1C7F0] =	vst v63  }
0x22a: {  	_ =	swait.ge [sflag:s2], $0x28  }
0x22b: {  	p2 =	sgt.u32 s8, $0x7B;
	[sflag:s2] =	ssyncset.done $0x0  }
0x22c: {  	s0 =	simm.s32 @!p2 $0x7;
	[sflag:s2] =	ssyncadd.s32 $0xFFFFFFD8  }
0x22d: {  	[spmem:s1] =	stream.indirect.scatter.add.f32 [tilespmem:s16], [sflag:$0x5], $0x90, s28, s25, $0xb8;
	[tilespmem:$0x1C7F0] =	vst v63  }
0x22e: {  	_ =	swait.ge @!p2 [sflag:s0], $0x28  }
0x22f: {  	[sflag:s0] =	ssyncset.done @!p2 $0x0  }
0x230: {  	[sflag:s0] =	ssyncadd.s32 @!p2 $0xFFFFFFD8  }
0x231: {  	_ =	swait.ge @!p2 [sflag:s0], $0x28  }
0x232: {  	s12 =	simm.s32 @!p2 $0x0;
	[sflag:s0] =	ssyncset.done @!p2 $0x0  }
0x233: {  	s14 =	simm.s32 @!p2 $0xF0;
	[sflag:s0] =	ssyncadd.s32 @!p2 $0xFFFFFFD8;
	s0 =	simm.s32 @!p2 $0x28  }
0x234: {  	[tilespmem:s14], [sflag:$0x1] =	stream.indirect.gather @!p2 [hbm4b:s6+s0], $0x90, s12, s0, $0xb8;
	[tilespmem:$0x1C7F0] =	vst v63  }
0x235: {  	s12 =	simm.s32 @!p2 $0x50;
	s14 =	simm.s32 @!p2 $0x2DF0  }
0x236: {  	[tilespmem:s14], [sflag:$0x3] =	stream.indirect.gather @!p2 [hbm4b:s7+s0], $0x10, s12, s0, $0xb8;
	[tilespmem:$0x1C7F0] =	vst v63  }
0x237: {  	_ =	swait.ge [sflag:s18], $0x1680  }
0x238: {  	[sflag:s18] =	ssyncset.done $0x0  }
0x239: {  	[sflag:s18] =	ssyncadd.s32 $0xFFFFE980  }
0x23a: {  	_ =	swait.ge [sflag:s23], $0x280  }
0x23b: {  	[sflag:s23] =	ssyncset.done $0x0  }
0x23c: {  	s21 =	simm.s32 $0x19B0;
	[sflag:s23] =	ssyncadd.s32 $0xFFFFFD80  }
0x23d: {  	s22 =	simm.s32 $0x30B0;
	v2 =	vld [tilespmem:s21+$0x230]  }
0x23e: {  	v3 =	vld [tilespmem:s22+$0x30]  }
0x23f: {  	v4 =	vld [tilespmem:s22+$0xFFFFFFC0]  }
0x240: {  	v5 =	vld [tilespmem:s21+$0xFFFFFED0]  }
0x241: {  	v6 =	vld [tilespmem:s22+$0xFFFFFFD0]  }
0x242: {  	v7 =	vld [tilespmem:s21+$0xFFFFFF60]  }
0x243: {  	v8 =	vld [tilespmem:s22+$0xFFFFFFE0]  }
0x244: {  	v9 =	vld [tilespmem:s22+$0xFFFFFFF0]  }
0x245: {  	v11 =	vld [tilespmem:s21+$0x80]  }
0x246: {  	s24 =	simm.s32 $0x3130;
	v12 =	vld [tilespmem:s22+$0x0];
	v2 =	vadd.f32 v3, v2  }
0x247: {  	v19 =	vld [tilespmem:s24+$0x30]  }
0x248: {  	v20 =	vld [tilespmem:s24+$0xFFFFFFC0];
	v5 =	vadd.f32 v6, v5;
	v10 =	vmul.f32 $2.000000030e-01, v2  }
0x249: {  	v3 =	vld [tilespmem:s21+$0xFFFFFFF0];
	vm0 =	vgt.f32 v2, $0.0e+00  }
0x24a: {  	v6 =	vld [tilespmem:s21+$0x110];
	v13 =	vmul.f32 $2.000000030e-01, v5;
	v2 =	vsel vm0, v2, v10  }
0x24b: {  	vm6 =	vgt.f32 v5, $0.0e+00;
	v10 =	vld [tilespmem:s22+$0x10];
	v2 =	vmul.f32 $1.442695020e+00, v2  }
0x24c: {  	s29 =	simm.s32 $0x1E30;
	v5 =	vsel vm6, v5, v13;
	v13 =	vld [tilespmem:s21+$0xFFFFFE40]  }
0x24d: {  	v21 =	vld [tilespmem:s29+$0xFFFFFED0];
	v7 =	vadd.f32 v8, v7;
	v11 =	vadd.f32 v12, v11;
	(erf) = vpow2.f32 v2  }
0x24e: {  	v8 =	vld [tilespmem:s21+$0x1A0];
	v5 =	vmul.f32 $1.442695020e+00, v5;
	v2 =	vadd.f32 v9, v3  }
0x24f: {  	vm7 =	vgt.f32 v7, $0.0e+00;
	vm8 =	vgt.f32 v11, $0.0e+00;
	v3 =	vld [tilespmem:s22+$0x20];
	v9 =	vmul.f32 $2.000000030e-01, v7  }
0x250: {  	v22 =	vld [tilespmem:s24+$0xFFFFFFD0];
	(erf) = vpow2.f32 v5;
	vm1 =	vgt.f32 v2, $0.0e+00;
	v14 =	vmul.f32 $2.000000030e-01, v2  }
0x251: {  	v23 =	vld [tilespmem:s29+$0xFFFFFF60];
	v7 =	vsel vm7, v7, v9;
	v6 =	vadd.f32 v10, v6;
	v4 =	vadd.f32 v4, v13  }
0x252: {  	v24 =	vld [tilespmem:s24+$0xFFFFFFE0];
	v9 =	vmul.f32 $2.000000030e-01, v11;
	v7 =	vmul.f32 $1.442695020e+00, v7;
	v2 =	vsel vm1, v2, v14  }
0x253: {  	v25 =	vld [tilespmem:s24+$0xFFFFFFF0];
	v5 =	vmul.f32 $2.000000030e-01, v6;
	vm9 =	vgt.f32 v6, $0.0e+00;
	vm11 =	vgt.f32 v4, $0.0e+00  }
0x254: {  	s0 =	simm.s32 $0x31B0;
	v27 =	vld [tilespmem:s29+$0x80];
	v3 =	vadd.f32 v3, v8;
	v2 =	vmul.f32 $1.442695020e+00, v2;
	v8 =	vsel vm8, v11, v9  }
0x255: {  	v62 =	vld [tilespmem:s0+$0x30];
	v9 =	vmul.f32 $2.000000030e-01, v4;
	v5 =	vsel vm9, v6, v5;
	v8 =	vmul.f32 $1.442695020e+00, v8  }
0x256: {  	s12 =	simm.s32 $0x4BB0;
	v38 =	vld [tilespmem:s0+$0xFFFFFFD0];
	vm10 =	vgt.f32 v3, $0.0e+00;
	v6 =	vmul.f32 $2.000000030e-01, v3;
	v10 =	vpop (erf);
	(erf) = vpow2.f32 v7  }
0x257: {  	v39 =	vld [tilespmem:s0+$0xFFFFFFE0];
	v5 =	vmul.f32 $1.442695020e+00, v5;
	v4 =	vsel vm11, v4, v9;
	[tilespmem:s12+$0x230] =	vst v10;
	(erf) = vpow2.f32 v2  }
0x258: {  	v2 =	vsel vm10, v3, v6;
	v3 =	vmul.f32 $1.442695020e+00, v4;
	v7 =	vld [tilespmem:s21+$0x1B0];
	(erf) = vpow2.f32 v8  }
0x259: {  	v44 =	vld [tilespmem:s0+$0x0];
	v21 =	vadd.f32 v22, v21;
	(erf) = vpow2.f32 v5  }
0x25a: {  	v46 =	vld [tilespmem:s0+$0x10];
	v2 =	vmul.f32 $1.442695020e+00, v2;
	(erf) = vpow2.f32 v3  }
0x25b: {  	v22 =	vld [tilespmem:s29+$0x110];
	v29 =	vmul.f32 $2.000000030e-01, v21;
	v15 =	vperm.xlane v10, v1  }
0x25c: {  	v23 =	vadd.f32 v24, v23;
	v24 =	vld [tilespmem:s29+$0x1A0];
	vm13 =	vgt.f32 v21, $0.0e+00;
	(erf) = vpow2.f32 v2;
	v3 =	vpop (erf)  }
0x25d: {  	v21 =	vsel vm13, v21, v29;
	v29 =	vld [tilespmem:s29+$0xFFFFFE40];
	[tilespmem:s12+$0xFFFFFED0] =	vst v3;
	v2 =	vmul.f32 v7, v15  }
0x25e: {  	s22 =	simm.s32 $0x22B0;
	v5 =	vld [tilespmem:s21+$0xFFFFFE50]  }
0x25f: {  	v61 =	vld [tilespmem:s22+$0x230];
	[tilespmem:s12+$0x1B0] =	vst v2;
	v4 =	vpop (erf)  }
0x260: {  	v2 =	vld [tilespmem:s21+$0x1C0];
	[tilespmem:s12+$0xFFFFFF60] =	vst v4;
	v6 =	vpop (erf)  }
0x261: {  	v11 =	vperm.xlane v3, v1;
	v7 =	vld [tilespmem:s21+$0xFFFFFEE0];
	[tilespmem:s12+$0xFFFFFFF0] =	vst v6;
	v8 =	vpop (erf)  }
0x262: {  	v10 =	vld [tilespmem:s21+$0xFFFFFF70];
	[tilespmem:s12+$0x80] =	vst v8;
	v9 =	vpop (erf)  }
0x263: {  	v5 =	vmul.f32 v5, v11;
	v3 =	vld [tilespmem:s21+$0x0];
	[tilespmem:s12+$0x110] =	vst v9;
	v14 =	vpop (erf)  }
0x264: {  	v12 =	vperm.xlane v4, v1;
	[tilespmem:s12+$0xFFFFFE40] =	vst v14;
	v4 =	vld [tilespmem:s21+$0x90]  }
0x265: {  	v13 =	vperm.xlane v6, v1;
	v16 =	vpop (erf);
	[tilespmem:s12+$0xFFFFFE50] =	vst v5;
	v2 =	vmul.f32 v2, v15;
	v6 =	vld [tilespmem:s21+$0xFFFFFDC0]  }
0x266: {  	v8 =	vperm.xlane v8, v1;
	[tilespmem:s12+$0x1A0] =	vst v16;
	v18 =	vld [tilespmem:s21+$0xFFFFFE60];
	v7 =	vmul.f32 v7, v12  }
0x267: {  	v9 =	vperm.xlane v9, v1;
	v17 =	vld [tilespmem:s21+$0x120];
	[tilespmem:s12+$0x1C0] =	vst v2;
	v2 =	vmul.f32 v10, v13  }
0x268: {  	v14 =	vperm.xlane v14, v1;
	v5 =	vld [tilespmem:s21+$0x1D0];
	[tilespmem:s12+$0xFFFFFEE0] =	vst v7;
	v3 =	vmul.f32 v3, v8  }
0x269: {  	v10 =	vperm.xlane v16, v1;
	v7 =	vld [tilespmem:s21+$0xFFFFFEF0];
	[tilespmem:s12+$0xFFFFFF70] =	vst v2  }
0x26a: {  	v2 =	vmul.f32 v4, v9;
	v4 =	vmul.f32 v6, v14;
	v6 =	vld [tilespmem:s21+$0xFFFFFF80];
	[tilespmem:s12+$0x0] =	vst v3  }
0x26b: {  	v3 =	vld [tilespmem:s21+$0x10]  }
0x26c: {  	[tilespmem:s12+$0x90] =	vst v2;
	v2 =	vmul.f32 v17, v10;
	v17 =	vmul.f32 v18, v11;
	v18 =	vld [tilespmem:s29+$0x230]  }
0x26d: {  	[tilespmem:s12+$0xFFFFFDC0] =	vst v4;
	v4 =	vld [tilespmem:s21+$0xA0]  }
0x26e: {  	v5 =	vmul.f32 v5, v15;
	v16 =	vld [tilespmem:s21+$0xFFFFFDD0];
	[tilespmem:s12+$0x120] =	vst v2  }
0x26f: {  	[tilespmem:s12+$0xFFFFFE60] =	vst v17;
	v2 =	vmul.f32 v7, v12;
	v7 =	vld [tilespmem:s21+$0x130]  }
0x270: {  	v17 =	vld [tilespmem:s21+$0xFFFFFE70];
	[tilespmem:s12+$0x1D0] =	vst v5  }
0x271: {  	v5 =	vmul.f32 v6, v13;
	v6 =	vld [tilespmem:s21+$0x1E0]  }
0x272: {  	[tilespmem:s12+$0xFFFFFEF0] =	vst v2;
	v2 =	vmul.f32 v3, v8;
	v18 =	vadd.f32 v19, v18;
	v19 =	vld [tilespmem:s29+$0xFFFFFFF0]  }
0x273: {  	v3 =	vld [tilespmem:s21+$0xFFFFFF00];
	[tilespmem:s12+$0xFFFFFF80] =	vst v5;
	v4 =	vmul.f32 v4, v9  }
0x274: {  	v5 =	vmul.f32 v16, v14;
	v16 =	vld [tilespmem:s21+$0xFFFFFF90];
	[tilespmem:s12+$0x10] =	vst v2  }
0x275: {  	v26 =	vmul.f32 $2.000000030e-01, v18;
	v2 =	vld [tilespmem:s21+$0x20];
	[tilespmem:s12+$0xA0] =	vst v4  }
0x276: {  	vm12 =	vgt.f32 v18, $0.0e+00;
	v17 =	vmul.f32 v17, v11;
	[tilespmem:s12+$0xFFFFFDD0] =	vst v5;
	v5 =	vld [tilespmem:s21+$0xB0]  }
0x277: {  	v4 =	vmul.f32 v7, v10;
	v18 =	vsel vm12, v18, v26;
	v26 =	vld [tilespmem:s24+$0x10]  }
0x278: {  	v6 =	vmul.f32 v6, v15;
	v7 =	vld [tilespmem:s21+$0xFFFFFDE0];
	[tilespmem:s12+$0xFFFFFE70] =	vst v17  }
0x279: {  	[tilespmem:s12+$0x130] =	vst v4;
	v3 =	vmul.f32 v3, v12;
	v17 =	vld [tilespmem:s21+$0xFFFFFE80]  }
0x27a: {  	v4 =	vld [tilespmem:s21+$0x140];
	[tilespmem:s12+$0x1E0] =	vst v6;
	v6 =	vmul.f32 v16, v13  }
0x27b: {  	v16 =	vld [tilespmem:s21+$0x1F0];
	[tilespmem:s12+$0xFFFFFF00] =	vst v3;
	v2 =	vmul.f32 v2, v8  }
0x27c: {  	v3 =	vld [tilespmem:s21+$0xFFFFFF10];
	[tilespmem:s12+$0xFFFFFF90] =	vst v6;
	v5 =	vmul.f32 v5, v9  }
0x27d: {  	v6 =	vmul.f32 v7, v14;
	v7 =	vld [tilespmem:s21+$0xFFFFFFA0];
	[tilespmem:s12+$0x20] =	vst v2  }
0x27e: {  	v2 =	vld [tilespmem:s21+$0x30];
	[tilespmem:s12+$0xB0] =	vst v5;
	v17 =	vmul.f32 v17, v11  }
0x27f: {  	v18 =	vmul.f32 $1.442695020e+00, v18;
	[tilespmem:s12+$0xFFFFFDE0] =	vst v6;
	v5 =	vld [tilespmem:s21+$0xC0]  }
0x280: {  	v4 =	vmul.f32 v4, v10;
	v6 =	vmul.f32 v16, v15;
	v16 =	vld [tilespmem:s21+$0xFFFFFDF0];
	[tilespmem:s12+$0xFFFFFE80] =	vst v17  }
0x281: {  	v17 =	vld [tilespmem:s21+$0xFFFFFE90]  }
0x282: {  	(erf) = vpow2.f32 v18;
	v18 =	vadd.f32 v25, v19;
	v19 =	vld [tilespmem:s24+$0x20];
	[tilespmem:s12+$0x140] =	vst v4;
	v3 =	vmul.f32 v3, v12  }
0x283: {  	v4 =	vld [tilespmem:s21+$0x150];
	[tilespmem:s12+$0x1F0] =	vst v6;
	v6 =	vmul.f32 v7, v13  }
0x284: {  	v7 =	vld [tilespmem:s21+$0x200];
	[tilespmem:s12+$0xFFFFFF10] =	vst v3;
	v2 =	vmul.f32 v2, v8  }
0x285: {  	v3 =	vld [tilespmem:s21+$0xFFFFFF20];
	[tilespmem:s12+$0xFFFFFFA0] =	vst v6;
	v5 =	vmul.f32 v5, v9  }
0x286: {  	v6 =	vmul.f32 v16, v14;
	v16 =	vld [tilespmem:s21+$0xFFFFFFB0];
	[tilespmem:s12+$0x30] =	vst v2;
	v17 =	vmul.f32 v17, v11  }
0x287: {  	v2 =	vld [tilespmem:s21+$0x40];
	[tilespmem:s12+$0xC0] =	vst v5  }
0x288: {  	v4 =	vmul.f32 v4, v10;
	v5 =	vld [tilespmem:s21+$0xD0];
	[tilespmem:s12+$0xFFFFFE90] =	vst v17  }
0x289: {  	[tilespmem:s12+$0xFFFFFDF0] =	vst v6;
	v6 =	vmul.f32 v7, v15;
	v17 =	vld [tilespmem:s21+$0xFFFFFEA0]  }
0x28a: {  	v7 =	vld [tilespmem:s21+$0xFFFFFE00];
	[tilespmem:s12+$0x150] =	vst v4;
	v3 =	vmul.f32 v3, v12  }
0x28b: {  	v21 =	vmul.f32 $1.442695020e+00, v21;
	v20 =	vadd.f32 v20, v29;
	v25 =	vmul.f32 $2.000000030e-01, v23;
	v4 =	vld [tilespmem:s21+$0x160];
	[tilespmem:s12+$0x200] =	vst v6  }
0x28c: {  	vm14 =	vgt.f32 v23, $0.0e+00;
	v6 =	vmul.f32 v16, v13;
	v16 =	vld [tilespmem:s21+$0x210];
	[tilespmem:s12+$0xFFFFFF20] =	vst v3;
	v2 =	vmul.f32 v2, v8  }
0x28d: {  	vm7 =	vgt.f32 v20, $0.0e+00;
	(erf) = vpow2.f32 v21;
	v30 =	vmul.f32 $2.000000030e-01, v18;
	v3 =	vld [tilespmem:s21+$0xFFFFFF30]  }
0x28e: {  	v22 =	vadd.f32 v26, v22;
	v5 =	vmul.f32 v5, v9;
	[tilespmem:s12+$0x40] =	vst v2;
	v28 =	vmul.f32 v17, v11;
	v17 =	vld [tilespmem:s24+$0x0]  }
0x28f: {  	vm15 =	vgt.f32 v18, $0.0e+00;
	v23 =	vsel vm14, v23, v25;
	[tilespmem:s12+$0xFFFFFFB0] =	vst v6;
	v6 =	vmul.f32 v7, v14;
	v2 =	vld [tilespmem:s21+$0x50]  }
0x290: {  	v23 =	vmul.f32 $1.442695020e+00, v23;
	v18 =	vsel vm15, v18, v30;
	v21 =	vmul.f32 $2.000000030e-01, v22;
	v7 =	vld [tilespmem:s21+$0xFFFFFFC0];
	[tilespmem:s12+$0xD0] =	vst v5  }
0x291: {  	v37 =	vld [tilespmem:s22+$0xFFFFFED0];
	vm5 =	vgt.f32 v22, $0.0e+00;
	v19 =	vadd.f32 v19, v24;
	v24 =	vpop (erf);
	v4 =	vmul.f32 v4, v10;
	s24 =	simm.s32 $0x5030;
	[tilespmem:s12+$0xFFFFFE00] =	vst v6  }
0x292: {  	(erf) = vpow2.f32 v23;
	v21 =	vsel vm5, v22, v21;
	v22 =	vmul.f32 $2.000000030e-01, v20;
	[tilespmem:s24+$0x230] =	vst v24;
	v6 =	vld [tilespmem:s21+$0xFFFFFE10]  }
0x293: {  	v5 =	vld [tilespmem:s21+$0xE0];
	v16 =	vmul.f32 v16, v15;
	[tilespmem:s12+$0x160] =	vst v4;
	v4 =	vmul.f32 $2.000000030e-01, v19;
	v17 =	vadd.f32 v17, v27  }
0x294: {  	v45 =	vld [tilespmem:s22+$0x110];
	vm6 =	vgt.f32 v19, $0.0e+00;
	[tilespmem:s12+$0xFFFFFEA0] =	vst v28;
	v3 =	vmul.f32 v3, v12;
	v2 =	vmul.f32 v2, v8  }
0x295: {  	v20 =	vsel vm7, v20, v22;
	v22 =	vld [tilespmem:s29+$0x1B0];
	v7 =	vmul.f32 v7, v13;
	[tilespmem:s12+$0x210] =	vst v16;
	v25 =	vmul.f32 $2.000000030e-01, v17  }
0x296: {  	v16 =	vmul.f32 $1.442695020e+00, v18;
	v4 =	vsel vm6, v19, v4;
	v19 =	vld [tilespmem:s21+$0xFFFFFEB0];
	vm4 =	vgt.f32 v17, $0.0e+00;
	[tilespmem:s12+$0x50] =	vst v2  }
0x297: {  	[tilespmem:s12+$0xFFFFFF30] =	vst v3;
	v3 =	vmul.f32 $1.442695020e+00, v4;
	v6 =	vmul.f32 v6, v14;
	v23 =	vld [tilespmem:s21+$0x60];
	v18 =	vsel vm4, v17, v25  }
0x298: {  	v5 =	vmul.f32 v5, v9;
	v25 =	vld [tilespmem:s21+$0x170];
	v26 =	vmul.f32 $1.442695020e+00, v18  }
0x299: {  	(erf) = vpow2.f32 v16;
	v17 =	vld [tilespmem:s21+$0x220];
	[tilespmem:s12+$0xFFFFFE10] =	vst v6;
	v6 =	vmul.f32 $1.442695020e+00, v21  }
0x29a: {  	[tilespmem:s12+$0xE0] =	vst v5;
	v21 =	vmul.f32 $1.442695020e+00, v20;
	v20 =	vld [tilespmem:s21+$0xFFFFFF40];
	(erf) = vpow2.f32 v26  }
0x29b: {  	v16 =	vperm.xlane v24, v1;
	v2 =	vpop (erf);
	v24 =	vld [tilespmem:s21+$0xF0];
	(erf) = vpow2.f32 v6  }
0x29c: {  	v19 =	vmul.f32 v19, v11;
	v18 =	vld [tilespmem:s21+$0xFFFFFE20];
	[tilespmem:s24+$0xFFFFFED0] =	vst v2;
	(erf) = vpow2.f32 v21  }
0x29d: {  	v5 =	vld [tilespmem:s29+$0xFFFFFE50];
	v4 =	vmul.f32 v25, v10;
	(erf) = vpow2.f32 v3  }
0x29e: {  	[tilespmem:s12+$0xFFFFFFC0] =	vst v7;
	v63 =	vmul.f32 v23, v8;
	v23 =	vld [tilespmem:s22+$0xFFFFFFF0];
	v3 =	vmul.f32 v22, v16  }
0x29f: {  	[tilespmem:s12+$0xFFFFFEB0] =	vst v19;
	v21 =	vld [tilespmem:s21+$0xFFFFFFD0]  }
0x2a0: {  	v40 =	vmul.f32 v24, v9;
	v24 =	vld [tilespmem:s0+$0xFFFFFFF0];
	[tilespmem:s24+$0x1B0] =	vst v3  }
0x2a1: {  	[tilespmem:s12+$0x170] =	vst v4;
	v3 =	vld [tilespmem:s29+$0x1C0];
	v4 =	vpop (erf)  }
0x2a2: {  	v15 =	vmul.f32 v17, v15;
	v17 =	vmul.f32 v18, v14;
	v18 =	vld [tilespmem:s22+$0xFFFFFF60];
	[tilespmem:s24+$0xFFFFFF60] =	vst v4;
	v7 =	vpop (erf)  }
0x2a3: {  	v22 =	vld [tilespmem:s29+$0xFFFFFEE0];
	[tilespmem:s24+$0xFFFFFFF0] =	vst v7;
	v26 =	vpop (erf)  }
0x2a4: {  	v27 =	vld [tilespmem:s29+$0xFFFFFF70];
	[tilespmem:s24+$0x80] =	vst v26;
	v28 =	vpop (erf)  }
0x2a5: {  	v2 =	vperm.xlane v2, v1;
	v29 =	vld [tilespmem:s29+$0x0];
	[tilespmem:s24+$0x110] =	vst v28;
	v30 =	vpop (erf)  }
0x2a6: {  	v6 =	vperm.xlane v4, v1;
	v48 =	vmul.f32 v3, v16;
	[tilespmem:s24+$0xFFFFFE40] =	vst v30;
	v31 =	vld [tilespmem:s29+$0x90];
	v49 =	vpop (erf)  }
0x2a7: {  	v50 =	vmul.f32 v5, v2;
	v3 =	vperm.xlane v7, v1;
	v51 =	vld [tilespmem:s29+$0xFFFFFDC0];
	[tilespmem:s24+$0x1A0] =	vst v49  }
0x2a8: {  	v4 =	vperm.xlane v26, v1;
	v7 =	vmul.f32 v22, v6;
	[tilespmem:s24+$0x1C0] =	vst v48;
	v26 =	vld [tilespmem:s29+$0x120]  }
0x2a9: {  	[tilespmem:s24+$0xFFFFFE50] =	vst v50;
	v5 =	vperm.xlane v28, v1;
	v27 =	vmul.f32 v27, v3;
	v28 =	vld [tilespmem:s29+$0x1D0]  }
0x2aa: {  	v22 =	vperm.xlane v30, v1;
	v30 =	vld [tilespmem:s29+$0xFFFFFE60];
	[tilespmem:s24+$0xFFFFFEE0] =	vst v7;
	v29 =	vmul.f32 v29, v4  }
0x2ab: {  	v7 =	vperm.xlane v49, v1;
	v52 =	vld [tilespmem:s29+$0xFFFFFEF0];
	[tilespmem:s24+$0xFFFFFF70] =	vst v27;
	v27 =	vmul.f32 v31, v5  }
0x2ac: {  	v53 =	vld [tilespmem:s29+$0xFFFFFF80];
	v31 =	vmul.f32 v51, v22;
	[tilespmem:s24+$0x0] =	vst v29  }
0x2ad: {  	v29 =	vld [tilespmem:s29+$0x10];
	[tilespmem:s24+$0x90] =	vst v27;
	v26 =	vmul.f32 v26, v7  }
0x2ae: {  	v28 =	vmul.f32 v28, v16;
	[tilespmem:s24+$0xFFFFFDC0] =	vst v31;
	v27 =	vld [tilespmem:s29+$0xA0]  }
0x2af: {  	v30 =	vmul.f32 v30, v2;
	v31 =	vld [tilespmem:s29+$0xFFFFFDD0];
	[tilespmem:s24+$0x120] =	vst v26  }
0x2b0: {  	v26 =	vmul.f32 v52, v6;
	[tilespmem:s24+$0x1D0] =	vst v28;
	v54 =	vld [tilespmem:s29+$0x130]  }
0x2b1: {  	[tilespmem:s24+$0xFFFFFE60] =	vst v30;
	v28 =	vmul.f32 v53, v3;
	v30 =	vld [tilespmem:s29+$0x1E0]  }
0x2b2: {  	v55 =	vld [tilespmem:s29+$0xFFFFFE70];
	[tilespmem:s24+$0xFFFFFEF0] =	vst v26;
	v26 =	vmul.f32 v29, v4  }
0x2b3: {  	v29 =	vld [tilespmem:s29+$0xFFFFFF00];
	[tilespmem:s24+$0xFFFFFF80] =	vst v28;
	v27 =	vmul.f32 v27, v5  }
0x2b4: {  	v28 =	vmul.f32 v31, v22;
	v31 =	vld [tilespmem:s29+$0xFFFFFF90];
	[tilespmem:s24+$0x10] =	vst v26  }
0x2b5: {  	v26 =	vld [tilespmem:s29+$0x20];
	[tilespmem:s24+$0xA0] =	vst v27;
	v27 =	vmul.f32 v54, v7  }
0x2b6: {  	v30 =	vmul.f32 v30, v16;
	[tilespmem:s24+$0xFFFFFDD0] =	vst v28;
	v28 =	vld [tilespmem:s29+$0xB0]  }
0x2b7: {  	v56 =	vld [tilespmem:s29+$0xFFFFFDE0];
	[tilespmem:s24+$0x130] =	vst v27  }
0x2b8: {  	v27 =	vmul.f32 v29, v6;
	[tilespmem:s24+$0x1E0] =	vst v30;
	v29 =	vld [tilespmem:s29+$0x140]  }
0x2b9: {  	[tilespmem:s12+$0x220] =	vst v15;
	v30 =	vmul.f32 v31, v3;
	v31 =	vld [tilespmem:s29+$0x1F0]  }
0x2ba: {  	v25 =	vld [tilespmem:s21+$0x180];
	[tilespmem:s24+$0xFFFFFF00] =	vst v27;
	v26 =	vmul.f32 v26, v4  }
0x2bb: {  	v27 =	vld [tilespmem:s29+$0xFFFFFF10];
	[tilespmem:s24+$0xFFFFFF90] =	vst v30;
	v28 =	vmul.f32 v28, v5  }
0x2bc: {  	v30 =	vmul.f32 v56, v22;
	v57 =	vld [tilespmem:s29+$0xFFFFFFA0];
	[tilespmem:s24+$0x20] =	vst v26  }
0x2bd: {  	v33 =	vmul.f32 v55, v2;
	v26 =	vld [tilespmem:s29+$0x30];
	[tilespmem:s24+$0xB0] =	vst v28  }
0x2be: {  	v28 =	vmul.f32 v29, v7;
	[tilespmem:s24+$0xFFFFFDE0] =	vst v30;
	v29 =	vld [tilespmem:s29+$0xC0];
	v30 =	vmul.f32 v31, v16  }
0x2bf: {  	[tilespmem:s24+$0xFFFFFE70] =	vst v33;
	v31 =	vld [tilespmem:s29+$0xFFFFFDF0]  }
0x2c0: {  	v33 =	vld [tilespmem:s29+$0xFFFFFE80];
	v27 =	vmul.f32 v27, v6;
	[tilespmem:s24+$0x1F0] =	vst v30  }
0x2c1: {  	[tilespmem:s24+$0x140] =	vst v28;
	v30 =	vmul.f32 v57, v3;
	v58 =	vld [tilespmem:s29+$0x200]  }
0x2c2: {  	v28 =	vld [tilespmem:s29+$0x150];
	[tilespmem:s24+$0xFFFFFF10] =	vst v27;
	v26 =	vmul.f32 v26, v4  }
0x2c3: {  	v27 =	vld [tilespmem:s29+$0xFFFFFF20];
	[tilespmem:s24+$0xFFFFFFA0] =	vst v30;
	v29 =	vmul.f32 v29, v5  }
0x2c4: {  	v30 =	vmul.f32 v31, v22;
	v31 =	vld [tilespmem:s29+$0xFFFFFFB0];
	[tilespmem:s24+$0x30] =	vst v26  }
0x2c5: {  	v33 =	vmul.f32 v33, v2;
	v26 =	vld [tilespmem:s29+$0x40];
	[tilespmem:s24+$0xC0] =	vst v29  }
0x2c6: {  	[tilespmem:s24+$0xFFFFFDF0] =	vst v30;
	v29 =	vld [tilespmem:s29+$0xD0];
	v30 =	vmul.f32 v58, v16  }
0x2c7: {  	[tilespmem:s24+$0xFFFFFE80] =	vst v33;
	v28 =	vmul.f32 v28, v7;
	v59 =	vld [tilespmem:s29+$0xFFFFFE00]  }
0x2c8: {  	v33 =	vld [tilespmem:s29+$0xFFFFFE90];
	v27 =	vmul.f32 v27, v6;
	[tilespmem:s24+$0x200] =	vst v30  }
0x2c9: {  	[tilespmem:s24+$0x150] =	vst v28;
	v30 =	vmul.f32 v31, v3;
	v31 =	vld [tilespmem:s29+$0x210]  }
0x2ca: {  	v28 =	vld [tilespmem:s29+$0x160];
	[tilespmem:s24+$0xFFFFFF20] =	vst v27;
	v26 =	vmul.f32 v26, v4  }
0x2cb: {  	v27 =	vld [tilespmem:s29+$0xFFFFFF30];
	[tilespmem:s24+$0xFFFFFFB0] =	vst v30;
	v29 =	vmul.f32 v29, v5  }
0x2cc: {  	v30 =	vmul.f32 v59, v22;
	v60 =	vld [tilespmem:s29+$0xFFFFFFC0];
	[tilespmem:s24+$0x40] =	vst v26  }
0x2cd: {  	v20 =	vmul.f32 v20, v12;
	v26 =	vld [tilespmem:s29+$0x50];
	[tilespmem:s24+$0xD0] =	vst v29  }
0x2ce: {  	v34 =	vadd.f32 v62, v61;
	v42 =	vmul.f32 v25, v10;
	[tilespmem:s24+$0xFFFFFE00] =	vst v30;
	v29 =	vld [tilespmem:s29+$0xE0];
	v30 =	vmul.f32 v31, v16  }
0x2cf: {  	v37 =	vadd.f32 v38, v37;
	[tilespmem:s12+$0xFFFFFF40] =	vst v20;
	v33 =	vmul.f32 v33, v2;
	v25 =	vmul.f32 v28, v7;
	v28 =	vld [tilespmem:s22+$0x80]  }
0x2d0: {  	v41 =	vmul.f32 $2.000000030e-01, v34;
	vm8 =	vgt.f32 v34, $0.0e+00;
	v18 =	vadd.f32 v39, v18;
	v31 =	vld [tilespmem:s29+$0xFFFFFE10];
	[tilespmem:s24+$0x210] =	vst v30  }
0x2d1: {  	vm9 =	vgt.f32 v37, $0.0e+00;
	v21 =	vmul.f32 v21, v13;
	v23 =	vadd.f32 v24, v23;
	[tilespmem:s24+$0xFFFFFE90] =	vst v33;
	v30 =	vld [tilespmem:s29+$0x220]  }
0x2d2: {  	v34 =	vsel vm8, v34, v41;
	v33 =	vld [tilespmem:s29+$0xFFFFFEA0];
	v27 =	vmul.f32 v27, v6;
	[tilespmem:s24+$0x160] =	vst v25;
	v25 =	vmul.f32 $2.000000030e-01, v18  }
0x2d3: {  	v47 =	vld [tilespmem:s22+$0x1A0];
	[tilespmem:s12+$0xFFFFFE20] =	vst v17;
	vm11 =	vgt.f32 v23, $0.0e+00;
	v15 =	vmul.f32 v29, v5;
	v29 =	vmul.f32 $1.442695020e+00, v34  }
0x2d4: {  	v24 =	vld [tilespmem:s0+$0x20];
	[tilespmem:s12+$0xFFFFFFD0] =	vst v21;
	vm10 =	vgt.f32 v18, $0.0e+00;
	v32 =	vmul.f32 v60, v3;
	v26 =	vmul.f32 v26, v4  }
0x2d5: {  	v36 =	vld [tilespmem:s0+$0xFFFFFFC0];
	[tilespmem:s12+$0x180] =	vst v42;
	v48 =	vadd.f32 v46, v45;
	v17 =	vmul.f32 v31, v22;
	(erf) = vpow2.f32 v29  }
0x2d6: {  	[tilespmem:s24+$0xFFFFFF30] =	vst v27;
	v27 =	vadd.f32 v44, v28;
	v31 =	vmul.f32 $2.000000030e-01, v37;
	v16 =	vmul.f32 v30, v16;
	v30 =	vld [tilespmem:s22+$0xFFFFFE40]  }
0x2d7: {  	v35 =	vld [tilespmem:s21+$0xFFFFFFE0];
	vm13 =	vgt.f32 v48, $0.0e+00;
	v33 =	vmul.f32 v33, v2;
	v18 =	vsel vm10, v18, v25;
	[tilespmem:s24+$0xFFFFFFC0] =	vst v32  }
0x2d8: {  	v18 =	vmul.f32 $1.442695020e+00, v18;
	v34 =	vld [tilespmem:s21+$0xFFFFFF50];
	v25 =	vmul.f32 $2.000000030e-01, v27;
	[tilespmem:s24+$0x50] =	vst v26;
	v29 =	vsel vm9, v37, v31  }
0x2d9: {  	v32 =	vld [tilespmem:s21+$0x190];
	vm12 =	vgt.f32 v27, $0.0e+00;
	v26 =	vadd.f32 v24, v47;
	[tilespmem:s24+$0xE0] =	vst v15;
	v28 =	vmul.f32 $1.442695020e+00, v29  }
0x2da: {  	v24 =	vld [tilespmem:s29+$0xFFFFFF40];
	v15 =	vmul.f32 $2.000000030e-01, v48;
	[tilespmem:s24+$0xFFFFFE10] =	vst v17;
	v17 =	vmul.f32 $2.000000030e-01, v23;
	v19 =	vsel vm12, v27, v25  }
0x2db: {  	v31 =	vld [tilespmem:s21+$0xFFFFFE30];
	vm14 =	vgt.f32 v26, $0.0e+00;
	(erf) = vpow2.f32 v28;
	v30 =	vadd.f32 v36, v30  }
0x2dc: {  	v25 =	vld [tilespmem:s29+$0xFFFFFFD0];
	v15 =	vsel vm13, v48, v15;
	v19 =	vmul.f32 $1.442695020e+00, v19;
	[tilespmem:s24+$0x220] =	vst v16;
	v16 =	vmul.f32 $2.000000030e-01, v26  }
0x2dd: {  	v29 =	vld [tilespmem:s29+$0x170];
	v17 =	vsel vm11, v23, v17;
	v15 =	vmul.f32 $1.442695020e+00, v15;
	v50 =	vmul.f32 $2.000000030e-01, v30  }
0x2de: {  	s31 =	simm.s32 $0x54B0;
	v27 =	vld [tilespmem:s29+$0x60];
	v17 =	vmul.f32 $1.442695020e+00, v17;
	v16 =	vsel vm14, v26, v16;
	vm15 =	vgt.f32 v30, $0.0e+00;
	v20 =	vpop (erf)  }
0x2df: {  	v49 =	vld [tilespmem:s29+$0xFFFFFE20];
	(erf) = vpow2.f32 v18;
	v16 =	vmul.f32 $1.442695020e+00, v16;
	[tilespmem:s31+$0x230] =	vst v20;
	v18 =	vsel vm15, v30, v50  }
0x2e0: {  	[tilespmem:s24+$0xFFFFFEA0] =	vst v33;
	(erf) = vpow2.f32 v17;
	v51 =	vld [tilespmem:s22+$0x1B0];
	v17 =	vmul.f32 $1.442695020e+00, v18  }
0x2e1: {  	v23 =	vld [tilespmem:s29+$0xFFFFFEB0];
	v14 =	vmul.f32 v31, v14;
	(erf) = vpow2.f32 v19  }
0x2e2: {  	[tilespmem:s12+$0x60] =	vst v63;
	v28 =	vld [tilespmem:s29+$0xF0];
	(erf) = vpow2.f32 v15;
	v15 =	vmul.f32 v29, v7  }
0x2e3: {  	[tilespmem:s12+$0xF0] =	vst v40;
	v26 =	vld [tilespmem:s21+$0xFFFFFEC0];
	v21 =	vperm.xlane v20, v1;
	(erf) = vpow2.f32 v17  }
0x2e4: {  	v31 =	vld [tilespmem:s21+$0x100];
	[tilespmem:s12+$0xFFFFFE30] =	vst v14;
	v14 =	vmul.f32 v49, v22;
	v17 =	vpop (erf);
	(erf) = vpow2.f32 v16  }
0x2e5: {  	v30 =	vld [tilespmem:s21+$0x70];
	[tilespmem:s24+$0x170] =	vst v15;
	v18 =	vmul.f32 v51, v21  }
0x2e6: {  	[tilespmem:s24+$0xFFFFFE20] =	vst v14;
	v29 =	vld [tilespmem:s29+$0x180]  }
0x2e7: {  	v33 =	vld [tilespmem:s29+$0xFFFFFE30];
	[tilespmem:s31+$0x1B0] =	vst v18  }
0x2e8: {  	[tilespmem:s31+$0xFFFFFED0] =	vst v17;
	v15 =	vpop (erf);
	v18 =	vld [tilespmem:s22+$0x1C0]  }
0x2e9: {  	v16 =	vld [tilespmem:s22+$0xFFFFFE50];
	[tilespmem:s31+$0xFFFFFF60] =	vst v15;
	v19 =	vpop (erf)  }
0x2ea: {  	v20 =	vld [tilespmem:s22+$0xFFFFFEE0];
	[tilespmem:s31+$0xFFFFFFF0] =	vst v19;
	v52 =	vpop (erf)  }
0x2eb: {  	v53 =	vld [tilespmem:s22+$0xFFFFFF70];
	[tilespmem:s31+$0x80] =	vst v52;
	v54 =	vpop (erf)  }
0x2ec: {  	v14 =	vperm.xlane v17, v1;
	v55 =	vld [tilespmem:s22+$0x0];
	[tilespmem:s31+$0x110] =	vst v54;
	v56 =	vpop (erf)  }
0x2ed: {  	v15 =	vperm.xlane v15, v1;
	v57 =	vld [tilespmem:s22+$0x90];
	[tilespmem:s31+$0xFFFFFE40] =	vst v56;
	v17 =	vmul.f32 v18, v21;
	v58 =	vpop (erf)  }
0x2ee: {  	v43 =	vmul.f32 v16, v14;
	v18 =	vperm.xlane v19, v1;
	v44 =	vld [tilespmem:s22+$0xFFFFFDC0];
	[tilespmem:s31+$0x1A0] =	vst v58  }
0x2ef: {  	v16 =	vperm.xlane v52, v1;
	v19 =	vmul.f32 v20, v15;
	[tilespmem:s31+$0x1C0] =	vst v17;
	v59 =	vld [tilespmem:s22+$0x120]  }
0x2f0: {  	[tilespmem:s31+$0xFFFFFE50] =	vst v43;
	v17 =	vperm.xlane v54, v1;
	v37 =	vmul.f32 v53, v18;
	v60 =	vld [tilespmem:s22+$0x1D0]  }
0x2f1: {  	v20 =	vperm.xlane v56, v1;
	v61 =	vld [tilespmem:s22+$0xFFFFFE60];
	v39 =	vmul.f32 v55, v16;
	[tilespmem:s31+$0xFFFFFEE0] =	vst v19  }
0x2f2: {  	v19 =	vperm.xlane v58, v1;
	v62 =	vld [tilespmem:s22+$0xFFFFFEF0];
	[tilespmem:s31+$0xFFFFFF70] =	vst v37;
	v41 =	vmul.f32 v57, v17  }
0x2f3: {  	[tilespmem:s31+$0x0] =	vst v39;
	v63 =	vmul.f32 v44, v20;
	v45 =	vld [tilespmem:s22+$0xFFFFFF80]  }
0x2f4: {  	v46 =	vld [tilespmem:s22+$0x10];
	[tilespmem:s31+$0x90] =	vst v41;
	v36 =	vmul.f32 v59, v19  }
0x2f5: {  	[tilespmem:s31+$0xFFFFFDC0] =	vst v63;
	v47 =	vld [tilespmem:s22+$0xA0];
	v38 =	vmul.f32 v60, v21  }
0x2f6: {  	v40 =	vmul.f32 v61, v14;
	v48 =	vld [tilespmem:s22+$0xFFFFFDD0];
	[tilespmem:s31+$0x120] =	vst v36  }
0x2f7: {  	v37 =	vmul.f32 v62, v15;
	[tilespmem:s31+$0x1D0] =	vst v38;
	v49 =	vld [tilespmem:s22+$0x130]  }
0x2f8: {  	[tilespmem:s31+$0xFFFFFE60] =	vst v40;
	v39 =	vmul.f32 v45, v18;
	v50 =	vld [tilespmem:s22+$0x1E0]  }
0x2f9: {  	v51 =	vld [tilespmem:s22+$0xFFFFFE70];
	v41 =	vmul.f32 v46, v16;
	[tilespmem:s31+$0xFFFFFEF0] =	vst v37  }
0x2fa: {  	v52 =	vld [tilespmem:s22+$0xFFFFFF00];
	[tilespmem:s31+$0xFFFFFF80] =	vst v39;
	v42 =	vmul.f32 v47, v17  }
0x2fb: {  	[tilespmem:s31+$0x10] =	vst v41;
	v36 =	vmul.f32 v48, v20;
	v53 =	vld [tilespmem:s22+$0xFFFFFF90]  }
0x2fc: {  	v54 =	vld [tilespmem:s22+$0x20];
	[tilespmem:s31+$0xA0] =	vst v42;
	v38 =	vmul.f32 v49, v19  }
0x2fd: {  	[tilespmem:s31+$0xFFFFFDD0] =	vst v36;
	v55 =	vld [tilespmem:s22+$0xB0];
	v40 =	vmul.f32 v50, v21  }
0x2fe: {  	v37 =	vmul.f32 v51, v14;
	v56 =	vld [tilespmem:s22+$0xFFFFFDE0];
	[tilespmem:s31+$0x130] =	vst v38  }
0x2ff: {  	v39 =	vmul.f32 v52, v15;
	[tilespmem:s31+$0x1E0] =	vst v40;
	v57 =	vld [tilespmem:s22+$0x140]  }
0x300: {  	[tilespmem:s31+$0xFFFFFE70] =	vst v37;
	v58 =	vmul.f32 v53, v18;
	v59 =	vld [tilespmem:s22+$0x1F0]  }
0x301: {  	v60 =	vld [tilespmem:s22+$0xFFFFFE80];
	v42 =	vmul.f32 v54, v16;
	[tilespmem:s31+$0xFFFFFF00] =	vst v39  }
0x302: {  	v61 =	vld [tilespmem:s22+$0xFFFFFF10];
	[tilespmem:s31+$0xFFFFFF90] =	vst v58;
	v36 =	vmul.f32 v55, v17  }
0x303: {  	[tilespmem:s31+$0x20] =	vst v42;
	v38 =	vmul.f32 v56, v20;
	v62 =	vld [tilespmem:s22+$0xFFFFFFA0]  }
0x304: {  	v63 =	vld [tilespmem:s22+$0x30];
	[tilespmem:s31+$0xB0] =	vst v36;
	v40 =	vmul.f32 v57, v19  }
0x305: {  	[tilespmem:s31+$0xFFFFFDE0] =	vst v38;
	v45 =	vld [tilespmem:s22+$0xC0];
	v41 =	vmul.f32 v59, v21  }
0x306: {  	v39 =	vmul.f32 v60, v14;
	v46 =	vld [tilespmem:s22+$0xFFFFFDF0];
	[tilespmem:s31+$0x140] =	vst v40  }
0x307: {  	v37 =	vmul.f32 v61, v15;
	[tilespmem:s31+$0x1F0] =	vst v41;
	v47 =	vld [tilespmem:s22+$0x150]  }
0x308: {  	[tilespmem:s31+$0xFFFFFE80] =	vst v39;
	v48 =	vmul.f32 v62, v18;
	v49 =	vld [tilespmem:s22+$0x200]  }
0x309: {  	v50 =	vld [tilespmem:s22+$0xFFFFFE90];
	v36 =	vmul.f32 v63, v16;
	[tilespmem:s31+$0xFFFFFF10] =	vst v37  }
0x30a: {  	v11 =	vmul.f32 v26, v11;
	v51 =	vld [tilespmem:s22+$0xFFFFFF20];
	[tilespmem:s31+$0xFFFFFFA0] =	vst v48;
	v26 =	vmul.f32 v45, v17  }
0x30b: {  	v13 =	vmul.f32 v35, v13;
	[tilespmem:s31+$0x30] =	vst v36;
	v52 =	vmul.f32 v46, v20;
	v53 =	vld [tilespmem:s22+$0xFFFFFFB0]  }
0x30c: {  	v12 =	vmul.f32 v34, v12;
	v54 =	vld [tilespmem:s22+$0x40];
	[tilespmem:s31+$0xC0] =	vst v26;
	v55 =	vmul.f32 v47, v19  }
0x30d: {  	v26 =	vmul.f32 v23, v2;
	[tilespmem:s31+$0xFFFFFDF0] =	vst v52;
	v56 =	vld [tilespmem:s22+$0xD0];
	v57 =	vmul.f32 v49, v21  }
0x30e: {  	v23 =	vmul.f32 v24, v6;
	v37 =	vmul.f32 v50, v14;
	v58 =	vld [tilespmem:s22+$0xFFFFFE00];
	[tilespmem:s31+$0x150] =	vst v55  }
0x30f: {  	v24 =	vmul.f32 v25, v3;
	v39 =	vmul.f32 v51, v15;
	[tilespmem:s31+$0x200] =	vst v57;
	v59 =	vld [tilespmem:s22+$0x160]  }
0x310: {  	v25 =	vmul.f32 v27, v4;
	[tilespmem:s31+$0xFFFFFE90] =	vst v37;
	v60 =	vmul.f32 v53, v18;
	v61 =	vld [tilespmem:s22+$0x210]  }
0x311: {  	v27 =	vmul.f32 v28, v5;
	v37 =	vld [tilespmem:s22+$0xFFFFFEA0];
	v35 =	vmul.f32 v54, v16;
	[tilespmem:s31+$0xFFFFFF20] =	vst v39  }
0x312: {  	v28 =	vmul.f32 v29, v7;
	v34 =	vld [tilespmem:s22+$0xFFFFFF30];
	[tilespmem:s31+$0xFFFFFFB0] =	vst v60;
	v62 =	vmul.f32 v56, v17  }
0x313: {  	v29 =	vmul.f32 v33, v22;
	[tilespmem:s31+$0x40] =	vst v35;
	v38 =	vmul.f32 v58, v20;
	v33 =	vld [tilespmem:s22+$0xFFFFFFC0]  }
0x314: {  	v22 =	vmul.f32 v30, v8;
	v30 =	vld [tilespmem:s22+$0x50];
	[tilespmem:s31+$0xD0] =	vst v62;
	v63 =	vmul.f32 v59, v19  }
0x315: {  	v8 =	vmul.f32 v32, v10;
	[tilespmem:s31+$0xFFFFFE00] =	vst v38;
	v10 =	vld [tilespmem:s22+$0xE0];
	v32 =	vmul.f32 v61, v21  }
0x316: {  	s14 =	simm.s32 $0x10;
	s21 =	simm.s32 $0x2730;
	v9 =	vmul.f32 v31, v9;
	v35 =	vmul.f32 v37, v14;
	v31 =	vld [tilespmem:s22+$0xFFFFFE10];
	[tilespmem:s31+$0x160] =	vst v63  }
.LBB2_10:
0x317: {  	v36 =	vld [tilespmem:s21+$0x230];
	v34 =	vmul.f32 v34, v15;
	[tilespmem:s31+$0x210] =	vst v32  }
0x318: {  	s0 =	sadd.s32 $0x80, s0;
	[tilespmem:s31+$0xFFFFFEA0] =	vst v35;
	v32 =	vmul.f32 v33, v18;
	v33 =	vld [tilespmem:s22+$0x220]  }
0x319: {  	s14 =	sadd.s32 $0x8, s14;
	v35 =	vld [tilespmem:s0+$0x30];
	[tilespmem:s31+$0xFFFFFF30] =	vst v34;
	v30 =	vmul.f32 v30, v16  }
0x31a: {  	p3 =	slt.u32 s14, $0x20;
	v34 =	vld [tilespmem:s0+$0xFFFFFFC0];
	[tilespmem:s31+$0xFFFFFFC0] =	vst v32;
	v10 =	vmul.f32 v10, v17  }
0x31b: {  	v32 =	vld [tilespmem:s21+$0xFFFFFED0];
	v31 =	vmul.f32 v31, v20;
	[tilespmem:s31+$0x50] =	vst v30  }
0x31c: {  	v30 =	vld [tilespmem:s0+$0xFFFFFFD0];
	[tilespmem:s31+$0xE0] =	vst v10  }
0x31d: {  	v10 =	vld [tilespmem:s21+$0xFFFFFF60];
	[tilespmem:s31+$0xFFFFFE10] =	vst v31;
	v21 =	vmul.f32 v33, v21  }
0x31e: {  	v31 =	vld [tilespmem:s0+$0xFFFFFFE0];
	v33 =	vadd.f32 v35, v36;
	[tilespmem:s24+$0xFFFFFEB0] =	vst v26  }
0x31f: {  	v26 =	vld [tilespmem:s21+$0xFFFFFFF0];
	[tilespmem:s31+$0x220] =	vst v21  }
0x320: {  	v21 =	vld [tilespmem:s0+$0xFFFFFFF0];
	v35 =	vmul.f32 $2.000000030e-01, v33;
	[tilespmem:s24+$0xFFFFFF40] =	vst v23  }
0x321: {  	vm0 =	vgt.f32 v33, $0.0e+00;
	v23 =	vadd.f32 v30, v32;
	v30 =	vld [tilespmem:s21+$0x80];
	[tilespmem:s24+$0xFFFFFFD0] =	vst v24  }
0x322: {  	v24 =	vld [tilespmem:s0+$0x0];
	v32 =	vsel vm0, v33, v35;
	[tilespmem:s24+$0x60] =	vst v25  }
0x323: {  	v25 =	vmul.f32 $2.000000030e-01, v23;
	v10 =	vadd.f32 v31, v10;
	v31 =	vld [tilespmem:s21+$0x110];
	v32 =	vmul.f32 $1.442695020e+00, v32;
	[tilespmem:s24+$0xF0] =	vst v27  }
0x324: {  	vm0 =	vgt.f32 v23, $0.0e+00;
	v27 =	vld [tilespmem:s0+$0x10];
	[tilespmem:s24+$0x180] =	vst v28  }
0x325: {  	v28 =	vmul.f32 $2.000000030e-01, v10;
	v21 =	vadd.f32 v21, v26;
	v26 =	vld [tilespmem:s21+$0x1A0];
	(erf) = vpow2.f32 v32;
	[tilespmem:s24+$0xFFFFFE30] =	vst v29  }
0x326: {  	v23 =	vsel vm0, v23, v25;
	vm0 =	vgt.f32 v10, $0.0e+00;
	v25 =	vld [tilespmem:s0+$0x20];
	[tilespmem:s12+$0xFFFFFEC0] =	vst v11  }
0x327: {  	v11 =	vld [tilespmem:s21+$0xFFFFFE40];
	vm1 =	vgt.f32 v21, $0.0e+00;
	v29 =	vmul.f32 $2.000000030e-01, v21;
	v24 =	vadd.f32 v24, v30;
	[tilespmem:s12+$0xFFFFFF50] =	vst v12  }
0x328: {  	v12 =	vmul.f32 $1.442695020e+00, v23;
	v10 =	vsel vm0, v10, v28;
	v23 =	vld [tilespmem:s22+$0x170];
	[tilespmem:s12+$0xFFFFFFE0] =	vst v13  }
0x329: {  	vm0 =	vgt.f32 v24, $0.0e+00;
	v13 =	vmul.f32 $2.000000030e-01, v24;
	v27 =	vadd.f32 v27, v31;
	v28 =	vld [tilespmem:s22+$0xFFFFFE20];
	[tilespmem:s12+$0x70] =	vst v22  }
0x32a: {  	v10 =	vmul.f32 $1.442695020e+00, v10;
	v21 =	vsel vm1, v21, v29;
	(erf) = vpow2.f32 v12;
	v12 =	vld [tilespmem:s22+$0xFFFFFEB0];
	[tilespmem:s12+$0x100] =	vst v9  }
0x32b: {  	vm1 =	vgt.f32 v27, $0.0e+00;
	v9 =	vmul.f32 $2.000000030e-01, v27;
	v22 =	vadd.f32 v25, v26;
	v25 =	vld [tilespmem:s22+$0xFFFFFF40];
	[tilespmem:s12+$0x190] =	vst v8;
	s12 =	smov.u32 s24;
	s24 =	smov.u32 s31  }
0x32c: {  	v13 =	vsel vm0, v24, v13;
	v8 =	vadd.f32 v34, v11;
	v11 =	vmul.f32 $1.442695020e+00, v21;
	v24 =	vld [tilespmem:s22+$0xFFFFFFD0]  }
0x32d: {  	s31 =	sadd.s32 $0x480, s31;
	v9 =	vsel vm1, v27, v9;
	vm0 =	vgt.f32 v22, $0.0e+00;
	v21 =	vmul.f32 $2.000000030e-01, v22;
	v27 =	vld [tilespmem:s22+$0x60]  }
0x32e: {  	v13 =	vmul.f32 $1.442695020e+00, v13;
	vm1 =	vgt.f32 v8, $0.0e+00;
	v26 =	vmul.f32 $2.000000030e-01, v8;
	v29 =	vpop (erf);
	v30 =	vld [tilespmem:s22+$0xF0]  }
0x32f: {  	v9 =	vmul.f32 $1.442695020e+00, v9;
	v21 =	vsel vm0, v22, v21;
	[tilespmem:s31+$0x230] =	vst v29;
	(erf) = vpow2.f32 v10;
	v10 =	vld [tilespmem:s29+$0xFFFFFEC0]  }
0x330: {  	v8 =	vsel vm1, v8, v26;
	v22 =	vmul.f32 $1.442695020e+00, v21;
	v26 =	vld [tilespmem:s21+$0x1B0];
	(erf) = vpow2.f32 v11  }
0x331: {  	v11 =	vmul.f32 $1.442695020e+00, v8;
	(erf) = vpow2.f32 v13;
	v13 =	vld [tilespmem:s29+$0xFFFFFF50]  }
0x332: {  	(erf) = vpow2.f32 v9;
	v9 =	vmul.f32 v23, v19;
	v31 =	vld [tilespmem:s29+$0xFFFFFFE0]  }
0x333: {  	v21 =	vperm.xlane v29, v1;
	(erf) = vpow2.f32 v11;
	v8 =	vpop (erf);
	v32 =	vld [tilespmem:s29+$0x70]  }
0x334: {  	[tilespmem:s31+$0xFFFFFED0] =	vst v8;
	v8 =	vperm.xlane v8, v1;
	(erf) = vpow2.f32 v22;
	v33 =	vld [tilespmem:s29+$0x100]  }
0x335: {  	v28 =	vmul.f32 v28, v20;
	v22 =	vld [tilespmem:s21+$0xFFFFFE50];
	v11 =	vmul.f32 v26, v21;
	[tilespmem:s24+$0x170] =	vst v9  }
0x336: {  	v23 =	vmul.f32 v25, v15;
	v26 =	vmul.f32 v12, v14;
	v9 =	vld [tilespmem:s22+$0x180]  }
0x337: {  	v24 =	vmul.f32 v24, v18;
	v25 =	vmul.f32 v27, v16;
	[tilespmem:s31+$0x1B0] =	vst v11;
	v34 =	vld [tilespmem:s29+$0x190];
	s29 =	smov.u32 s22;
	s22 =	smov.u32 s21  }
0x338: {  	v27 =	vmul.f32 v30, v17;
	v11 =	vmul.f32 v10, v2;
	v2 =	vmov v14;
	v29 =	vld [tilespmem:s21+$0x1C0];
	v12 =	vpop (erf);
	[tilespmem:s24+$0xFFFFFE20] =	vst v28  }
0x339: {  	v14 =	vmov v8;
	[tilespmem:s31+$0xFFFFFF60] =	vst v12;
	v10 =	vperm.xlane v12, v1;
	v28 =	vpop (erf);
	v30 =	vld [tilespmem:s29+$0xFFFFFE30];
	v12 =	vmul.f32 v13, v6  }
0x33a: {  	v6 =	vmov v15;
	v8 =	vmul.f32 v22, v14;
	v22 =	vld [tilespmem:s21+$0xFFFFFEE0];
	[tilespmem:s31+$0xFFFFFFF0] =	vst v28;
	v35 =	vperm.xlane v28, v1;
	v13 =	vpop (erf)  }
0x33b: {  	v36 =	vld [tilespmem:s21+$0xFFFFFF70];
	[tilespmem:s31+$0x80] =	vst v13;
	v37 =	vperm.xlane v13, v1;
	v13 =	vpop (erf);
	v28 =	vmul.f32 v9, v19;
	v15 =	vmov v10  }
0x33c: {  	v10 =	vld [tilespmem:s21+$0x0];
	[tilespmem:s31+$0x110] =	vst v13;
	v38 =	vperm.xlane v13, v1;
	v9 =	vpop (erf);
	v13 =	vmul.f32 v31, v3;
	v3 =	vmov v18  }
0x33d: {  	v18 =	vmov v35;
	[tilespmem:s31+$0xFFFFFE40] =	vst v9;
	v31 =	vperm.xlane v9, v1;
	v39 =	vld [tilespmem:s21+$0x90];
	v9 =	vmul.f32 v29, v21;
	v29 =	vpop (erf)  }
0x33e: {  	v35 =	vld [tilespmem:s21+$0xFFFFFDC0];
	[tilespmem:s31+$0x1A0] =	vst v29;
	v40 =	vperm.xlane v29, v1;
	v29 =	vmul.f32 v30, v20  }
0x33f: {  	v41 =	vmul.f32 v22, v15;
	v30 =	vld [tilespmem:s21+$0x120];
	[tilespmem:s31+$0x1C0] =	vst v9;
	v22 =	vmul.f32 v32, v4;
	v4 =	vmovc v16;
	v16 =	vmov v37  }
0x340: {  	v9 =	vmul.f32 v33, v5;
	v5 =	vmovc v17;
	v17 =	vmov v38;
	[tilespmem:s31+$0xFFFFFE50] =	vst v8;
	v32 =	vmul.f32 v36, v18;
	v36 =	vld [tilespmem:s21+$0x1D0]  }
0x341: {  	v20 =	vmovc v31;
	v8 =	vmul.f32 v34, v7;
	v7 =	vmov v19;
	v33 =	vld [tilespmem:s21+$0xFFFFFE60];
	[tilespmem:s31+$0xFFFFFEE0] =	vst v41;
	v10 =	vmul.f32 v10, v16  }
0x342: {  	v19 =	vmov v40;
	v31 =	vld [tilespmem:s21+$0xFFFFFEF0];
	[tilespmem:s31+$0xFFFFFF70] =	vst v32;
	v32 =	vmul.f32 v39, v17  }
0x343: {  	v34 =	vmul.f32 v35, v20;
	v35 =	vld [tilespmem:s21+$0xFFFFFF80];
	[tilespmem:s31+$0x0] =	vst v10  }
0x344: {  	v10 =	vld [tilespmem:s21+$0x10];
	[tilespmem:s31+$0x90] =	vst v32;
	v30 =	vmul.f32 v30, v19  }
0x345: {  	[tilespmem:s31+$0xFFFFFDC0] =	vst v34;
	v32 =	vld [tilespmem:s21+$0xA0];
	v34 =	vmul.f32 v36, v21  }
0x346: {  	v36 =	vld [tilespmem:s21+$0xFFFFFDD0];
	v33 =	vmul.f32 v33, v14;
	[tilespmem:s31+$0x120] =	vst v30  }
0x347: {  	v30 =	vmul.f32 v31, v15;
	v31 =	vld [tilespmem:s21+$0x130];
	[tilespmem:s31+$0x1D0] =	vst v34  }
0x348: {  	[tilespmem:s31+$0xFFFFFE60] =	vst v33;
	v33 =	vmul.f32 v35, v18;
	v34 =	vld [tilespmem:s21+$0x1E0]  }
0x349: {  	v35 =	vld [tilespmem:s21+$0xFFFFFE70];
	[tilespmem:s31+$0xFFFFFEF0] =	vst v30;
	v10 =	vmul.f32 v10, v16  }
0x34a: {  	v30 =	vld [tilespmem:s21+$0xFFFFFF00];
	[tilespmem:s31+$0xFFFFFF80] =	vst v33;
	v32 =	vmul.f32 v32, v17  }
0x34b: {  	v33 =	vmul.f32 v36, v20;
	v36 =	vld [tilespmem:s21+$0xFFFFFF90];
	[tilespmem:s31+$0x10] =	vst v10  }
0x34c: {  	v10 =	vld [tilespmem:s21+$0x20];
	[tilespmem:s31+$0xA0] =	vst v32;
	v31 =	vmul.f32 v31, v19  }
0x34d: {  	[tilespmem:s31+$0xFFFFFDD0] =	vst v33;
	v32 =	vld [tilespmem:s21+$0xB0];
	v33 =	vmul.f32 v34, v21  }
0x34e: {  	v34 =	vld [tilespmem:s21+$0xFFFFFDE0];
	v35 =	vmul.f32 v35, v14;
	[tilespmem:s31+$0x130] =	vst v31  }
0x34f: {  	v30 =	vmul.f32 v30, v15;
	v31 =	vld [tilespmem:s21+$0x140];
	[tilespmem:s31+$0x1E0] =	vst v33  }
0x350: {  	[tilespmem:s31+$0xFFFFFE70] =	vst v35;
	v33 =	vmul.f32 v36, v18;
	v35 =	vld [tilespmem:s21+$0x1F0]  }
0x351: {  	v36 =	vld [tilespmem:s21+$0xFFFFFE80];
	[tilespmem:s31+$0xFFFFFF00] =	vst v30;
	v10 =	vmul.f32 v10, v16  }
0x352: {  	v30 =	vld [tilespmem:s21+$0xFFFFFF10];
	[tilespmem:s31+$0xFFFFFF90] =	vst v33;
	v32 =	vmul.f32 v32, v17  }
0x353: {  	v33 =	vmul.f32 v34, v20;
	v34 =	vld [tilespmem:s21+$0xFFFFFFA0];
	[tilespmem:s31+$0x20] =	vst v10  }
0x354: {  	v10 =	vld [tilespmem:s21+$0x30];
	[tilespmem:s31+$0xB0] =	vst v32;
	v31 =	vmul.f32 v31, v19  }
0x355: {  	[tilespmem:s31+$0xFFFFFDE0] =	vst v33;
	v32 =	vld [tilespmem:s21+$0xC0];
	v33 =	vmul.f32 v35, v21  }
0x356: {  	v35 =	vld [tilespmem:s21+$0xFFFFFDF0];
	v36 =	vmul.f32 v36, v14;
	[tilespmem:s31+$0x140] =	vst v31  }
0x357: {  	v30 =	vmul.f32 v30, v15;
	v31 =	vld [tilespmem:s21+$0x150];
	[tilespmem:s31+$0x1F0] =	vst v33  }
0x358: {  	[tilespmem:s31+$0xFFFFFE80] =	vst v36;
	v33 =	vmul.f32 v34, v18;
	v34 =	vld [tilespmem:s21+$0x200]  }
0x359: {  	v36 =	vld [tilespmem:s21+$0xFFFFFE90];
	[tilespmem:s31+$0xFFFFFF10] =	vst v30;
	v10 =	vmul.f32 v10, v16  }
0x35a: {  	v30 =	vld [tilespmem:s21+$0xFFFFFF20];
	[tilespmem:s31+$0xFFFFFFA0] =	vst v33;
	v32 =	vmul.f32 v32, v17  }
0x35b: {  	v33 =	vmul.f32 v35, v20;
	v35 =	vld [tilespmem:s21+$0xFFFFFFB0];
	[tilespmem:s31+$0x30] =	vst v10  }
0x35c: {  	v10 =	vld [tilespmem:s21+$0x40];
	[tilespmem:s31+$0xC0] =	vst v32;
	v31 =	vmul.f32 v31, v19  }
0x35d: {  	[tilespmem:s31+$0xFFFFFDF0] =	vst v33;
	v32 =	vld [tilespmem:s21+$0xD0];
	v33 =	vmul.f32 v34, v21  }
0x35e: {  	v37 =	vld [tilespmem:s21+$0xFFFFFE00];
	v34 =	vmul.f32 v36, v14;
	[tilespmem:s31+$0x150] =	vst v31  }
0x35f: {  	v30 =	vmul.f32 v30, v15;
	v31 =	vld [tilespmem:s21+$0x160];
	[tilespmem:s31+$0x200] =	vst v33  }
0x360: {  	[tilespmem:s31+$0xFFFFFE90] =	vst v34;
	v33 =	vmul.f32 v35, v18;
	v35 =	vld [tilespmem:s21+$0x210]  }
0x361: {  	v36 =	vld [tilespmem:s21+$0xFFFFFEA0];
	[tilespmem:s31+$0xFFFFFF20] =	vst v30;
	v10 =	vmul.f32 v10, v16  }
.Ltmp8:
0x362: {  	v34 =	vld [tilespmem:s21+$0xFFFFFF30];
	[tilespmem:s31+$0xFFFFFFB0] =	vst v33;
	v32 =	vmul.f32 v32, v17;
	(pc) =	sbr.rel @p3 .LBB2_10-.Ltmp8, $4  }
0x363: {  	v37 =	vmul.f32 v37, v20;
	v33 =	vld [tilespmem:s21+$0xFFFFFFC0];
	[tilespmem:s31+$0x40] =	vst v10  }
0x364: {  	v30 =	vld [tilespmem:s21+$0x50];
	[tilespmem:s31+$0xD0] =	vst v32;
	v38 =	vmul.f32 v31, v19  }
0x365: {  	[tilespmem:s31+$0xFFFFFE00] =	vst v37;
	v10 =	vld [tilespmem:s21+$0xE0];
	v32 =	vmul.f32 v35, v21  }
0x366: {  	s21 =	sadd.s32 $0x480, s21;
	v31 =	vld [tilespmem:s22+$0xFFFFFE10];
	v35 =	vmul.f32 v36, v14;
	[tilespmem:s31+$0x160] =	vst v38  }
0x367: {  	[tilespmem:s31+$0x210] =	vst v32  }
0x368: {  	[tilespmem:s24+$0xFFFFFEB0] =	vst v26  }
0x369: {  	[tilespmem:s24+$0xFFFFFF40] =	vst v23  }
0x36a: {  	[tilespmem:s24+$0xFFFFFFD0] =	vst v24  }
0x36b: {  	[tilespmem:s24+$0x60] =	vst v25  }
0x36c: {  	[tilespmem:s24+$0xF0] =	vst v27  }
0x36d: {  	[tilespmem:s24+$0x180] =	vst v28  }
0x36e: {  	[tilespmem:s24+$0xFFFFFE30] =	vst v29  }
0x36f: {  	[tilespmem:s12+$0xFFFFFEC0] =	vst v11  }
0x370: {  	[tilespmem:s12+$0xFFFFFF50] =	vst v12  }
0x371: {  	[tilespmem:s12+$0xFFFFFFE0] =	vst v13  }
0x372: {  	[tilespmem:s12+$0x70] =	vst v22  }
0x373: {  	[tilespmem:s12+$0x100] =	vst v9  }
0x374: {  	v34 =	vmul.f32 v34, v15;
	v41 =	vld [tilespmem:s22+$0x170];
	[tilespmem:s12+$0x190] =	vst v8  }
0x375: {  	[tilespmem:s31+$0xFFFFFEA0] =	vst v35;
	v38 =	vmul.f32 v33, v18;
	v39 =	vld [tilespmem:s22+$0x220]  }
0x376: {  	v52 =	vld [tilespmem:s29+$0xFFFFFEC0];
	[tilespmem:s31+$0xFFFFFF30] =	vst v34;
	v30 =	vmul.f32 v30, v16  }
0x377: {  	v53 =	vld [tilespmem:s29+$0xFFFFFF50];
	[tilespmem:s31+$0xFFFFFFC0] =	vst v38;
	v10 =	vmul.f32 v10, v17  }
0x378: {  	v54 =	vld [tilespmem:s29+$0xFFFFFFE0];
	v31 =	vmul.f32 v31, v20;
	[tilespmem:s31+$0x50] =	vst v30  }
0x379: {  	v55 =	vld [tilespmem:s29+$0x70];
	[tilespmem:s31+$0xE0] =	vst v10;
	v10 =	vmul.f32 v41, v19  }
0x37a: {  	v56 =	vld [tilespmem:s29+$0x100];
	[tilespmem:s31+$0xFFFFFE10] =	vst v31;
	v40 =	vmul.f32 v39, v21  }
0x37b: {  	v43 =	vld [tilespmem:s22+$0xFFFFFEB0];
	v2 =	vmul.f32 v52, v2;
	[tilespmem:s31+$0x170] =	vst v10  }
0x37c: {  	v44 =	vld [tilespmem:s22+$0xFFFFFF40];
	v6 =	vmul.f32 v53, v6;
	[tilespmem:s31+$0x220] =	vst v40  }
0x37d: {  	v45 =	vld [tilespmem:s22+$0xFFFFFFD0];
	v3 =	vmul.f32 v54, v3;
	[tilespmem:s24+$0xFFFFFEC0] =	vst v2  }
0x37e: {  	v46 =	vld [tilespmem:s22+$0x60];
	v4 =	vmul.f32 v55, v4;
	[tilespmem:s24+$0xFFFFFF50] =	vst v6  }
0x37f: {  	v47 =	vld [tilespmem:s22+$0xF0];
	v5 =	vmul.f32 v56, v5;
	[tilespmem:s24+$0xFFFFFFE0] =	vst v3  }
0x380: {  	v42 =	vld [tilespmem:s22+$0xFFFFFE20];
	v48 =	vmul.f32 v43, v14;
	[tilespmem:s24+$0x70] =	vst v4  }
0x381: {  	v49 =	vld [tilespmem:s22+$0x180];
	v50 =	vmul.f32 v44, v15;
	[tilespmem:s24+$0x100] =	vst v5  }
0x382: {  	v57 =	vld [tilespmem:s29+$0x190];
	v13 =	vmul.f32 v45, v18;
	[tilespmem:s31+$0xFFFFFEB0] =	vst v48  }
0x383: {  	v9 =	vmul.f32 v46, v16;
	[tilespmem:s31+$0xFFFFFF40] =	vst v50;
	v58 =	vld [tilespmem:s22+$0xFFFFFEC0]  }
0x384: {  	v22 =	vmul.f32 v47, v17;
	[tilespmem:s31+$0xFFFFFFD0] =	vst v13;
	v2 =	vld [tilespmem:s22+$0xFFFFFF50]  }
0x385: {  	v21 =	vmul.f32 v42, v20;
	[tilespmem:s31+$0x60] =	vst v9;
	v59 =	vld [tilespmem:s22+$0xFFFFFFE0]  }
0x386: {  	v11 =	vmul.f32 v49, v19;
	[tilespmem:s31+$0xF0] =	vst v22;
	v3 =	vld [tilespmem:s22+$0x70]  }
0x387: {  	v7 =	vmul.f32 v57, v7;
	[tilespmem:s31+$0xFFFFFE20] =	vst v21;
	v60 =	vld [tilespmem:s22+$0x100]  }
0x388: {  	v51 =	vld [tilespmem:s22+$0xFFFFFE30];
	[tilespmem:s31+$0x180] =	vst v11;
	v62 =	vmul.f32 v58, v14  }
0x389: {  	[tilespmem:s24+$0x190] =	vst v7;
	v61 =	vld [tilespmem:s22+$0x190];
	v2 =	vmul.f32 v2, v15  }
0x38a: {  	v6 =	vmul.f32 v59, v18;
	[tilespmem:s31+$0xFFFFFEC0] =	vst v62  }
0x38b: {  	v3 =	vmul.f32 v3, v16;
	[tilespmem:s31+$0xFFFFFF50] =	vst v2  }
0x38c: {  	v2 =	vmul.f32 v60, v17;
	[tilespmem:s31+$0xFFFFFFE0] =	vst v6  }
0x38d: {  	v12 =	vmul.f32 v51, v20;
	[tilespmem:s31+$0x70] =	vst v3  }
0x38e: {  	v63 =	vmul.f32 v61, v19;
	[tilespmem:s31+$0x100] =	vst v2  }
.Ltmp9:
0x38f: {  	[tilespmem:s31+$0xFFFFFE30] =	vst v12;
	(pc) =	sbr.rel @!p2 .LBB2_12-.Ltmp9, $4  }
0x390: {  	[tilespmem:s31+$0x190] =	vst v63  }
0x391: {  	_ =	swait.ge [sflag:s11], $0x1680  }
0x392: {  	[sflag:s11] =	ssyncset.done $0x0  }
0x393: {  	[sflag:s11] =	ssyncadd.s32 $0xFFFFE980  }
.Ltmp10:
0x394: {  	(pc) =	sbr.rel @p1 .LBB2_15-.Ltmp10, $4  }
.Ltmp11:
0x395: {  	(pc) =	sbr.rel @!p1 .LBB2_14-.Ltmp11, $4  }
0x396: {  	_ = 	snop  }
0x397: {  	_ = 	snop  }
0x398: {  	_ = 	snop  }
0x399: {  	_ = 	snop  }
.LBB2_17:
0x39a: {  	_ =	sfence.sel $0x180000  }
0x39b: {  	[bflag:$0x0] =	sbarrier.arrive $0xFFFF  }
0x39c: {  	_ =	strace $0x9000004A  }
0x39d: {  	s0 =	stileid.u32;
	[bflag:$0x2] =	sbarrier.arrive $0xFFFF  }
0x39e: {  	p0 =	sne.s32 s0, $0x0;
	s0 =	rddreg [dreg:$0x2]  }
0x39f: {  	s0 =	sadd.s32 @!p0 $0x100000, s0  }
0x3a0: {  	[sflag:s0] =	ssyncadd.tile.s32 @!p0 $0x1;
	_ =	shalt  }
.Lfunc_end2:
_tile_overlayer_lowered:
.L_overlay_start_2:
0x3a1: {  	(tag) =	ssettag $0x2  }
0x3a2: {  	s0 =	rddreg [dreg:$0x0];
	s2 =	stileid.u32  }
0x3a3: {  	s1 =	rddreg [dreg:$0x1];
	p0 =	sne.s32 s2, $0x0  }
0x3a4: {  	s3 =	rddreg [dreg:$0x2];
	[bflag:$0x3] =	sbarrier.arrive $0xFFFF;
	s2 =	simm.s32 @!p0 $0x1C0B  }
0x3a5: {  	[timem:s3], [sflag:s2] =	dma.local @!p0 [hbm:s0], s1  }
0x3a6: {  	s0 =	simm.s32 @!p0 $0xB  }
0x3a7: {  	_ =	swait.ge @!p0 [sflag:s0], s1  }
0x3a8: {  	s1 =	ssub.s32 @!p0 $0x0, s1;
	[sflag:s0] =	ssyncset.done @!p0 $0x0  }
0x3a9: {  	[sflag:s0] =	ssyncadd.s32 @!p0 s1  }
0x3aa: {  	[bflag:$0x3] =	sbarrier.arrive $0xFFFF  }
0x3ab: {  	_ =	shalt  }

// kernel: kernel.7.cloned.1.call-start
scs
__scs_entry_jumppad:
0x0: {  	(pc) =	sbr.rel $0x88, $3  }
0x1: {  	(tag) =	ssettag $0x0;
	lr =	simm.s32 $0x1  }
0x2: {  	[smem:$0x3F8E] =	sst lr;
	_ =	strace $0xD0000000  }
0x3: {  	_ = 	snop  }
0x4: {  	_ = 	snop  }
0x5: {  	_ = 	snop  }
0x6: {  	_ = 	snop  }
0x7: {  	_ = 	snop  }
__scs_overlays_trampoline_lowered:
0x8: {  	[smem:$0x3F9D] =	sst s0  }
0x9: {  	[smem:$0x3F9E] =	sst s1  }
0xa: {  	[smem:$0x3F9F] =	sst s2  }
0xb: {  	[smem:$0x3FA0] =	sst s3  }
0xc: {  	[smem:$0x3FA1] =	sst s4  }
0xd: {  	[smem:$0x3FA2] =	sst s5  }
0xe: {  	[smem:$0x3FA3] =	sst s6  }
0xf: {  	[smem:$0x3FA4] =	sst s7  }
0x10: {  	[smem:$0x3FA5] =	sst s8  }
0x11: {  	[smem:$0x3FA6] =	sst s9;
	s0 =	simm.s32 @!p0 $0x0  }
0x12: {  	s1 =	sld [smem:$0x3F8C];
	s0 =	simm.s32 @p0 $0x1  }
0x13: {  	[smem:$0x3FA7] =	sst s0;
	s0 =	simm.s32 @!p1 $0x0  }
0x14: {  	s2 =	sld [smem:$0x3F8B];
	s0 =	simm.s32 @p1 $0x1  }
0x15: {  	[smem:$0x3FA8] =	sst s0;
	s0 =	simm.s32 @!p2 $0x0  }
0x16: {  	s3 =	sld [smem:$0x3FDB];
	s0 =	simm.s32 @p2 $0x1  }
0x17: {  	s4 =	simm.s32 $0x1BF5;
	[smem:$0x3FAA] =	sst s0  }
0x18: {  	s0 =	sld [smem:$0x3F8D];
	_ =	swait.ge [sflag:s4], $0x0  }
0x19: {  	s7 =	sld [smem:$0x3F8E]  }
0x1a: {  	s8 =	sadd.s32 $0xFFFFE003, lr  }
0x1b: {  	s9 =	sadd.s32 $0xFFFFFEF7, lr;
	s5 =	simm.s32 $0xFFFFFFFF;
	p2 =	slt.u32 s8, $0xFFFFF086  }
0x1c: {  	p1 =	slt.u32 s9, $0xF7A;
	s5 =	simm.s32 @!p2 $0x0  }
0x1d: {  	s5 =	simm.s32 @p1 $0x1;
	p0 =	seq.s32 s7, s2  }
0x1e: {  	s7 =	smul.u32 @!p0 $0xF7A, s2;
	p2 =	seq.s32 @!p0 s5, $0x0  }
0x1f: {  	s9 =	smul.u32 $0xF7A, s1;
	s8 =	simm.s32 @!p0 $0x1BF5;
	p2 =	por !p2, p0  }
0x20: {  	[sflag:s8] =	ssyncset.s32 @!p0 $0xFFFFF086;
	s6 =	sadd.s32 @!p0 s3, s7;
	s7 =	simm.s32 @!p0 $0x108  }
0x21: {  	s3 =	sadd.s32 s3, s9;
	s6 =	sadd.s32 @!p0 $0x88, s6;
	s7 =	simm.s32 @p2 $0x1082  }
0x22: {  	[simem:s7], [sflag:s8] =	dma.local @!p0 [hbm:s6], $0xF7A  }
0x23: {  	s9 =	sor.u32 $0xD0000000, s2;
	s6 =	simm.s32 $0x108;
	_ =	swait.ge @!p0 [sflag:s8], $0x0  }
0x24: {  	s3 =	sadd.s32 $0x88, s3;
	s6 =	simm.s32 @!p1 $0x1082;
	[sflag:s4] =	ssyncset.s32 $0xFFFFF086  }
0x25: {  	[simem:s6], [sflag:s4] =	dma.local [hbm:s3], $0xF7A  }
0x26: {  	[smem:$0x3F8E] =	sst s1;
	(tag) =	ssettag s2;
	_ =	strace s9  }
0x27: {  	s1 =	sld [smem:$0x3F9E]  }
0x28: {  	s2 =	sld [smem:$0x3F9F]  }
0x29: {  	s4 =	sld [smem:$0x3FA1]  }
0x2a: {  	p0 =	seq.s32 s5, $0x0;
	s5 =	sld [smem:$0x3FA2]  }
0x2b: {  	s6 =	sld [smem:$0x3FA3]  }
0x2c: {  	s7 =	sld [smem:$0x3FA4]  }
0x2d: {  	s3 =	simm.s32 $0x108;
	s8 =	sld [smem:$0x3FA5]  }
0x2e: {  	s3 =	simm.s32 @!p0 $0x1082;
	s9 =	sld [smem:$0x3FA6]  }
0x2f: {  	lr =	sadd.s32 s0, s3;
	s0 =	sld [smem:$0x3F9D]  }
0x30: {  	s3 =	sld [smem:$0x3FA0]  }
0x31: {  	[smem:$0x3FA9] =	sst s10  }
0x32: {  	s10 =	sld [smem:$0x3FA7];
	_ =	sdelay $0x3  }
0x33: {  	p0 =	seq.s32 s10, $0x1;
	s10 =	sld [smem:$0x3FA9];
	_ =	sdelay $0x3  }
0x34: {  	[smem:$0x3FA9] =	sst s10  }
0x35: {  	s10 =	sld [smem:$0x3FA8];
	_ =	sdelay $0x3  }
0x36: {  	p1 =	seq.s32 s10, $0x1;
	s10 =	sld [smem:$0x3FA9];
	_ =	sdelay $0x3  }
0x37: {  	[smem:$0x3FA9] =	sst s10  }
0x38: {  	s10 =	sld [smem:$0x3FAA]  }
0x39: {  	_ = 	snop;
	(pc) =	sbr.ind lr, $3  }
0x3a: {  	_ = 	snop  }
0x3b: {  	_ = 	snop  }
0x3c: {  	p2 =	seq.s32 s10, $0x1;
	s10 =	sld [smem:$0x3FA9]  }
0x3d: {  	_ =	shalt  }
0x3e: {  	_ =	shalt  }
0x3f: {  	_ =	shalt  }
0x40: {  	_ =	shalt  }
0x41: {  	_ =	shalt  }
0x42: {  	_ =	shalt  }
0x43: {  	_ =	shalt  }
0x44: {  	_ =	shalt  }
0x45: {  	_ =	shalt  }
0x46: {  	_ =	shalt  }
0x47: {  	_ =	shalt  }
0x48: {  	_ =	shalt  }
0x49: {  	_ =	shalt  }
0x4a: {  	_ =	shalt  }
0x4b: {  	_ =	shalt  }
0x4c: {  	_ =	shalt  }
0x4d: {  	_ =	shalt  }
0x4e: {  	_ =	shalt  }
0x4f: {  	_ =	shalt  }
0x50: {  	_ =	shalt  }
0x51: {  	_ =	shalt  }
0x52: {  	_ =	shalt  }
0x53: {  	_ =	shalt  }
0x54: {  	_ =	shalt  }
0x55: {  	_ =	shalt  }
0x56: {  	_ =	shalt  }
0x57: {  	_ =	shalt  }
0x58: {  	_ =	shalt  }
0x59: {  	_ =	shalt  }
0x5a: {  	_ =	shalt  }
0x5b: {  	_ =	shalt  }
0x5c: {  	_ =	shalt  }
0x5d: {  	_ =	shalt  }
0x5e: {  	_ =	shalt  }
0x5f: {  	_ =	shalt  }
0x60: {  	_ =	shalt  }
0x61: {  	_ =	shalt  }
0x62: {  	_ =	shalt  }
0x63: {  	_ =	shalt  }
0x64: {  	_ =	shalt  }
0x65: {  	_ =	shalt  }
0x66: {  	_ =	shalt  }
0x67: {  	_ =	shalt  }
0x68: {  	_ =	shalt  }
0x69: {  	_ =	shalt  }
0x6a: {  	_ =	shalt  }
0x6b: {  	_ =	shalt  }
0x6c: {  	_ =	shalt  }
0x6d: {  	_ =	shalt  }
0x6e: {  	_ =	shalt  }
0x6f: {  	_ =	shalt  }
0x70: {  	_ =	shalt  }
0x71: {  	_ =	shalt  }
0x72: {  	_ =	shalt  }
0x73: {  	_ =	shalt  }
0x74: {  	_ =	shalt  }
0x75: {  	_ =	shalt  }
0x76: {  	_ =	shalt  }
0x77: {  	_ =	shalt  }
0x78: {  	_ =	shalt  }
0x79: {  	_ =	shalt  }
0x7a: {  	_ =	shalt  }
0x7b: {  	_ =	shalt  }
0x7c: {  	_ =	shalt  }
0x7d: {  	_ =	shalt  }
0x7e: {  	_ =	shalt  }
0x7f: {  	_ =	shalt  }
0x80: {  	_ =	shalt  }
0x81: {  	_ =	shalt  }
0x82: {  	_ =	shalt  }
0x83: {  	_ =	shalt  }
0x84: {  	_ =	shalt  }
0x85: {  	_ =	shalt  }
0x86: {  	_ =	shalt  }
0x87: {  	_ =	shalt  }
.Lfunc_end0:
.L_simem_size_0:
called_computation_lowered:
.L_overlay_start_0:
0x88: {  	s2 =	sld [smem:$0x3FD9]  }
0x89: {  	s3 =	sld [smem:$0x3FFE];
	_ =	sdelay $0x1  }
0x8a: {  	s1 =	srdreg.scid  }
0x8b: {  	s0 =	sand.u32 $0x1, s1  }
0x8c: {  	s16 =	sshll.u32 s0, $0xA;
	s2 =	sadd.s32 s3, s2  }
0x8d: {  	s2 =	sadd.s32 s2, s16  }
0x8e: {  	[smem:$0x3FB5] =	sst s2  }
0x8f: {  	_ = 	snop  }
0x90: {  	(tm) =	ssettm $0x1  }
0x91: {  	s17 =	sld [smem:$0x3FFB];
	_ =	sdelay $0x3  }
0x92: {  	_ =	strace s17  }
0x93: {  	s2 =	sld [smem:$0x3FFC];
	_ =	sdelay $0x3  }
0x94: {  	_ =	strace s2  }
0x95: {  	s2 =	sld [smem:$0x3FFD];
	_ =	sdelay $0x3  }
0x96: {  	_ =	strace s2  }
0x97: {  	_ =	strace $0x8FFFFFFF  }
0x98: {  	s18 =	sld [smem:$0x3FDB];
	_ =	sdelay $0x1  }
0x99: {  	s19 =	simm.s32 $_scs_section_size  }
0x9a: {  	s4 =	simm.s32 $_size__tile_overlayer_lowered;
	s5 =	simm.s32 $_tile_overlayer_lowered  }
0x9b: {  	s22 =	simm.s32 $0x1BFF;
	s21 =	sshll.u32 s5, $0x1;
	s2 =	sadd.s32 s19, s18  }
0x9c: {  	s6 =	simm.s32 $0x0;
	s20 =	sshll.u32 s4, $0x1;
	s4 =	sadd.s32 s21, s2  }
0x9d: {  	[timem:s6], [sflag:s22] =	dma.local [hbm:s4], s20  }
0x9e: {  	_ =	swait.ge [sflag:s22], s20  }
0x9f: {  	s3 =	ssub.s32 $0x0, s20;
	[sflag:s22] =	ssyncset.done $0x0  }
0xa0: {  	[sflag:s22] =	ssyncadd.s32 s3;
	_ =	sdelay $0x1  }
0xa1: {  	s23 =	simm.s32 $0x1B8B  }
0xa2: {  	_ =	swait.ge [sflag:s23], $0x1  }
0xa3: {  	[sflag:s23] =	ssyncset.done $0x0  }
0xa4: {  	s25 =	simm.s32 $0x1B8E;
	s24 =	sld [smem:$0x3FFE];
	[sflag:s23] =	ssyncadd.s32 $0xFFFFFFFF  }
0xa5: {  	s26 =	simm.s32 $execute0_lowered;
	[smem:$0x3FD2] =	sst s25  }
0xa6: {  	s4 =	sshll.u32 s26, $0x1;
	_ =	strace $0x80000046;
	[dreg:$0x1] =	wrdreg $0xFFFFFFFF  }
0xa7: {  	s28 =	simm.s32 $_size_execute0_lowered;
	s2 =	sadd.s32 s2, s4;
	[dreg:$0x0] =	wrdreg $0x0  }
0xa8: {  	s4 =	sshll.u32 s28, $0x1;
	[dreg:$0x2] =	wrdreg s2  }
0xa9: {  	[dreg:$0x3] =	wrdreg s4  }
0xaa: {  	[dreg:$0x4] =	wrdreg $0xC0  }
0xab: {  	_ =	task [dreg:s6], $0x5FFFF  }
0xac: {  	[dreg:$0x1] =	wrdreg $0xFFFFFFFF  }
0xad: {  	[dreg:$0x0] =	wrdreg $0x60  }
0xae: {  	[dreg:$0x2] =	wrdreg s24  }
0xaf: {  	[dreg:$0x3] =	wrdreg $0x5FF00  }
0xb0: {  	[dreg:$0x4] =	wrdreg $0x9  }
0xb1: {  	_ =	task.clear_ibuf [dreg:s6], $0x5FFFF;
	_ =	strace $0x90000046  }
0xb2: {  	s29 =	simm.s32 $0x9;
	_ =	strace $0x80000048  }
0xb3: {  	_ =	swait.ge [sflag:s29], $0x1  }
0xb4: {  	[sflag:s29] =	ssyncadd.s32 $0xFFFFFFFF  }
0xb5: {  	_ =	strace $0x90000048  }
0xb6: {  	_ =	sfence  }
0xb7: {  	s30 =	sld [smem:$0x0];
	_ =	sdelay $0x2  }
0xb8: {  	s31 =	sshll.u32 s1, $0xD;
	s1 =	sshrl.u32 s1, $0x2  }
0xb9: {  	s3 =	sand.u32 $0x4000, s31;
	s1 =	sadd.s32 s1, s30  }
0xba: {  	s0 =	sor.u32 s3, s0;
	s1 =	sshll.u32 s1, $0x11  }
0xbb: {  	s0 =	sor.u32 s1, s0  }
0xbc: {  	s0 =	sadd.s32 $0x8F2B, s0  }
0xbd: {  	[sflag:s0] =	ssyncadd.remote.s32 $0x1  }
0xbe: {  	_ =	sfence.sel $0xFFFF  }
0xbf: {  	[dreg:$0x0] =	wrdreg $0xFFFFFFFF;
	(pc) =	sbr.abs _section_cstart, $3  }
0xc0: {  	[dreg:$0x1] =	wrdreg $0xFFFFFFFF  }
0xc1: {  	_ =	task.clear_ibuf [dreg:s6], $0x2FFFF;
	_ =	strace $0x9FFFFFFF  }
0xc2: {  	(tm) =	ssettm $0x7FFFFFFF  }
0xc3: {  	_ =	shalt  }
tec
execute0_lowered:
.L_overlay_start_1:
0x0: {  	(tag) =	ssettag $0x1  }
0x1: {  	s0 =	rddreg [dreg:$0x0]  }
0x2: {  	s1 =	rddreg [dreg:$0x1];
	s3 =	simm.s32 $0x0;
	s14 =	stileid.u32  }
0x3: {  	s8 =	srdreg.scid;
	[smem:$0x7FF] =	sst s3  }
0x4: {  	s4 =	sadd.s32 $0x3E600, s0;
	s5 =	sadd.s32 $0x34800, s0;
	s2 =	smul.u32 $0x16800, s14  }
0x5: {  	s6 =	sadd.s32 $0x2800, s0;
	s7 =	sadd.s32 $0x2F800, s0;
	s8 =	sand.u32 $0x1, s8  }
0x6: {  	s11 =	sshll.u32 s14, $0x1;
	s26 =	smul.u32 $0x5A000, s14;
	_ =	strace $0x80000047  }
0x7: {  	s10 =	smul.u32 $0x2D000, s8;
	s13 =	ssub.s32 $0x2, s8;
	s11 =	sor.u32 s8, s11  }
0x8: {  	p0 =	seq.s32 s8, $0x1;
	s9 =	sshrl.u32 s2, $0x3;
	s21 =	sshrl.u32 s13, $0x1  }
0x9: {  	s11 =	smul.u32 $0x2710, s11;
	s2 =	sadd.s32 s2, s1;
	s12 =	sadd.s32 s9, s0  }
0xa: {  	s0 =	sadd.s32 s10, s0;
	[dreg:$0x3] =	wrdreg s2;
	s22 =	sadd.s32 $0x52800, s12  }
0xb: {  	s13 =	ssub.s32 s13, s21;
	s8 =	sadd.s32 $0x78, s11;
	[dreg:$0x4] =	wrdreg s22  }
0xc: {  	s23 =	sshrl.u32 s11, $0x3;
	s12 =	smax.u32 s13, $0x1;
	[dreg:$0x1b] =	wrdreg s8  }
0xd: {  	s10 =	sadd.s32 $0x28, s11;
	s24 =	sadd.s32 s4, s23;
	[dreg:$0x9] =	wrdreg s12  }
0xe: {  	s0 =	sadd.s32 $0x7F800, s0;
	s2 =	sadd.s32 s5, s23;
	[dreg:$0x5] =	wrdreg s24  }
0xf: {  	s25 =	sshrl.u32 s10, $0x3;
	s0 =	sadd.s32 s9, s0;
	[dreg:$0x6] =	wrdreg s2  }
0x10: {  	s15 =	sadd.s32 $0x50, s11;
	s29 =	sadd.s32 s4, s25;
	[dreg:$0x10] =	wrdreg s0  }
0x11: {  	s11 =	sshrl.u32 s26, $0x2;
	s31 =	sadd.s32 s5, s25;
	[dreg:$0x7] =	wrdreg s29  }
0x12: {  	s2 =	sadd.s32 s11, s1;
	[dreg:$0x8] =	wrdreg s31  }
0x13: {  	s13 =	sadd.s32 $0x1680, s2;
	[dreg:$0xa] =	wrdreg s2  }
0x14: {  	s14 =	sadd.s32 $0x2D00, s2;
	[dreg:$0xb] =	wrdreg s13  }
0x15: {  	s16 =	sadd.s32 $0x4380, s2;
	[dreg:$0xc] =	wrdreg s14  }
0x16: {  	s17 =	sadd.s32 $0x5A00, s2;
	[dreg:$0xd] =	wrdreg s16  }
0x17: {  	s18 =	sadd.s32 $0x7080, s2;
	[dreg:$0xe] =	wrdreg s17  }
0x18: {  	s19 =	sadd.s32 $0x8700, s2;
	[dreg:$0xf] =	wrdreg s18  }
0x19: {  	s20 =	sadd.s32 $0x9D80, s2;
	[dreg:$0x11] =	wrdreg s19  }
0x1a: {  	s21 =	sadd.s32 $0xB400, s2;
	[dreg:$0x12] =	wrdreg s20  }
0x1b: {  	s22 =	sadd.s32 $0xCA80, s2;
	[dreg:$0x13] =	wrdreg s21  }
0x1c: {  	s23 =	sadd.s32 $0xE100, s2;
	[dreg:$0x14] =	wrdreg s22  }
0x1d: {  	s28 =	simm.s32 $0xA0;
	s24 =	sadd.s32 $0xF780, s2;
	[dreg:$0x15] =	wrdreg s23  }
0x1e: {  	s30 =	simm.s32 $0x8;
	s25 =	sadd.s32 $0x10E00, s2;
	[dreg:$0x16] =	wrdreg s24  }
0x1f: {  	s9 =	simm.s32 $0x1;
	s26 =	sadd.s32 $0x12480, s2;
	[dreg:$0x17] =	wrdreg s25  }
0x20: {  	s8 =	simm.s32 $0x0;
	s29 =	sadd.s32 $0x13B00, s2;
	[dreg:$0x18] =	wrdreg s26  }
.Ltmp0:
0x21: {  	s31 =	sadd.s32 $0x15180, s2;
	[dreg:$0x19] =	wrdreg s29;
	(pc) =	sbr.rel .LBB2_1-.Ltmp0, $4  }
0x22: {  	s11 =	simm.s32 $0x5;
	s2 =	simm.s32 $0x9;
	[dreg:$0x1a] =	wrdreg s31  }
0x23: {  	v0 =	vimm.f32 $0.0e+00;
	s16 =	simm.s32 $0x32F0;
	s14 =	simm.s32 $0xB;
	s25 =	simm.s32 $0x28  }
0x24: {  	v5 =	vimm.s32 $0x0;
	v6 =	vimm.s32 $0x1;
	v7 =	vimm.s32 $0x2;
	s26 =	simm.s32 $0x78;
	s19 =	simm.s32 $0x3;
	s20 =	simm.s32 $0xC8  }
0x25: {  	v8 =	vimm.s32 $0x3;
	v50 =	vimm.s32 $0x4;
	v58 =	vimm.s32 $0x7;
	s18 =	simm.s32 $0x2;
	s23 =	simm.s32 $0x4;
	s13 =	simm.s32 $0xA  }
.LBB2_16:
0x26: {  	s0 =	simm.s32 $0x6  }
0x27: {  	_ =	swait.ge [sflag:s0], $0x1680  }
0x28: {  	[sflag:s0] =	ssyncset.done $0x0  }
0x29: {  	[sflag:s0] =	ssyncadd.s32 $0xFFFFE980  }
0x2a: {  	s24 =	stileid.u32;
	[bflag:$0x0] =	sbarrier.arrive $0xFFFF  }
0x2b: {  	s14 =	simm.s32 $0xB;
	s0 =	sshll.u32 s24, $0x6;
	s8 =	rddreg [dreg:$0x3]  }
0x2c: {  	s0 =	sor.u32 $0x1C0B, s0;
	s12 =	rddreg [dreg:$0x10];
	s8 =	sshrl.u32 s8, $0x3  }
0x2d: {  	[hbm:s12], [sflag:s0] =	dma.local [spmem:s8], $0x2D00  }
0x2e: {  	_ =	swait.ge [sflag:s14], $0x2D00  }
0x2f: {  	s29 =	rddreg [dreg:$0x1c]  }
0x30: {  	s31 =	rddreg [dreg:$0x9];
	s8 =	sadd.s32 $0x1, s29  }
0x31: {  	p1 =	sne.s32 s8, s31  }
.Ltmp1:
0x32: {  	_ = 	snop;
	(pc) =	sbr.rel @!p1 .LBB2_17-.Ltmp1, $3  }
0x33: {  	_ =	sdelay $0x1  }
0x34: {  	[sflag:s14] =	ssyncset.done $0x0  }
0x35: {  	[sflag:s14] =	ssyncadd.s32 $0xFFFFD300  }
.LBB2_1:
.Ltmp2:
0x36: {  	(pc) =	sbr.rel @!p0 .LBB2_2-.Ltmp2, $2  }
0x37: {  	_ =	sdelay $0x2  }
0x38: {  	[dreg:$0x1c] =	wrdreg s8  }
0x39: {  	s0 =	sshra.s32 s3, $0x2;
	s8 =	sadd.s32 $0x240, s3  }
.LBB2_4:
0x3a: {  	p1 =	seq.s32 s8, $0x57C0;
	[tilespmem:s0+$0x3370] =	vst v0  }
0x3b: {  	[tilespmem:s0+$0x32F0] =	vst v0  }
0x3c: {  	[tilespmem:s0+$0x3300] =	vst v0  }
0x3d: {  	[tilespmem:s0+$0x3310] =	vst v0  }
.Ltmp3:
0x3e: {  	[tilespmem:s0+$0x3320] =	vst v0;
	(pc) =	sbr.rel @!p1 .LBB2_4-.Ltmp3, $4  }
0x3f: {  	[tilespmem:s0+$0x3330] =	vst v0  }
0x40: {  	[tilespmem:s0+$0x3340] =	vst v0  }
0x41: {  	[tilespmem:s0+$0x3350] =	vst v0  }
0x42: {  	[tilespmem:s0+$0x3360] =	vst v0;
	s0 =	sshra.s32 s8, $0x2;
	s8 =	sadd.s32 $0x240, s8  }
0x43: {  	[tilespmem:s0+$0x3370] =	vst v0  }
0x44: {  	[tilespmem:s0+$0x32F0] =	vst v0  }
0x45: {  	[tilespmem:s0+$0x3300] =	vst v0  }
0x46: {  	[tilespmem:s0+$0x3310] =	vst v0  }
0x47: {  	[tilespmem:s0+$0x3320] =	vst v0  }
0x48: {  	[tilespmem:s0+$0x3330] =	vst v0  }
0x49: {  	[tilespmem:s0+$0x3340] =	vst v0  }
0x4a: {  	[tilespmem:s0+$0x3350] =	vst v0  }
0x4b: {  	[tilespmem:s0+$0x3360] =	vst v0;
	s12 =	rddreg [dreg:$0xa];
	s8 =	simm.s32 $0x32F0  }
0x4c: {  	[spmem:s12] =	stream.linear.scatter [tilespmem:s8], [sflag:$0xB], $0x1680, $0x38;
	[tilespmem:$0x1C7F0] =	vst v63  }
0x4d: {  	_ =	swait.ge [sflag:s14], $0x1680  }
0x4e: {  	[sflag:s14] =	ssyncset.done $0x0  }
0x4f: {  	s16 =	rddreg [dreg:$0xb];
	[sflag:s14] =	ssyncadd.s32 $0xFFFFE980  }
0x50: {  	[spmem:s16] =	stream.linear.scatter [tilespmem:s8], [sflag:$0xB], $0x1680, $0x38;
	[tilespmem:$0x1C7F0] =	vst v63  }
0x51: {  	_ =	swait.ge [sflag:s14], $0x1680  }
0x52: {  	[sflag:s14] =	ssyncset.done $0x0  }
0x53: {  	s17 =	rddreg [dreg:$0xc];
	[sflag:s14] =	ssyncadd.s32 $0xFFFFE980  }
0x54: {  	[spmem:s17] =	stream.linear.scatter [tilespmem:s8], [sflag:$0xB], $0x1680, $0x38;
	[tilespmem:$0x1C7F0] =	vst v63  }
0x55: {  	_ =	swait.ge [sflag:s14], $0x1680  }
0x56: {  	[sflag:s14] =	ssyncset.done $0x0  }
0x57: {  	s21 =	rddreg [dreg:$0xd];
	[sflag:s14] =	ssyncadd.s32 $0xFFFFE980  }
0x58: {  	[spmem:s21] =	stream.linear.scatter [tilespmem:s8], [sflag:$0xB], $0x1680, $0x38;
	[tilespmem:$0x1C7F0] =	vst v63  }
0x59: {  	_ =	swait.ge [sflag:s14], $0x1680  }
0x5a: {  	[sflag:s14] =	ssyncset.done $0x0  }
0x5b: {  	s22 =	rddreg [dreg:$0xe];
	[sflag:s14] =	ssyncadd.s32 $0xFFFFE980  }
0x5c: {  	[spmem:s22] =	stream.linear.scatter [tilespmem:s8], [sflag:$0xB], $0x1680, $0x38;
	[tilespmem:$0x1C7F0] =	vst v63  }
0x5d: {  	_ =	swait.ge [sflag:s14], $0x1680  }
0x5e: {  	[sflag:s14] =	ssyncset.done $0x0  }
0x5f: {  	s24 =	rddreg [dreg:$0xf];
	[sflag:s14] =	ssyncadd.s32 $0xFFFFE980  }
0x60: {  	[spmem:s24] =	stream.linear.scatter [tilespmem:s8], [sflag:$0xB], $0x1680, $0x38;
	[tilespmem:$0x1C7F0] =	vst v63  }
0x61: {  	_ =	swait.ge [sflag:s14], $0x1680  }
0x62: {  	[sflag:s14] =	ssyncset.done $0x0  }
0x63: {  	s29 =	rddreg [dreg:$0x11];
	[sflag:s14] =	ssyncadd.s32 $0xFFFFE980  }
0x64: {  	[spmem:s29] =	stream.linear.scatter [tilespmem:s8], [sflag:$0xB], $0x1680, $0x38;
	[tilespmem:$0x1C7F0] =	vst v63  }
0x65: {  	_ =	swait.ge [sflag:s14], $0x1680  }
0x66: {  	[sflag:s14] =	ssyncset.done $0x0  }
0x67: {  	s31 =	rddreg [dreg:$0x12];
	[sflag:s14] =	ssyncadd.s32 $0xFFFFE980  }
0x68: {  	[spmem:s31] =	stream.linear.scatter [tilespmem:s8], [sflag:$0xB], $0x1680, $0x38;
	[tilespmem:$0x1C7F0] =	vst v63  }
0x69: {  	_ =	swait.ge [sflag:s14], $0x1680  }
0x6a: {  	[sflag:s14] =	ssyncset.done $0x0  }
0x6b: {  	s12 =	rddreg [dreg:$0x13];
	[sflag:s14] =	ssyncadd.s32 $0xFFFFE980  }
0x6c: {  	[spmem:s12] =	stream.linear.scatter [tilespmem:s8], [sflag:$0xB], $0x1680, $0x38;
	[tilespmem:$0x1C7F0] =	vst v63  }
0x6d: {  	_ =	swait.ge [sflag:s14], $0x1680  }
0x6e: {  	[sflag:s14] =	ssyncset.done $0x0  }
0x6f: {  	s16 =	rddreg [dreg:$0x14];
	[sflag:s14] =	ssyncadd.s32 $0xFFFFE980  }
0x70: {  	[spmem:s16] =	stream.linear.scatter [tilespmem:s8], [sflag:$0xB], $0x1680, $0x38;
	[tilespmem:$0x1C7F0] =	vst v63  }
0x71: {  	_ =	swait.ge [sflag:s14], $0x1680  }
0x72: {  	[sflag:s14] =	ssyncset.done $0x0  }
0x73: {  	s17 =	rddreg [dreg:$0x15];
	[sflag:s14] =	ssyncadd.s32 $0xFFFFE980  }
0x74: {  	[spmem:s17] =	stream.linear.scatter [tilespmem:s8], [sflag:$0xB], $0x1680, $0x38;
	[tilespmem:$0x1C7F0] =	vst v63  }
0x75: {  	_ =	swait.ge [sflag:s14], $0x1680  }
0x76: {  	[sflag:s14] =	ssyncset.done $0x0  }
0x77: {  	s21 =	rddreg [dreg:$0x16];
	[sflag:s14] =	ssyncadd.s32 $0xFFFFE980  }
0x78: {  	[spmem:s21] =	stream.linear.scatter [tilespmem:s8], [sflag:$0xB], $0x1680, $0x38;
	[tilespmem:$0x1C7F0] =	vst v63  }
0x79: {  	_ =	swait.ge [sflag:s14], $0x1680  }
0x7a: {  	[sflag:s14] =	ssyncset.done $0x0  }
0x7b: {  	s22 =	rddreg [dreg:$0x17];
	[sflag:s14] =	ssyncadd.s32 $0xFFFFE980  }
0x7c: {  	[spmem:s22] =	stream.linear.scatter [tilespmem:s8], [sflag:$0xB], $0x1680, $0x38;
	[tilespmem:$0x1C7F0] =	vst v63  }
0x7d: {  	_ =	swait.ge [sflag:s14], $0x1680  }
0x7e: {  	[sflag:s14] =	ssyncset.done $0x0  }
0x7f: {  	s24 =	rddreg [dreg:$0x18];
	[sflag:s14] =	ssyncadd.s32 $0xFFFFE980  }
0x80: {  	[spmem:s24] =	stream.linear.scatter [tilespmem:s8], [sflag:$0xB], $0x1680, $0x38;
	[tilespmem:$0x1C7F0] =	vst v63  }
0x81: {  	_ =	swait.ge [sflag:s14], $0x1680  }
0x82: {  	[sflag:s14] =	ssyncset.done $0x0  }
0x83: {  	s29 =	rddreg [dreg:$0x19];
	[sflag:s14] =	ssyncadd.s32 $0xFFFFE980  }
0x84: {  	[spmem:s29] =	stream.linear.scatter [tilespmem:s8], [sflag:$0xB], $0x1680, $0x38;
	[tilespmem:$0x1C7F0] =	vst v63  }
0x85: {  	_ =	swait.ge [sflag:s14], $0x1680  }
0x86: {  	[sflag:s14] =	ssyncset.done $0x0  }
.Ltmp4:
0x87: {  	s31 =	rddreg [dreg:$0x1a];
	[sflag:s14] =	ssyncadd.s32 $0xFFFFE980;
	(pc) =	sbr.rel .LBB2_6-.Ltmp4, $4  }
0x88: {  	[spmem:s31] =	stream.linear.scatter [tilespmem:s8], [sflag:$0xB], $0x1680, $0x38;
	[tilespmem:$0x1C7F0] =	vst v63  }
0x89: {  	_ =	swait.ge [sflag:s14], $0x1680  }
0x8a: {  	[sflag:s14] =	ssyncset.done $0x0  }
0x8b: {  	s16 =	simm.s32 $0x32F0;
	[sflag:s14] =	ssyncadd.s32 $0xFFFFE980  }
.LBB2_2:
0x8c: {  	s0 =	stileid.u32  }
0x8d: {  	s8 =	rddreg [dreg:$0x3];
	s0 =	sshll.u32 s0, $0x6  }
0x8e: {  	s12 =	rddreg [dreg:$0x4];
	s8 =	sshrl.u32 s8, $0x3;
	s0 =	sor.u32 $0x1C0B, s0  }
0x8f: {  	[spmem:s8], [sflag:s0] =	dma.local [hbm:s12], $0x2D00  }
0x90: {  	_ =	swait.ge [sflag:s14], $0x2D00  }
0x91: {  	[sflag:s14] =	ssyncset.done $0x0  }
0x92: {  	[sflag:s14] =	ssyncadd.s32 $0xFFFFD300  }
.LBB2_6:
0x93: {  	[bflag:$0x0] =	sbarrier.arrive $0xFFFF  }
0x94: {  	s8 =	simm.s32 $0x0;
	s0 =	rddreg [dreg:$0x5]  }
0x95: {  	[tilespmem:s8], [sflag:$0x7] =	stream.linear.gather [hbm4b:s0+s8], $0x28, $0x38;
	[tilespmem:$0x1C7F0] =	vst v63  }
0x96: {  	s14 =	simm.s32 $0x50;
	s21 =	rddreg [dreg:$0x6]  }
0x97: {  	[tilespmem:s14], [sflag:$0x7] =	stream.linear.gather [hbm4b:s21+s8], $0x28, $0x38;
	[tilespmem:$0x1C7F0] =	vst v63  }
0x98: {  	s12 =	rddreg [dreg:$0x7]  }
0x99: {  	[tilespmem:s25], [sflag:$0x8] =	stream.linear.gather [hbm4b:s12+s8], $0x28, $0x38;
	[tilespmem:$0x1C7F0] =	vst v63  }
0x9a: {  	s22 =	rddreg [dreg:$0x8]  }
0x9b: {  	[tilespmem:s26], [sflag:$0x8] =	stream.linear.gather [hbm4b:s22+s8], $0x28, $0x38;
	[tilespmem:$0x1C7F0] =	vst v63  }
0x9c: {  	s24 =	simm.s32 $0x7  }
0x9d: {  	[tilespmem:s28], [sflag:$0x9] =	stream.linear.gather [hbm4b:s21+s8], $0x28, $0x38;
	[tilespmem:$0x1C7F0] =	vst v63  }
0x9e: {  	_ =	swait.ge [sflag:s24], $0x28  }
0x9f: {  	[sflag:s24] =	ssyncset.done $0x0  }
0xa0: {  	[sflag:s24] =	ssyncadd.s32 $0xFFFFFFD8  }
0xa1: {  	_ =	swait.ge [sflag:s24], $0x28  }
.Ltmp5:
0xa2: {  	[sflag:s24] =	ssyncset.done $0x0;
	(pc) =	sbr.rel .LBB2_7-.Ltmp5, $4  }
0xa3: {  	s29 =	simm.s32 $0xF0;
	[sflag:s24] =	ssyncadd.s32 $0xFFFFFFD8  }
0xa4: {  	[tilespmem:s29], [sflag:$0x1] =	stream.indirect.gather [hbm4b:s6+s25], $0x90, s8, s25, $0xb8;
	[tilespmem:$0x1C7F0] =	vst v63  }
0xa5: {  	s31 =	simm.s32 $0x2DF0  }
0xa6: {  	[tilespmem:s31], [sflag:$0x3] =	stream.indirect.gather [hbm4b:s7+s25], $0x10, s14, s25, $0xb8;
	[tilespmem:$0x1C7F0] =	vst v63  }
.LBB2_12:
0xa7: {  	s0 =	sadd.s32 s17, s15  }
0xa8: {  	s0 =	sshrl.u32 s0, $0x3  }
0xa9: {  	v0 =	vimm.f32 $0.0e+00;
	v5 =	vimm.s32 $0x0;
	v6 =	vimm.s32 $0x1;
	s0 =	sadd.s32 s5, s0  }
0xaa: {  	v7 =	vimm.s32 $0x2;
	v8 =	vimm.s32 $0x3;
	v50 =	vimm.s32 $0x4;
	[tilespmem:s28], [sflag:$0x9] =	stream.linear.gather [hbm4b:s0+s3], $0x28, $0x38;
	[tilespmem:$0x1C7F0] =	vst v63  }
.LBB2_14:
0xab: {  	s0 =	rddreg [dreg:$0x1b]  }
0xac: {  	s0 =	sadd.s32 s17, s0  }
0xad: {  	s0 =	sshrl.u32 s0, $0x3  }
0xae: {  	s12 =	sadd.s32 s4, s0  }
0xaf: {  	[tilespmem:s25], [sflag:$0x8] =	stream.linear.gather [hbm4b:s12+s3], $0x28, $0x38;
	[tilespmem:$0x1C7F0] =	vst v63  }
0xb0: {  	s0 =	sadd.s32 s5, s0  }
0xb1: {  	[tilespmem:s26], [sflag:$0x8] =	stream.linear.gather [hbm4b:s0+s3], $0x28, $0x38;
	[tilespmem:$0x1C7F0] =	vst v63  }
.LBB2_15:
0xb2: {  	s8 =	sadd.s32 $0x1, s8  }
0xb3: {  	p1 =	sne.s32 s8, $0x7D  }
.Ltmp6:
0xb4: {  	_ = 	snop;
	(pc) =	sbr.rel @!p1 .LBB2_16-.Ltmp6, $4  }
0xb5: {  	_ =	swait.ge [sflag:s13], $0x28  }
0xb6: {  	[sflag:s13] =	ssyncset.done $0x0  }
0xb7: {  	s0 =	simm.s32 $0x4970;
	[sflag:s13] =	ssyncadd.s32 $0xFFFFFFD8  }
0xb8: {  	[spmem:s1] =	stream.indirect.scatter.add.f32 [tilespmem:s0], [sflag:$0x6], $0x90, s20, s25, $0xb8;
	[tilespmem:$0x1C7F0] =	vst v63  }
.LBB2_7:
0xb9: {  	_ =	swait.ge [sflag:s30], $0x28  }
0xba: {  	[sflag:s30] =	ssyncset.done $0x0  }
0xbb: {  	[sflag:s30] =	ssyncadd.s32 $0xFFFFFFD8  }
0xbc: {  	_ =	swait.ge [sflag:s30], $0x28  }
0xbd: {  	[sflag:s30] =	ssyncset.done $0x0  }
0xbe: {  	s0 =	simm.s32 $0x1770;
	[sflag:s30] =	ssyncadd.s32 $0xFFFFFFD8  }
0xbf: {  	[tilespmem:s0], [sflag:$0x2] =	stream.indirect.gather [hbm4b:s6+s25], $0x90, s25, s25, $0xb8;
	[tilespmem:$0x1C7F0] =	vst v63  }
0xc0: {  	s17 =	simm.s32 $0x3070  }
0xc1: {  	[tilespmem:s17], [sflag:$0x4] =	stream.indirect.gather [hbm4b:s7+s25], $0x10, s26, s25, $0xb8;
	[tilespmem:$0x1C7F0] =	vst v63  }
0xc2: {  	_ =	swait.ge [sflag:s9], $0x1680  }
0xc3: {  	[sflag:s9] =	ssyncset.done $0x0  }
0xc4: {  	[sflag:s9] =	ssyncadd.s32 $0xFFFFE980  }
0xc5: {  	_ =	swait.ge [sflag:s19], $0x280  }
0xc6: {  	[sflag:s19] =	ssyncset.done $0x0  }
0xc7: {  	s22 =	simm.s32 $0x330;
	[sflag:s19] =	ssyncadd.s32 $0xFFFFFD80  }
0xc8: {  	s21 =	simm.s32 $0x2E30;
	v0 =	vld [tilespmem:s22+$0x230]  }
0xc9: {  	v1 =	vld [tilespmem:s21+$0x30]  }
0xca: {  	v2 =	vld [tilespmem:s21+$0xFFFFFFC0]  }
0xcb: {  	v3 =	vld [tilespmem:s22+$0xFFFFFED0]  }
0xcc: {  	v4 =	vld [tilespmem:s21+$0xFFFFFFD0]  }
0xcd: {  	v9 =	vld [tilespmem:s22+$0xFFFFFF60]  }
0xce: {  	v10 =	vld [tilespmem:s21+$0xFFFFFFE0]  }
0xcf: {  	v11 =	vld [tilespmem:s21+$0xFFFFFFF0];
	v0 =	vadd.f32 v1, v0  }
0xd0: {  	v13 =	vld [tilespmem:s22+$0x80]  }
0xd1: {  	v14 =	vld [tilespmem:s21+$0x0];
	v3 =	vadd.f32 v4, v3;
	v12 =	vmul.f32 $2.000000030e-01, v0  }
0xd2: {  	v1 =	vld [tilespmem:s22+$0xFFFFFFF0];
	vm0 =	vgt.f32 v0, $0.0e+00  }
0xd3: {  	v4 =	vld [tilespmem:s22+$0x110];
	v15 =	vmul.f32 $2.000000030e-01, v3;
	v0 =	vsel vm0, v0, v12  }
0xd4: {  	vm6 =	vgt.f32 v3, $0.0e+00;
	v12 =	vld [tilespmem:s21+$0x10];
	v0 =	vmul.f32 $1.442695020e+00, v0  }
0xd5: {  	v3 =	vsel vm6, v3, v15;
	v15 =	vld [tilespmem:s22+$0xFFFFFE40]  }
0xd6: {  	v9 =	vadd.f32 v10, v9;
	v13 =	vadd.f32 v14, v13;
	(erf) = vpow2.f32 v0  }
0xd7: {  	v10 =	vld [tilespmem:s22+$0x1A0];
	v3 =	vmul.f32 $1.442695020e+00, v3;
	v0 =	vadd.f32 v11, v1  }
0xd8: {  	vm7 =	vgt.f32 v9, $0.0e+00;
	vm8 =	vgt.f32 v13, $0.0e+00;
	v1 =	vld [tilespmem:s21+$0x20];
	v11 =	vmul.f32 $2.000000030e-01, v9  }
0xd9: {  	(erf) = vpow2.f32 v3;
	vm1 =	vgt.f32 v0, $0.0e+00;
	v16 =	vmul.f32 $2.000000030e-01, v0  }
0xda: {  	v9 =	vsel vm7, v9, v11;
	v4 =	vadd.f32 v12, v4;
	v2 =	vadd.f32 v2, v15  }
0xdb: {  	v11 =	vmul.f32 $2.000000030e-01, v13;
	v12 =	vmul.f32 $1.442695020e+00, v9;
	v0 =	vsel vm1, v0, v16  }
0xdc: {  	v3 =	vmul.f32 $2.000000030e-01, v4;
	vm9 =	vgt.f32 v4, $0.0e+00;
	vm11 =	vgt.f32 v2, $0.0e+00  }
0xdd: {  	v1 =	vadd.f32 v1, v10;
	v0 =	vmul.f32 $1.442695020e+00, v0;
	v10 =	vsel vm8, v13, v11  }
0xde: {  	v11 =	vmul.f32 $2.000000030e-01, v2;
	v3 =	vsel vm9, v4, v3;
	v10 =	vmul.f32 $1.442695020e+00, v10  }
0xdf: {  	s17 =	simm.s32 $0x3530;
	vm10 =	vgt.f32 v1, $0.0e+00;
	v4 =	vmul.f32 $2.000000030e-01, v1;
	v9 =	vpop (erf);
	(erf) = vpow2.f32 v12  }
0xe0: {  	v3 =	vmul.f32 $1.442695020e+00, v3;
	v2 =	vsel vm11, v2, v11;
	[tilespmem:s17+$0x230] =	vst v9;
	(erf) = vpow2.f32 v0  }
0xe1: {  	v0 =	vsel vm10, v1, v4;
	v1 =	vmul.f32 $1.442695020e+00, v2;
	v11 =	vld [tilespmem:s22+$0x1B0];
	(erf) = vpow2.f32 v10  }
0xe2: {  	v0 =	vmul.f32 $1.442695020e+00, v0;
	(erf) = vpow2.f32 v3  }
0xe3: {  	s24 =	simm.s32 $0x2EB0;
	(erf) = vpow2.f32 v1  }
0xe4: {  	s12 =	simm.s32 $0x7B0;
	v28 =	vld [tilespmem:s24+$0xFFFFFFC0];
	v2 =	vperm.xlane v9, v5;
	(erf) = vpow2.f32 v0  }
0xe5: {  	v31 =	vld [tilespmem:s12+$0xFFFFFED0]  }
0xe6: {  	v34 =	vld [tilespmem:s24+$0xFFFFFFD0];
	v0 =	vmul.f32 v11, v2;
	v11 =	vpop (erf)  }
0xe7: {  	v36 =	vld [tilespmem:s12+$0xFFFFFF60];
	[tilespmem:s17+$0xFFFFFED0] =	vst v11  }
0xe8: {  	[tilespmem:s17+$0x1B0] =	vst v0;
	v13 =	vpop (erf);
	v1 =	vld [tilespmem:s22+$0xFFFFFE50]  }
0xe9: {  	v0 =	vld [tilespmem:s22+$0x1C0];
	[tilespmem:s17+$0xFFFFFF60] =	vst v13;
	v12 =	vpop (erf)  }
0xea: {  	v2 =	vld [tilespmem:s22+$0xFFFFFEE0];
	[tilespmem:s17+$0xFFFFFFF0] =	vst v12;
	v14 =	vpop (erf)  }
0xeb: {  	v15 =	vperm.xlane v11, v5;
	v3 =	vld [tilespmem:s22+$0xFFFFFF70];
	[tilespmem:s17+$0x80] =	vst v14;
	v20 =	vpop (erf)  }
0xec: {  	v4 =	vperm.xlane v9, v6;
	v16 =	vld [tilespmem:s22+$0x0];
	[tilespmem:s17+$0x110] =	vst v20;
	v10 =	vpop (erf)  }
0xed: {  	v17 =	vperm.xlane v13, v5;
	[tilespmem:s17+$0xFFFFFE40] =	vst v10;
	v18 =	vld [tilespmem:s22+$0x90];
	v21 =	vpop (erf);
	v1 =	vmul.f32 v1, v15  }
0xee: {  	v0 =	vmul.f32 v0, v4;
	v4 =	vperm.xlane v12, v5;
	v15 =	vld [tilespmem:s22+$0xFFFFFDC0];
	[tilespmem:s17+$0x1A0] =	vst v21  }
0xef: {  	v19 =	vperm.xlane v14, v5;
	v2 =	vmul.f32 v2, v17;
	v17 =	vld [tilespmem:s22+$0x120];
	[tilespmem:s17+$0xFFFFFE50] =	vst v1  }
0xf0: {  	[tilespmem:s17+$0x1C0] =	vst v0;
	v0 =	vperm.xlane v20, v5;
	v1 =	vmul.f32 v3, v4;
	v22 =	vld [tilespmem:s22+$0xFFFFFE60]  }
0xf1: {  	v4 =	vperm.xlane v10, v5;
	v3 =	vld [tilespmem:s22+$0x1D0];
	[tilespmem:s17+$0xFFFFFEE0] =	vst v2;
	v2 =	vmul.f32 v16, v19  }
0xf2: {  	v16 =	vperm.xlane v21, v5;
	v19 =	vld [tilespmem:s22+$0xFFFFFEF0];
	[tilespmem:s17+$0xFFFFFF70] =	vst v1;
	v0 =	vmul.f32 v18, v0  }
0xf3: {  	v1 =	vmul.f32 v15, v4;
	v4 =	vld [tilespmem:s22+$0xFFFFFF80];
	[tilespmem:s17+$0x0] =	vst v2;
	v15 =	vperm.xlane v11, v6  }
0xf4: {  	v2 =	vperm.xlane v9, v7;
	v18 =	vld [tilespmem:s22+$0x10];
	[tilespmem:s17+$0x90] =	vst v0;
	v0 =	vmul.f32 v17, v16  }
0xf5: {  	v16 =	vperm.xlane v13, v6;
	[tilespmem:s17+$0xFFFFFDC0] =	vst v1;
	v1 =	vld [tilespmem:s22+$0xA0];
	v15 =	vmul.f32 v22, v15  }
0xf6: {  	v2 =	vmul.f32 v3, v2;
	v3 =	vperm.xlane v12, v6;
	v17 =	vld [tilespmem:s22+$0xFFFFFDD0];
	[tilespmem:s17+$0x120] =	vst v0  }
0xf7: {  	v0 =	vperm.xlane v14, v6;
	v16 =	vmul.f32 v19, v16;
	v19 =	vld [tilespmem:s22+$0x130];
	[tilespmem:s17+$0xFFFFFE60] =	vst v15  }
0xf8: {  	[tilespmem:s17+$0x1D0] =	vst v2;
	v2 =	vperm.xlane v20, v6;
	v3 =	vmul.f32 v4, v3;
	v22 =	vld [tilespmem:s22+$0xFFFFFE70]  }
0xf9: {  	v15 =	vperm.xlane v10, v6;
	v4 =	vld [tilespmem:s22+$0x1E0];
	[tilespmem:s17+$0xFFFFFEF0] =	vst v16;
	v0 =	vmul.f32 v18, v0  }
0xfa: {  	v16 =	vperm.xlane v21, v6;
	v18 =	vld [tilespmem:s22+$0xFFFFFF00];
	[tilespmem:s17+$0xFFFFFF80] =	vst v3;
	v1 =	vmul.f32 v1, v2  }
0xfb: {  	v2 =	vmul.f32 v17, v15;
	v3 =	vld [tilespmem:s22+$0xFFFFFF90];
	[tilespmem:s17+$0x10] =	vst v0;
	v15 =	vperm.xlane v11, v7  }
0xfc: {  	v0 =	vperm.xlane v9, v8;
	v17 =	vld [tilespmem:s22+$0x20];
	[tilespmem:s17+$0xA0] =	vst v1;
	v1 =	vmul.f32 v19, v16  }
0xfd: {  	v16 =	vperm.xlane v13, v7;
	[tilespmem:s17+$0xFFFFFDD0] =	vst v2;
	v2 =	vld [tilespmem:s22+$0xB0];
	v15 =	vmul.f32 v22, v15  }
0xfe: {  	v0 =	vmul.f32 v4, v0;
	v4 =	vperm.xlane v12, v7;
	v19 =	vld [tilespmem:s22+$0xFFFFFDE0];
	[tilespmem:s17+$0x130] =	vst v1  }
0xff: {  	v1 =	vperm.xlane v14, v7;
	v16 =	vmul.f32 v18, v16;
	v18 =	vld [tilespmem:s22+$0x140];
	[tilespmem:s17+$0xFFFFFE70] =	vst v15  }
0x100: {  	[tilespmem:s17+$0x1E0] =	vst v0;
	v0 =	vperm.xlane v20, v7;
	v3 =	vmul.f32 v3, v4;
	v22 =	vld [tilespmem:s22+$0xFFFFFE80]  }
0x101: {  	v15 =	vperm.xlane v10, v7;
	v4 =	vld [tilespmem:s22+$0x1F0];
	[tilespmem:s17+$0xFFFFFF00] =	vst v16;
	v1 =	vmul.f32 v17, v1  }
0x102: {  	v16 =	vperm.xlane v21, v7;
	v17 =	vld [tilespmem:s22+$0xFFFFFF10];
	[tilespmem:s17+$0xFFFFFF90] =	vst v3;
	v0 =	vmul.f32 v2, v0  }
0x103: {  	v2 =	vmul.f32 v19, v15;
	v3 =	vld [tilespmem:s22+$0xFFFFFFA0];
	[tilespmem:s17+$0x20] =	vst v1;
	v15 =	vperm.xlane v11, v8  }
0x104: {  	v1 =	vperm.xlane v9, v50;
	v19 =	vld [tilespmem:s22+$0x30];
	[tilespmem:s17+$0xB0] =	vst v0;
	v0 =	vmul.f32 v18, v16  }
0x105: {  	[tilespmem:s17+$0xFFFFFDE0] =	vst v2;
	v2 =	vld [tilespmem:s22+$0xC0];
	v15 =	vmul.f32 v22, v15  }
0x106: {  	v16 =	vperm.xlane v13, v8;
	v1 =	vmul.f32 v4, v1;
	v18 =	vld [tilespmem:s22+$0xFFFFFDF0];
	[tilespmem:s17+$0x140] =	vst v0  }
0x107: {  	v37 =	vld [tilespmem:s24+$0xFFFFFFE0];
	v4 =	vperm.xlane v12, v8;
	v0 =	vperm.xlane v14, v8;
	[tilespmem:s17+$0xFFFFFE80] =	vst v15  }
0x108: {  	v16 =	vmul.f32 v17, v16;
	v17 =	vld [tilespmem:s22+$0x150];
	[tilespmem:s17+$0x1F0] =	vst v1;
	v1 =	vperm.xlane v20, v8  }
0x109: {  	v15 =	vperm.xlane v10, v8;
	v22 =	vld [tilespmem:s22+$0xFFFFFE90];
	v0 =	vmul.f32 v19, v0  }
0x10a: {  	v3 =	vmul.f32 v3, v4;
	v4 =	vld [tilespmem:s22+$0x200];
	[tilespmem:s17+$0xFFFFFF10] =	vst v16;
	v1 =	vmul.f32 v2, v1  }
0x10b: {  	v40 =	vld [tilespmem:s12+$0xFFFFFFF0];
	v16 =	vperm.xlane v21, v8;
	v2 =	vmul.f32 v18, v15;
	[tilespmem:s17+$0x30] =	vst v0  }
0x10c: {  	v0 =	vimm.s32 $0x5;
	v15 =	vperm.xlane v11, v50;
	v18 =	vld [tilespmem:s22+$0x40];
	[tilespmem:s17+$0xC0] =	vst v1  }
0x10d: {  	v0 =	vperm.xlane v9, v0;
	v1 =	vmul.f32 v17, v16;
	[tilespmem:s17+$0xFFFFFDF0] =	vst v2;
	v2 =	vld [tilespmem:s22+$0xD0]  }
0x10e: {  	[tilespmem:s17+$0xFFFFFFA0] =	vst v3;
	v15 =	vmul.f32 v22, v15;
	v17 =	vld [tilespmem:s22+$0xFFFFFE00]  }
0x10f: {  	v41 =	vld [tilespmem:s24+$0xFFFFFFF0];
	v0 =	vmul.f32 v4, v0;
	[tilespmem:s17+$0x150] =	vst v1  }
0x110: {  	v19 =	vld [tilespmem:s22+$0xFFFFFF20];
	v1 =	vperm.xlane v14, v50;
	[tilespmem:s17+$0xFFFFFE90] =	vst v15  }
0x111: {  	v3 =	vld [tilespmem:s22+$0xFFFFFFB0];
	v15 =	vperm.xlane v10, v50;
	[tilespmem:s17+$0x200] =	vst v0;
	v0 =	vperm.xlane v20, v50  }
0x112: {  	v1 =	vmul.f32 v18, v1;
	v18 =	vld [tilespmem:s24+$0x30]  }
0x113: {  	v46 =	vadd.f32 v37, v36;
	v0 =	vmul.f32 v2, v0;
	v2 =	vmul.f32 v17, v15;
	v15 =	vld [tilespmem:s12+$0x230]  }
0x114: {  	v44 =	vld [tilespmem:s24+$0x10];
	v16 =	vperm.xlane v13, v50;
	v4 =	vperm.xlane v12, v50  }
0x115: {  	v48 =	vld [tilespmem:s12+$0xFFFFFE40];
	v36 =	vmul.f32 $2.000000030e-01, v46;
	v27 =	vperm.xlane v21, v50  }
0x116: {  	v16 =	vmul.f32 v19, v16;
	v23 =	vld [tilespmem:s22+$0x160];
	v19 =	vimm.s32 $0x6;
	v3 =	vmul.f32 v3, v4  }
0x117: {  	v24 =	vld [tilespmem:s22+$0xFFFFFEA0];
	v22 =	vperm.xlane v10, v19;
	v38 =	vperm.xlane v9, v19  }
0x118: {  	v4 =	vld [tilespmem:s22+$0x210];
	[tilespmem:s17+$0xFFFFFF20] =	vst v16;
	v16 =	vimm.s32 $0x6;
	v17 =	vimm.s32 $0x5;
	v15 =	vadd.f32 v18, v15  }
0x119: {  	v25 =	vld [tilespmem:s22+$0xFFFFFF30];
	[tilespmem:s17+$0xFFFFFFB0] =	vst v3;
	v16 =	vperm.xlane v11, v16;
	v26 =	vperm.xlane v11, v17  }
0x11a: {  	v3 =	vld [tilespmem:s22+$0xFFFFFFC0];
	[tilespmem:s17+$0x40] =	vst v1;
	v29 =	vperm.xlane v10, v17;
	v42 =	vmul.f32 $2.000000030e-01, v15  }
0x11b: {  	v1 =	vld [tilespmem:s22+$0x50];
	v30 =	vperm.xlane v13, v17;
	v32 =	vperm.xlane v12, v17;
	vm12 =	vgt.f32 v15, $0.0e+00  }
0x11c: {  	[tilespmem:s17+$0xD0] =	vst v0;
	v33 =	vperm.xlane v14, v17;
	v23 =	vmul.f32 v23, v27;
	v27 =	vld [tilespmem:s12+$0x80];
	v15 =	vsel vm12, v15, v42  }
0x11d: {  	v35 =	vperm.xlane v20, v17;
	[tilespmem:s17+$0xFFFFFE00] =	vst v2;
	v0 =	vld [tilespmem:s22+$0xE0];
	v15 =	vmul.f32 $1.442695020e+00, v15  }
0x11e: {  	v28 =	vadd.f32 v28, v48;
	v39 =	vperm.xlane v21, v17;
	v2 =	vld [tilespmem:s22+$0xFFFFFE10];
	v24 =	vmul.f32 v24, v26  }
0x11f: {  	v26 =	vmul.f32 v25, v30;
	v25 =	vld [tilespmem:s24+$0x0];
	v30 =	vadd.f32 v34, v31;
	(erf) = vpow2.f32 v15  }
0x120: {  	vm14 =	vgt.f32 v46, $0.0e+00;
	v4 =	vmul.f32 v4, v38;
	[tilespmem:s17+$0x160] =	vst v23;
	v23 =	vmul.f32 $2.000000030e-01, v28;
	v31 =	vld [tilespmem:s12+$0x110]  }
0x121: {  	vm7 =	vgt.f32 v28, $0.0e+00;
	v3 =	vmul.f32 v3, v32;
	v45 =	vmul.f32 $2.000000030e-01, v30  }
0x122: {  	v1 =	vmul.f32 v1, v33;
	vm13 =	vgt.f32 v30, $0.0e+00;
	v0 =	vmul.f32 v0, v35  }
0x123: {  	v47 =	vld [tilespmem:s12+$0x1A0];
	v2 =	vmul.f32 v2, v29;
	v30 =	vsel vm13, v30, v45;
	v15 =	vadd.f32 v41, v40  }
0x124: {  	v29 =	vld [tilespmem:s24+$0x20];
	v25 =	vadd.f32 v25, v27;
	v27 =	vmul.f32 $1.442695020e+00, v30;
	v30 =	vsel vm14, v46, v36  }
0x125: {  	v31 =	vadd.f32 v44, v31;
	v30 =	vmul.f32 $1.442695020e+00, v30;
	v49 =	vmul.f32 $2.000000030e-01, v15  }
0x126: {  	v51 =	vmul.f32 $2.000000030e-01, v25;
	(erf) = vpow2.f32 v27;
	vm15 =	vgt.f32 v15, $0.0e+00  }
0x127: {  	vm4 =	vgt.f32 v25, $0.0e+00;
	v27 =	vmul.f32 $2.000000030e-01, v31;
	v15 =	vsel vm15, v15, v49  }
0x128: {  	s29 =	simm.s32 $0x39B0;
	[tilespmem:s17+$0x210] =	vst v4;
	vm5 =	vgt.f32 v31, $0.0e+00;
	v4 =	vmul.f32 $1.442695020e+00, v15;
	v15 =	vsel vm4, v25, v51;
	v25 =	vpop (erf)  }
0x129: {  	v53 =	vld [tilespmem:s22+$0x170];
	v29 =	vadd.f32 v29, v47;
	(erf) = vpow2.f32 v30;
	v27 =	vsel vm5, v31, v27;
	[tilespmem:s29+$0x230] =	vst v25  }
0x12a: {  	[tilespmem:s17+$0xFFFFFE10] =	vst v2;
	v2 =	vmul.f32 $1.442695020e+00, v27;
	v27 =	vsel vm7, v28, v23;
	v15 =	vmul.f32 $1.442695020e+00, v15;
	v28 =	vld [tilespmem:s12+$0x1B0]  }
0x12b: {  	[tilespmem:s17+$0xFFFFFEA0] =	vst v24;
	v52 =	vld [tilespmem:s22+$0x220];
	v31 =	vmul.f32 $2.000000030e-01, v29;
	(erf) = vpow2.f32 v4  }
0x12c: {  	[tilespmem:s17+$0xFFFFFF30] =	vst v26;
	v34 =	vld [tilespmem:s22+$0xFFFFFEB0];
	vm6 =	vgt.f32 v29, $0.0e+00;
	v24 =	vmul.f32 $1.442695020e+00, v27;
	(erf) = vpow2.f32 v15  }
0x12d: {  	[tilespmem:s17+$0xFFFFFFC0] =	vst v3;
	v35 =	vld [tilespmem:s22+$0xFFFFFF40];
	v4 =	vsel vm6, v29, v31;
	(erf) = vpow2.f32 v2;
	v2 =	vperm.xlane v25, v5  }
0x12e: {  	[tilespmem:s17+$0x50] =	vst v1;
	v1 =	vperm.xlane v9, v58;
	v36 =	vld [tilespmem:s22+$0xFFFFFFD0];
	v4 =	vmul.f32 $1.442695020e+00, v4  }
0x12f: {  	[tilespmem:s17+$0xE0] =	vst v0;
	v37 =	vld [tilespmem:s22+$0x60];
	(erf) = vpow2.f32 v24;
	v29 =	vpop (erf);
	v0 =	vmul.f32 v28, v2  }
0x130: {  	v38 =	vld [tilespmem:s22+$0xF0];
	(erf) = vpow2.f32 v4;
	[tilespmem:s29+$0xFFFFFED0] =	vst v29;
	v2 =	vmul.f32 v53, v39  }
0x131: {  	v3 =	vld [tilespmem:s12+$0xFFFFFE50];
	v28 =	vmul.f32 v52, v1;
	v1 =	vperm.xlane v12, v58;
	[tilespmem:s29+$0x1B0] =	vst v0  }
0x132: {  	v17 =	vperm.xlane v13, v19;
	v18 =	vperm.xlane v12, v19;
	v23 =	vld [tilespmem:s22+$0xFFFFFE20];
	[tilespmem:s17+$0x170] =	vst v2  }
0x133: {  	v19 =	vperm.xlane v14, v19;
	v9 =	vperm.xlane v11, v58;
	v33 =	vpop (erf);
	v0 =	vld [tilespmem:s12+$0x1C0];
	[tilespmem:$0x1FF90] =	vst v1  }
0x134: {  	v11 =	vperm.xlane v13, v58;
	v32 =	vpop (erf);
	v2 =	vperm.xlane v29, v5;
	[tilespmem:s29+$0xFFFFFF60] =	vst v33  }
0x135: {  	v59 =	vimm.s32 $0x6;
	v13 =	vperm.xlane v14, v58;
	v14 =	vperm.xlane v20, v58;
	v24 =	vpop (erf);
	[tilespmem:s29+$0xFFFFFFF0] =	vst v32;
	v1 =	vld [tilespmem:s12+$0xFFFFFEE0]  }
0x136: {  	v30 =	vperm.xlane v21, v59;
	v26 =	vpop (erf);
	[tilespmem:s29+$0x80] =	vst v24;
	v2 =	vmul.f32 v3, v2;
	v4 =	vld [tilespmem:s12+$0xFFFFFF70]  }
0x137: {  	v31 =	vperm.xlane v20, v59;
	v20 =	vperm.xlane v25, v6;
	[tilespmem:s29+$0x110] =	vst v26;
	v54 =	vld [tilespmem:s12+$0x0]  }
0x138: {  	v43 =	vperm.xlane v33, v5;
	v12 =	vperm.xlane v21, v58;
	v40 =	vpop (erf);
	v44 =	vld [tilespmem:s12+$0x90];
	[tilespmem:s29+$0xFFFFFE50] =	vst v2  }
0x139: {  	[tilespmem:s29+$0xFFFFFE40] =	vst v40;
	v27 =	vpop (erf);
	v3 =	vperm.xlane v32, v5;
	v46 =	vld [tilespmem:s12+$0xFFFFFE60];
	v0 =	vmul.f32 v0, v20  }
0x13a: {  	v45 =	vperm.xlane v24, v5;
	[tilespmem:s29+$0x1A0] =	vst v27;
	v20 =	vld [tilespmem:s12+$0xFFFFFDC0];
	v1 =	vmul.f32 v1, v43  }
0x13b: {  	[tilespmem:s29+$0x1C0] =	vst v0;
	v0 =	vperm.xlane v26, v5;
	v2 =	vmul.f32 v4, v3  }
0x13c: {  	v21 =	vperm.xlane v29, v6;
	v55 =	vld [tilespmem:s12+$0x120];
	[tilespmem:s29+$0xFFFFFEE0] =	vst v1;
	v1 =	vmul.f32 v54, v45  }
0x13d: {  	v4 =	vperm.xlane v40, v5;
	v3 =	vld [tilespmem:s12+$0x1D0];
	[tilespmem:s29+$0xFFFFFF70] =	vst v2;
	v0 =	vmul.f32 v44, v0  }
0x13e: {  	v21 =	vmul.f32 v46, v21;
	v57 =	vld [tilespmem:s12+$0xFFFFFEF0];
	[tilespmem:s29+$0x0] =	vst v1  }
0x13f: {  	v56 =	vperm.xlane v27, v5;
	v2 =	vmul.f32 v20, v4;
	v4 =	vld [tilespmem:s12+$0xFFFFFF80];
	[tilespmem:s29+$0x90] =	vst v0  }
0x140: {  	v1 =	vperm.xlane v25, v7;
	[tilespmem:s29+$0xFFFFFE60] =	vst v21;
	v61 =	vld [tilespmem:s12+$0x10]  }
0x141: {  	v62 =	vperm.xlane v33, v6;
	v0 =	vmul.f32 v55, v56;
	[tilespmem:s29+$0xFFFFFDC0] =	vst v2;
	v2 =	vld [tilespmem:s12+$0xA0]  }
0x142: {  	v49 =	vld [tilespmem:s12+$0xFFFFFE70];
	v1 =	vmul.f32 v3, v1;
	v3 =	vperm.xlane v32, v6  }
0x143: {  	v63 =	vld [tilespmem:s12+$0xFFFFFDD0];
	[tilespmem:s29+$0x120] =	vst v0;
	v0 =	vperm.xlane v24, v6;
	v42 =	vmul.f32 v57, v62  }
0x144: {  	[tilespmem:s29+$0x1D0] =	vst v1;
	v1 =	vperm.xlane v26, v6;
	v3 =	vmul.f32 v4, v3  }
0x145: {  	v41 =	vperm.xlane v29, v7;
	v48 =	vld [tilespmem:s12+$0x130];
	[tilespmem:s29+$0xFFFFFEF0] =	vst v42;
	v0 =	vmul.f32 v61, v0  }
0x146: {  	v21 =	vperm.xlane v40, v6;
	v4 =	vld [tilespmem:s12+$0x1E0];
	[tilespmem:s29+$0xFFFFFF80] =	vst v3;
	v1 =	vmul.f32 v2, v1  }
0x147: {  	v41 =	vmul.f32 v49, v41;
	v52 =	vld [tilespmem:s12+$0xFFFFFF00];
	[tilespmem:s29+$0x10] =	vst v0  }
0x148: {  	v51 =	vperm.xlane v27, v6;
	v2 =	vmul.f32 v63, v21;
	v3 =	vld [tilespmem:s12+$0xFFFFFF90];
	[tilespmem:s29+$0xA0] =	vst v1  }
0x149: {  	v0 =	vperm.xlane v25, v8;
	[tilespmem:s29+$0xFFFFFE70] =	vst v41;
	v53 =	vld [tilespmem:s12+$0x20]  }
0x14a: {  	v54 =	vperm.xlane v33, v7;
	v1 =	vmul.f32 v48, v51;
	[tilespmem:s29+$0xFFFFFDD0] =	vst v2;
	v2 =	vld [tilespmem:s12+$0xB0]  }
0x14b: {  	v61 =	vld [tilespmem:s12+$0xFFFFFE80];
	v0 =	vmul.f32 v4, v0;
	v4 =	vperm.xlane v32, v7  }
0x14c: {  	v55 =	vld [tilespmem:s12+$0xFFFFFDE0];
	[tilespmem:s29+$0x130] =	vst v1;
	v1 =	vperm.xlane v24, v7;
	v42 =	vmul.f32 v52, v54  }
0x14d: {  	v56 =	vld [tilespmem:s12+$0x140];
	[tilespmem:s29+$0x1E0] =	vst v0;
	v0 =	vperm.xlane v26, v7;
	v3 =	vmul.f32 v3, v4  }
0x14e: {  	v20 =	vperm.xlane v29, v8;
	v4 =	vld [tilespmem:s12+$0x1F0];
	[tilespmem:s29+$0xFFFFFF00] =	vst v42;
	v1 =	vmul.f32 v53, v1  }
0x14f: {  	v57 =	vperm.xlane v40, v7;
	[tilespmem:s29+$0xFFFFFF90] =	vst v3;
	v0 =	vmul.f32 v2, v0;
	v63 =	vld [tilespmem:s12+$0xFFFFFF10]  }
0x150: {  	v62 =	vperm.xlane v27, v7;
	v20 =	vmul.f32 v61, v20;
	v3 =	vld [tilespmem:s12+$0xFFFFFFA0];
	[tilespmem:s29+$0x20] =	vst v1  }
0x151: {  	v2 =	vmul.f32 v55, v57;
	v1 =	vperm.xlane v25, v50;
	[tilespmem:s29+$0xB0] =	vst v0;
	v48 =	vld [tilespmem:s12+$0x30]  }
0x152: {  	v39 =	vld [tilespmem:s22+$0x180];
	v49 =	vperm.xlane v33, v8;
	v0 =	vmul.f32 v56, v62;
	[tilespmem:s29+$0xFFFFFE80] =	vst v20  }
0x153: {  	[tilespmem:s29+$0xFFFFFDE0] =	vst v2;
	v2 =	vld [tilespmem:s12+$0xC0];
	v1 =	vmul.f32 v4, v1;
	v4 =	vperm.xlane v32, v8  }
0x154: {  	v51 =	vld [tilespmem:s12+$0xFFFFFDF0];
	[tilespmem:s29+$0x140] =	vst v0;
	v0 =	vperm.xlane v24, v8;
	v42 =	vmul.f32 v63, v49  }
0x155: {  	v52 =	vld [tilespmem:s12+$0x150];
	[tilespmem:s29+$0x1F0] =	vst v1;
	v3 =	vmul.f32 v3, v4  }
0x156: {  	v1 =	vperm.xlane v26, v8;
	v4 =	vld [tilespmem:s12+$0x200];
	[tilespmem:s29+$0xFFFFFF10] =	vst v42;
	v0 =	vmul.f32 v48, v0  }
0x157: {  	v15 =	vperm.xlane v29, v59;
	v20 =	vperm.xlane v40, v8;
	v53 =	vld [tilespmem:s12+$0xFFFFFE90];
	[tilespmem:s29+$0xFFFFFFA0] =	vst v3  }
0x158: {  	v60 =	vimm.s32 $0x5;
	v54 =	vperm.xlane v27, v8;
	v1 =	vmul.f32 v2, v1;
	v42 =	vld [tilespmem:s12+$0xFFFFFF20];
	[tilespmem:s29+$0x30] =	vst v0  }
0x159: {  	v2 =	vmul.f32 v51, v20;
	v3 =	vld [tilespmem:s12+$0xFFFFFFB0];
	v0 =	vperm.xlane v25, v60;
	[tilespmem:$0x1FFE0] =	vst v15  }
0x15a: {  	v20 =	vld [tilespmem:s12+$0x40];
	[tilespmem:s29+$0xC0] =	vst v1;
	v1 =	vmul.f32 v52, v54  }
0x15b: {  	[tilespmem:s29+$0xFFFFFDF0] =	vst v2;
	v0 =	vmul.f32 v4, v0  }
0x15c: {  	v21 =	vperm.xlane v29, v50;
	v4 =	vperm.xlane v32, v50;
	[tilespmem:s29+$0x150] =	vst v1  }
0x15d: {  	v55 =	vperm.xlane v33, v50;
	v2 =	vld [tilespmem:s12+$0xD0];
	v1 =	vperm.xlane v24, v50;
	[tilespmem:s29+$0x200] =	vst v0  }
0x15e: {  	v21 =	vmul.f32 v53, v21;
	v3 =	vmul.f32 v3, v4;
	v4 =	vld [tilespmem:s12+$0x210]  }
0x15f: {  	s24 =	simm.s32 $0xC30;
	v56 =	vld [tilespmem:s12+$0xFFFFFE00];
	v1 =	vmul.f32 v20, v1  }
0x160: {  	[tilespmem:s29+$0xFFFFFE90] =	vst v21;
	v54 =	vld [tilespmem:s24+$0x230];
	v41 =	vmul.f32 v42, v55;
	v0 =	vperm.xlane v26, v50  }
0x161: {  	v61 =	vld [tilespmem:s12+$0xFFFFFEA0];
	[tilespmem:s29+$0x40] =	vst v1;
	v1 =	vperm.xlane v25, v59  }
0x162: {  	v21 =	vperm.xlane v40, v50;
	v57 =	vld [tilespmem:s12+$0x160];
	[tilespmem:s29+$0xFFFFFF20] =	vst v41;
	v0 =	vmul.f32 v2, v0  }
0x163: {  	[tilespmem:s29+$0xFFFFFFB0] =	vst v3;
	v47 =	vld [tilespmem:s12+$0xFFFFFF30];
	v1 =	vmul.f32 v4, v1  }
0x164: {  	v3 =	vld [tilespmem:s12+$0xFFFFFFC0];
	v2 =	vmul.f32 v56, v21;
	[tilespmem:s29+$0xD0] =	vst v0  }
0x165: {  	v62 =	vld [tilespmem:s12+$0x50];
	[tilespmem:s29+$0x210] =	vst v1;
	v1 =	vperm.xlane v33, v59  }
0x166: {  	v15 =	vperm.xlane v32, v59;
	[tilespmem:s29+$0xFFFFFE00] =	vst v2;
	v2 =	vld [tilespmem:s12+$0xE0]  }
0x167: {  	v51 =	vld [tilespmem:s12+$0xFFFFFE10];
	[tilespmem:$0x1FFF0] =	vst v1  }
0x168: {  	v1 =	vld [tilespmem:s12+$0x220];
	[tilespmem:$0x1FFA0] =	vst v15;
	v15 =	vperm.xlane v26, v59  }
0x169: {  	s0 =	simm.s32 $0x2F30  }
0x16a: {  	v45 =	vperm.xlane v29, v60;
	v55 =	vld [tilespmem:s0+$0x30];
	[tilespmem:$0x1FFB0] =	vst v15  }
0x16b: {  	v56 =	vld [tilespmem:s0+$0xFFFFFFC0]  }
0x16c: {  	v36 =	vmul.f32 v36, v18;
	v44 =	vmul.f32 v61, v45;
	v63 =	vld [tilespmem:s24+$0xFFFFFED0]  }
0x16d: {  	v45 =	vmul.f32 v35, v17;
	v4 =	vperm.xlane v32, v60;
	v17 =	vld [tilespmem:s0+$0xFFFFFFD0]  }
0x16e: {  	v46 =	vmul.f32 v23, v22;
	v0 =	vperm.xlane v33, v60;
	v35 =	vld [tilespmem:s24+$0xFFFFFF60]  }
0x16f: {  	v3 =	vmul.f32 v3, v4;
	v4 =	vmul.f32 v37, v19;
	v37 =	vld [tilespmem:s0+$0xFFFFFFE0]  }
0x170: {  	v0 =	vmul.f32 v47, v0;
	v47 =	vmul.f32 v38, v31;
	v31 =	vld [tilespmem:s24+$0xFFFFFFF0]  }
0x171: {  	v23 =	vperm.xlane v27, v50;
	v49 =	vperm.xlane v24, v60;
	v38 =	vld [tilespmem:s0+$0xFFFFFFF0]  }
0x172: {  	v48 =	vperm.xlane v40, v60;
	v52 =	vperm.xlane v26, v60;
	v61 =	vld [tilespmem:s0+$0x0]  }
0x173: {  	v25 =	vperm.xlane v25, v58;
	v49 =	vmul.f32 v62, v49;
	v62 =	vld [tilespmem:s24+$0x110]  }
0x174: {  	v21 =	vperm.xlane v33, v58;
	v42 =	vmul.f32 v57, v23;
	v43 =	vld [tilespmem:s24+$0x1A0];
	v18 =	vadd.f32 v55, v54  }
0x175: {  	v57 =	vmul.f32 v34, v16;
	v1 =	vmul.f32 v1, v25;
	v25 =	vld [tilespmem:s0+$0x10]  }
0x176: {  	v55 =	vmul.f32 v39, v30;
	v54 =	vld [tilespmem:s24+$0x80];
	v19 =	vmul.f32 $2.000000030e-01, v18  }
0x177: {  	v30 =	vmul.f32 v51, v48;
	v48 =	vld [tilespmem:s0+$0x20];
	vm8 =	vgt.f32 v18, $0.0e+00;
	v35 =	vadd.f32 v37, v35  }
0x178: {  	v2 =	vmul.f32 v2, v52;
	v51 =	vld [tilespmem:s24+$0xFFFFFE40];
	v31 =	vadd.f32 v38, v31;
	v18 =	vsel vm8, v18, v19  }
0x179: {  	[tilespmem:s17+$0x220] =	vst v28;
	v19 =	vperm.xlane v29, v58;
	v29 =	vadd.f32 v17, v63;
	v28 =	vmul.f32 $2.000000030e-01, v35  }
0x17a: {  	vm10 =	vgt.f32 v35, $0.0e+00;
	vm11 =	vgt.f32 v31, $0.0e+00;
	v38 =	vmul.f32 $2.000000030e-01, v31  }
0x17b: {  	v25 =	vadd.f32 v25, v62;
	v17 =	vmul.f32 $1.442695020e+00, v18;
	v63 =	vmul.f32 $2.000000030e-01, v29  }
0x17c: {  	[tilespmem:s29+$0xFFFFFFC0] =	vst v3;
	v39 =	vadd.f32 v61, v54;
	v3 =	vadd.f32 v48, v43;
	vm9 =	vgt.f32 v29, $0.0e+00  }
0x17d: {  	[tilespmem:s29+$0x160] =	vst v42;
	v54 =	vadd.f32 v56, v51;
	v28 =	vsel vm10, v35, v28;
	v29 =	vsel vm9, v29, v63  }
0x17e: {  	[tilespmem:s29+$0xFFFFFEA0] =	vst v44;
	v31 =	vsel vm11, v31, v38;
	(erf) = vpow2.f32 v17;
	v29 =	vmul.f32 $1.442695020e+00, v29  }
0x17f: {  	[tilespmem:s29+$0xFFFFFF30] =	vst v0;
	vm13 =	vgt.f32 v25, $0.0e+00;
	v52 =	vmul.f32 $2.000000030e-01, v39;
	v28 =	vmul.f32 $1.442695020e+00, v28  }
0x180: {  	[tilespmem:s29+$0xFFFFFE10] =	vst v30;
	v30 =	vld [tilespmem:s12+$0x170];
	vm12 =	vgt.f32 v39, $0.0e+00;
	(erf) = vpow2.f32 v29;
	v29 =	vmul.f32 $2.000000030e-01, v25  }
0x181: {  	[tilespmem:s29+$0xE0] =	vst v2;
	v0 =	vld [tilespmem:s12+$0xFFFFFE20];
	v31 =	vmul.f32 $1.442695020e+00, v31;
	vm14 =	vgt.f32 v3, $0.0e+00;
	v2 =	vmul.f32 $2.000000030e-01, v3  }
0x182: {  	v18 =	vld [tilespmem:s12+$0xFFFFFEB0];
	v56 =	vsel vm12, v39, v52;
	v25 =	vsel vm13, v25, v29;
	v29 =	vmul.f32 $2.000000030e-01, v54  }
0x183: {  	[tilespmem:s29+$0x50] =	vst v49;
	v35 =	vld [tilespmem:s12+$0xFFFFFFD0];
	vm15 =	vgt.f32 v54, $0.0e+00;
	v33 =	vmul.f32 $1.442695020e+00, v56;
	(erf) = vpow2.f32 v28  }
0x184: {  	[tilespmem:s17+$0xFFFFFE20] =	vst v46;
	v38 =	vld [tilespmem:s12+$0x60];
	(erf) = vpow2.f32 v31;
	v25 =	vmul.f32 $1.442695020e+00, v25;
	v28 =	vsel vm15, v54, v29  }
0x185: {  	[tilespmem:s29+$0x220] =	vst v1;
	v17 =	vld [tilespmem:s12+$0xFFFFFF40];
	v1 =	vsel vm14, v3, v2;
	(erf) = vpow2.f32 v33;
	v2 =	vmul.f32 $1.442695020e+00, v28  }
0x186: {  	[tilespmem:s17+$0xFFFFFEB0] =	vst v57;
	v39 =	vld [tilespmem:s12+$0xF0];
	(erf) = vpow2.f32 v25  }
0x187: {  	s31 =	simm.s32 $0x3E30;
	[tilespmem:s17+$0xFFFFFF40] =	vst v45;
	v31 =	vld [tilespmem:s22+$0xFFFFFEC0];
	v34 =	vpop (erf);
	(erf) = vpow2.f32 v2;
	v2 =	vperm.xlane v24, v58  }
0x188: {  	v29 =	vld [tilespmem:s22+$0xFFFFFE30];
	[tilespmem:s31+$0x230] =	vst v34  }
0x189: {  	v10 =	vperm.xlane v10, v58;
	v22 =	vperm.xlane v24, v59;
	v61 =	vld [tilespmem:s24+$0x1B0];
	[tilespmem:$0x1FFC0] =	vst v2  }
0x18a: {  	v53 =	vperm.xlane v27, v60;
	v2 =	vperm.xlane v27, v58;
	[tilespmem:s17+$0xFFFFFFD0] =	vst v36  }
0x18b: {  	v20 =	vperm.xlane v32, v58;
	v1 =	vmul.f32 $1.442695020e+00, v1;
	v32 =	vld [tilespmem:s22+$0xFFFFFF50];
	[tilespmem:s17+$0x60] =	vst v4  }
0x18c: {  	v41 =	vperm.xlane v40, v59;
	v3 =	vperm.xlane v34, v5;
	v28 =	vpop (erf);
	v33 =	vld [tilespmem:s22+$0xFFFFFFE0];
	[tilespmem:$0x1FFD0] =	vst v2  }
0x18d: {  	v23 =	vperm.xlane v27, v59;
	(erf) = vpow2.f32 v1;
	v36 =	vpop (erf);
	[tilespmem:s31+$0xFFFFFED0] =	vst v28  }
0x18e: {  	v16 =	vperm.xlane v40, v58;
	v37 =	vpop (erf);
	v1 =	vmul.f32 v61, v3;
	[tilespmem:s31+$0xFFFFFF60] =	vst v36  }
0x18f: {  	v26 =	vperm.xlane v26, v58;
	v46 =	vmul.f32 v0, v41;
	[tilespmem:s31+$0xFFFFFFF0] =	vst v37  }
0x190: {  	v63 =	vperm.xlane v34, v6;
	v51 =	vperm.xlane v28, v6;
	v4 =	vld [tilespmem:s24+$0xFFFFFE50];
	[tilespmem:s31+$0x1B0] =	vst v1  }
0x191: {  	v48 =	vperm.xlane v28, v50;
	v2 =	vmul.f32 v30, v53;
	[tilespmem:s17+$0xF0] =	vst v47;
	v62 =	vld [tilespmem:s24+$0x1C0]  }
0x192: {  	v24 =	vperm.xlane v28, v60;
	v27 =	vperm.xlane v28, v59;
	[tilespmem:s17+$0x180] =	vst v55  }
0x193: {  	v52 =	vperm.xlane v36, v5;
	v3 =	vperm.xlane v28, v5;
	v40 =	vpop (erf);
	[tilespmem:s29+$0x170] =	vst v2;
	v0 =	vld [tilespmem:s24+$0xFFFFFEE0]  }
0x194: {  	v57 =	vperm.xlane v36, v6;
	v58 =	vperm.xlane v37, v5;
	v53 =	vld [tilespmem:s24+$0xFFFFFF70];
	[tilespmem:s31+$0x80] =	vst v40;
	v41 =	vpop (erf)  }
0x195: {  	v61 =	vperm.xlane v37, v6;
	[tilespmem:s31+$0x110] =	vst v41;
	v44 =	vpop (erf);
	v3 =	vmul.f32 v4, v3;
	v4 =	vld [tilespmem:s24+$0x0]  }
0x196: {  	v2 =	vperm.xlane v28, v8;
	v59 =	vld [tilespmem:s24+$0x90];
	[tilespmem:s31+$0xFFFFFE40] =	vst v44;
	v42 =	vpop (erf);
	v56 =	vmul.f32 v62, v63  }
0x197: {  	v49 =	vperm.xlane v40, v5;
	v1 =	vperm.xlane v28, v7;
	[tilespmem:s31+$0x1A0] =	vst v42;
	v62 =	vld [tilespmem:s24+$0xFFFFFDC0]  }
0x198: {  	v43 =	vperm.xlane v41, v5;
	v0 =	vmul.f32 v0, v52;
	[tilespmem:s31+$0x1C0] =	vst v56;
	v56 =	vld [tilespmem:s24+$0x120]  }
0x199: {  	v54 =	vperm.xlane v44, v50;
	v53 =	vmul.f32 v53, v58;
	[tilespmem:s31+$0xFFFFFE50] =	vst v3;
	v58 =	vld [tilespmem:s24+$0x1D0]  }
0x19a: {  	v3 =	vperm.xlane v44, v5;
	[tilespmem:s31+$0xFFFFFEE0] =	vst v0;
	v60 =	vld [tilespmem:s24+$0xFFFFFE60];
	v4 =	vmul.f32 v4, v49  }
0x19b: {  	[tilespmem:s31+$0xFFFFFF70] =	vst v53;
	v52 =	vmul.f32 v59, v43;
	v59 =	vld [tilespmem:s24+$0xFFFFFEF0];
	v49 =	vperm.xlane v42, v5  }
0x19c: {  	v43 =	vld [tilespmem:s24+$0xFFFFFF80];
	v3 =	vmul.f32 v62, v3;
	[tilespmem:s31+$0x0] =	vst v4;
	v4 =	vperm.xlane v34, v7  }
0x19d: {  	v0 =	vperm.xlane v44, v6;
	[tilespmem:s31+$0x90] =	vst v52;
	v53 =	vmul.f32 v56, v49;
	v56 =	vld [tilespmem:s24+$0x10]  }
0x19e: {  	v63 =	vperm.xlane v41, v50;
	[tilespmem:s31+$0xFFFFFDC0] =	vst v3;
	v4 =	vmul.f32 v58, v4;
	v58 =	vld [tilespmem:s24+$0xA0]  }
0x19f: {  	v52 =	vperm.xlane v40, v6;
	v51 =	vmul.f32 v60, v51;
	[tilespmem:s31+$0x120] =	vst v53;
	v53 =	vld [tilespmem:s24+$0xFFFFFDD0]  }
0x1a0: {  	v60 =	vperm.xlane v42, v6;
	v57 =	vmul.f32 v59, v57;
	[tilespmem:s31+$0x1D0] =	vst v4;
	v4 =	vld [tilespmem:s24+$0x130]  }
0x1a1: {  	v61 =	vmul.f32 v43, v61;
	v3 =	vperm.xlane v41, v6;
	[tilespmem:s31+$0xFFFFFE60] =	vst v51;
	v43 =	vld [tilespmem:s24+$0x1E0]  }
0x1a2: {  	v59 =	vperm.xlane v44, v7;
	[tilespmem:s31+$0xFFFFFEF0] =	vst v57;
	v52 =	vmul.f32 v56, v52;
	v56 =	vld [tilespmem:s24+$0xFFFFFE70]  }
0x1a3: {  	v49 =	vperm.xlane v34, v8;
	[tilespmem:s31+$0xFFFFFF80] =	vst v61;
	v3 =	vmul.f32 v58, v3;
	v58 =	vld [tilespmem:s24+$0xFFFFFF00]  }
0x1a4: {  	v51 =	vperm.xlane v36, v7;
	v0 =	vmul.f32 v53, v0;
	v53 =	vld [tilespmem:s24+$0xFFFFFF90];
	[tilespmem:s31+$0x10] =	vst v52  }
0x1a5: {  	v57 =	vperm.xlane v37, v7;
	[tilespmem:s31+$0xA0] =	vst v3;
	v4 =	vmul.f32 v4, v60;
	v60 =	vld [tilespmem:s24+$0x20]  }
0x1a6: {  	v61 =	vperm.xlane v40, v7;
	[tilespmem:s31+$0xFFFFFDD0] =	vst v0;
	v52 =	vmul.f32 v43, v49;
	v43 =	vld [tilespmem:s24+$0xB0]  }
0x1a7: {  	v3 =	vperm.xlane v41, v7;
	v1 =	vmul.f32 v56, v1;
	[tilespmem:s31+$0x130] =	vst v4;
	v4 =	vld [tilespmem:s24+$0xFFFFFDE0]  }
0x1a8: {  	v0 =	vperm.xlane v42, v7;
	v51 =	vmul.f32 v58, v51;
	[tilespmem:s31+$0x1E0] =	vst v52;
	v52 =	vld [tilespmem:s24+$0x140]  }
0x1a9: {  	v56 =	vperm.xlane v44, v8;
	[tilespmem:s31+$0xFFFFFE70] =	vst v1;
	v53 =	vmul.f32 v53, v57;
	v57 =	vld [tilespmem:s24+$0x1F0]  }
0x1aa: {  	v58 =	vperm.xlane v36, v8;
	[tilespmem:s31+$0xFFFFFF00] =	vst v51;
	v60 =	vmul.f32 v60, v61;
	v61 =	vld [tilespmem:s24+$0xFFFFFE80]  }
0x1ab: {  	v1 =	vperm.xlane v37, v8;
	[tilespmem:s31+$0xFFFFFF90] =	vst v53;
	v3 =	vmul.f32 v43, v3;
	v62 =	vld [tilespmem:s24+$0xFFFFFF10]  }
0x1ac: {  	v43 =	vperm.xlane v34, v50;
	v4 =	vmul.f32 v4, v59;
	v59 =	vld [tilespmem:s24+$0xFFFFFFA0];
	[tilespmem:s31+$0x20] =	vst v60  }
0x1ad: {  	v51 =	vperm.xlane v40, v8;
	[tilespmem:s31+$0xB0] =	vst v3;
	v0 =	vmul.f32 v52, v0;
	v49 =	vld [tilespmem:s24+$0x30]  }
0x1ae: {  	v53 =	vperm.xlane v41, v8;
	[tilespmem:s31+$0xFFFFFDE0] =	vst v4;
	v57 =	vmul.f32 v57, v43;
	v60 =	vld [tilespmem:s24+$0xC0]  }
0x1af: {  	v3 =	vperm.xlane v42, v8;
	v2 =	vmul.f32 v61, v2;
	[tilespmem:s31+$0x140] =	vst v0;
	v0 =	vld [tilespmem:s24+$0xFFFFFDF0]  }
0x1b0: {  	v43 =	vperm.xlane v40, v50;
	v58 =	vmul.f32 v62, v58;
	[tilespmem:s31+$0x1F0] =	vst v57;
	v57 =	vld [tilespmem:s24+$0x150]  }
0x1b1: {  	v61 =	vperm.xlane v36, v50;
	[tilespmem:s31+$0xFFFFFE80] =	vst v2;
	v1 =	vmul.f32 v59, v1;
	v59 =	vld [tilespmem:s24+$0x200]  }
0x1b2: {  	v4 =	vimm.s32 $0x5;
	v62 =	vperm.xlane v37, v50;
	[tilespmem:s31+$0xFFFFFF10] =	vst v58;
	v51 =	vmul.f32 v49, v51;
	v52 =	vld [tilespmem:s24+$0xFFFFFE90]  }
0x1b3: {  	v58 =	vperm.xlane v36, v4;
	[tilespmem:s31+$0xFFFFFFA0] =	vst v1;
	v53 =	vmul.f32 v60, v53;
	v60 =	vld [tilespmem:s24+$0xFFFFFF20]  }
0x1b4: {  	v1 =	vimm.s32 $0x4;
	v0 =	vmul.f32 v0, v56;
	v2 =	vld [tilespmem:s24+$0xFFFFFFB0];
	[tilespmem:s31+$0x30] =	vst v51;
	v51 =	vperm.xlane v34, v4  }
0x1b5: {  	v50 =	vperm.xlane v42, v1;
	[tilespmem:s31+$0xC0] =	vst v53;
	v3 =	vmul.f32 v57, v3;
	v53 =	vld [tilespmem:s24+$0x40]  }
0x1b6: {  	v56 =	vperm.xlane v44, v4;
	[tilespmem:s31+$0xFFFFFDF0] =	vst v0;
	v0 =	vmul.f32 v59, v51;
	v1 =	vld [tilespmem:s24+$0xD0]  }
0x1b7: {  	v57 =	vperm.xlane v40, v4;
	v48 =	vmul.f32 v52, v48;
	[tilespmem:s31+$0x150] =	vst v3;
	v3 =	vld [tilespmem:s24+$0xFFFFFE00]  }
0x1b8: {  	v5 =	vimm.s32 $0x5;
	v59 =	vperm.xlane v37, v4;
	v61 =	vmul.f32 v60, v61;
	[tilespmem:s31+$0x200] =	vst v0;
	v0 =	vld [tilespmem:s24+$0x160]  }
0x1b9: {  	v30 =	vld [tilespmem:s22+$0x70];
	v52 =	vperm.xlane v42, v5;
	v2 =	vmul.f32 v2, v62;
	[tilespmem:s31+$0xFFFFFE90] =	vst v48  }
0x1ba: {  	v47 =	vld [tilespmem:s22+$0x190];
	v5 =	vimm.s32 $0x6;
	v60 =	vperm.xlane v41, v4;
	v53 =	vmul.f32 v53, v43;
	[tilespmem:s31+$0xFFFFFF20] =	vst v61  }
0x1bb: {  	v51 =	vperm.xlane v44, v5;
	v55 =	vld [tilespmem:s24+$0xFFFFFEA0];
	v1 =	vmul.f32 v1, v63;
	[tilespmem:s31+$0xFFFFFFB0] =	vst v2  }
0x1bc: {  	v45 =	vld [tilespmem:s12+$0x180];
	v43 =	vperm.xlane v36, v5;
	v54 =	vmul.f32 v3, v54;
	[tilespmem:s31+$0x40] =	vst v53  }
0x1bd: {  	v4 =	vld [tilespmem:s24+$0x210];
	v3 =	vperm.xlane v34, v5;
	v5 =	vimm.s32 $0x6;
	v49 =	vmul.f32 v0, v50;
	[tilespmem:s31+$0xD0] =	vst v1  }
0x1be: {  	v62 =	vperm.xlane v37, v5;
	v0 =	vld [tilespmem:$0x1FFE0];
	[tilespmem:s31+$0xFFFFFE00] =	vst v54  }
0x1bf: {  	v48 =	vld [tilespmem:s22+$0x100];
	v63 =	vperm.xlane v40, v5;
	v61 =	vperm.xlane v41, v5;
	[tilespmem:s31+$0x160] =	vst v49  }
0x1c0: {  	v53 =	vmul.f32 v55, v24;
	v55 =	vperm.xlane v42, v5;
	v5 =	vld [tilespmem:$0x1FFF0]  }
0x1c1: {  	v2 =	vld [tilespmem:s24+$0xFFFFFF30]  }
0x1c2: {  	v4 =	vmul.f32 v4, v3;
	v3 =	vld [tilespmem:s24+$0xFFFFFFC0]  }
0x1c3: {  	v1 =	vld [tilespmem:s24+$0xE0]  }
0x1c4: {  	v54 =	vld [tilespmem:s24+$0xFFFFFE10]  }
0x1c5: {  	s14 =	simm.s32 $0x10;
	v15 =	vimm.s32 $0x7;
	s22 =	simm.s32 $0x10B0;
	v50 =	vmul.f32 v18, v0;
	v0 =	vld [tilespmem:s24+$0x50];
	v49 =	vmul.f32 v17, v5  }
.LBB2_8:
0x1c6: {  	v5 =	vld [tilespmem:s22+$0x230]  }
0x1c7: {  	[tilespmem:s31+$0x210] =	vst v4;
	v4 =	vld [tilespmem:$0x1FFA0];
	v6 =	vmov v62  }
0x1c8: {  	[tilespmem:s31+$0xFFFFFEA0] =	vst v53;
	v62 =	vld [tilespmem:s24+$0x220]  }
0x1c9: {  	s0 =	sadd.s32 $0x80, s0;
	[tilespmem:$0x1FFA0] =	vst v6;
	v3 =	vmul.f32 v3, v59;
	v59 =	vld [tilespmem:s22+$0xFFFFFED0]  }
0x1ca: {  	v2 =	vmul.f32 v2, v58;
	v6 =	vmov v63;
	v1 =	vmul.f32 v1, v60;
	v60 =	vld [tilespmem:s0+$0xFFFFFFD0];
	[tilespmem:s29+$0xFFFFFEB0] =	vst v50  }
0x1cb: {  	v58 =	vld [tilespmem:s0+$0x30];
	[tilespmem:$0x1FF60] =	vst v6  }
0x1cc: {  	v0 =	vmul.f32 v0, v57;
	v57 =	vld [tilespmem:s22+$0x1A0];
	[tilespmem:s31+$0xFFFFFF30] =	vst v2  }
0x1cd: {  	v2 =	vld [tilespmem:$0x1FFB0];
	[tilespmem:s31+$0xFFFFFFC0] =	vst v3  }
0x1ce: {  	v31 =	vmul.f32 v31, v9;
	[tilespmem:s31+$0xE0] =	vst v1;
	v1 =	vld [tilespmem:s22+$0xFFFFFF60]  }
0x1cf: {  	[tilespmem:s31+$0x50] =	vst v0;
	v6 =	vmov v61;
	v61 =	vld [tilespmem:s0+$0xFFFFFFE0]  }
0x1d0: {  	v0 =	vperm.xlane v34, v15;
	[tilespmem:s17+$0xFFFFFEC0] =	vst v31;
	v63 =	vld [tilespmem:s22+$0x80]  }
0x1d1: {  	v28 =	vperm.xlane v28, v15;
	v3 =	vmul.f32 v45, v23;
	[tilespmem:s29+$0xFFFFFF40] =	vst v49;
	v50 =	vld [tilespmem:s0+$0x0]  }
0x1d2: {  	v25 =	vmov v55;
	v55 =	vld [tilespmem:s22+$0x110];
	[tilespmem:$0x1FFB0] =	vst v6;
	v0 =	vmul.f32 v62, v0  }
0x1d3: {  	v24 =	vmov v28;
	v4 =	vmul.f32 v35, v4;
	v28 =	vld [tilespmem:s0+$0x10];
	[tilespmem:s29+$0x180] =	vst v3  }
0x1d4: {  	v44 =	vperm.xlane v44, v15;
	v54 =	vmul.f32 v54, v56;
	v62 =	vld [tilespmem:s22+$0xFFFFFFF0];
	[tilespmem:s31+$0x220] =	vst v0  }
0x1d5: {  	v36 =	vperm.xlane v36, v15;
	v40 =	vperm.xlane v40, v15;
	v5 =	vadd.f32 v58, v5;
	v0 =	vld [tilespmem:s0+$0xFFFFFFF0];
	[tilespmem:s29+$0xFFFFFFD0] =	vst v4  }
0x1d6: {  	v42 =	vperm.xlane v42, v15;
	v6 =	vmov v19;
	v2 =	vmul.f32 v39, v2;
	v39 =	vld [tilespmem:s0+$0xFFFFFFC0];
	[tilespmem:s31+$0xFFFFFE10] =	vst v54  }
0x1d7: {  	v34 =	vadd.f32 v60, v59;
	v4 =	vmul.f32 v32, v11;
	v53 =	vmul.f32 $2.000000030e-01, v5;
	[tilespmem:$0x1FF70] =	vst v6  }
0x1d8: {  	v38 =	vmul.f32 v38, v22;
	v29 =	vmul.f32 v29, v10;
	vm0 =	vgt.f32 v5, $0.0e+00;
	[tilespmem:s29+$0xFFFFFE20] =	vst v46  }
0x1d9: {  	v31 =	vld [tilespmem:s12+$0xFFFFFEC0];
	v54 =	vmul.f32 $2.000000030e-01, v34;
	vm10 =	vgt.f32 v34, $0.0e+00;
	[tilespmem:s17+$0xFFFFFF50] =	vst v4;
	v5 =	vsel vm0, v5, v53  }
0x1da: {  	v3 =	vmovc v20;
	v6 =	vld [tilespmem:$0x1FF90];
	v1 =	vadd.f32 v61, v1;
	v60 =	vadd.f32 v50, v63;
	[tilespmem:s29+$0xF0] =	vst v2;
	v5 =	vmul.f32 $1.442695020e+00, v5  }
0x1db: {  	v4 =	vld [tilespmem:$0x1FFD0];
	v28 =	vadd.f32 v28, v55;
	v2 =	vmul.f32 v30, v13;
	v30 =	vmul.f32 v48, v14;
	[tilespmem:s17+$0xFFFFFE30] =	vst v29  }
0x1dc: {  	[tilespmem:$0x1FF90] =	vst v3;
	v3 =	vsel vm10, v34, v54;
	v29 =	vmul.f32 v47, v12;
	v58 =	vld [tilespmem:s22+$0xFFFFFE40];
	(erf) = vpow2.f32 v5  }
0x1dd: {  	v56 =	vmul.f32 $2.000000030e-01, v1;
	vm11 =	vgt.f32 v1, $0.0e+00;
	v3 =	vmul.f32 $1.442695020e+00, v3;
	v5 =	vld [tilespmem:s0+$0x20]  }
0x1de: {  	[tilespmem:s29+$0x60] =	vst v38;
	v61 =	vld [tilespmem:s24+$0x170];
	vm12 =	vgt.f32 v60, $0.0e+00;
	vm13 =	vgt.f32 v28, $0.0e+00;
	v0 =	vadd.f32 v0, v62  }
0x1df: {  	v50 =	vld [tilespmem:s24+$0xFFFFFEB0];
	[tilespmem:s17+$0x70] =	vst v2;
	v2 =	vmul.f32 $2.000000030e-01, v28;
	v53 =	vmul.f32 v33, v6;
	v1 =	vsel vm11, v1, v56  }
0x1e0: {  	v49 =	vld [tilespmem:s24+$0xFFFFFF40];
	vm1 =	vgt.f32 v0, $0.0e+00;
	v59 =	vmul.f32 $2.000000030e-01, v0;
	v20 =	vmovc v4;
	v4 =	vmovc v42;
	(erf) = vpow2.f32 v3  }
0x1e1: {  	v32 =	vld [tilespmem:s12+$0xFFFFFF50];
	v1 =	vmul.f32 $1.442695020e+00, v1;
	v2 =	vsel vm13, v28, v2;
	[tilespmem:$0x1FFD0] =	vst v4;
	v4 =	vmul.f32 $2.000000030e-01, v60  }
0x1e2: {  	v62 =	vld [tilespmem:s24+$0xFFFFFE20];
	v0 =	vsel vm1, v0, v59;
	v3 =	vadd.f32 v5, v57;
	v5 =	vadd.f32 v39, v58  }
0x1e3: {  	[tilespmem:s17+$0x100] =	vst v30;
	v6 =	vld [tilespmem:$0x1FFC0];
	v2 =	vmul.f32 $1.442695020e+00, v2;
	v0 =	vmul.f32 $1.442695020e+00, v0;
	v4 =	vsel vm12, v60, v4  }
0x1e4: {  	[tilespmem:s17+$0x190] =	vst v29;
	v38 =	vld [tilespmem:s24+$0x60];
	v4 =	vmul.f32 $1.442695020e+00, v4;
	v30 =	vmul.f32 $2.000000030e-01, v5  }
0x1e5: {  	v29 =	vld [tilespmem:s12+$0xFFFFFE30];
	[tilespmem:s17+$0xFFFFFFE0] =	vst v53;
	s17 =	smov.u32 s29;
	s29 =	smov.u32 s31;
	s31 =	sadd.s32 $0x480, s31;
	v28 =	vmul.f32 $2.000000030e-01, v3;
	vm15 =	vgt.f32 v5, $0.0e+00;
	v34 =	vpop (erf);
	(erf) = vpow2.f32 v1  }
0x1e6: {  	v48 =	vld [tilespmem:s12+$0x100];
	vm14 =	vgt.f32 v3, $0.0e+00;
	v1 =	vsel vm15, v5, v30;
	[tilespmem:s31+$0x230] =	vst v34;
	(erf) = vpow2.f32 v0  }
0x1e7: {  	v3 =	vsel vm14, v3, v28;
	v0 =	vmul.f32 $1.442695020e+00, v1;
	v5 =	vld [tilespmem:s22+$0x1B0];
	(erf) = vpow2.f32 v4  }
0x1e8: {  	v35 =	vld [tilespmem:s24+$0xFFFFFFD0];
	v3 =	vmul.f32 $1.442695020e+00, v3;
	(erf) = vpow2.f32 v2  }
0x1e9: {  	v8 =	vimm.s32 $0x0;
	v33 =	vld [tilespmem:s12+$0xFFFFFFE0];
	v1 =	vmul.f32 v61, v52;
	v28 =	vpop (erf);
	(erf) = vpow2.f32 v0  }
0x1ea: {  	v7 =	vmov v16;
	v39 =	vld [tilespmem:s24+$0xF0];
	v2 =	vperm.xlane v34, v8;
	[tilespmem:s31+$0xFFFFFED0] =	vst v28;
	(erf) = vpow2.f32 v3  }
0x1eb: {  	v37 =	vperm.xlane v37, v15;
	v41 =	vperm.xlane v41, v15;
	[tilespmem:$0x1FF80] =	vst v7;
	v3 =	vld [tilespmem:s22+$0xFFFFFE50]  }
0x1ec: {  	v19 =	vmovc v21;
	v21 =	vmov v6;
	v6 =	vmov v40;
	v30 =	vld [tilespmem:s12+$0x70];
	[tilespmem:s29+$0x170] =	vst v1;
	v2 =	vmul.f32 v5, v2  }
0x1ed: {  	v18 =	vmov v36;
	v50 =	vmul.f32 v50, v27;
	v49 =	vmul.f32 v49, v43;
	[tilespmem:$0x1FFC0] =	vst v6;
	v45 =	vld [tilespmem:s24+$0x180]  }
0x1ee: {  	v10 =	vimm.s32 $0x1;
	v46 =	vmul.f32 v62, v51;
	v0 =	vperm.xlane v28, v8;
	v47 =	vld [tilespmem:s12+$0x190];
	[tilespmem:s31+$0x1B0] =	vst v2;
	v36 =	vpop (erf)  }
0x1ef: {  	v17 =	vmov v37;
	v6 =	vperm.xlane v34, v10;
	v4 =	vperm.xlane v28, v10;
	v2 =	vld [tilespmem:s22+$0x1C0];
	[tilespmem:s31+$0xFFFFFF60] =	vst v36;
	v37 =	vpop (erf)  }
0x1f0: {  	v22 =	vmov v26;
	v5 =	vperm.xlane v36, v8;
	v0 =	vmul.f32 v3, v0;
	v3 =	vld [tilespmem:s22+$0xFFFFFEE0];
	[tilespmem:s31+$0xFFFFFFF0] =	vst v37;
	v40 =	vpop (erf)  }
0x1f1: {  	v26 =	vmov v41;
	v51 =	vperm.xlane v36, v10;
	v56 =	vperm.xlane v37, v8;
	v57 =	vld [tilespmem:s22+$0xFFFFFF70];
	[tilespmem:s31+$0x80] =	vst v40;
	v41 =	vpop (erf)  }
0x1f2: {  	v23 =	vmov v44;
	v59 =	vperm.xlane v37, v10;
	v58 =	vperm.xlane v40, v8;
	v60 =	vld [tilespmem:s22+$0x0];
	[tilespmem:s31+$0x110] =	vst v41;
	v44 =	vpop (erf)  }
0x1f3: {  	v61 =	vperm.xlane v41, v8;
	[tilespmem:s31+$0xFFFFFE40] =	vst v44;
	v62 =	vperm.xlane v44, v8;
	v63 =	vld [tilespmem:s22+$0x90];
	v42 =	vpop (erf)  }
0x1f4: {  	v7 =	vperm.xlane v44, v10;
	v2 =	vmul.f32 v2, v6;
	v6 =	vld [tilespmem:s22+$0xFFFFFDC0];
	[tilespmem:s31+$0x1A0] =	vst v42  }
0x1f5: {  	[tilespmem:s31+$0xFFFFFE50] =	vst v0;
	v8 =	vperm.xlane v42, v8;
	v3 =	vmul.f32 v3, v5;
	v9 =	vld [tilespmem:s22+$0x120]  }
0x1f6: {  	v5 =	vperm.xlane v40, v10;
	[tilespmem:s31+$0x1C0] =	vst v2;
	v0 =	vmul.f32 v57, v56;
	v57 =	vld [tilespmem:s22+$0xFFFFFE60]  }
0x1f7: {  	v2 =	vperm.xlane v41, v10;
	v56 =	vld [tilespmem:s22+$0x1D0];
	[tilespmem:s31+$0xFFFFFEE0] =	vst v3;
	v3 =	vmul.f32 v60, v58  }
0x1f8: {  	v11 =	vimm.s32 $0x2;
	v58 =	vperm.xlane v42, v10;
	v10 =	vld [tilespmem:s22+$0xFFFFFEF0];
	[tilespmem:s31+$0xFFFFFF70] =	vst v0;
	v0 =	vmul.f32 v63, v61  }
0x1f9: {  	v1 =	vperm.xlane v28, v11;
	v6 =	vmul.f32 v6, v62;
	v61 =	vld [tilespmem:s22+$0xFFFFFF80];
	[tilespmem:s31+$0x0] =	vst v3  }
0x1fa: {  	v12 =	vimm.s32 $0x3;
	v3 =	vperm.xlane v34, v11;
	v63 =	vld [tilespmem:s22+$0x10];
	[tilespmem:s31+$0x90] =	vst v0;
	v0 =	vmul.f32 v9, v8  }
0x1fb: {  	v16 =	vimm.s32 $0x4;
	v52 =	vperm.xlane v28, v12;
	[tilespmem:s31+$0xFFFFFDC0] =	vst v6;
	v8 =	vld [tilespmem:s22+$0xA0];
	v4 =	vmul.f32 v57, v4  }
0x1fc: {  	v14 =	vimm.s32 $0x5;
	v55 =	vperm.xlane v28, v16;
	v3 =	vmul.f32 v56, v3;
	v9 =	vld [tilespmem:s22+$0xFFFFFDD0];
	[tilespmem:s31+$0x120] =	vst v0  }
0x1fd: {  	v13 =	vimm.s32 $0x6;
	v53 =	vperm.xlane v28, v14;
	v0 =	vmul.f32 v10, v51;
	v51 =	vld [tilespmem:s22+$0x130];
	[tilespmem:s31+$0xFFFFFE60] =	vst v4  }
0x1fe: {  	v54 =	vperm.xlane v28, v13;
	[tilespmem:s31+$0x1D0] =	vst v3;
	v3 =	vmul.f32 v61, v59;
	v59 =	vld [tilespmem:s22+$0xFFFFFE70]  }
0x1ff: {  	v60 =	vperm.xlane v44, v11;
	v57 =	vld [tilespmem:s22+$0x1E0];
	[tilespmem:s31+$0xFFFFFEF0] =	vst v0;
	v0 =	vmul.f32 v63, v5  }
0x200: {  	v62 =	vperm.xlane v36, v11;
	v5 =	vld [tilespmem:s22+$0xFFFFFF00];
	[tilespmem:s31+$0xFFFFFF80] =	vst v3;
	v2 =	vmul.f32 v8, v2  }
0x201: {  	v6 =	vperm.xlane v37, v11;
	v3 =	vmul.f32 v9, v7;
	v7 =	vld [tilespmem:s22+$0xFFFFFF90];
	[tilespmem:s31+$0x10] =	vst v0  }
0x202: {  	v0 =	vperm.xlane v34, v12;
	v9 =	vld [tilespmem:s22+$0x20];
	[tilespmem:s31+$0xA0] =	vst v2;
	v2 =	vmul.f32 v51, v58  }
0x203: {  	v56 =	vperm.xlane v40, v11;
	[tilespmem:s31+$0xFFFFFDD0] =	vst v3;
	v51 =	vld [tilespmem:s22+$0xB0];
	v1 =	vmul.f32 v59, v1  }
0x204: {  	v10 =	vperm.xlane v41, v11;
	v0 =	vmul.f32 v57, v0;
	v57 =	vld [tilespmem:s22+$0xFFFFFDE0];
	[tilespmem:s31+$0x130] =	vst v2  }
0x205: {  	v4 =	vperm.xlane v42, v11;
	v2 =	vmul.f32 v5, v62;
	v5 =	vld [tilespmem:s22+$0x140];
	[tilespmem:s31+$0xFFFFFE70] =	vst v1  }
0x206: {  	v11 =	vperm.xlane v41, v12;
	[tilespmem:s31+$0x1E0] =	vst v0;
	v1 =	vmul.f32 v7, v6;
	v7 =	vld [tilespmem:s22+$0xFFFFFE80]  }
0x207: {  	v61 =	vperm.xlane v44, v12;
	v6 =	vld [tilespmem:s22+$0x1F0];
	[tilespmem:s31+$0xFFFFFF00] =	vst v2;
	v9 =	vmul.f32 v9, v56  }
0x208: {  	v63 =	vperm.xlane v36, v12;
	v58 =	vld [tilespmem:s22+$0xFFFFFF10];
	[tilespmem:s31+$0xFFFFFF90] =	vst v1;
	v10 =	vmul.f32 v51, v10  }
0x209: {  	v8 =	vperm.xlane v37, v12;
	v51 =	vmul.f32 v57, v60;
	v57 =	vld [tilespmem:s22+$0xFFFFFFA0];
	[tilespmem:s31+$0x20] =	vst v9  }
0x20a: {  	v9 =	vperm.xlane v34, v16;
	v60 =	vld [tilespmem:s22+$0x30];
	[tilespmem:s31+$0xB0] =	vst v10;
	v4 =	vmul.f32 v5, v4  }
0x20b: {  	v3 =	vperm.xlane v40, v12;
	[tilespmem:s31+$0xFFFFFDE0] =	vst v51;
	v5 =	vld [tilespmem:s22+$0xC0];
	v7 =	vmul.f32 v7, v52  }
0x20c: {  	v59 =	vperm.xlane v37, v14;
	v6 =	vmul.f32 v6, v9;
	v9 =	vld [tilespmem:s22+$0xFFFFFDF0];
	[tilespmem:s31+$0x140] =	vst v4  }
0x20d: {  	v62 =	vperm.xlane v42, v12;
	v63 =	vmul.f32 v58, v63;
	v52 =	vld [tilespmem:s22+$0x150];
	[tilespmem:s31+$0xFFFFFE80] =	vst v7  }
0x20e: {  	v12 =	vperm.xlane v40, v16;
	[tilespmem:s31+$0x1F0] =	vst v6;
	v6 =	vmul.f32 v57, v8;
	v8 =	vld [tilespmem:s22+$0xFFFFFE90]  }
0x20f: {  	v56 =	vperm.xlane v44, v14;
	v7 =	vld [tilespmem:s22+$0x200];
	[tilespmem:s31+$0xFFFFFF10] =	vst v63;
	v3 =	vmul.f32 v60, v3  }
0x210: {  	v58 =	vperm.xlane v36, v14;
	v57 =	vperm.xlane v40, v14;
	v63 =	vld [tilespmem:s22+$0xFFFFFF20];
	[tilespmem:s31+$0xFFFFFFA0] =	vst v6  }
0x211: {  	v5 =	vmul.f32 v5, v11;
	v6 =	vmul.f32 v9, v61;
	v9 =	vld [tilespmem:s22+$0xFFFFFFB0];
	[tilespmem:s31+$0x30] =	vst v3  }
0x212: {  	v60 =	vperm.xlane v41, v14;
	v3 =	vperm.xlane v34, v14;
	v11 =	vld [tilespmem:s22+$0x40]  }
0x213: {  	[tilespmem:s31+$0xC0] =	vst v5;
	v5 =	vmul.f32 v52, v62;
	v52 =	vperm.xlane v42, v14;
	v14 =	vmov v22;
	v22 =	vld [tilespmem:$0x1FF60]  }
0x214: {  	v2 =	vperm.xlane v36, v16;
	[tilespmem:s31+$0xFFFFFDF0] =	vst v6;
	v6 =	vld [tilespmem:s22+$0xD0];
	v8 =	vmul.f32 v8, v55  }
0x215: {  	v1 =	vperm.xlane v37, v16;
	v3 =	vmul.f32 v7, v3;
	v7 =	vld [tilespmem:s22+$0xFFFFFE00];
	[tilespmem:s31+$0x150] =	vst v5  }
0x216: {  	v0 =	vperm.xlane v44, v16;
	v2 =	vmul.f32 v63, v2;
	v55 =	vld [tilespmem:s22+$0x160];
	[tilespmem:s31+$0xFFFFFE90] =	vst v8  }
0x217: {  	v10 =	vperm.xlane v41, v16;
	[tilespmem:s31+$0x200] =	vst v3;
	v1 =	vmul.f32 v9, v1;
	v9 =	vld [tilespmem:s22+$0xFFFFFEA0]  }
0x218: {  	v4 =	vperm.xlane v42, v16;
	v16 =	vmovc v23;
	v23 =	vmov v25;
	v8 =	vld [tilespmem:s22+$0x210];
	[tilespmem:s31+$0xFFFFFF20] =	vst v2;
	v25 =	vmul.f32 v11, v12  }
0x219: {  	s14 =	sadd.s32 $0x8, s14;
	v51 =	vperm.xlane v44, v13;
	v2 =	vld [tilespmem:s22+$0xFFFFFF30];
	[tilespmem:s31+$0xFFFFFFB0] =	vst v1;
	v1 =	vmul.f32 v6, v10  }
0x21a: {  	p1 =	slt.u32 s14, $0x20;
	v61 =	vperm.xlane v41, v13;
	v62 =	vperm.xlane v37, v13;
	v3 =	vld [tilespmem:s22+$0xFFFFFFC0];
	[tilespmem:s31+$0x40] =	vst v25  }
.Ltmp7:
0x21b: {  	v5 =	vperm.xlane v36, v13;
	v6 =	vmul.f32 v7, v0;
	v0 =	vld [tilespmem:s22+$0x50];
	[tilespmem:s31+$0xD0] =	vst v1;
	(pc) =	sbr.rel @p1 .LBB2_8-.Ltmp7, $4  }
0x21c: {  	v63 =	vperm.xlane v40, v13;
	v7 =	vperm.xlane v34, v13;
	v1 =	vld [tilespmem:s22+$0xE0]  }
0x21d: {  	s12 =	smov.u32 s24;
	s24 =	smov.u32 s22;
	v27 =	vmov v54;
	v10 =	vmul.f32 v55, v4;
	[tilespmem:s31+$0xFFFFFE00] =	vst v6;
	v53 =	vmul.f32 v9, v53;
	v9 =	vld [tilespmem:$0x1FF70]  }
0x21e: {  	v43 =	vmovc v5;
	v12 =	vmovc v20;
	v20 =	vmov v17;
	v11 =	vmov v19;
	v19 =	vmov v24;
	v54 =	vld [tilespmem:s24+$0xFFFFFE10]  }
0x21f: {  	v55 =	vperm.xlane v42, v13;
	v13 =	vmovc v21;
	v21 =	vmov v18;
	s22 =	sadd.s32 $0x480, s22;
	v4 =	vmul.f32 v8, v7;
	[tilespmem:s31+$0x160] =	vst v10;
	v10 =	vld [tilespmem:$0x1FF80]  }
0x220: {  	_ = 	snop  }
0x221: {  	[tilespmem:s31+$0x210] =	vst v4  }
0x222: {  	v2 =	vmul.f32 v2, v58;
	[tilespmem:s31+$0xFFFFFEA0] =	vst v53;
	v4 =	vld [tilespmem:s24+$0x220]  }
0x223: {  	v0 =	vmul.f32 v0, v57;
	[tilespmem:s29+$0xFFFFFE20] =	vst v46  }
0x224: {  	v3 =	vmul.f32 v3, v59;
	[tilespmem:s31+$0xFFFFFF30] =	vst v2  }
0x225: {  	v1 =	vmul.f32 v1, v60;
	[tilespmem:s31+$0x50] =	vst v0;
	v0 =	vperm.xlane v34, v15  }
0x226: {  	[tilespmem:s31+$0xFFFFFFC0] =	vst v3;
	v2 =	vmul.f32 v54, v56  }
0x227: {  	[tilespmem:s31+$0xE0] =	vst v1;
	v0 =	vmul.f32 v4, v0  }
0x228: {  	[tilespmem:s31+$0xFFFFFE10] =	vst v2  }
0x229: {  	[tilespmem:s31+$0x220] =	vst v0  }
0x22a: {  	v0 =	vld [tilespmem:$0x1FFA0];
	[tilespmem:s29+$0xFFFFFEB0] =	vst v50  }
0x22b: {  	[tilespmem:s29+$0xFFFFFF40] =	vst v49  }
0x22c: {  	v2 =	vld [tilespmem:$0x1FFB0]  }
0x22d: {  	v1 =	vmul.f32 v38, v22;
	_ =	sdelay $0x1  }
0x22e: {  	[tilespmem:s29+$0x60] =	vst v1;
	v1 =	vmul.f32 v29, v10  }
0x22f: {  	v0 =	vmul.f32 v35, v0  }
0x230: {  	[tilespmem:s17+$0xFFFFFE30] =	vst v1;
	v2 =	vmul.f32 v39, v2  }
0x231: {  	[tilespmem:s29+$0xFFFFFFD0] =	vst v0;
	v0 =	vmul.f32 v45, v23  }
0x232: {  	[tilespmem:s29+$0xF0] =	vst v2  }
0x233: {  	v2 =	vmul.f32 v31, v9;
	[tilespmem:s29+$0x180] =	vst v0  }
0x234: {  	v1 =	vld [tilespmem:$0x1FF90]  }
0x235: {  	v0 =	vmul.f32 v32, v11;
	[tilespmem:s17+$0xFFFFFEC0] =	vst v2;
	v2 =	vld [tilespmem:s24+$0x170];
	_ =	sdelay $0x1  }
0x236: {  	v4 =	vmul.f32 v48, v14;
	[tilespmem:s17+$0xFFFFFF50] =	vst v0;
	v0 =	vld [tilespmem:s24+$0xFFFFFE20]  }
0x237: {  	v6 =	vmul.f32 v47, v12;
	v3 =	vld [tilespmem:s24+$0xFFFFFEB0]  }
0x238: {  	v5 =	vld [tilespmem:s24+$0xFFFFFF40];
	[tilespmem:s17+$0x100] =	vst v4;
	v1 =	vmul.f32 v33, v1  }
0x239: {  	v4 =	vld [tilespmem:s24+$0x60];
	[tilespmem:s17+$0x190] =	vst v6;
	v2 =	vmul.f32 v2, v52  }
0x23a: {  	v7 =	vld [tilespmem:s24+$0xF0];
	[tilespmem:s17+$0xFFFFFFE0] =	vst v1;
	v1 =	vmul.f32 v30, v13  }
0x23b: {  	v6 =	vld [tilespmem:s12+$0xFFFFFE30];
	v0 =	vmul.f32 v0, v51;
	[tilespmem:s31+$0x170] =	vst v2  }
0x23c: {  	v3 =	vmul.f32 v3, v27;
	v2 =	vld [tilespmem:s24+$0x180];
	[tilespmem:s17+$0x70] =	vst v1  }
0x23d: {  	v5 =	vmul.f32 v5, v43;
	v1 =	vld [tilespmem:s24+$0xFFFFFFD0];
	[tilespmem:s31+$0xFFFFFE20] =	vst v0  }
0x23e: {  	v4 =	vmul.f32 v4, v63;
	[tilespmem:s31+$0xFFFFFEB0] =	vst v3;
	v0 =	vld [tilespmem:s12+$0xFFFFFEC0]  }
0x23f: {  	v7 =	vmul.f32 v7, v61;
	[tilespmem:s31+$0xFFFFFF40] =	vst v5;
	v3 =	vld [tilespmem:s12+$0xFFFFFF50]  }
0x240: {  	v6 =	vmul.f32 v6, v16;
	[tilespmem:s31+$0x60] =	vst v4;
	v5 =	vld [tilespmem:s12+$0xFFFFFFE0]  }
0x241: {  	[tilespmem:s31+$0xF0] =	vst v7;
	v2 =	vmul.f32 v2, v55  }
0x242: {  	[tilespmem:s29+$0xFFFFFE30] =	vst v6;
	v1 =	vmul.f32 v1, v62  }
0x243: {  	v0 =	vmul.f32 v0, v19;
	[tilespmem:s31+$0x180] =	vst v2  }
0x244: {  	v4 =	vld [tilespmem:s12+$0x100];
	v2 =	vmul.f32 v3, v21;
	[tilespmem:s31+$0xFFFFFFD0] =	vst v1  }
0x245: {  	v7 =	vld [tilespmem:s12+$0x190];
	v5 =	vmul.f32 v5, v20;
	[tilespmem:s29+$0xFFFFFEC0] =	vst v0  }
0x246: {  	v6 =	vld [tilespmem:$0x1FFC0];
	[tilespmem:s29+$0xFFFFFF50] =	vst v2  }
0x247: {  	v1 =	vld [tilespmem:s12+$0x70];
	[tilespmem:s29+$0xFFFFFFE0] =	vst v5  }
0x248: {  	v9 =	vld [tilespmem:$0x1FFD0]  }
0x249: {  	v3 =	vld [tilespmem:s24+$0xFFFFFE30]  }
0x24a: {  	v0 =	vld [tilespmem:s24+$0xFFFFFEC0]  }
0x24b: {  	v4 =	vmul.f32 v4, v26;
	v2 =	vld [tilespmem:s24+$0xFFFFFF50]  }
0x24c: {  	v5 =	vld [tilespmem:s24+$0xFFFFFFE0];
	v1 =	vmul.f32 v1, v6;
	v6 =	vperm.xlane v44, v15  }
0x24d: {  	v8 =	vperm.xlane v28, v15;
	[tilespmem:s29+$0x100] =	vst v4;
	v4 =	vld [tilespmem:s24+$0x100];
	v7 =	vmul.f32 v7, v9  }
0x24e: {  	v9 =	vperm.xlane v36, v15;
	[tilespmem:s29+$0x70] =	vst v1;
	v1 =	vld [tilespmem:s24+$0x70];
	v3 =	vmul.f32 v3, v6  }
0x24f: {  	v0 =	vmul.f32 v0, v8;
	v6 =	vperm.xlane v37, v15;
	[tilespmem:s29+$0x190] =	vst v7;
	v7 =	vld [tilespmem:s24+$0x190]  }
0x250: {  	v2 =	vmul.f32 v2, v9;
	[tilespmem:s31+$0xFFFFFE30] =	vst v3;
	v3 =	vperm.xlane v41, v15  }
0x251: {  	v8 =	vperm.xlane v40, v15;
	[tilespmem:s31+$0xFFFFFEC0] =	vst v0;
	v5 =	vmul.f32 v5, v6  }
0x252: {  	v0 =	vperm.xlane v42, v15;
	[tilespmem:s31+$0xFFFFFF50] =	vst v2;
	v2 =	vmul.f32 v4, v3  }
0x253: {  	[tilespmem:s31+$0xFFFFFFE0] =	vst v5;
	v1 =	vmul.f32 v1, v8  }
0x254: {  	v0 =	vmul.f32 v7, v0;
	[tilespmem:s31+$0x100] =	vst v2  }
0x255: {  	p1 =	seq.s32 s8, $0x0;
	s17 =	smul.u32 $0x50, s8;
	[tilespmem:s31+$0x70] =	vst v1  }
0x256: {  	s0 =	simm.s32 @!p1 $0x6;
	[tilespmem:s31+$0x190] =	vst v0  }
0x257: {  	s14 =	sadd.s32 s17, s10;
	_ =	swait.ge @!p1 [sflag:s0], $0x1680  }
0x258: {  	s12 =	sshrl.u32 s14, $0x3;
	[sflag:s0] =	ssyncset.done @!p1 $0x0  }
0x259: {  	s21 =	sadd.s32 s5, s12;
	[sflag:s0] =	ssyncadd.s32 @!p1 $0xFFFFE980;
	p1 =	seq.s32 s8, $0x7C  }
0x25a: {  	[tilespmem:s20], [sflag:$0xA] =	stream.linear.gather [hbm4b:s21+s3], $0x28, $0x38;
	[tilespmem:$0x1C7F0] =	vst v63  }
0x25b: {  	s0 =	sadd.s32 @!p1 s17, s15  }
0x25c: {  	s0 =	sshrl.u32 @!p1 s0, $0x3  }
0x25d: {  	s14 =	simm.s32 @!p1 $0x0;
	s12 =	sadd.s32 @!p1 s4, s0  }
0x25e: {  	[tilespmem:s14], [sflag:$0x7] =	stream.linear.gather @!p1 [hbm4b:s12+s14], $0x28, $0x38;
	[tilespmem:$0x1C7F0] =	vst v63  }
0x25f: {  	s0 =	sadd.s32 @!p1 s5, s0;
	s12 =	simm.s32 @!p1 $0x50  }
0x260: {  	[tilespmem:s12], [sflag:$0x7] =	stream.linear.gather @!p1 [hbm4b:s0+s14], $0x28, $0x38;
	[tilespmem:$0x1C7F0] =	vst v63  }
0x261: {  	_ =	swait.ge [sflag:s2], $0x28  }
0x262: {  	p2 =	sgt.u32 s8, $0x7B;
	[sflag:s2] =	ssyncset.done $0x0  }
0x263: {  	s0 =	simm.s32 @!p2 $0x7;
	[sflag:s2] =	ssyncadd.s32 $0xFFFFFFD8  }
0x264: {  	[spmem:s1] =	stream.indirect.scatter.add.f32 [tilespmem:s16], [sflag:$0x5], $0x90, s28, s25, $0xb8;
	[tilespmem:$0x1C7F0] =	vst v63  }
0x265: {  	_ =	swait.ge @!p2 [sflag:s0], $0x28  }
0x266: {  	[sflag:s0] =	ssyncset.done @!p2 $0x0  }
0x267: {  	[sflag:s0] =	ssyncadd.s32 @!p2 $0xFFFFFFD8  }
0x268: {  	_ =	swait.ge @!p2 [sflag:s0], $0x28  }
0x269: {  	s12 =	simm.s32 @!p2 $0x0;
	[sflag:s0] =	ssyncset.done @!p2 $0x0  }
0x26a: {  	s14 =	simm.s32 @!p2 $0xF0;
	[sflag:s0] =	ssyncadd.s32 @!p2 $0xFFFFFFD8;
	s0 =	simm.s32 @!p2 $0x28  }
0x26b: {  	[tilespmem:s14], [sflag:$0x1] =	stream.indirect.gather @!p2 [hbm4b:s6+s0], $0x90, s12, s0, $0xb8;
	[tilespmem:$0x1C7F0] =	vst v63  }
0x26c: {  	s12 =	simm.s32 @!p2 $0x50;
	s14 =	simm.s32 @!p2 $0x2DF0  }
0x26d: {  	[tilespmem:s14], [sflag:$0x3] =	stream.indirect.gather @!p2 [hbm4b:s7+s0], $0x10, s12, s0, $0xb8;
	[tilespmem:$0x1C7F0] =	vst v63  }
0x26e: {  	_ =	swait.ge [sflag:s18], $0x1680  }
0x26f: {  	[sflag:s18] =	ssyncset.done $0x0  }
0x270: {  	[sflag:s18] =	ssyncadd.s32 $0xFFFFE980  }
0x271: {  	_ =	swait.ge [sflag:s23], $0x280  }
0x272: {  	[sflag:s23] =	ssyncset.done $0x0  }
0x273: {  	s31 =	simm.s32 $0x19B0;
	[sflag:s23] =	ssyncadd.s32 $0xFFFFFD80  }
0x274: {  	s22 =	simm.s32 $0x30B0;
	v0 =	vld [tilespmem:s31+$0x230]  }
0x275: {  	v1 =	vld [tilespmem:s22+$0x30]  }
0x276: {  	v2 =	vld [tilespmem:s22+$0xFFFFFFC0]  }
0x277: {  	v3 =	vld [tilespmem:s31+$0xFFFFFED0]  }
0x278: {  	v4 =	vld [tilespmem:s22+$0xFFFFFFD0]  }
0x279: {  	v5 =	vld [tilespmem:s31+$0xFFFFFF60]  }
0x27a: {  	v6 =	vld [tilespmem:s22+$0xFFFFFFE0]  }
0x27b: {  	v7 =	vld [tilespmem:s22+$0xFFFFFFF0];
	v0 =	vadd.f32 v1, v0  }
0x27c: {  	v9 =	vld [tilespmem:s31+$0x80]  }
0x27d: {  	v10 =	vld [tilespmem:s22+$0x0];
	v3 =	vadd.f32 v4, v3;
	v8 =	vmul.f32 $2.000000030e-01, v0  }
0x27e: {  	v1 =	vld [tilespmem:s31+$0xFFFFFFF0];
	vm0 =	vgt.f32 v0, $0.0e+00  }
0x27f: {  	v4 =	vld [tilespmem:s31+$0x110];
	v11 =	vmul.f32 $2.000000030e-01, v3;
	v0 =	vsel vm0, v0, v8  }
0x280: {  	vm6 =	vgt.f32 v3, $0.0e+00;
	v8 =	vld [tilespmem:s22+$0x10];
	v0 =	vmul.f32 $1.442695020e+00, v0  }
0x281: {  	v3 =	vsel vm6, v3, v11;
	v11 =	vld [tilespmem:s31+$0xFFFFFE40]  }
0x282: {  	v5 =	vadd.f32 v6, v5;
	v9 =	vadd.f32 v10, v9;
	(erf) = vpow2.f32 v0  }
0x283: {  	v6 =	vld [tilespmem:s31+$0x1A0];
	v3 =	vmul.f32 $1.442695020e+00, v3;
	v0 =	vadd.f32 v7, v1  }
0x284: {  	vm7 =	vgt.f32 v5, $0.0e+00;
	vm8 =	vgt.f32 v9, $0.0e+00;
	v1 =	vld [tilespmem:s22+$0x20];
	v7 =	vmul.f32 $2.000000030e-01, v5  }
0x285: {  	(erf) = vpow2.f32 v3;
	vm1 =	vgt.f32 v0, $0.0e+00;
	v12 =	vmul.f32 $2.000000030e-01, v0  }
0x286: {  	v5 =	vsel vm7, v5, v7;
	v4 =	vadd.f32 v8, v4;
	v2 =	vadd.f32 v2, v11  }
0x287: {  	v7 =	vmul.f32 $2.000000030e-01, v9;
	v5 =	vmul.f32 $1.442695020e+00, v5;
	v0 =	vsel vm1, v0, v12  }
0x288: {  	v3 =	vmul.f32 $2.000000030e-01, v4;
	vm9 =	vgt.f32 v4, $0.0e+00;
	vm11 =	vgt.f32 v2, $0.0e+00  }
0x289: {  	v1 =	vadd.f32 v1, v6;
	v0 =	vmul.f32 $1.442695020e+00, v0;
	v6 =	vsel vm8, v9, v7  }
0x28a: {  	v7 =	vmul.f32 $2.000000030e-01, v2;
	v3 =	vsel vm9, v4, v3;
	v6 =	vmul.f32 $1.442695020e+00, v6  }
0x28b: {  	s12 =	simm.s32 $0x4BB0;
	vm10 =	vgt.f32 v1, $0.0e+00;
	v4 =	vmul.f32 $2.000000030e-01, v1;
	v9 =	vpop (erf);
	(erf) = vpow2.f32 v5  }
0x28c: {  	v3 =	vmul.f32 $1.442695020e+00, v3;
	v2 =	vsel vm11, v2, v7;
	[tilespmem:s12+$0x230] =	vst v9;
	(erf) = vpow2.f32 v0  }
0x28d: {  	v0 =	vsel vm10, v1, v4;
	v1 =	vmul.f32 $1.442695020e+00, v2;
	v5 =	vld [tilespmem:s31+$0x1B0];
	(erf) = vpow2.f32 v6  }
0x28e: {  	s24 =	simm.s32 $0x3130;
	v0 =	vmul.f32 $1.442695020e+00, v0;
	(erf) = vpow2.f32 v3  }
0x28f: {  	v62 =	vimm.s32 $0x0;
	s29 =	simm.s32 $0x1E30;
	v25 =	vld [tilespmem:s24+$0xFFFFFFC0];
	(erf) = vpow2.f32 v1  }
0x290: {  	v28 =	vld [tilespmem:s29+$0xFFFFFED0];
	v2 =	vperm.xlane v9, v62;
	(erf) = vpow2.f32 v0  }
0x291: {  	v31 =	vld [tilespmem:s24+$0xFFFFFFD0]  }
0x292: {  	v49 =	vld [tilespmem:s29+$0xFFFFFF60];
	v11 =	vpop (erf);
	v0 =	vmul.f32 v5, v2  }
0x293: {  	v51 =	vld [tilespmem:s24+$0xFFFFFFE0];
	[tilespmem:s12+$0xFFFFFED0] =	vst v11  }
0x294: {  	v1 =	vld [tilespmem:s31+$0xFFFFFE50];
	[tilespmem:s12+$0x1B0] =	vst v0;
	v13 =	vpop (erf)  }
0x295: {  	v0 =	vld [tilespmem:s31+$0x1C0];
	[tilespmem:s12+$0xFFFFFF60] =	vst v13;
	v12 =	vpop (erf)  }
0x296: {  	v2 =	vld [tilespmem:s31+$0xFFFFFEE0];
	[tilespmem:s12+$0xFFFFFFF0] =	vst v12;
	v46 =	vpop (erf)  }
0x297: {  	v59 =	vimm.s32 $0x1;
	v5 =	vperm.xlane v11, v62;
	v3 =	vld [tilespmem:s31+$0xFFFFFF70];
	[tilespmem:s12+$0x80] =	vst v46;
	v20 =	vpop (erf)  }
0x298: {  	v4 =	vperm.xlane v9, v59;
	v6 =	vld [tilespmem:s31+$0x0];
	[tilespmem:s12+$0x110] =	vst v20;
	v10 =	vpop (erf)  }
0x299: {  	v1 =	vmul.f32 v1, v5;
	v7 =	vperm.xlane v13, v62;
	[tilespmem:s12+$0xFFFFFE40] =	vst v10;
	v8 =	vld [tilespmem:s31+$0x90];
	v21 =	vpop (erf)  }
0x29a: {  	v0 =	vmul.f32 v0, v4;
	v4 =	vperm.xlane v12, v62;
	v5 =	vld [tilespmem:s31+$0xFFFFFDC0];
	[tilespmem:s12+$0x1A0] =	vst v21  }
0x29b: {  	[tilespmem:s12+$0xFFFFFE50] =	vst v1;
	v14 =	vperm.xlane v46, v62;
	v2 =	vmul.f32 v2, v7;
	v7 =	vld [tilespmem:s31+$0x120]  }
0x29c: {  	v16 =	vld [tilespmem:s31+$0xFFFFFE60];
	[tilespmem:s12+$0x1C0] =	vst v0;
	v0 =	vperm.xlane v20, v62;
	v1 =	vmul.f32 v3, v4  }
0x29d: {  	v4 =	vperm.xlane v10, v62;
	v3 =	vld [tilespmem:s31+$0x1D0];
	[tilespmem:s12+$0xFFFFFEE0] =	vst v2;
	v2 =	vmul.f32 v6, v14  }
0x29e: {  	v6 =	vperm.xlane v21, v62;
	v14 =	vld [tilespmem:s31+$0xFFFFFEF0];
	[tilespmem:s12+$0xFFFFFF70] =	vst v1;
	v0 =	vmul.f32 v8, v0  }
0x29f: {  	v60 =	vimm.s32 $0x2;
	v1 =	vmul.f32 v5, v4;
	v4 =	vld [tilespmem:s31+$0xFFFFFF80];
	[tilespmem:s12+$0x0] =	vst v2;
	v5 =	vperm.xlane v11, v59  }
0x2a0: {  	v2 =	vperm.xlane v9, v60;
	v8 =	vld [tilespmem:s31+$0x10];
	[tilespmem:s12+$0x90] =	vst v0;
	v0 =	vmul.f32 v7, v6  }
0x2a1: {  	v6 =	vperm.xlane v13, v59;
	[tilespmem:s12+$0xFFFFFDC0] =	vst v1;
	v1 =	vld [tilespmem:s31+$0xA0];
	v5 =	vmul.f32 v16, v5  }
0x2a2: {  	v2 =	vmul.f32 v3, v2;
	v3 =	vperm.xlane v12, v59;
	v7 =	vld [tilespmem:s31+$0xFFFFFDD0];
	[tilespmem:s12+$0x120] =	vst v0  }
0x2a3: {  	v0 =	vperm.xlane v46, v59;
	v6 =	vmul.f32 v14, v6;
	v14 =	vld [tilespmem:s31+$0x130];
	[tilespmem:s12+$0xFFFFFE60] =	vst v5  }
0x2a4: {  	[tilespmem:s12+$0x1D0] =	vst v2;
	v2 =	vperm.xlane v20, v59;
	v3 =	vmul.f32 v4, v3;
	v16 =	vld [tilespmem:s31+$0xFFFFFE70]  }
0x2a5: {  	v5 =	vperm.xlane v10, v59;
	v4 =	vld [tilespmem:s31+$0x1E0];
	[tilespmem:s12+$0xFFFFFEF0] =	vst v6;
	v0 =	vmul.f32 v8, v0  }
0x2a6: {  	v6 =	vperm.xlane v21, v59;
	v8 =	vld [tilespmem:s31+$0xFFFFFF00];
	[tilespmem:s12+$0xFFFFFF80] =	vst v3;
	v1 =	vmul.f32 v1, v2  }
0x2a7: {  	v61 =	vimm.s32 $0x3;
	v2 =	vmul.f32 v7, v5;
	v3 =	vld [tilespmem:s31+$0xFFFFFF90];
	[tilespmem:s12+$0x10] =	vst v0;
	v5 =	vperm.xlane v11, v60  }
0x2a8: {  	v0 =	vperm.xlane v9, v61;
	v7 =	vld [tilespmem:s31+$0x20];
	[tilespmem:s12+$0xA0] =	vst v1;
	v1 =	vmul.f32 v14, v6  }
0x2a9: {  	v6 =	vperm.xlane v13, v60;
	[tilespmem:s12+$0xFFFFFDD0] =	vst v2;
	v2 =	vld [tilespmem:s31+$0xB0];
	v5 =	vmul.f32 v16, v5  }
0x2aa: {  	v0 =	vmul.f32 v4, v0;
	v4 =	vperm.xlane v12, v60;
	v14 =	vld [tilespmem:s31+$0xFFFFFDE0];
	[tilespmem:s12+$0x130] =	vst v1  }
0x2ab: {  	v1 =	vperm.xlane v46, v60;
	v6 =	vmul.f32 v8, v6;
	v8 =	vld [tilespmem:s31+$0x140];
	[tilespmem:s12+$0xFFFFFE70] =	vst v5  }
0x2ac: {  	[tilespmem:s12+$0x1E0] =	vst v0;
	v0 =	vperm.xlane v20, v60;
	v3 =	vmul.f32 v3, v4;
	v16 =	vld [tilespmem:s31+$0xFFFFFE80]  }
0x2ad: {  	v5 =	vperm.xlane v10, v60;
	v4 =	vld [tilespmem:s31+$0x1F0];
	[tilespmem:s12+$0xFFFFFF00] =	vst v6;
	v1 =	vmul.f32 v7, v1  }
0x2ae: {  	v6 =	vperm.xlane v21, v60;
	v7 =	vld [tilespmem:s31+$0xFFFFFF10];
	[tilespmem:s12+$0xFFFFFF90] =	vst v3;
	v0 =	vmul.f32 v2, v0  }
0x2af: {  	v50 =	vimm.s32 $0x4;
	v2 =	vmul.f32 v14, v5;
	v3 =	vld [tilespmem:s31+$0xFFFFFFA0];
	[tilespmem:s12+$0x20] =	vst v1;
	v5 =	vperm.xlane v11, v61  }
0x2b0: {  	v1 =	vperm.xlane v9, v50;
	v14 =	vld [tilespmem:s31+$0x30];
	[tilespmem:s12+$0xB0] =	vst v0;
	v0 =	vmul.f32 v8, v6  }
0x2b1: {  	[tilespmem:s12+$0xFFFFFDE0] =	vst v2;
	v2 =	vld [tilespmem:s31+$0xC0];
	v5 =	vmul.f32 v16, v5  }
0x2b2: {  	v6 =	vperm.xlane v13, v61;
	v1 =	vmul.f32 v4, v1;
	v8 =	vld [tilespmem:s31+$0xFFFFFDF0];
	[tilespmem:s12+$0x140] =	vst v0  }
0x2b3: {  	v52 =	vld [tilespmem:s29+$0xFFFFFFF0];
	v4 =	vperm.xlane v12, v61;
	v0 =	vperm.xlane v46, v61;
	[tilespmem:s12+$0xFFFFFE80] =	vst v5  }
0x2b4: {  	v6 =	vmul.f32 v7, v6;
	v7 =	vld [tilespmem:s31+$0x150];
	[tilespmem:s12+$0x1F0] =	vst v1;
	v1 =	vperm.xlane v20, v61  }
0x2b5: {  	v5 =	vperm.xlane v10, v61;
	v16 =	vld [tilespmem:s31+$0xFFFFFE90];
	v0 =	vmul.f32 v14, v0  }
0x2b6: {  	v3 =	vmul.f32 v3, v4;
	v4 =	vld [tilespmem:s31+$0x200];
	[tilespmem:s12+$0xFFFFFF10] =	vst v6;
	v1 =	vmul.f32 v2, v1  }
0x2b7: {  	v6 =	vperm.xlane v21, v61;
	v14 =	vld [tilespmem:s31+$0xFFFFFF20];
	v2 =	vmul.f32 v8, v5;
	[tilespmem:s12+$0x30] =	vst v0  }
0x2b8: {  	v63 =	vimm.s32 $0x5;
	v5 =	vperm.xlane v11, v50;
	v8 =	vld [tilespmem:s31+$0x40];
	[tilespmem:s12+$0xC0] =	vst v1  }
0x2b9: {  	v0 =	vperm.xlane v9, v63;
	v1 =	vmul.f32 v7, v6;
	[tilespmem:s12+$0xFFFFFDF0] =	vst v2;
	v2 =	vld [tilespmem:s31+$0xD0]  }
0x2ba: {  	[tilespmem:s12+$0xFFFFFFA0] =	vst v3;
	v6 =	vperm.xlane v13, v50;
	v5 =	vmul.f32 v16, v5;
	v7 =	vld [tilespmem:s31+$0xFFFFFE00]  }
0x2bb: {  	v3 =	vld [tilespmem:s31+$0xFFFFFFB0];
	v0 =	vmul.f32 v4, v0;
	[tilespmem:s12+$0x150] =	vst v1  }
0x2bc: {  	v53 =	vld [tilespmem:s24+$0xFFFFFFF0];
	v1 =	vperm.xlane v46, v50;
	v6 =	vmul.f32 v14, v6;
	[tilespmem:s12+$0xFFFFFE90] =	vst v5  }
0x2bd: {  	v14 =	vld [tilespmem:s31+$0x160];
	v5 =	vperm.xlane v10, v50;
	[tilespmem:s12+$0x200] =	vst v0;
	v0 =	vperm.xlane v20, v50  }
0x2be: {  	v4 =	vperm.xlane v12, v50;
	v1 =	vmul.f32 v8, v1;
	v8 =	vld [tilespmem:s24+$0x30]  }
0x2bf: {  	v0 =	vmul.f32 v2, v0;
	v2 =	vmul.f32 v7, v5;
	v5 =	vld [tilespmem:s29+$0x230]  }
0x2c0: {  	v3 =	vmul.f32 v3, v4;
	v23 =	vld [tilespmem:s31+$0xFFFFFEA0]  }
0x2c1: {  	v4 =	vld [tilespmem:s31+$0x210];
	[tilespmem:s12+$0xFFFFFF20] =	vst v6  }
0x2c2: {  	v6 =	vld [tilespmem:s31+$0xFFFFFF30];
	[tilespmem:s12+$0xFFFFFFB0] =	vst v3  }
0x2c3: {  	v27 =	vperm.xlane v13, v63;
	v24 =	vperm.xlane v21, v50;
	v3 =	vld [tilespmem:s31+$0xFFFFFFC0];
	[tilespmem:s12+$0x40] =	vst v1  }
0x2c4: {  	v29 =	vperm.xlane v12, v63;
	v30 =	vperm.xlane v46, v63;
	v1 =	vld [tilespmem:s31+$0x50];
	v5 =	vadd.f32 v8, v5  }
0x2c5: {  	v7 =	vperm.xlane v11, v63;
	[tilespmem:s12+$0xD0] =	vst v0;
	v14 =	vmul.f32 v14, v24;
	v24 =	vadd.f32 v31, v28;
	v28 =	vld [tilespmem:s24+$0x10]  }
0x2c6: {  	v54 =	vimm.s32 $0x6;
	v47 =	vperm.xlane v20, v63;
	v0 =	vld [tilespmem:s31+$0xE0];
	v55 =	vmul.f32 $2.000000030e-01, v5  }
0x2c7: {  	v26 =	vperm.xlane v10, v63;
	[tilespmem:s12+$0xFFFFFE00] =	vst v2;
	v7 =	vmul.f32 v23, v7;
	v23 =	vld [tilespmem:s24+$0x0];
	vm12 =	vgt.f32 v5, $0.0e+00  }
0x2c8: {  	v2 =	vld [tilespmem:s31+$0xFFFFFE10];
	v6 =	vmul.f32 v6, v27;
	v8 =	vperm.xlane v9, v54;
	v5 =	vsel vm12, v5, v55  }
0x2c9: {  	v27 =	vld [tilespmem:s29+$0x110];
	v3 =	vmul.f32 v3, v29;
	v5 =	vmul.f32 $1.442695020e+00, v5  }
0x2ca: {  	v29 =	vmul.f32 $2.000000030e-01, v24;
	v4 =	vmul.f32 v4, v8;
	v8 =	vld [tilespmem:s29+$0x80]  }
0x2cb: {  	v48 =	vperm.xlane v21, v63;
	v31 =	vld [tilespmem:s29+$0x1A0];
	vm13 =	vgt.f32 v24, $0.0e+00;
	(erf) = vpow2.f32 v5  }
0x2cc: {  	v1 =	vmul.f32 v1, v30;
	v30 =	vadd.f32 v51, v49;
	v24 =	vsel vm13, v24, v29;
	v29 =	vld [tilespmem:s29+$0xFFFFFE40]  }
0x2cd: {  	v0 =	vmul.f32 v0, v47;
	v2 =	vmul.f32 v2, v26;
	v26 =	vld [tilespmem:s24+$0x20]  }
0x2ce: {  	v56 =	vmul.f32 $2.000000030e-01, v30;
	vm14 =	vgt.f32 v30, $0.0e+00;
	v27 =	vadd.f32 v28, v27  }
0x2cf: {  	v5 =	vadd.f32 v53, v52;
	v8 =	vadd.f32 v23, v8;
	v23 =	vmul.f32 $1.442695020e+00, v24  }
0x2d0: {  	[tilespmem:s12+$0xFFFFFFC0] =	vst v3;
	v3 =	vperm.xlane v10, v15;
	vm5 =	vgt.f32 v27, $0.0e+00;
	v24 =	vsel vm14, v30, v56  }
0x2d1: {  	v29 =	vadd.f32 v25, v29;
	v57 =	vmul.f32 $2.000000030e-01, v5;
	(erf) = vpow2.f32 v23  }
0x2d2: {  	[tilespmem:s12+$0xFFFFFEA0] =	vst v7;
	v24 =	vmul.f32 $1.442695020e+00, v24;
	v26 =	vadd.f32 v26, v31;
	vm15 =	vgt.f32 v5, $0.0e+00  }
0x2d3: {  	[tilespmem:s12+$0xFFFFFF30] =	vst v6;
	v28 =	vmul.f32 $2.000000030e-01, v8;
	v23 =	vmul.f32 $2.000000030e-01, v27;
	v5 =	vsel vm15, v5, v57  }
0x2d4: {  	v34 =	vld [tilespmem:s31+$0xFFFFFEB0];
	s24 =	simm.s32 $0x5030;
	[tilespmem:s12+$0x210] =	vst v4;
	vm4 =	vgt.f32 v8, $0.0e+00;
	(erf) = vpow2.f32 v24;
	v4 =	vmul.f32 $1.442695020e+00, v5;
	v25 =	vpop (erf)  }
0x2d5: {  	v35 =	vld [tilespmem:s31+$0xFFFFFF40];
	v5 =	vsel vm4, v8, v28;
	v8 =	vsel vm5, v27, v23;
	v23 =	vmul.f32 $2.000000030e-01, v29;
	[tilespmem:s24+$0x230] =	vst v25  }
0x2d6: {  	[tilespmem:s12+$0x160] =	vst v14;
	vm7 =	vgt.f32 v29, $0.0e+00;
	v27 =	vmul.f32 $2.000000030e-01, v26;
	v5 =	vmul.f32 $1.442695020e+00, v5;
	v24 =	vld [tilespmem:s29+$0x1B0]  }
0x2d7: {  	[tilespmem:s12+$0xFFFFFE10] =	vst v2;
	v28 =	vld [tilespmem:s31+$0x170];
	v2 =	vmul.f32 $1.442695020e+00, v8;
	v8 =	vsel vm7, v29, v23;
	(erf) = vpow2.f32 v4  }
0x2d8: {  	v14 =	vld [tilespmem:s31+$0x220];
	vm6 =	vgt.f32 v26, $0.0e+00;
	v7 =	vmul.f32 $1.442695020e+00, v8;
	(erf) = vpow2.f32 v5  }
0x2d9: {  	[tilespmem:s12+$0x50] =	vst v1;
	v36 =	vld [tilespmem:s31+$0xFFFFFFD0];
	v4 =	vsel vm6, v26, v27;
	(erf) = vpow2.f32 v2;
	v2 =	vperm.xlane v25, v62  }
0x2da: {  	v1 =	vperm.xlane v9, v15;
	[tilespmem:s12+$0xE0] =	vst v0;
	v37 =	vld [tilespmem:s31+$0x60];
	v4 =	vmul.f32 $1.442695020e+00, v4;
	v29 =	vpop (erf)  }
0x2db: {  	v38 =	vld [tilespmem:s31+$0xF0];
	(erf) = vpow2.f32 v7;
	[tilespmem:s24+$0xFFFFFED0] =	vst v29;
	v0 =	vmul.f32 v24, v2  }
0x2dc: {  	v23 =	vld [tilespmem:s31+$0xFFFFFE20];
	(erf) = vpow2.f32 v4;
	[tilespmem:$0x1FEE0] =	vst v3;
	v2 =	vmul.f32 v28, v48  }
0x2dd: {  	v28 =	vmul.f32 v14, v1;
	v1 =	vperm.xlane v12, v15;
	[tilespmem:s24+$0x1B0] =	vst v0  }
0x2de: {  	v3 =	vld [tilespmem:s29+$0xFFFFFE50];
	[tilespmem:s12+$0x170] =	vst v2  }
0x2df: {  	v33 =	vpop (erf);
	v0 =	vld [tilespmem:s29+$0x1C0];
	[tilespmem:$0x1FEF0] =	vst v1;
	v1 =	vperm.xlane v20, v15  }
0x2e0: {  	[tilespmem:s24+$0xFFFFFF60] =	vst v33  }
0x2e1: {  	v18 =	vperm.xlane v12, v54;
	v19 =	vperm.xlane v46, v54;
	v32 =	vpop (erf);
	v39 =	vld [tilespmem:s31+$0x180];
	[tilespmem:$0x1FF00] =	vst v1  }
0x2e2: {  	v30 =	vperm.xlane v21, v54;
	v31 =	vperm.xlane v20, v54;
	v24 =	vpop (erf);
	v1 =	vld [tilespmem:s29+$0xFFFFFEE0];
	[tilespmem:s24+$0xFFFFFFF0] =	vst v32  }
0x2e3: {  	v5 =	vperm.xlane v25, v59;
	v14 =	vperm.xlane v46, v15;
	v26 =	vpop (erf);
	[tilespmem:s24+$0x80] =	vst v24;
	v4 =	vld [tilespmem:s29+$0xFFFFFF70]  }
0x2e4: {  	v12 =	vperm.xlane v21, v15;
	v2 =	vperm.xlane v29, v62;
	v40 =	vpop (erf);
	[tilespmem:s24+$0x110] =	vst v26;
	v8 =	vld [tilespmem:s29+$0x0]  }
0x2e5: {  	v20 =	vperm.xlane v33, v62;
	v27 =	vpop (erf);
	[tilespmem:s24+$0xFFFFFE40] =	vst v40;
	v21 =	vld [tilespmem:s29+$0x90];
	v0 =	vmul.f32 v0, v5  }
0x2e6: {  	v2 =	vmul.f32 v3, v2;
	v3 =	vperm.xlane v32, v62;
	[tilespmem:s24+$0x1A0] =	vst v27;
	v5 =	vld [tilespmem:s29+$0xFFFFFDC0]  }
0x2e7: {  	v58 =	vperm.xlane v24, v62;
	[tilespmem:s24+$0x1C0] =	vst v0;
	v1 =	vmul.f32 v1, v20;
	v20 =	vld [tilespmem:s29+$0x120]  }
0x2e8: {  	[tilespmem:s24+$0xFFFFFE50] =	vst v2;
	v0 =	vperm.xlane v26, v62;
	v2 =	vmul.f32 v4, v3;
	v3 =	vld [tilespmem:s29+$0x1D0]  }
0x2e9: {  	v45 =	vld [tilespmem:s29+$0xFFFFFE60];
	v4 =	vperm.xlane v40, v62;
	[tilespmem:s24+$0xFFFFFEE0] =	vst v1;
	v1 =	vmul.f32 v8, v58  }
0x2ea: {  	v0 =	vmul.f32 v21, v0;
	v8 =	vperm.xlane v27, v62;
	v46 =	vld [tilespmem:s29+$0xFFFFFEF0];
	[tilespmem:s24+$0xFFFFFF70] =	vst v2  }
0x2eb: {  	v2 =	vmul.f32 v5, v4;
	v4 =	vld [tilespmem:s29+$0xFFFFFF80];
	[tilespmem:s24+$0x0] =	vst v1;
	v1 =	vperm.xlane v25, v60  }
0x2ec: {  	v6 =	vperm.xlane v29, v59;
	[tilespmem:s24+$0x90] =	vst v0;
	v21 =	vld [tilespmem:s29+$0x10];
	v0 =	vmul.f32 v20, v8  }
0x2ed: {  	v8 =	vperm.xlane v33, v59;
	[tilespmem:s24+$0xFFFFFDC0] =	vst v2;
	v2 =	vld [tilespmem:s29+$0xA0];
	v1 =	vmul.f32 v3, v1  }
0x2ee: {  	v6 =	vmul.f32 v45, v6;
	v3 =	vperm.xlane v32, v59;
	v20 =	vld [tilespmem:s29+$0xFFFFFDD0];
	[tilespmem:s24+$0x120] =	vst v0  }
0x2ef: {  	v0 =	vperm.xlane v24, v59;
	v8 =	vmul.f32 v46, v8;
	v47 =	vld [tilespmem:s29+$0x130];
	[tilespmem:s24+$0x1D0] =	vst v1  }
0x2f0: {  	[tilespmem:s24+$0xFFFFFE60] =	vst v6;
	v1 =	vperm.xlane v26, v59;
	v3 =	vmul.f32 v4, v3;
	v4 =	vld [tilespmem:s29+$0x1E0]  }
0x2f1: {  	v6 =	vperm.xlane v40, v59;
	v48 =	vld [tilespmem:s29+$0xFFFFFE70];
	[tilespmem:s24+$0xFFFFFEF0] =	vst v8;
	v0 =	vmul.f32 v21, v0  }
0x2f2: {  	v8 =	vperm.xlane v27, v59;
	v1 =	vmul.f32 v2, v1;
	v21 =	vld [tilespmem:s29+$0xFFFFFF00];
	[tilespmem:s24+$0xFFFFFF80] =	vst v3  }
0x2f3: {  	v2 =	vmul.f32 v20, v6;
	v3 =	vld [tilespmem:s29+$0xFFFFFF90];
	[tilespmem:s24+$0x10] =	vst v0;
	v0 =	vperm.xlane v25, v61  }
0x2f4: {  	v7 =	vperm.xlane v29, v60;
	[tilespmem:s24+$0xA0] =	vst v1;
	v20 =	vld [tilespmem:s29+$0x20];
	v1 =	vmul.f32 v47, v8  }
0x2f5: {  	v8 =	vperm.xlane v33, v60;
	[tilespmem:s24+$0xFFFFFDD0] =	vst v2;
	v2 =	vld [tilespmem:s29+$0xB0];
	v0 =	vmul.f32 v4, v0  }
0x2f6: {  	v7 =	vmul.f32 v48, v7;
	v4 =	vperm.xlane v32, v60;
	v49 =	vld [tilespmem:s29+$0xFFFFFDE0];
	[tilespmem:s24+$0x130] =	vst v1  }
0x2f7: {  	v1 =	vperm.xlane v24, v60;
	v8 =	vmul.f32 v21, v8;
	v21 =	vld [tilespmem:s29+$0x140];
	[tilespmem:s24+$0x1E0] =	vst v0  }
0x2f8: {  	[tilespmem:s24+$0xFFFFFE70] =	vst v7;
	v0 =	vperm.xlane v26, v60;
	v3 =	vmul.f32 v3, v4;
	v4 =	vld [tilespmem:s29+$0x1F0]  }
0x2f9: {  	v7 =	vperm.xlane v40, v60;
	v51 =	vld [tilespmem:s29+$0xFFFFFE80];
	[tilespmem:s24+$0xFFFFFF00] =	vst v8;
	v1 =	vmul.f32 v20, v1  }
0x2fa: {  	v8 =	vperm.xlane v27, v60;
	v0 =	vmul.f32 v2, v0;
	v20 =	vld [tilespmem:s29+$0xFFFFFF10];
	[tilespmem:s24+$0xFFFFFF90] =	vst v3  }
0x2fb: {  	v2 =	vmul.f32 v49, v7;
	v3 =	vld [tilespmem:s29+$0xFFFFFFA0];
	[tilespmem:s24+$0x20] =	vst v1;
	v1 =	vperm.xlane v25, v50  }
0x2fc: {  	v5 =	vperm.xlane v29, v61;
	[tilespmem:s24+$0xB0] =	vst v0;
	v52 =	vld [tilespmem:s29+$0x30];
	v0 =	vmul.f32 v21, v8  }
0x2fd: {  	v8 =	vperm.xlane v33, v61;
	[tilespmem:s24+$0xFFFFFDE0] =	vst v2;
	v2 =	vld [tilespmem:s29+$0xC0];
	v1 =	vmul.f32 v4, v1  }
0x2fe: {  	v5 =	vmul.f32 v51, v5;
	v4 =	vperm.xlane v32, v61;
	v21 =	vld [tilespmem:s29+$0xFFFFFDF0];
	[tilespmem:s24+$0x140] =	vst v0  }
0x2ff: {  	v0 =	vperm.xlane v24, v61;
	v8 =	vmul.f32 v20, v8;
	v20 =	vld [tilespmem:s29+$0x150];
	[tilespmem:s24+$0x1F0] =	vst v1  }
0x300: {  	[tilespmem:s24+$0xFFFFFE80] =	vst v5;
	v1 =	vperm.xlane v26, v61;
	v3 =	vmul.f32 v3, v4;
	v4 =	vld [tilespmem:s29+$0x200]  }
0x301: {  	v5 =	vperm.xlane v40, v61;
	[tilespmem:s24+$0xFFFFFF10] =	vst v8;
	v0 =	vmul.f32 v52, v0  }
0x302: {  	v53 =	vld [tilespmem:s29+$0xFFFFFE90];
	v8 =	vperm.xlane v27, v61;
	v1 =	vmul.f32 v2, v1;
	[tilespmem:s24+$0xFFFFFFA0] =	vst v3  }
0x303: {  	v2 =	vmul.f32 v21, v5;
	v3 =	vld [tilespmem:s29+$0xFFFFFFB0];
	[tilespmem:s24+$0x30] =	vst v0;
	v0 =	vperm.xlane v25, v63  }
0x304: {  	[tilespmem:s24+$0xC0] =	vst v1;
	v5 =	vld [tilespmem:s29+$0x40];
	v1 =	vmul.f32 v20, v8  }
0x305: {  	v6 =	vperm.xlane v29, v50;
	v55 =	vld [tilespmem:s29+$0xFFFFFF20];
	[tilespmem:s24+$0xFFFFFDF0] =	vst v2;
	v0 =	vmul.f32 v4, v0  }
0x306: {  	v4 =	vperm.xlane v32, v50;
	[tilespmem:s24+$0x150] =	vst v1  }
0x307: {  	v6 =	vmul.f32 v53, v6;
	v2 =	vld [tilespmem:s29+$0xD0];
	v1 =	vperm.xlane v24, v50;
	[tilespmem:s24+$0x200] =	vst v0  }
0x308: {  	v8 =	vperm.xlane v33, v50;
	v3 =	vmul.f32 v3, v4;
	v4 =	vld [tilespmem:s29+$0x210]  }
0x309: {  	s22 =	simm.s32 $0x22B0;
	v20 =	vld [tilespmem:s29+$0xFFFFFE00];
	v1 =	vmul.f32 v5, v1  }
0x30a: {  	v57 =	vld [tilespmem:s22+$0x230];
	[tilespmem:s24+$0xFFFFFE90] =	vst v6;
	v8 =	vmul.f32 v55, v8;
	v0 =	vperm.xlane v26, v50  }
0x30b: {  	v56 =	vld [tilespmem:s29+$0xFFFFFEA0];
	[tilespmem:s24+$0x40] =	vst v1;
	v1 =	vperm.xlane v25, v54  }
0x30c: {  	v6 =	vperm.xlane v40, v50;
	v42 =	vld [tilespmem:s29+$0x160];
	[tilespmem:s24+$0xFFFFFF20] =	vst v8;
	v0 =	vmul.f32 v2, v0  }
0x30d: {  	v8 =	vld [tilespmem:s29+$0xFFFFFF30];
	[tilespmem:s24+$0xFFFFFFB0] =	vst v3;
	v1 =	vmul.f32 v4, v1  }
0x30e: {  	v2 =	vmul.f32 v20, v6;
	v3 =	vld [tilespmem:s29+$0xFFFFFFC0];
	[tilespmem:s24+$0xD0] =	vst v0  }
0x30f: {  	v45 =	vld [tilespmem:s29+$0x50];
	[tilespmem:s24+$0x210] =	vst v1;
	v1 =	vperm.xlane v33, v54  }
0x310: {  	v9 =	vperm.xlane v32, v54;
	[tilespmem:s24+$0xFFFFFE00] =	vst v2;
	v2 =	vld [tilespmem:s29+$0xE0]  }
0x311: {  	v48 =	vld [tilespmem:s29+$0xFFFFFE10];
	[tilespmem:$0x1FF50] =	vst v1  }
0x312: {  	s14 =	simm.s32 $0x31B0;
	v6 =	vperm.xlane v27, v50;
	v1 =	vld [tilespmem:s29+$0x220];
	[tilespmem:$0x1FF10] =	vst v9;
	v9 =	vperm.xlane v27, v54  }
0x313: {  	v17 =	vperm.xlane v13, v54;
	v16 =	vperm.xlane v11, v54;
	v58 =	vld [tilespmem:s14+$0x30]  }
0x314: {  	v44 =	vperm.xlane v40, v63;
	v6 =	vmul.f32 v42, v6;
	v42 =	vld [tilespmem:s14+$0xFFFFFFC0];
	[tilespmem:$0x1FF20] =	vst v9  }
0x315: {  	v46 =	vperm.xlane v24, v63;
	v53 =	vmul.f32 v34, v16;
	v34 =	vld [tilespmem:s22+$0xFFFFFED0]  }
0x316: {  	v55 =	vmul.f32 v35, v17;
	v0 =	vperm.xlane v33, v63;
	v17 =	vld [tilespmem:s14+$0xFFFFFFD0]  }
0x317: {  	v7 =	vperm.xlane v29, v63;
	v4 =	vperm.xlane v32, v63;
	v35 =	vld [tilespmem:s22+$0xFFFFFF60]  }
0x318: {  	v0 =	vmul.f32 v8, v0;
	v8 =	vmul.f32 v36, v18;
	v36 =	vld [tilespmem:s14+$0xFFFFFFE0]  }
0x319: {  	v47 =	vmul.f32 v38, v31;
	v49 =	vperm.xlane v26, v63;
	v31 =	vld [tilespmem:s22+$0xFFFFFFF0]  }
0x31a: {  	v7 =	vmul.f32 v56, v7;
	v3 =	vmul.f32 v3, v4;
	v56 =	vld [tilespmem:s14+$0xFFFFFFF0]  }
0x31b: {  	v4 =	vmul.f32 v37, v19;
	v37 =	vmul.f32 v45, v46;
	v46 =	vld [tilespmem:s22+$0x1A0]  }
0x31c: {  	v43 =	vmul.f32 v39, v30;
	v30 =	vmul.f32 v48, v44;
	v48 =	vld [tilespmem:s14+$0x20]  }
0x31d: {  	v25 =	vperm.xlane v25, v15;
	v2 =	vmul.f32 v2, v49;
	v49 =	vld [tilespmem:s22+$0xFFFFFE40]  }
0x31e: {  	v22 =	vperm.xlane v10, v54;
	v44 =	vld [tilespmem:s22+$0x110]  }
0x31f: {  	v10 =	vperm.xlane v29, v54;
	v1 =	vmul.f32 v1, v25;
	v25 =	vld [tilespmem:s14+$0x10];
	v18 =	vadd.f32 v58, v57  }
0x320: {  	v5 =	vmul.f32 v23, v22;
	v22 =	vperm.xlane v29, v15;
	v57 =	vld [tilespmem:s22+$0x80];
	v29 =	vadd.f32 v17, v34  }
0x321: {  	[tilespmem:s24+$0xFFFFFE10] =	vst v30;
	v58 =	vld [tilespmem:s14+$0x0];
	v19 =	vmul.f32 $2.000000030e-01, v18;
	v35 =	vadd.f32 v36, v35;
	v31 =	vadd.f32 v56, v31  }
0x322: {  	[tilespmem:s24+$0xFFFFFFC0] =	vst v3;
	vm8 =	vgt.f32 v18, $0.0e+00;
	v3 =	vadd.f32 v48, v46;
	v30 =	vadd.f32 v42, v49  }
0x323: {  	v18 =	vsel vm8, v18, v19;
	v45 =	vmul.f32 $2.000000030e-01, v29;
	vm9 =	vgt.f32 v29, $0.0e+00  }
0x324: {  	[tilespmem:s12+$0x220] =	vst v28;
	v28 =	vmul.f32 $2.000000030e-01, v35;
	vm10 =	vgt.f32 v35, $0.0e+00;
	vm11 =	vgt.f32 v31, $0.0e+00  }
0x325: {  	[tilespmem:s24+$0x160] =	vst v6;
	v6 =	vmul.f32 $2.000000030e-01, v31;
	v25 =	vadd.f32 v25, v44;
	v17 =	vmul.f32 $1.442695020e+00, v18  }
0x326: {  	[tilespmem:s24+$0xE0] =	vst v2;
	v2 =	vmul.f32 $2.000000030e-01, v3;
	v52 =	vadd.f32 v58, v57;
	v29 =	vsel vm9, v29, v45  }
0x327: {  	[tilespmem:s24+$0xFFFFFEA0] =	vst v7;
	vm14 =	vgt.f32 v3, $0.0e+00;
	(erf) = vpow2.f32 v17;
	v7 =	vmul.f32 $1.442695020e+00, v29  }
0x328: {  	v28 =	vsel vm10, v35, v28;
	v6 =	vsel vm11, v31, v6;
	v29 =	vmul.f32 $2.000000030e-01, v52  }
0x329: {  	[tilespmem:s24+$0xFFFFFF30] =	vst v0;
	v0 =	vld [tilespmem:s29+$0xFFFFFE20];
	vm13 =	vgt.f32 v25, $0.0e+00;
	(erf) = vpow2.f32 v7;
	v7 =	vmul.f32 $2.000000030e-01, v25  }
0x32a: {  	[tilespmem:s24+$0x50] =	vst v37;
	v9 =	vld [tilespmem:s29+$0xFFFFFEB0];
	vm12 =	vgt.f32 v52, $0.0e+00;
	v28 =	vmul.f32 $1.442695020e+00, v28;
	v6 =	vmul.f32 $1.442695020e+00, v6  }
0x32b: {  	v38 =	vld [tilespmem:s29+$0x60];
	v29 =	vsel vm12, v52, v29;
	v7 =	vsel vm13, v25, v7;
	v25 =	vmul.f32 $2.000000030e-01, v30  }
0x32c: {  	v39 =	vld [tilespmem:s29+$0xF0];
	vm15 =	vgt.f32 v30, $0.0e+00;
	v29 =	vmul.f32 $1.442695020e+00, v29;
	(erf) = vpow2.f32 v28  }
0x32d: {  	[tilespmem:s12+$0xFFFFFE20] =	vst v5;
	v56 =	vld [tilespmem:s29+$0x170];
	(erf) = vpow2.f32 v6;
	v5 =	vmul.f32 $1.442695020e+00, v7;
	v7 =	vsel vm15, v30, v25  }
0x32e: {  	[tilespmem:s24+$0x220] =	vst v1;
	v49 =	vld [tilespmem:s29+$0xFFFFFF40];
	v1 =	vsel vm14, v3, v2;
	(erf) = vpow2.f32 v29;
	v2 =	vmul.f32 $1.442695020e+00, v7  }
0x32f: {  	[tilespmem:s12+$0xFFFFFEB0] =	vst v53;
	v35 =	vld [tilespmem:s29+$0xFFFFFFD0];
	(erf) = vpow2.f32 v5  }
0x330: {  	s0 =	simm.s32 $0x54B0;
	[tilespmem:s12+$0xFFFFFF40] =	vst v55;
	v29 =	vld [tilespmem:s31+$0xFFFFFE30];
	v34 =	vpop (erf);
	(erf) = vpow2.f32 v2;
	v2 =	vperm.xlane v24, v15  }
0x331: {  	v30 =	vld [tilespmem:s31+$0xFFFFFEC0];
	[tilespmem:s0+$0x230] =	vst v34  }
0x332: {  	v57 =	vld [tilespmem:s22+$0x1B0];
	[tilespmem:$0x1FF30] =	vst v2  }
0x333: {  	v2 =	vperm.xlane v27, v15;
	[tilespmem:s12+$0xFFFFFFD0] =	vst v8  }
0x334: {  	v1 =	vmul.f32 $1.442695020e+00, v1;
	v31 =	vld [tilespmem:s31+$0xFFFFFF50];
	[tilespmem:s12+$0x60] =	vst v4  }
0x335: {  	v20 =	vperm.xlane v33, v15;
	v3 =	vperm.xlane v34, v62;
	v28 =	vpop (erf);
	v33 =	vld [tilespmem:s31+$0xFFFFFFE0];
	[tilespmem:$0x1FF40] =	vst v2  }
0x336: {  	(erf) = vpow2.f32 v1;
	v36 =	vpop (erf);
	[tilespmem:s0+$0xFFFFFED0] =	vst v28  }
0x337: {  	v37 =	vpop (erf);
	[tilespmem:s0+$0xFFFFFF60] =	vst v36;
	v1 =	vmul.f32 v57, v3  }
0x338: {  	v13 =	vperm.xlane v13, v15;
	v51 =	vperm.xlane v27, v63;
	[tilespmem:s0+$0xFFFFFFF0] =	vst v37  }
0x339: {  	v11 =	vperm.xlane v11, v15;
	v41 =	vperm.xlane v40, v54;
	v4 =	vld [tilespmem:s22+$0xFFFFFE50];
	[tilespmem:s0+$0x1B0] =	vst v1  }
0x33a: {  	v16 =	vperm.xlane v40, v15;
	v2 =	vmul.f32 v56, v51;
	[tilespmem:s12+$0xF0] =	vst v47;
	v6 =	vld [tilespmem:s22+$0x1C0]  }
0x33b: {  	v21 =	vperm.xlane v24, v54;
	v23 =	vperm.xlane v26, v54;
	[tilespmem:s12+$0x180] =	vst v43  }
0x33c: {  	v46 =	vmul.f32 v0, v41;
	v40 =	vpop (erf);
	[tilespmem:s24+$0x170] =	vst v2;
	v0 =	vld [tilespmem:s22+$0xFFFFFEE0];
	v3 =	vperm.xlane v28, v62  }
0x33d: {  	v26 =	vperm.xlane v26, v15;
	v58 =	vperm.xlane v34, v59;
	v8 =	vld [tilespmem:s22+$0xFFFFFF70];
	[tilespmem:s0+$0x80] =	vst v40;
	v41 =	vpop (erf)  }
0x33e: {  	v19 =	vperm.xlane v32, v15;
	[tilespmem:s0+$0x110] =	vst v41;
	v44 =	vpop (erf);
	v3 =	vmul.f32 v4, v3;
	v4 =	vld [tilespmem:s22+$0x0]  }
0x33f: {  	v7 =	vperm.xlane v36, v62;
	v53 =	vld [tilespmem:s22+$0x90];
	[tilespmem:s0+$0xFFFFFE40] =	vst v44;
	v42 =	vpop (erf);
	v6 =	vmul.f32 v6, v58  }
0x340: {  	v5 =	vperm.xlane v28, v59;
	v52 =	vperm.xlane v37, v62;
	[tilespmem:s0+$0x1A0] =	vst v42;
	v58 =	vld [tilespmem:s22+$0xFFFFFDC0]  }
0x341: {  	v56 =	vperm.xlane v40, v62;
	v0 =	vmul.f32 v0, v7;
	[tilespmem:s0+$0x1C0] =	vst v6;
	v6 =	vld [tilespmem:s22+$0x120]  }
0x342: {  	v7 =	vperm.xlane v41, v62;
	v8 =	vmul.f32 v8, v52;
	[tilespmem:s0+$0xFFFFFE50] =	vst v3;
	v52 =	vld [tilespmem:s22+$0x1D0]  }
0x343: {  	v3 =	vperm.xlane v44, v62;
	[tilespmem:s0+$0xFFFFFEE0] =	vst v0;
	v4 =	vmul.f32 v4, v56;
	v56 =	vld [tilespmem:s22+$0xFFFFFE60]  }
0x344: {  	[tilespmem:s0+$0xFFFFFF70] =	vst v8;
	v8 =	vperm.xlane v42, v62;
	v7 =	vmul.f32 v53, v7;
	v53 =	vld [tilespmem:s22+$0xFFFFFEF0]  }
0x345: {  	v62 =	vld [tilespmem:s22+$0xFFFFFF80];
	[tilespmem:s0+$0x0] =	vst v4;
	v4 =	vperm.xlane v34, v60;
	v3 =	vmul.f32 v58, v3  }
0x346: {  	v48 =	vperm.xlane v28, v50;
	[tilespmem:s0+$0x90] =	vst v7;
	v6 =	vmul.f32 v6, v8;
	v8 =	vld [tilespmem:s22+$0x10]  }
0x347: {  	v51 =	vperm.xlane v36, v59;
	[tilespmem:s0+$0xFFFFFDC0] =	vst v3;
	v4 =	vmul.f32 v52, v4;
	v52 =	vld [tilespmem:s22+$0xA0]  }
0x348: {  	v57 =	vperm.xlane v37, v59;
	v5 =	vmul.f32 v56, v5;
	[tilespmem:s0+$0x120] =	vst v6;
	v6 =	vld [tilespmem:s22+$0xFFFFFDD0]  }
0x349: {  	v7 =	vperm.xlane v40, v59;
	v51 =	vmul.f32 v53, v51;
	[tilespmem:s0+$0x1D0] =	vst v4;
	v4 =	vld [tilespmem:s22+$0x130]  }
0x34a: {  	v57 =	vmul.f32 v62, v57;
	v3 =	vperm.xlane v41, v59;
	[tilespmem:s0+$0xFFFFFE60] =	vst v5;
	v62 =	vld [tilespmem:s22+$0x1E0]  }
0x34b: {  	v0 =	vperm.xlane v44, v59;
	[tilespmem:s0+$0xFFFFFEF0] =	vst v51;
	v7 =	vmul.f32 v8, v7;
	v8 =	vld [tilespmem:s22+$0xFFFFFE70]  }
0x34c: {  	v56 =	vperm.xlane v42, v59;
	[tilespmem:s0+$0xFFFFFF80] =	vst v57;
	v3 =	vmul.f32 v52, v3;
	v52 =	vld [tilespmem:s22+$0xFFFFFF00]  }
0x34d: {  	v0 =	vmul.f32 v6, v0;
	v6 =	vld [tilespmem:s22+$0xFFFFFF90];
	[tilespmem:s0+$0x10] =	vst v7;
	v7 =	vperm.xlane v34, v61  }
0x34e: {  	v1 =	vperm.xlane v28, v60;
	[tilespmem:s0+$0xA0] =	vst v3;
	v4 =	vmul.f32 v4, v56;
	v56 =	vld [tilespmem:s22+$0x20]  }
0x34f: {  	v5 =	vperm.xlane v36, v60;
	[tilespmem:s0+$0xFFFFFDD0] =	vst v0;
	v7 =	vmul.f32 v62, v7;
	v62 =	vld [tilespmem:s22+$0xB0]  }
0x350: {  	v51 =	vperm.xlane v37, v60;
	v1 =	vmul.f32 v8, v1;
	[tilespmem:s0+$0x130] =	vst v4;
	v4 =	vld [tilespmem:s22+$0xFFFFFDE0]  }
0x351: {  	v57 =	vperm.xlane v40, v60;
	v5 =	vmul.f32 v52, v5;
	[tilespmem:s0+$0x1E0] =	vst v7;
	v7 =	vld [tilespmem:s22+$0x140]  }
0x352: {  	v3 =	vperm.xlane v41, v60;
	[tilespmem:s0+$0xFFFFFE70] =	vst v1;
	v6 =	vmul.f32 v6, v51;
	v51 =	vld [tilespmem:s22+$0x1F0]  }
0x353: {  	v53 =	vperm.xlane v44, v60;
	[tilespmem:s0+$0xFFFFFF00] =	vst v5;
	v56 =	vmul.f32 v56, v57;
	v57 =	vld [tilespmem:s22+$0xFFFFFE80]  }
0x354: {  	v0 =	vperm.xlane v42, v60;
	[tilespmem:s0+$0xFFFFFF90] =	vst v6;
	v3 =	vmul.f32 v62, v3;
	v60 =	vld [tilespmem:s22+$0xFFFFFF10]  }
0x355: {  	v62 =	vperm.xlane v34, v50;
	v4 =	vmul.f32 v4, v53;
	v53 =	vld [tilespmem:s22+$0xFFFFFFA0];
	[tilespmem:s0+$0x20] =	vst v56  }
0x356: {  	v2 =	vperm.xlane v28, v61;
	[tilespmem:s0+$0xB0] =	vst v3;
	v0 =	vmul.f32 v7, v0;
	v7 =	vld [tilespmem:s22+$0x30]  }
0x357: {  	v52 =	vperm.xlane v36, v61;
	[tilespmem:s0+$0xFFFFFDE0] =	vst v4;
	v51 =	vmul.f32 v51, v62;
	v56 =	vld [tilespmem:s22+$0xC0]  }
0x358: {  	v1 =	vperm.xlane v37, v61;
	v2 =	vmul.f32 v57, v2;
	[tilespmem:s0+$0x140] =	vst v0;
	v0 =	vld [tilespmem:s22+$0xFFFFFDF0]  }
0x359: {  	v5 =	vperm.xlane v40, v61;
	v52 =	vmul.f32 v60, v52;
	[tilespmem:s0+$0x1F0] =	vst v51;
	v51 =	vld [tilespmem:s22+$0x150]  }
0x35a: {  	v6 =	vperm.xlane v41, v61;
	[tilespmem:s0+$0xFFFFFE80] =	vst v2;
	v1 =	vmul.f32 v53, v1;
	v53 =	vld [tilespmem:s22+$0x200]  }
0x35b: {  	v8 =	vperm.xlane v44, v61;
	[tilespmem:s0+$0xFFFFFF10] =	vst v52;
	v5 =	vmul.f32 v7, v5;
	v7 =	vld [tilespmem:s22+$0xFFFFFE90]  }
0x35c: {  	v3 =	vperm.xlane v42, v61;
	[tilespmem:s0+$0xFFFFFFA0] =	vst v1;
	v6 =	vmul.f32 v56, v6;
	v52 =	vld [tilespmem:s22+$0xFFFFFF20]  }
0x35d: {  	v0 =	vmul.f32 v0, v8;
	v8 =	vld [tilespmem:s22+$0xFFFFFFB0];
	[tilespmem:s0+$0x30] =	vst v5;
	v5 =	vperm.xlane v34, v63  }
0x35e: {  	v55 =	vperm.xlane v28, v63;
	[tilespmem:s0+$0xC0] =	vst v6;
	v3 =	vmul.f32 v51, v3;
	v6 =	vld [tilespmem:s22+$0x40]  }
0x35f: {  	v57 =	vperm.xlane v36, v50;
	[tilespmem:s0+$0xFFFFFDF0] =	vst v0;
	v0 =	vmul.f32 v53, v5;
	v5 =	vld [tilespmem:s22+$0xD0]  }
0x360: {  	v61 =	vperm.xlane v37, v50;
	v7 =	vmul.f32 v7, v48;
	[tilespmem:s0+$0x150] =	vst v3;
	v3 =	vld [tilespmem:s22+$0xFFFFFE00]  }
0x361: {  	v2 =	vperm.xlane v40, v50;
	v53 =	vmul.f32 v52, v57;
	[tilespmem:s0+$0x200] =	vst v0;
	v0 =	vld [tilespmem:s22+$0x160]  }
0x362: {  	v62 =	vperm.xlane v41, v50;
	v8 =	vmul.f32 v8, v61;
	[tilespmem:s0+$0xFFFFFE90] =	vst v7  }
0x363: {  	v32 =	vld [tilespmem:s31+$0x70];
	v4 =	vperm.xlane v44, v50;
	v6 =	vmul.f32 v6, v2;
	[tilespmem:s0+$0xFFFFFF20] =	vst v53  }
0x364: {  	v47 =	vld [tilespmem:s31+$0x190];
	v1 =	vperm.xlane v42, v50;
	v5 =	vmul.f32 v5, v62;
	[tilespmem:s0+$0xFFFFFFB0] =	vst v8  }
0x365: {  	v27 =	vperm.xlane v28, v54;
	v45 =	vld [tilespmem:s29+$0x180];
	v53 =	vmul.f32 v3, v4;
	[tilespmem:s0+$0x40] =	vst v6  }
0x366: {  	v43 =	vperm.xlane v36, v54;
	v48 =	vld [tilespmem:s31+$0x100];
	v8 =	vmul.f32 v0, v1;
	[tilespmem:s0+$0xD0] =	vst v5  }
0x367: {  	v58 =	vperm.xlane v36, v63;
	v59 =	vperm.xlane v37, v63;
	v61 =	vld [tilespmem:s22+$0x210];
	[tilespmem:s0+$0xFFFFFE00] =	vst v53  }
0x368: {  	v60 =	vperm.xlane v41, v63;
	v56 =	vperm.xlane v44, v63;
	v7 =	vld [tilespmem:s22+$0xFFFFFEA0];
	[tilespmem:s0+$0x160] =	vst v8  }
0x369: {  	v50 =	vmul.f32 v9, v10;
	v51 =	vperm.xlane v44, v54;
	v5 =	vld [tilespmem:$0x1FF50]  }
0x36a: {  	v57 =	vperm.xlane v40, v63;
	v2 =	vld [tilespmem:s22+$0xFFFFFF30];
	v3 =	vperm.xlane v34, v54  }
0x36b: {  	v52 =	vperm.xlane v42, v63;
	v63 =	vperm.xlane v40, v54;
	v0 =	vld [tilespmem:s22+$0x50]  }
0x36c: {  	v62 =	vperm.xlane v37, v54;
	v4 =	vmul.f32 v61, v3;
	v3 =	vld [tilespmem:s22+$0xFFFFFFC0]  }
0x36d: {  	v61 =	vperm.xlane v41, v54;
	v1 =	vld [tilespmem:s22+$0xE0];
	v53 =	vmul.f32 v7, v55  }
0x36e: {  	s21 =	simm.s32 $0x2730;
	s31 =	simm.s32 $0x10;
	v55 =	vperm.xlane v42, v54;
	v54 =	vld [tilespmem:s22+$0xFFFFFE10];
	v49 =	vmul.f32 v49, v5  }
.LBB2_10:
0x36f: {  	_ = 	snop  }
0x370: {  	v5 =	vld [tilespmem:s21+$0x230];
	[tilespmem:s0+$0x210] =	vst v4  }
0x371: {  	v4 =	vld [tilespmem:$0x1FF10];
	v6 =	vmov v62;
	[tilespmem:s0+$0xFFFFFEA0] =	vst v53  }
0x372: {  	[tilespmem:$0x1FF10] =	vst v6;
	v6 =	vld [tilespmem:s22+$0x220]  }
0x373: {  	s14 =	sadd.s32 $0x80, s14;
	v30 =	vmul.f32 v30, v11;
	v9 =	vmov v55;
	v55 =	vld [tilespmem:s21+$0xFFFFFED0]  }
0x374: {  	v2 =	vmul.f32 v2, v58;
	v58 =	vld [tilespmem:s14+$0xFFFFFFD0];
	[tilespmem:s24+$0xFFFFFEB0] =	vst v50  }
0x375: {  	v8 =	vld [tilespmem:s14+$0x30];
	v3 =	vmul.f32 v3, v59;
	[tilespmem:s12+$0xFFFFFEC0] =	vst v30  }
0x376: {  	v0 =	vmul.f32 v0, v57;
	v57 =	vmul.f32 v54, v56;
	v56 =	vld [tilespmem:s21+$0x1A0];
	[tilespmem:s0+$0xFFFFFF30] =	vst v2  }
0x377: {  	v4 =	vmul.f32 v35, v4;
	v35 =	vld [tilespmem:s14+$0xFFFFFFC0];
	[tilespmem:s0+$0xFFFFFFC0] =	vst v3  }
0x378: {  	v1 =	vmul.f32 v1, v60;
	v3 =	vld [tilespmem:$0x1FF20];
	[tilespmem:$0x1FF20] =	vst v9  }
0x379: {  	[tilespmem:s0+$0x50] =	vst v0;
	v9 =	vld [tilespmem:$0x1FEE0]  }
0x37a: {  	[tilespmem:s0+$0xE0] =	vst v1;
	v1 =	vld [tilespmem:s21+$0xFFFFFF60]  }
0x37b: {  	v7 =	vmul.f32 v38, v21;
	v0 =	vperm.xlane v34, v15;
	[tilespmem:s0+$0xFFFFFE10] =	vst v57;
	v60 =	vld [tilespmem:s21+$0xFFFFFFF0]  }
0x37c: {  	v44 =	vperm.xlane v44, v15;
	[tilespmem:s24+$0xFFFFFE20] =	vst v46;
	v50 =	vld [tilespmem:s21+$0x80]  }
0x37d: {  	v28 =	vperm.xlane v28, v15;
	v5 =	vadd.f32 v8, v5;
	v53 =	vld [tilespmem:s14+$0x0];
	[tilespmem:s24+$0x60] =	vst v7;
	v0 =	vmul.f32 v6, v0  }
0x37e: {  	v36 =	vperm.xlane v36, v15;
	v10 =	vmov v61;
	v61 =	vperm.xlane v41, v15;
	v6 =	vld [tilespmem:s14+$0xFFFFFFE0];
	[tilespmem:s24+$0xFFFFFF40] =	vst v49  }
0x37f: {  	v25 =	vmov v63;
	v62 =	vperm.xlane v42, v15;
	v7 =	vld [tilespmem:s14+$0x10];
	v63 =	vmul.f32 $2.000000030e-01, v5;
	[tilespmem:s0+$0x220] =	vst v0  }
0x380: {  	v0 =	vld [tilespmem:s14+$0xFFFFFFF0];
	[tilespmem:s24+$0xFFFFFFD0] =	vst v4;
	v4 =	vmul.f32 v31, v13;
	v29 =	vmul.f32 v29, v9;
	v9 =	vmov v16  }
0x381: {  	v2 =	vmul.f32 v39, v23;
	v8 =	vperm.xlane v37, v15;
	vm0 =	vgt.f32 v5, $0.0e+00;
	[tilespmem:$0x1FEE0] =	vst v9;
	v9 =	vld [tilespmem:$0x1FEF0]  }
0x382: {  	v34 =	vadd.f32 v58, v55;
	v3 =	vmul.f32 v45, v3;
	v5 =	vsel vm0, v5, v63;
	[tilespmem:s12+$0xFFFFFF50] =	vst v4;
	v4 =	vld [tilespmem:$0x1FF40]  }
0x383: {  	v17 =	vmovc v22;
	v59 =	vperm.xlane v40, v15;
	v5 =	vmul.f32 $1.442695020e+00, v5;
	v1 =	vadd.f32 v6, v1;
	v6 =	vld [tilespmem:s21+$0x110];
	[tilespmem:s24+$0xF0] =	vst v2  }
0x384: {  	v22 =	vmovc v8;
	v8 =	vmul.f32 v47, v12;
	v54 =	vmul.f32 $2.000000030e-01, v34;
	v58 =	vadd.f32 v53, v50;
	v50 =	vld [tilespmem:s22+$0xFFFFFEB0];
	[tilespmem:s24+$0x180] =	vst v3  }
0x385: {  	vm10 =	vgt.f32 v34, $0.0e+00;
	v2 =	vmul.f32 v32, v14;
	[tilespmem:s12+$0xFFFFFE30] =	vst v29;
	(erf) = vpow2.f32 v5;
	v5 =	vld [tilespmem:s14+$0x20]  }
0x386: {  	v29 =	vld [tilespmem:s21+$0xFFFFFE40];
	vm12 =	vgt.f32 v58, $0.0e+00;
	v55 =	vmul.f32 $2.000000030e-01, v1;
	v0 =	vadd.f32 v0, v60;
	v3 =	vmovc v19  }
0x387: {  	v30 =	vld [tilespmem:s29+$0xFFFFFEC0];
	vm11 =	vgt.f32 v1, $0.0e+00;
	[tilespmem:$0x1FEF0] =	vst v3;
	v3 =	vsel vm10, v34, v54;
	v31 =	vmul.f32 v33, v9  }
0x388: {  	[tilespmem:$0x1FED0] =	vst v10;
	v9 =	vld [tilespmem:$0x1FF00];
	vm1 =	vgt.f32 v0, $0.0e+00;
	v57 =	vmul.f32 $2.000000030e-01, v0;
	v3 =	vmul.f32 $1.442695020e+00, v3;
	v19 =	vmovc v4;
	v4 =	vmovc v62  }
0x389: {  	v49 =	vld [tilespmem:s22+$0xFFFFFF40];
	v1 =	vsel vm11, v1, v55;
	v50 =	vmul.f32 v50, v27;
	[tilespmem:$0x1FF40] =	vst v4;
	v4 =	vmul.f32 $2.000000030e-01, v58  }
0x38a: {  	v10 =	vmovc v59;
	v59 =	vld [tilespmem:s22+$0x170];
	[tilespmem:s12+$0x70] =	vst v2;
	v6 =	vadd.f32 v7, v6;
	v1 =	vmul.f32 $1.442695020e+00, v1;
	(erf) = vpow2.f32 v3  }
0x38b: {  	v38 =	vld [tilespmem:s22+$0x60];
	v0 =	vsel vm1, v0, v57;
	v3 =	vadd.f32 v5, v56;
	v5 =	vadd.f32 v35, v29  }
0x38c: {  	v32 =	vld [tilespmem:s29+$0x70];
	vm13 =	vgt.f32 v6, $0.0e+00;
	v2 =	vmul.f32 $2.000000030e-01, v6;
	v0 =	vmul.f32 $1.442695020e+00, v0  }
0x38d: {  	v24 =	vmovc v28;
	[tilespmem:s12+$0x190] =	vst v8;
	v4 =	vsel vm12, v58, v4;
	vm14 =	vgt.f32 v3, $0.0e+00;
	v28 =	vmul.f32 v48, v9;
	v9 =	vld [tilespmem:$0x1FF30]  }
0x38e: {  	v7 =	vld [tilespmem:s22+$0xFFFFFE20];
	[tilespmem:s12+$0xFFFFFFE0] =	vst v31;
	vm15 =	vgt.f32 v5, $0.0e+00;
	v8 =	vmul.f32 $2.000000030e-01, v5;
	v4 =	vmul.f32 $1.442695020e+00, v4  }
0x38f: {  	v29 =	vld [tilespmem:s29+$0xFFFFFE30];
	v2 =	vsel vm13, v6, v2;
	v6 =	vmul.f32 $2.000000030e-01, v3;
	v34 =	vpop (erf);
	(erf) = vpow2.f32 v1;
	[tilespmem:s12+$0x100] =	vst v28;
	s12 =	smov.u32 s24;
	s24 =	smov.u32 s0;
	s0 =	sadd.s32 $0x480, s0  }
0x390: {  	v31 =	vld [tilespmem:s29+$0xFFFFFF50];
	v2 =	vmul.f32 $1.442695020e+00, v2;
	v1 =	vsel vm15, v5, v8;
	(erf) = vpow2.f32 v0;
	[tilespmem:s0+$0x230] =	vst v34  }
0x391: {  	v3 =	vsel vm14, v3, v6;
	v0 =	vmul.f32 $1.442695020e+00, v1;
	(erf) = vpow2.f32 v4;
	v5 =	vld [tilespmem:s21+$0x1B0]  }
0x392: {  	v18 =	vmovc v20;
	v35 =	vld [tilespmem:s22+$0xFFFFFFD0];
	v3 =	vmul.f32 $1.442695020e+00, v3;
	(erf) = vpow2.f32 v2;
	v20 =	vmovc v9;
	v9 =	vmov v26  }
0x393: {  	v33 =	vld [tilespmem:s29+$0xFFFFFFE0];
	v1 =	vmul.f32 v59, v52;
	(erf) = vpow2.f32 v0;
	[tilespmem:$0x1FF00] =	vst v9;
	v9 =	vimm.s32 $0x0;
	v28 =	vpop (erf)  }
0x394: {  	v11 =	vimm.s32 $0x2;
	v39 =	vld [tilespmem:s22+$0xF0];
	(erf) = vpow2.f32 v3;
	v2 =	vperm.xlane v34, v9;
	[tilespmem:s0+$0xFFFFFED0] =	vst v28  }
0x395: {  	v49 =	vmul.f32 v49, v43;
	[tilespmem:$0x1FF30] =	vst v10;
	v10 =	vimm.s32 $0x1;
	v46 =	vmul.f32 v7, v51;
	v3 =	vld [tilespmem:s21+$0xFFFFFE50]  }
0x396: {  	v12 =	vimm.s32 $0x3;
	v13 =	vperm.xlane v34, v10;
	v48 =	vld [tilespmem:s29+$0x100];
	[tilespmem:s24+$0x170] =	vst v1;
	v2 =	vmul.f32 v5, v2  }
0x397: {  	v23 =	vmovc v36;
	v16 =	vimm.s32 $0x4;
	v45 =	vld [tilespmem:s22+$0x180];
	v0 =	vperm.xlane v28, v9;
	v4 =	vperm.xlane v28, v10  }
0x398: {  	v14 =	vimm.s32 $0x5;
	v47 =	vld [tilespmem:s29+$0x190];
	v1 =	vperm.xlane v28, v11;
	v52 =	vperm.xlane v28, v12;
	v36 =	vpop (erf);
	[tilespmem:s0+$0x1B0] =	vst v2  }
0x399: {  	v55 =	vperm.xlane v28, v16;
	v53 =	vperm.xlane v28, v14;
	[tilespmem:s0+$0xFFFFFF60] =	vst v36;
	v37 =	vpop (erf);
	v2 =	vld [tilespmem:s21+$0x1C0]  }
0x39a: {  	v5 =	vperm.xlane v36, v9;
	[tilespmem:s0+$0xFFFFFFF0] =	vst v37;
	v40 =	vpop (erf);
	v0 =	vmul.f32 v3, v0;
	v3 =	vld [tilespmem:s21+$0xFFFFFEE0]  }
0x39b: {  	v6 =	vperm.xlane v36, v10;
	v7 =	vperm.xlane v37, v9;
	v8 =	vld [tilespmem:s21+$0xFFFFFF70];
	[tilespmem:s0+$0x80] =	vst v40;
	v41 =	vpop (erf)  }
0x39c: {  	v21 =	vmov v44;
	v56 =	vperm.xlane v37, v10;
	v51 =	vperm.xlane v40, v9;
	v57 =	vld [tilespmem:s21+$0x0];
	[tilespmem:s0+$0x110] =	vst v41;
	v44 =	vpop (erf)  }
0x39d: {  	v58 =	vperm.xlane v41, v9;
	[tilespmem:s0+$0xFFFFFE40] =	vst v44;
	v59 =	vperm.xlane v44, v9;
	v60 =	vld [tilespmem:s21+$0x90];
	v42 =	vpop (erf)  }
0x39e: {  	v26 =	vmov v61;
	v62 =	vperm.xlane v44, v10;
	v61 =	vld [tilespmem:s21+$0xFFFFFDC0];
	[tilespmem:s0+$0x1A0] =	vst v42;
	v2 =	vmul.f32 v2, v13  }
0x39f: {  	[tilespmem:s0+$0xFFFFFE50] =	vst v0;
	v63 =	vperm.xlane v42, v9;
	v9 =	vld [tilespmem:s21+$0x120];
	v3 =	vmul.f32 v3, v5  }
0x3a0: {  	v5 =	vperm.xlane v40, v10;
	v0 =	vmul.f32 v8, v7;
	v8 =	vld [tilespmem:s21+$0xFFFFFE60];
	[tilespmem:s0+$0x1C0] =	vst v2  }
0x3a1: {  	v2 =	vperm.xlane v41, v10;
	v7 =	vld [tilespmem:s21+$0x1D0];
	[tilespmem:s0+$0xFFFFFEE0] =	vst v3;
	v3 =	vmul.f32 v57, v51  }
0x3a2: {  	v15 =	vimm.s32 $0x6;
	v51 =	vperm.xlane v42, v10;
	[tilespmem:s0+$0xFFFFFF70] =	vst v0;
	v0 =	vmul.f32 v60, v58;
	v10 =	vld [tilespmem:s21+$0xFFFFFEF0]  }
0x3a3: {  	v54 =	vperm.xlane v28, v15;
	v58 =	vmul.f32 v61, v59;
	v59 =	vld [tilespmem:s21+$0xFFFFFF80];
	[tilespmem:s0+$0x0] =	vst v3  }
0x3a4: {  	v3 =	vperm.xlane v34, v11;
	[tilespmem:s0+$0x90] =	vst v0;
	v0 =	vmul.f32 v9, v63;
	v61 =	vld [tilespmem:s21+$0x10]  }
0x3a5: {  	v13 =	vperm.xlane v40, v16;
	[tilespmem:s0+$0xFFFFFDC0] =	vst v58;
	v58 =	vld [tilespmem:s21+$0xA0];
	v4 =	vmul.f32 v8, v4  }
0x3a6: {  	v57 =	vperm.xlane v44, v11;
	[tilespmem:s0+$0x120] =	vst v0;
	v3 =	vmul.f32 v7, v3;
	v7 =	vld [tilespmem:s21+$0xFFFFFDD0]  }
0x3a7: {  	v60 =	vperm.xlane v36, v11;
	[tilespmem:s0+$0xFFFFFE60] =	vst v4;
	v0 =	vmul.f32 v10, v6;
	v10 =	vld [tilespmem:s21+$0x130]  }
0x3a8: {  	v9 =	vperm.xlane v37, v11;
	[tilespmem:s0+$0x1D0] =	vst v3;
	v3 =	vmul.f32 v59, v56;
	v59 =	vld [tilespmem:s21+$0xFFFFFE70]  }
0x3a9: {  	v63 =	vperm.xlane v44, v12;
	v56 =	vld [tilespmem:s21+$0x1E0];
	[tilespmem:s0+$0xFFFFFEF0] =	vst v0;
	v0 =	vmul.f32 v61, v5  }
0x3aa: {  	v8 =	vperm.xlane v40, v11;
	v2 =	vmul.f32 v58, v2;
	v5 =	vld [tilespmem:s21+$0xFFFFFF00];
	[tilespmem:s0+$0xFFFFFF80] =	vst v3  }
0x3ab: {  	v4 =	vperm.xlane v42, v11;
	v3 =	vmul.f32 v7, v62;
	v7 =	vld [tilespmem:s21+$0xFFFFFF90];
	[tilespmem:s0+$0x10] =	vst v0  }
0x3ac: {  	v0 =	vperm.xlane v34, v12;
	[tilespmem:s0+$0xA0] =	vst v2;
	v58 =	vld [tilespmem:s21+$0x20];
	v2 =	vmul.f32 v10, v51  }
0x3ad: {  	v6 =	vperm.xlane v41, v11;
	v10 =	vld [tilespmem:s21+$0xB0];
	[tilespmem:s0+$0xFFFFFDD0] =	vst v3;
	v1 =	vmul.f32 v59, v1  }
0x3ae: {  	v11 =	vperm.xlane v41, v12;
	v0 =	vmul.f32 v56, v0;
	v51 =	vld [tilespmem:s21+$0xFFFFFDE0];
	[tilespmem:s0+$0x130] =	vst v2  }
0x3af: {  	v61 =	vperm.xlane v36, v12;
	v2 =	vmul.f32 v5, v60;
	v5 =	vld [tilespmem:s21+$0x140];
	[tilespmem:s0+$0xFFFFFE70] =	vst v1  }
0x3b0: {  	v62 =	vperm.xlane v37, v12;
	[tilespmem:s0+$0x1E0] =	vst v0;
	v1 =	vmul.f32 v7, v9;
	v9 =	vld [tilespmem:s21+$0xFFFFFE80]  }
0x3b1: {  	v3 =	vperm.xlane v40, v12;
	v7 =	vld [tilespmem:s21+$0x1F0];
	[tilespmem:s0+$0xFFFFFF00] =	vst v2;
	v8 =	vmul.f32 v58, v8  }
0x3b2: {  	v12 =	vperm.xlane v42, v12;
	v6 =	vmul.f32 v10, v6;
	v58 =	vld [tilespmem:s21+$0xFFFFFF10];
	[tilespmem:s0+$0xFFFFFF90] =	vst v1  }
0x3b3: {  	v59 =	vperm.xlane v37, v14;
	v10 =	vmul.f32 v51, v57;
	v60 =	vld [tilespmem:s21+$0xFFFFFFA0];
	[tilespmem:s0+$0x20] =	vst v8  }
0x3b4: {  	v8 =	vperm.xlane v34, v16;
	[tilespmem:s0+$0xB0] =	vst v6;
	v57 =	vld [tilespmem:s21+$0x30];
	v4 =	vmul.f32 v5, v4  }
0x3b5: {  	v56 =	vperm.xlane v44, v14;
	v5 =	vld [tilespmem:s21+$0xC0];
	[tilespmem:s0+$0xFFFFFDE0] =	vst v10;
	v9 =	vmul.f32 v9, v52  }
0x3b6: {  	v0 =	vperm.xlane v44, v16;
	v7 =	vmul.f32 v7, v8;
	v8 =	vld [tilespmem:s21+$0xFFFFFDF0];
	[tilespmem:s0+$0x140] =	vst v4  }
0x3b7: {  	v2 =	vperm.xlane v36, v16;
	v10 =	vmul.f32 v58, v61;
	v52 =	vld [tilespmem:s21+$0x150];
	[tilespmem:s0+$0xFFFFFE80] =	vst v9  }
0x3b8: {  	v1 =	vperm.xlane v37, v16;
	[tilespmem:s0+$0x1F0] =	vst v7;
	v7 =	vmul.f32 v60, v62;
	v61 =	vld [tilespmem:s21+$0xFFFFFE90]  }
0x3b9: {  	v6 =	vperm.xlane v41, v16;
	v9 =	vld [tilespmem:s21+$0x200];
	[tilespmem:s0+$0xFFFFFF10] =	vst v10;
	v3 =	vmul.f32 v57, v3  }
0x3ba: {  	v58 =	vperm.xlane v36, v14;
	v60 =	vperm.xlane v41, v14;
	v10 =	vld [tilespmem:s21+$0xFFFFFF20];
	[tilespmem:s0+$0xFFFFFFA0] =	vst v7  }
0x3bb: {  	v5 =	vmul.f32 v5, v11;
	v7 =	vmul.f32 v8, v63;
	v8 =	vld [tilespmem:s21+$0xFFFFFFB0];
	[tilespmem:s0+$0x30] =	vst v3  }
0x3bc: {  	v57 =	vperm.xlane v40, v14;
	v3 =	vperm.xlane v34, v14;
	v11 =	vld [tilespmem:s21+$0x40]  }
0x3bd: {  	[tilespmem:s0+$0xC0] =	vst v5;
	v5 =	vmul.f32 v52, v12;
	v52 =	vperm.xlane v42, v14;
	v14 =	vmovc v20;
	v20 =	vmov v23;
	v23 =	vld [tilespmem:$0x1FED0]  }
0x3be: {  	v51 =	vperm.xlane v44, v15;
	[tilespmem:s0+$0xFFFFFDF0] =	vst v7;
	v7 =	vld [tilespmem:s21+$0xD0];
	v12 =	vmul.f32 v61, v55  }
0x3bf: {  	v4 =	vperm.xlane v42, v16;
	v3 =	vmul.f32 v9, v3;
	v9 =	vld [tilespmem:s21+$0xFFFFFE00];
	[tilespmem:s0+$0x150] =	vst v5  }
0x3c0: {  	v62 =	vperm.xlane v37, v15;
	v2 =	vmul.f32 v10, v2;
	v10 =	vld [tilespmem:s21+$0x160];
	[tilespmem:s0+$0xFFFFFE90] =	vst v12  }
0x3c1: {  	s31 =	sadd.s32 $0x8, s31;
	v63 =	vperm.xlane v40, v15;
	[tilespmem:s0+$0x200] =	vst v3;
	v1 =	vmul.f32 v8, v1;
	v12 =	vld [tilespmem:s21+$0xFFFFFEA0]  }
0x3c2: {  	p3 =	slt.u32 s31, $0x20;
	v16 =	vmovc v21;
	v21 =	vmov v25;
	v61 =	vperm.xlane v41, v15;
	v8 =	vld [tilespmem:s21+$0x210];
	[tilespmem:s0+$0xFFFFFF20] =	vst v2;
	v25 =	vmul.f32 v11, v13  }
.Ltmp8:
0x3c3: {  	v55 =	vperm.xlane v42, v15;
	v2 =	vld [tilespmem:s21+$0xFFFFFF30];
	[tilespmem:s0+$0xFFFFFFB0] =	vst v1;
	v1 =	vmul.f32 v7, v6;
	(pc) =	sbr.rel @p3 .LBB2_10-.Ltmp8, $4  }
0x3c4: {  	v5 =	vperm.xlane v36, v15;
	v6 =	vmul.f32 v9, v0;
	v3 =	vld [tilespmem:s21+$0xFFFFFFC0];
	[tilespmem:s0+$0x40] =	vst v25  }
0x3c5: {  	v7 =	vperm.xlane v34, v15;
	v0 =	vld [tilespmem:s21+$0x50];
	[tilespmem:s0+$0xD0] =	vst v1;
	v9 =	vmul.f32 v10, v4  }
0x3c6: {  	s29 =	smov.u32 s22;
	s22 =	smov.u32 s21;
	v27 =	vmovc v54;
	v43 =	vmovc v5;
	v13 =	vmov v18;
	v11 =	vmov v17;
	[tilespmem:s0+$0xFFFFFE00] =	vst v6;
	v1 =	vld [tilespmem:s21+$0xE0];
	v53 =	vmul.f32 v12, v53  }
0x3c7: {  	v15 =	vimm.s32 $0x7;
	v12 =	vmovc v19;
	v19 =	vmovc v22;
	v22 =	vmov v24;
	s21 =	sadd.s32 $0x480, s21;
	v4 =	vmul.f32 v8, v7;
	v54 =	vld [tilespmem:s22+$0xFFFFFE10];
	[tilespmem:s0+$0x160] =	vst v9  }
0x3c8: {  	_ = 	snop  }
0x3c9: {  	[tilespmem:s0+$0x210] =	vst v4  }
0x3ca: {  	v2 =	vmul.f32 v2, v58;
	[tilespmem:s0+$0xFFFFFEA0] =	vst v53;
	v4 =	vld [tilespmem:s22+$0x220]  }
0x3cb: {  	[tilespmem:s24+$0xFFFFFE20] =	vst v46;
	v3 =	vmul.f32 v3, v59  }
0x3cc: {  	[tilespmem:s0+$0xFFFFFF30] =	vst v2;
	v0 =	vmul.f32 v0, v57  }
0x3cd: {  	v10 =	vperm.xlane v34, v15;
	[tilespmem:s0+$0xFFFFFFC0] =	vst v3;
	v1 =	vmul.f32 v1, v60  }
0x3ce: {  	v9 =	vmul.f32 v54, v56;
	[tilespmem:s0+$0x50] =	vst v0  }
0x3cf: {  	[tilespmem:s0+$0xE0] =	vst v1;
	v0 =	vmul.f32 v4, v10  }
0x3d0: {  	[tilespmem:s0+$0xFFFFFE10] =	vst v9  }
0x3d1: {  	[tilespmem:s0+$0x220] =	vst v0  }
0x3d2: {  	v0 =	vld [tilespmem:$0x1FF10];
	_ =	sdelay $0x4  }
0x3d3: {  	[tilespmem:s24+$0xFFFFFEB0] =	vst v50;
	v0 =	vmul.f32 v35, v0  }
0x3d4: {  	v17 =	vmul.f32 v38, v21;
	[tilespmem:s24+$0xFFFFFF40] =	vst v49  }
0x3d5: {  	[tilespmem:s24+$0xFFFFFFD0] =	vst v0  }
0x3d6: {  	v0 =	vld [tilespmem:$0x1FF20];
	[tilespmem:s24+$0x60] =	vst v17  }
0x3d7: {  	v1 =	vld [tilespmem:$0x1FEE0];
	_ =	sdelay $0x2  }
0x3d8: {  	v18 =	vmul.f32 v39, v23;
	v23 =	vld [tilespmem:s22+$0x170]  }
0x3d9: {  	v21 =	vmul.f32 v30, v11;
	v30 =	vld [tilespmem:s22+$0xFFFFFEB0];
	v0 =	vmul.f32 v45, v0  }
0x3da: {  	v38 =	vld [tilespmem:s29+$0xFFFFFE30];
	[tilespmem:s24+$0xF0] =	vst v18;
	v1 =	vmul.f32 v29, v1  }
0x3db: {  	v25 =	vld [tilespmem:s22+$0xFFFFFE20];
	[tilespmem:s24+$0x180] =	vst v0  }
0x3dc: {  	v24 =	vmul.f32 v31, v13;
	v7 =	vld [tilespmem:s22+$0xF0];
	[tilespmem:s12+$0xFFFFFE30] =	vst v1  }
0x3dd: {  	v29 =	vmul.f32 v32, v14;
	v1 =	vld [tilespmem:$0x1FEF0];
	[tilespmem:s12+$0xFFFFFEC0] =	vst v21  }
0x3de: {  	v39 =	vld [tilespmem:s29+$0xFFFFFEC0];
	v0 =	vmul.f32 v23, v52;
	[tilespmem:s12+$0xFFFFFF50] =	vst v24  }
0x3df: {  	v6 =	vmul.f32 v47, v12;
	v5 =	vld [tilespmem:$0x1FF00];
	[tilespmem:s12+$0x70] =	vst v29  }
0x3e0: {  	v31 =	vld [tilespmem:s22+$0xFFFFFF40];
	v34 =	vmul.f32 v25, v51;
	[tilespmem:s0+$0x170] =	vst v0  }
0x3e1: {  	v3 =	vmul.f32 v30, v27;
	v32 =	vld [tilespmem:s22+$0xFFFFFFD0];
	[tilespmem:s12+$0x190] =	vst v6  }
0x3e2: {  	v7 =	vmul.f32 v7, v61;
	v46 =	vld [tilespmem:s29+$0x70];
	[tilespmem:s0+$0xFFFFFE20] =	vst v34  }
0x3e3: {  	v47 =	vld [tilespmem:s29+$0x100];
	[tilespmem:s0+$0xFFFFFEB0] =	vst v3;
	v6 =	vmul.f32 v38, v16  }
0x3e4: {  	[tilespmem:s0+$0xF0] =	vst v7;
	v0 =	vmul.f32 v39, v22;
	v35 =	vld [tilespmem:s22+$0x180]  }
0x3e5: {  	[tilespmem:s24+$0xFFFFFE30] =	vst v6;
	v1 =	vmul.f32 v33, v1;
	v33 =	vld [tilespmem:s22+$0x60]  }
0x3e6: {  	v45 =	vld [tilespmem:s29+$0xFFFFFFE0];
	v4 =	vmul.f32 v32, v62;
	[tilespmem:s24+$0xFFFFFEC0] =	vst v0  }
0x3e7: {  	v5 =	vmul.f32 v48, v5;
	[tilespmem:s12+$0xFFFFFFE0] =	vst v1;
	v1 =	vmul.f32 v31, v43;
	v43 =	vld [tilespmem:s29+$0xFFFFFF50]  }
0x3e8: {  	v50 =	vld [tilespmem:s22+$0xFFFFFE30];
	[tilespmem:s0+$0xFFFFFFD0] =	vst v4  }
0x3e9: {  	v51 =	vld [tilespmem:s22+$0xFFFFFEC0];
	v2 =	vmul.f32 v35, v55;
	[tilespmem:s12+$0x100] =	vst v5  }
0x3ea: {  	v57 =	vld [tilespmem:s22+$0x100];
	[tilespmem:s0+$0xFFFFFF40] =	vst v1;
	v5 =	vmul.f32 v33, v63  }
0x3eb: {  	v54 =	vld [tilespmem:s22+$0xFFFFFFE0];
	[tilespmem:s0+$0x180] =	vst v2;
	v1 =	vmul.f32 v45, v19  }
0x3ec: {  	v53 =	vperm.xlane v44, v15;
	v52 =	vld [tilespmem:s22+$0xFFFFFF50];
	[tilespmem:s0+$0x60] =	vst v5;
	v49 =	vmul.f32 v43, v20  }
0x3ed: {  	v8 =	vperm.xlane v28, v15;
	v5 =	vmul.f32 v47, v26;
	v6 =	vld [tilespmem:$0x1FF30];
	[tilespmem:s24+$0xFFFFFFE0] =	vst v1  }
0x3ee: {  	v58 =	vperm.xlane v37, v15;
	v3 =	vmul.f32 v50, v53;
	v59 =	vld [tilespmem:s22+$0x190];
	[tilespmem:s24+$0xFFFFFF50] =	vst v49  }
0x3ef: {  	v61 =	vperm.xlane v41, v15;
	v0 =	vmul.f32 v51, v8;
	v9 =	vld [tilespmem:$0x1FF40];
	[tilespmem:s24+$0x100] =	vst v5  }
0x3f0: {  	v56 =	vperm.xlane v36, v15;
	v48 =	vld [tilespmem:s29+$0x190];
	v1 =	vmul.f32 v54, v58;
	[tilespmem:s0+$0xFFFFFE30] =	vst v3  }
0x3f1: {  	v62 =	vperm.xlane v42, v15;
	v63 =	vmul.f32 v57, v61;
	v55 =	vld [tilespmem:s22+$0x70];
	[tilespmem:s0+$0xFFFFFEC0] =	vst v0  }
0x3f2: {  	v2 =	vmul.f32 v52, v56;
	[tilespmem:s0+$0xFFFFFFE0] =	vst v1  }
0x3f3: {  	v0 =	vmul.f32 v59, v62;
	[tilespmem:s0+$0x100] =	vst v63  }
0x3f4: {  	v60 =	vperm.xlane v40, v15;
	[tilespmem:s0+$0xFFFFFF50] =	vst v2;
	v4 =	vmul.f32 v46, v6  }
0x3f5: {  	[tilespmem:s0+$0x190] =	vst v0;
	v7 =	vmul.f32 v48, v9  }
0x3f6: {  	[tilespmem:s24+$0x70] =	vst v4;
	v4 =	vmul.f32 v55, v60  }
.Ltmp9:
0x3f7: {  	[tilespmem:s24+$0x190] =	vst v7;
	(pc) =	sbr.rel @!p2 .LBB2_12-.Ltmp9, $4  }
0x3f8: {  	[tilespmem:s0+$0x70] =	vst v4  }
0x3f9: {  	_ =	swait.ge [sflag:s11], $0x1680  }
0x3fa: {  	[sflag:s11] =	ssyncset.done $0x0  }
0x3fb: {  	v58 =	vimm.s32 $0x7;
	[sflag:s11] =	ssyncadd.s32 $0xFFFFE980  }
.Ltmp10:
0x3fc: {  	(pc) =	sbr.rel @p1 .LBB2_15-.Ltmp10, $4  }
.Ltmp11:
0x3fd: {  	(pc) =	sbr.rel @!p1 .LBB2_14-.Ltmp11, $4  }
0x3fe: {  	_ = 	snop  }
0x3ff: {  	v0 =	vimm.f32 $0.0e+00;
	v5 =	vimm.s32 $0x0;
	v6 =	vimm.s32 $0x1  }
0x400: {  	v7 =	vimm.s32 $0x2;
	v8 =	vimm.s32 $0x3;
	v50 =	vimm.s32 $0x4  }
0x401: {  	_ = 	snop  }
.LBB2_17:
0x402: {  	_ =	sfence.sel $0x180000  }
0x403: {  	[bflag:$0x0] =	sbarrier.arrive $0xFFFF  }
0x404: {  	_ =	strace $0x90000047  }
0x405: {  	s0 =	stileid.u32;
	[bflag:$0x2] =	sbarrier.arrive $0xFFFF  }
0x406: {  	p0 =	sne.s32 s0, $0x0;
	s0 =	rddreg [dreg:$0x2]  }
0x407: {  	s0 =	sadd.s32 @!p0 $0x100000, s0  }
0x408: {  	[sflag:s0] =	ssyncadd.tile.s32 @!p0 $0x1;
	_ =	shalt  }
.Lfunc_end2:
_tile_overlayer_lowered:
.L_overlay_start_2:
0x409: {  	(tag) =	ssettag $0x2  }
0x40a: {  	s0 =	rddreg [dreg:$0x0];
	s2 =	stileid.u32  }
0x40b: {  	s1 =	rddreg [dreg:$0x1];
	p0 =	sne.s32 s2, $0x0  }
0x40c: {  	s3 =	rddreg [dreg:$0x2];
	[bflag:$0x3] =	sbarrier.arrive $0xFFFF;
	s2 =	simm.s32 @!p0 $0x1C0B  }
0x40d: {  	[timem:s3], [sflag:s2] =	dma.local @!p0 [hbm:s0], s1  }
0x40e: {  	s0 =	simm.s32 @!p0 $0xB  }
0x40f: {  	_ =	swait.ge @!p0 [sflag:s0], s1  }
0x410: {  	s1 =	ssub.s32 @!p0 $0x0, s1;
	[sflag:s0] =	ssyncset.done @!p0 $0x0  }
0x411: {  	[sflag:s0] =	ssyncadd.s32 @!p0 s1  }
0x412: {  	[bflag:$0x3] =	sbarrier.arrive $0xFFFF  }
0x413: {  	_ =	shalt  }

</sc_bundles>
